<compile_context>
chip_gen: v7x
topology: tpu7x:2x2x1
jax: 0.10.2.dev20260603
libtpu: 0.0.44.dev20260713+nightly
codegen_flags: <defaults>
</compile_context>

<pallas_src>
import functools

import jax
import jax.numpy as jnp
from jax import lax
from jax.experimental import pallas as pl
from jax.experimental.pallas import tpu as pltpu
from jax.experimental.pallas import tpu_sc as plsc

H = 224
W = 224
C = 96
K = 9
T = 4
HO = 112
WO = 112
PIX = HO * WO
NW = 32
PPW = 400
LAST = PIX - 31 * PPW
TB = H + 2


def _csum_body(x_ref, o_ref):
    o_ref[...] = jnp.sum(x_ref[...], axis=1)


def _channel_sum(inp4):
    rows = 56
    return pl.pallas_call(
        _csum_body,
        grid=(H // rows,),
        in_specs=[pl.BlockSpec((1, C, rows, W), lambda i: (0, 0, i, 0))],
        out_specs=pl.BlockSpec((1, rows, W), lambda i: (0, i, 0)),
        out_shape=jax.ShapeDtypeStruct((1, H, W), jnp.float32),
    )(inp4)


def _sc_body(s_hbm, off_hbm, grid_hbm, w_hbm, samp_hbm, table_v, off_v,
             samp_v, wt_v, red_v, sem_t, sem_o):
    wid = lax.axis_index("s") * 2 + lax.axis_index("c")
    base = wid * PPW

    tcopy = pltpu.async_copy(s_hbm, table_v, sem_t)
    wcopy = pltpu.async_copy(w_hbm, wt_v, sem_t)

    def issue_in(n):
        def _():
            cps = [
                pltpu.async_copy(
                    off_hbm.at[pl.ds(ch * PIX + base, n)],
                    off_v.at[pl.ds(ch * PPW, n)],
                    sem_o,
                )
                for ch in range(2 * K)
            ]
            cps.append(
                pltpu.async_copy(
                    grid_hbm.at[pl.ds(base, n)],
                    off_v.at[pl.ds(2 * K * PPW, n)],
                    sem_o,
                )
            )
            cps.append(
                pltpu.async_copy(
                    grid_hbm.at[pl.ds(PIX + base, n)],
                    off_v.at[pl.ds((2 * K + 1) * PPW, n)],
                    sem_o,
                )
            )
            for cp in cps:
                cp.wait()
        return _

    pl.when(wid != NW - 1)(issue_in(PPW))
    pl.when(wid == NW - 1)(issue_in(LAST))
    wcopy.wait()
    tcopy.wait()

    def wsum_body(i, r):
        return r + wt_v[pl.ds(i * 16, 16)]

    rsum = lax.fori_loop(
        0, C * T * K // 16, wsum_body, jnp.zeros((16,), jnp.float32)
    )
    for sh in (8, 4, 2, 1):
        red_v[...] = rsum
        idx = jnp.bitwise_xor(lax.iota(jnp.int32, 16), sh)
        rsum = rsum + plsc.load_gather(red_v, [idx])
    u00v = rsum * jnp.float32(1.0 / (C * T * K))

    def body(i, carry):
        start = i * 16
        hb = off_v[pl.ds(2 * K * PPW + start, 16)]
        wb = off_v[pl.ds((2 * K + 1) * PPW + start, 16)]
        acc = jnp.zeros((16,), jnp.float32)
        for k in range(K):
            dy = float(k // 3)
            dx = float(k % 3)
            offy = off_v[pl.ds(2 * k * PPW + start, 16)]
            offx = off_v[pl.ds((2 * k + 1) * PPW + start, 16)]
            py = hb + dy + offy
            px = wb + dx + offx
            yt = py.astype(jnp.int32)
            y0 = jnp.where(yt.astype(jnp.float32) > py, yt - 1, yt)
            xt = px.astype(jnp.int32)
            x0 = jnp.where(xt.astype(jnp.float32) > px, xt - 1, xt)
            wy = py - y0.astype(jnp.float32)
            wx = px - x0.astype(jnp.float32)
            vy0 = (y0 >= 0) & (y0 < H)
            vy1 = (y0 >= -1) & (y0 < H - 1)
            vx0 = (x0 >= 0) & (x0 < W)
            vx1 = (x0 >= -1) & (x0 < W - 1)
            yp0 = jnp.clip(y0, 0, H - 1)
            yp1 = jnp.clip(y0 + 1, 0, H - 1)
            xp0 = jnp.clip(x0, 0, W - 1)
            xp1 = jnp.clip(x0 + 1, 0, W - 1)
            one = jnp.float32(1.0)
            zero = jnp.float32(0.0)
            b00 = jnp.where(vy0 & vx0, (one - wy) * (one - wx), zero)
            b01 = jnp.where(vy0 & vx1, (one - wy) * wx, zero)
            b10 = jnp.where(vy1 & vx0, wy * (one - wx), zero)
            b11 = jnp.where(vy1 & vx1, wy * wx, zero)
            g00 = plsc.load_gather(table_v, [yp0, xp0])
            g01 = plsc.load_gather(table_v, [yp0, xp1])
            g10 = plsc.load_gather(table_v, [yp1, xp0])
            g11 = plsc.load_gather(table_v, [yp1, xp1])
            acc = acc + (b00 * g00 + b01 * g01 + b10 * g10 + b11 * g11)
        samp_v[pl.ds(start, 16)] = acc * u00v
        return carry

    trips = jnp.where(wid == NW - 1, LAST // 16, PPW // 16)
    lax.fori_loop(0, trips, body, 0)

    def issue_out(n):
        def _():
            cps = [
                pltpu.async_copy(
                    samp_v.at[pl.ds(0, n)],
                    samp_hbm.at[pl.ds(t * PIX + base, n)],
                    sem_o,
                )
                for t in range(T)
            ]
            for cp in cps:
                cp.wait()
        return _

    pl.when(wid != NW - 1)(issue_out(PPW))
    pl.when(wid == NW - 1)(issue_out(LAST))


def _sample(s_img, off_flat, grid_flat, w_flat):
    mesh = plsc.VectorSubcoreMesh(core_axis_name="c", subcore_axis_name="s")
    fn = functools.partial(
        pl.kernel,
        mesh=mesh,
        out_type=jax.ShapeDtypeStruct((T * PIX,), jnp.float32),
        scratch_types=[
            pltpu.VMEM((H, W), jnp.float32),
            pltpu.VMEM(((2 * K + 2) * PPW,), jnp.float32),
            pltpu.VMEM((PPW,), jnp.float32),
            pltpu.VMEM((C * T * K,), jnp.float32),
            pltpu.VMEM((16,), jnp.float32),
            pltpu.SemaphoreType.DMA,
            pltpu.SemaphoreType.DMA,
        ],
        compiler_params=pltpu.CompilerParams(
            needs_layout_passes=False, use_tc_tiling_on_sc=False
        ),
    )(_sc_body)
    return fn(s_img, off_flat, grid_flat, w_flat)


def kernel(input, offset, weight):
    s_img = _channel_sum(input).reshape(H, W)
    p = jnp.arange(PIX, dtype=jnp.int32)
    hb = ((p // WO) * 2 - 1).astype(jnp.float32)
    wb = ((p % WO) * 2 - 1).astype(jnp.float32)
    grid_flat = jnp.concatenate([hb, wb])
    off_flat = offset.reshape(2 * K * PIX)
    out = _sample(s_img, off_flat, grid_flat, weight.reshape(C * T * K))
    return out.reshape(1, T, HO, WO)

# --- scband reference (transcript-rebuilt; emitter-appended) ---
"""Pipeline reference for scband-def-cor-fix-w-71786083385911 (READ-ONLY COPY).

The authoritative reference and input builder live on the scoring server;
editing this copy changes nothing except your own understanding.
"""

import jax, jax.numpy as jnp
import numpy as np

IN_CHANNELS = 96
TIMES = 4
KH, KW = 3, 3
STRIDE = (2, 2)
PAD = (1, 1)
DIL = (1, 1)


def setup_inputs(seed: int = 0) -> dict:
    key = jax.random.key(seed)
    k1, k2 = jax.random.split(key)
    N, C, H, W = 1, IN_CHANNELS, 224, 224
    Ho = (H + 2 * PAD[0] - DIL[0] * (KH - 1) - 1) // STRIDE[0] + 1
    Wo = (W + 2 * PAD[1] - DIL[1] * (KW - 1) - 1) // STRIDE[1] + 1
    inp = jax.random.normal(k1, (N, C, H, W), dtype=jnp.float32)
    off = jax.random.normal(k2, (N, 2 * KH * KW, Ho, Wo), dtype=jnp.float32)
    # DefCorFixW: weight is a frozen parameter filled with 1/in_channels
    weight = jnp.full((C, TIMES, KH, KW), 1.0 / C, dtype=jnp.float32)
    return {"input": inp, "offset": off, "weight": weight}


def _defcor(input, offset, weight):
    # Deformable correlation: bilinearly sample input at offset-perturbed kernel
    # locations, then correlate with the fixed per-channel/per-time weight.
    N, C, H, W = input.shape
    Cw, T, kH, kW = weight.shape
    assert 2 * kH * kW == offset.shape[1]
    sH, sW = STRIDE
    pH, pW = PAD
    dH, dW = DIL
    K = kH * kW
    Ho, Wo = offset.shape[2], offset.shape[3]
    # offset channels ordered (dy, dx) per kernel position, as in deform conv v1
    off = offset.reshape(N, K, 2, Ho, Wo)
    base_y = (jnp.arange(Ho) * sH - pH)[None, :] + (jnp.arange(kH)[:, None] * dH)  # (kH, Ho)
    base_x = (jnp.arange(Wo) * sW - pW)[None, :] + (jnp.arange(kW)[:, None] * dW)  # (kW, Wo)
    by = jnp.repeat(base_y, kW, axis=0)  # (K, Ho), k = i*kW + j
    bx = jnp.tile(base_x, (kH, 1))       # (K, Wo)
    py = by[None, :, :, None].astype(jnp.float32) + off[:, :, 0]  # (N, K, Ho, Wo)
    px = bx[None, :, None, :].astype(jnp.float32) + off[:, :, 1]  # (N, K, Ho, Wo)
    y0f = jnp.floor(py)
    x0f = jnp.floor(px)
    wy = py - y0f
    wx = px - x0f
    y0 = y0f.astype(jnp.int32)
    x0 = x0f.astype(jnp.int32)
    y1 = y0 + 1
    x1 = x0 + 1
    flat = input.reshape(N, C, H * W)

    def gather(yc, xc):
        valid = ((yc >= 0) & (yc < H) & (xc >= 0) & (xc < W)).astype(input.dtype)
        yi = jnp.clip(yc, 0, H - 1)
        xi = jnp.clip(xc, 0, W - 1)
        lin = (yi * W + xi).reshape(N, -1)
        g = jax.vmap(lambda f, i: jnp.take(f, i, axis=1))(flat, lin)  # (N, C, K*Ho*Wo)
        return g.reshape(N, C, K, Ho, Wo) * valid[:, None]

    g00 = gather(y0, x0)
    g01 = gather(y0, x1)
    g10 = gather(y1, x0)
    g11 = gather(y1, x1)
    wy_ = wy[:, None]
    wx_ = wx[:, None]
    val = (g00 * (1.0 - wy_) * (1.0 - wx_)
           + g01 * (1.0 - wy_) * wx_
           + g10 * wy_ * (1.0 - wx_)
           + g11 * wy_ * wx_)  # (N, C, K, Ho, Wo)
    out = jnp.einsum('nckhw,ctk->nthw', val, weight.reshape(C, T, K))
    return out


def reference(input, offset, weight):
    return _defcor(input, offset, weight)

if __name__ == "__main__":
    import jax
    _d = setup_inputs()
    print(jax.jit(kernel)(*tuple(_d.values())))

</pallas_src>

<mosaic_0001>
#map = affine_map<(d0, d1) -> (0, 0)>
#map1 = affine_map<(d0, d1) -> (0)>
module attributes {stable_mosaic.version = 14 : i64} {
  func.func @_sc_body(%arg0: i32, %arg1: i32, %arg2: memref<224x224xf32, #tpu.memory_space<hbm>>, %arg3: memref<225792xf32, #tpu.memory_space<hbm>>, %arg4: memref<25088xf32, #tpu.memory_space<hbm>>, %arg5: memref<3456xf32, #tpu.memory_space<hbm>>, %arg6: memref<50176xf32, #tpu.memory_space<hbm>>, %arg7: memref<224x224xf32, #tpu.memory_space<vmem>>, %arg8: memref<8000xf32, #tpu.memory_space<vmem>>, %arg9: memref<400xf32, #tpu.memory_space<vmem>>, %arg10: memref<3456xf32, #tpu.memory_space<vmem>>, %arg11: memref<16xf32, #tpu.memory_space<vmem>>, %arg12: memref<!tpu.dma_semaphore, #tpu.memory_space<semaphore_mem>>, %arg13: memref<!tpu.dma_semaphore, #tpu.memory_space<semaphore_mem>>) attributes {dimension_semantics = [#tpu.dimension_semantics<core_parallel>, #tpu.dimension_semantics<subcore_parallel>], iteration_bounds = array<i64: 2, 16>, scalar_prefetch = 0 : i64, scratch_operands = 7 : i64, tpu.core_type = #tpu.core_type<sc_vector_subcore>, window_params = [{transform_indices = #map}, {transform_indices = #map1}, {transform_indices = #map1}, {transform_indices = #map1}, {transform_indices = #map1}]} {
    %mul3A = arith.constant 2 : i32
    %mul3A_0 = arith.muli %arg1, %mul3A : i32
    %add3A = arith.addi %mul3A_0, %arg0 : i32
    %mul3A_1 = arith.constant 400 : i32
    %mul3A_2 = arith.muli %add3A, %mul3A_1 : i32
    tpu.enqueue_dma source(%arg2 : memref<224x224xf32, #tpu.memory_space<hbm>>) target(%arg7 : memref<224x224xf32, #tpu.memory_space<vmem>>) target_semaphore(%arg12 : memref<!tpu.dma_semaphore, #tpu.memory_space<semaphore_mem>>)
    tpu.enqueue_dma source(%arg5 : memref<3456xf32, #tpu.memory_space<hbm>>) target(%arg10 : memref<3456xf32, #tpu.memory_space<vmem>>) target_semaphore(%arg12 : memref<!tpu.dma_semaphore, #tpu.memory_space<semaphore_mem>>)
    %ne3A = arith.constant 31 : i32
    %ne3A_3 = arith.cmpi ne, %add3A, %ne3A : i32
    %convert_element_type3A = arith.extui %ne3A_3 : i1 to i32
    %cond3A = arith.constant 0 : i32
    %cond3A_4 = arith.cmpi ne, %convert_element_type3A, %cond3A : i32
    scf.if %cond3A_4 {
      %add3A_68 = arith.constant 0 : i32
      %add3A_69 = arith.addi %add3A_68, %mul3A_2 : i32
      %dma_start3A = arith.constant 0 : i32
      %dma_start3A_70 = tpu.memref_slice %arg8[%dma_start3A] : memref<8000xf32, #tpu.memory_space<vmem>> -> memref<400xf32, #tpu.memory_space<vmem>>
      %dma_start3A_71 = tpu.memref_slice %arg3[%add3A_69] : memref<225792xf32, #tpu.memory_space<hbm>> -> memref<400xf32, #tpu.memory_space<hbm>>
      %dma_start3A_72 = arith.constant 0 : i32
      %dma_start3A_73 = tpu.memref_slice %arg8[%dma_start3A_72] : memref<8000xf32, #tpu.memory_space<vmem>> -> memref<400xf32, #tpu.memory_space<vmem>>
      %dma_start3A_74 = tpu.memref_slice %arg3[%add3A_69] : memref<225792xf32, #tpu.memory_space<hbm>> -> memref<400xf32, #tpu.memory_space<hbm>>
      tpu.enqueue_dma source(%dma_start3A_74 : memref<400xf32, #tpu.memory_space<hbm>>) target(%dma_start3A_73 : memref<400xf32, #tpu.memory_space<vmem>>) target_semaphore(%arg13 : memref<!tpu.dma_semaphore, #tpu.memory_space<semaphore_mem>>)
      %add3A_75 = arith.constant 12544 : i32
      %add3A_76 = arith.addi %add3A_75, %mul3A_2 : i32
      %dma_start3A_77 = arith.constant 400 : i32
      %dma_start3A_78 = tpu.memref_slice %arg8[%dma_start3A_77] : memref<8000xf32, #tpu.memory_space<vmem>> -> memref<400xf32, #tpu.memory_space<vmem>>
      %dma_start3A_79 = tpu.memref_slice %arg3[%add3A_76] : memref<225792xf32, #tpu.memory_space<hbm>> -> memref<400xf32, #tpu.memory_space<hbm>>
      %dma_start3A_80 = arith.constant 400 : i32
      %dma_start3A_81 = tpu.memref_slice %arg8[%dma_start3A_80] : memref<8000xf32, #tpu.memory_space<vmem>> -> memref<400xf32, #tpu.memory_space<vmem>>
      %dma_start3A_82 = tpu.memref_slice %arg3[%add3A_76] : memref<225792xf32, #tpu.memory_space<hbm>> -> memref<400xf32, #tpu.memory_space<hbm>>
      tpu.enqueue_dma source(%dma_start3A_82 : memref<400xf32, #tpu.memory_space<hbm>>) target(%dma_start3A_81 : memref<400xf32, #tpu.memory_space<vmem>>) target_semaphore(%arg13 : memref<!tpu.dma_semaphore, #tpu.memory_space<semaphore_mem>>)
      %add3A_83 = arith.constant 25088 : i32
      %add3A_84 = arith.addi %add3A_83, %mul3A_2 : i32
      %dma_start3A_85 = arith.constant 800 : i32
      %dma_start3A_86 = tpu.memref_slice %arg8[%dma_start3A_85] : memref<8000xf32, #tpu.memory_space<vmem>> -> memref<400xf32, #tpu.memory_space<vmem>>
      %dma_start3A_87 = tpu.memref_slice %arg3[%add3A_84] : memref<225792xf32, #tpu.memory_space<hbm>> -> memref<400xf32, #tpu.memory_space<hbm>>
      %dma_start3A_88 = arith.constant 800 : i32
      %dma_start3A_89 = tpu.memref_slice %arg8[%dma_start3A_88] : memref<8000xf32, #tpu.memory_space<vmem>> -> memref<400xf32, #tpu.memory_space<vmem>>
      %dma_start3A_90 = tpu.memref_slice %arg3[%add3A_84] : memref<225792xf32, #tpu.memory_space<hbm>> -> memref<400xf32, #tpu.memory_space<hbm>>
      tpu.enqueue_dma source(%dma_start3A_90 : memref<400xf32, #tpu.memory_space<hbm>>) target(%dma_start3A_89 : memref<400xf32, #tpu.memory_space<vmem>>) target_semaphore(%arg13 : memref<!tpu.dma_semaphore, #tpu.memory_space<semaphore_mem>>)
      %add3A_91 = arith.constant 37632 : i32
      %add3A_92 = arith.addi %add3A_91, %mul3A_2 : i32
      %dma_start3A_93 = arith.constant 1200 : i32
      %dma_start3A_94 = tpu.memref_slice %arg8[%dma_start3A_93] : memref<8000xf32, #tpu.memory_space<vmem>> -> memref<400xf32, #tpu.memory_space<vmem>>
      %dma_start3A_95 = tpu.memref_slice %arg3[%add3A_92] : memref<225792xf32, #tpu.memory_space<hbm>> -> memref<400xf32, #tpu.memory_space<hbm>>
      %dma_start3A_96 = arith.constant 1200 : i32
      %dma_start3A_97 = tpu.memref_slice %arg8[%dma_start3A_96] : memref<8000xf32, #tpu.memory_space<vmem>> -> memref<400xf32, #tpu.memory_space<vmem>>
      %dma_start3A_98 = tpu.memref_slice %arg3[%add3A_92] : memref<225792xf32, #tpu.memory_space<hbm>> -> memref<400xf32, #tpu.memory_space<hbm>>
      tpu.enqueue_dma source(%dma_start3A_98 : memref<400xf32, #tpu.memory_space<hbm>>) target(%dma_start3A_97 : memref<400xf32, #tpu.memory_space<vmem>>) target_semaphore(%arg13 : memref<!tpu.dma_semaphore, #tpu.memory_space<semaphore_mem>>)
      %add3A_99 = arith.constant 50176 : i32
      %add3A_100 = arith.addi %add3A_99, %mul3A_2 : i32
      %dma_start3A_101 = arith.constant 1600 : i32
      %dma_start3A_102 = tpu.memref_slice %arg8[%dma_start3A_101] : memref<8000xf32, #tpu.memory_space<vmem>> -> memref<400xf32, #tpu.memory_space<vmem>>
      %dma_start3A_103 = tpu.memref_slice %arg3[%add3A_100] : memref<225792xf32, #tpu.memory_space<hbm>> -> memref<400xf32, #tpu.memory_space<hbm>>
      %dma_start3A_104 = arith.constant 1600 : i32
      %dma_start3A_105 = tpu.memref_slice %arg8[%dma_start3A_104] : memref<8000xf32, #tpu.memory_space<vmem>> -> memref<400xf32, #tpu.memory_space<vmem>>
      %dma_start3A_106 = tpu.memref_slice %arg3[%add3A_100] : memref<225792xf32, #tpu.memory_space<hbm>> -> memref<400xf32, #tpu.memory_space<hbm>>
      tpu.enqueue_dma source(%dma_start3A_106 : memref<400xf32, #tpu.memory_space<hbm>>) target(%dma_start3A_105 : memref<400xf32, #tpu.memory_space<vmem>>) target_semaphore(%arg13 : memref<!tpu.dma_semaphore, #tpu.memory_space<semaphore_mem>>)
      %add3A_107 = arith.constant 62720 : i32
      %add3A_108 = arith.addi %add3A_107, %mul3A_2 : i32
      %dma_start3A_109 = arith.constant 2000 : i32
      %dma_start3A_110 = tpu.memref_slice %arg8[%dma_start3A_109] : memref<8000xf32, #tpu.memory_space<vmem>> -> memref<400xf32, #tpu.memory_space<vmem>>
      %dma_start3A_111 = tpu.memref_slice %arg3[%add3A_108] : memref<225792xf32, #tpu.memory_space<hbm>> -> memref<400xf32, #tpu.memory_space<hbm>>
      %dma_start3A_112 = arith.constant 2000 : i32
      %dma_start3A_113 = tpu.memref_slice %arg8[%dma_start3A_112] : memref<8000xf32, #tpu.memory_space<vmem>> -> memref<400xf32, #tpu.memory_space<vmem>>
      %dma_start3A_114 = tpu.memref_slice %arg3[%add3A_108] : memref<225792xf32, #tpu.memory_space<hbm>> -> memref<400xf32, #tpu.memory_space<hbm>>
      tpu.enqueue_dma source(%dma_start3A_114 : memref<400xf32, #tpu.memory_space<hbm>>) target(%dma_start3A_113 : memref<400xf32, #tpu.memory_space<vmem>>) target_semaphore(%arg13 : memref<!tpu.dma_semaphore, #tpu.memory_space<semaphore_mem>>)
      %add3A_115 = arith.constant 75264 : i32
      %add3A_116 = arith.addi %add3A_115, %mul3A_2 : i32
      %dma_start3A_117 = arith.constant 2400 : i32
      %dma_start3A_118 = tpu.memref_slice %arg8[%dma_start3A_117] : memref<8000xf32, #tpu.memory_space<vmem>> -> memref<400xf32, #tpu.memory_space<vmem>>
      %dma_start3A_119 = tpu.memref_slice %arg3[%add3A_116] : memref<225792xf32, #tpu.memory_space<hbm>> -> memref<400xf32, #tpu.memory_space<hbm>>
      %dma_start3A_120 = arith.constant 2400 : i32
      %dma_start3A_121 = tpu.memref_slice %arg8[%dma_start3A_120] : memref<8000xf32, #tpu.memory_space<vmem>> -> memref<400xf32, #tpu.memory_space<vmem>>
      %dma_start3A_122 = tpu.memref_slice %arg3[%add3A_116] : memref<225792xf32, #tpu.memory_space<hbm>> -> memref<400xf32, #tpu.memory_space<hbm>>
      tpu.enqueue_dma source(%dma_start3A_122 : memref<400xf32, #tpu.memory_space<hbm>>) target(%dma_start3A_121 : memref<400xf32, #tpu.memory_space<vmem>>) target_semaphore(%arg13 : memref<!tpu.dma_semaphore, #tpu.memory_space<semaphore_mem>>)
      %add3A_123 = arith.constant 87808 : i32
      %add3A_124 = arith.addi %add3A_123, %mul3A_2 : i32
      %dma_start3A_125 = arith.constant 2800 : i32
      %dma_start3A_126 = tpu.memref_slice %arg8[%dma_start3A_125] : memref<8000xf32, #tpu.memory_space<vmem>> -> memref<400xf32, #tpu.memory_space<vmem>>
      %dma_start3A_127 = tpu.memref_slice %arg3[%add3A_124] : memref<225792xf32, #tpu.memory_space<hbm>> -> memref<400xf32, #tpu.memory_space<hbm>>
      %dma_start3A_128 = arith.constant 2800 : i32
      %dma_start3A_129 = tpu.memref_slice %arg8[%dma_start3A_128] : memref<8000xf32, #tpu.memory_space<vmem>> -> memref<400xf32, #tpu.memory_space<vmem>>
      %dma_start3A_130 = tpu.memref_slice %arg3[%add3A_124] : memref<225792xf32, #tpu.memory_space<hbm>> -> memref<400xf32, #tpu.memory_space<hbm>>
      tpu.enqueue_dma source(%dma_start3A_130 : memref<400xf32, #tpu.memory_space<hbm>>) target(%dma_start3A_129 : memref<400xf32, #tpu.memory_space<vmem>>) target_semaphore(%arg13 : memref<!tpu.dma_semaphore, #tpu.memory_space<semaphore_mem>>)
      %add3A_131 = arith.constant 100352 : i32
      %add3A_132 = arith.addi %add3A_131, %mul3A_2 : i32
      %dma_start3A_133 = arith.constant 3200 : i32
      %dma_start3A_134 = tpu.memref_slice %arg8[%dma_start3A_133] : memref<8000xf32, #tpu.memory_space<vmem>> -> memref<400xf32, #tpu.memory_space<vmem>>
      %dma_start3A_135 = tpu.memref_slice %arg3[%add3A_132] : memref<225792xf32, #tpu.memory_space<hbm>> -> memref<400xf32, #tpu.memory_space<hbm>>
      %dma_start3A_136 = arith.constant 3200 : i32
      %dma_start3A_137 = tpu.memref_slice %arg8[%dma_start3A_136] : memref<8000xf32, #tpu.memory_space<vmem>> -> memref<400xf32, #tpu.memory_space<vmem>>
      %dma_start3A_138 = tpu.memref_slice %arg3[%add3A_132] : memref<225792xf32, #tpu.memory_space<hbm>> -> memref<400xf32, #tpu.memory_space<hbm>>
      tpu.enqueue_dma source(%dma_start3A_138 : memref<400xf32, #tpu.memory_space<hbm>>) target(%dma_start3A_137 : memref<400xf32, #tpu.memory_space<vmem>>) target_semaphore(%arg13 : memref<!tpu.dma_semaphore, #tpu.memory_space<semaphore_mem>>)
      %add3A_139 = arith.constant 112896 : i32
      %add3A_140 = arith.addi %add3A_139, %mul3A_2 : i32
      %dma_start3A_141 = arith.constant 3600 : i32
      %dma_start3A_142 = tpu.memref_slice %arg8[%dma_start3A_141] : memref<8000xf32, #tpu.memory_space<vmem>> -> memref<400xf32, #tpu.memory_space<vmem>>
      %dma_start3A_143 = tpu.memref_slice %arg3[%add3A_140] : memref<225792xf32, #tpu.memory_space<hbm>> -> memref<400xf32, #tpu.memory_space<hbm>>
      %dma_start3A_144 = arith.constant 3600 : i32
      %dma_start3A_145 = tpu.memref_slice %arg8[%dma_start3A_144] : memref<8000xf32, #tpu.memory_space<vmem>> -> memref<400xf32, #tpu.memory_space<vmem>>
      %dma_start3A_146 = tpu.memref_slice %arg3[%add3A_140] : memref<225792xf32, #tpu.memory_space<hbm>> -> memref<400xf32, #tpu.memory_space<hbm>>
      tpu.enqueue_dma source(%dma_start3A_146 : memref<400xf32, #tpu.memory_space<hbm>>) target(%dma_start3A_145 : memref<400xf32, #tpu.memory_space<vmem>>) target_semaphore(%arg13 : memref<!tpu.dma_semaphore, #tpu.memory_space<semaphore_mem>>)
      %add3A_147 = arith.constant 125440 : i32
      %add3A_148 = arith.addi %add3A_147, %mul3A_2 : i32
      %dma_start3A_149 = arith.constant 4000 : i32
      %dma_start3A_150 = tpu.memref_slice %arg8[%dma_start3A_149] : memref<8000xf32, #tpu.memory_space<vmem>> -> memref<400xf32, #tpu.memory_space<vmem>>
      %dma_start3A_151 = tpu.memref_slice %arg3[%add3A_148] : memref<225792xf32, #tpu.memory_space<hbm>> -> memref<400xf32, #tpu.memory_space<hbm>>
      %dma_start3A_152 = arith.constant 4000 : i32
      %dma_start3A_153 = tpu.memref_slice %arg8[%dma_start3A_152] : memref<8000xf32, #tpu.memory_space<vmem>> -> memref<400xf32, #tpu.memory_space<vmem>>
      %dma_start3A_154 = tpu.memref_slice %arg3[%add3A_148] : memref<225792xf32, #tpu.memory_space<hbm>> -> memref<400xf32, #tpu.memory_space<hbm>>
      tpu.enqueue_dma source(%dma_start3A_154 : memref<400xf32, #tpu.memory_space<hbm>>) target(%dma_start3A_153 : memref<400xf32, #tpu.memory_space<vmem>>) target_semaphore(%arg13 : memref<!tpu.dma_semaphore, #tpu.memory_space<semaphore_mem>>)
      %add3A_155 = arith.constant 137984 : i32
      %add3A_156 = arith.addi %add3A_155, %mul3A_2 : i32
      %dma_start3A_157 = arith.constant 4400 : i32
      %dma_start3A_158 = tpu.memref_slice %arg8[%dma_start3A_157] : memref<8000xf32, #tpu.memory_space<vmem>> -> memref<400xf32, #tpu.memory_space<vmem>>
      %dma_start3A_159 = tpu.memref_slice %arg3[%add3A_156] : memref<225792xf32, #tpu.memory_space<hbm>> -> memref<400xf32, #tpu.memory_space<hbm>>
      %dma_start3A_160 = arith.constant 4400 : i32
      %dma_start3A_161 = tpu.memref_slice %arg8[%dma_start3A_160] : memref<8000xf32, #tpu.memory_space<vmem>> -> memref<400xf32, #tpu.memory_space<vmem>>
      %dma_start3A_162 = tpu.memref_slice %arg3[%add3A_156] : memref<225792xf32, #tpu.memory_space<hbm>> -> memref<400xf32, #tpu.memory_space<hbm>>
      tpu.enqueue_dma source(%dma_start3A_162 : memref<400xf32, #tpu.memory_space<hbm>>) target(%dma_start3A_161 : memref<400xf32, #tpu.memory_space<vmem>>) target_semaphore(%arg13 : memref<!tpu.dma_semaphore, #tpu.memory_space<semaphore_mem>>)
      %add3A_163 = arith.constant 150528 : i32
      %add3A_164 = arith.addi %add3A_163, %mul3A_2 : i32
      %dma_start3A_165 = arith.constant 4800 : i32
      %dma_start3A_166 = tpu.memref_slice %arg8[%dma_start3A_165] : memref<8000xf32, #tpu.memory_space<vmem>> -> memref<400xf32, #tpu.memory_space<vmem>>
      %dma_start3A_167 = tpu.memref_slice %arg3[%add3A_164] : memref<225792xf32, #tpu.memory_space<hbm>> -> memref<400xf32, #tpu.memory_space<hbm>>
      %dma_start3A_168 = arith.constant 4800 : i32
      %dma_start3A_169 = tpu.memref_slice %arg8[%dma_start3A_168] : memref<8000xf32, #tpu.memory_space<vmem>> -> memref<400xf32, #tpu.memory_space<vmem>>
      %dma_start3A_170 = tpu.memref_slice %arg3[%add3A_164] : memref<225792xf32, #tpu.memory_space<hbm>> -> memref<400xf32, #tpu.memory_space<hbm>>
      tpu.enqueue_dma source(%dma_start3A_170 : memref<400xf32, #tpu.memory_space<hbm>>) target(%dma_start3A_169 : memref<400xf32, #tpu.memory_space<vmem>>) target_semaphore(%arg13 : memref<!tpu.dma_semaphore, #tpu.memory_space<semaphore_mem>>)
      %add3A_171 = arith.constant 163072 : i32
      %add3A_172 = arith.addi %add3A_171, %mul3A_2 : i32
      %dma_start3A_173 = arith.constant 5200 : i32
      %dma_start3A_174 = tpu.memref_slice %arg8[%dma_start3A_173] : memref<8000xf32, #tpu.memory_space<vmem>> -> memref<400xf32, #tpu.memory_space<vmem>>
      %dma_start3A_175 = tpu.memref_slice %arg3[%add3A_172] : memref<225792xf32, #tpu.memory_space<hbm>> -> memref<400xf32, #tpu.memory_space<hbm>>
      %dma_start3A_176 = arith.constant 5200 : i32
      %dma_start3A_177 = tpu.memref_slice %arg8[%dma_start3A_176] : memref<8000xf32, #tpu.memory_space<vmem>> -> memref<400xf32, #tpu.memory_space<vmem>>
      %dma_start3A_178 = tpu.memref_slice %arg3[%add3A_172] : memref<225792xf32, #tpu.memory_space<hbm>> -> memref<400xf32, #tpu.memory_space<hbm>>
      tpu.enqueue_dma source(%dma_start3A_178 : memref<400xf32, #tpu.memory_space<hbm>>) target(%dma_start3A_177 : memref<400xf32, #tpu.memory_space<vmem>>) target_semaphore(%arg13 : memref<!tpu.dma_semaphore, #tpu.memory_space<semaphore_mem>>)
      %add3A_179 = arith.constant 175616 : i32
      %add3A_180 = arith.addi %add3A_179, %mul3A_2 : i32
      %dma_start3A_181 = arith.constant 5600 : i32
      %dma_start3A_182 = tpu.memref_slice %arg8[%dma_start3A_181] : memref<8000xf32, #tpu.memory_space<vmem>> -> memref<400xf32, #tpu.memory_space<vmem>>
      %dma_start3A_183 = tpu.memref_slice %arg3[%add3A_180] : memref<225792xf32, #tpu.memory_space<hbm>> -> memref<400xf32, #tpu.memory_space<hbm>>
      %dma_start3A_184 = arith.constant 5600 : i32
      %dma_start3A_185 = tpu.memref_slice %arg8[%dma_start3A_184] : memref<8000xf32, #tpu.memory_space<vmem>> -> memref<400xf32, #tpu.memory_space<vmem>>
      %dma_start3A_186 = tpu.memref_slice %arg3[%add3A_180] : memref<225792xf32, #tpu.memory_space<hbm>> -> memref<400xf32, #tpu.memory_space<hbm>>
      tpu.enqueue_dma source(%dma_start3A_186 : memref<400xf32, #tpu.memory_space<hbm>>) target(%dma_start3A_185 : memref<400xf32, #tpu.memory_space<vmem>>) target_semaphore(%arg13 : memref<!tpu.dma_semaphore, #tpu.memory_space<semaphore_mem>>)
      %add3A_187 = arith.constant 188160 : i32
      %add3A_188 = arith.addi %add3A_187, %mul3A_2 : i32
      %dma_start3A_189 = arith.constant 6000 : i32
      %dma_start3A_190 = tpu.memref_slice %arg8[%dma_start3A_189] : memref<8000xf32, #tpu.memory_space<vmem>> -> memref<400xf32, #tpu.memory_space<vmem>>
      %dma_start3A_191 = tpu.memref_slice %arg3[%add3A_188] : memref<225792xf32, #tpu.memory_space<hbm>> -> memref<400xf32, #tpu.memory_space<hbm>>
      %dma_start3A_192 = arith.constant 6000 : i32
      %dma_start3A_193 = tpu.memref_slice %arg8[%dma_start3A_192] : memref<8000xf32, #tpu.memory_space<vmem>> -> memref<400xf32, #tpu.memory_space<vmem>>
      %dma_start3A_194 = tpu.memref_slice %arg3[%add3A_188] : memref<225792xf32, #tpu.memory_space<hbm>> -> memref<400xf32, #tpu.memory_space<hbm>>
      tpu.enqueue_dma source(%dma_start3A_194 : memref<400xf32, #tpu.memory_space<hbm>>) target(%dma_start3A_193 : memref<400xf32, #tpu.memory_space<vmem>>) target_semaphore(%arg13 : memref<!tpu.dma_semaphore, #tpu.memory_space<semaphore_mem>>)
      %add3A_195 = arith.constant 200704 : i32
      %add3A_196 = arith.addi %add3A_195, %mul3A_2 : i32
      %dma_start3A_197 = arith.constant 6400 : i32
      %dma_start3A_198 = tpu.memref_slice %arg8[%dma_start3A_197] : memref<8000xf32, #tpu.memory_space<vmem>> -> memref<400xf32, #tpu.memory_space<vmem>>
      %dma_start3A_199 = tpu.memref_slice %arg3[%add3A_196] : memref<225792xf32, #tpu.memory_space<hbm>> -> memref<400xf32, #tpu.memory_space<hbm>>
      %dma_start3A_200 = arith.constant 6400 : i32
      %dma_start3A_201 = tpu.memref_slice %arg8[%dma_start3A_200] : memref<8000xf32, #tpu.memory_space<vmem>> -> memref<400xf32, #tpu.memory_space<vmem>>
      %dma_start3A_202 = tpu.memref_slice %arg3[%add3A_196] : memref<225792xf32, #tpu.memory_space<hbm>> -> memref<400xf32, #tpu.memory_space<hbm>>
      tpu.enqueue_dma source(%dma_start3A_202 : memref<400xf32, #tpu.memory_space<hbm>>) target(%dma_start3A_201 : memref<400xf32, #tpu.memory_space<vmem>>) target_semaphore(%arg13 : memref<!tpu.dma_semaphore, #tpu.memory_space<semaphore_mem>>)
      %add3A_203 = arith.constant 213248 : i32
      %add3A_204 = arith.addi %add3A_203, %mul3A_2 : i32
      %dma_start3A_205 = arith.constant 6800 : i32
      %dma_start3A_206 = tpu.memref_slice %arg8[%dma_start3A_205] : memref<8000xf32, #tpu.memory_space<vmem>> -> memref<400xf32, #tpu.memory_space<vmem>>
      %dma_start3A_207 = tpu.memref_slice %arg3[%add3A_204] : memref<225792xf32, #tpu.memory_space<hbm>> -> memref<400xf32, #tpu.memory_space<hbm>>
      %dma_start3A_208 = arith.constant 6800 : i32
      %dma_start3A_209 = tpu.memref_slice %arg8[%dma_start3A_208] : memref<8000xf32, #tpu.memory_space<vmem>> -> memref<400xf32, #tpu.memory_space<vmem>>
      %dma_start3A_210 = tpu.memref_slice %arg3[%add3A_204] : memref<225792xf32, #tpu.memory_space<hbm>> -> memref<400xf32, #tpu.memory_space<hbm>>
      tpu.enqueue_dma source(%dma_start3A_210 : memref<400xf32, #tpu.memory_space<hbm>>) target(%dma_start3A_209 : memref<400xf32, #tpu.memory_space<vmem>>) target_semaphore(%arg13 : memref<!tpu.dma_semaphore, #tpu.memory_space<semaphore_mem>>)
      %dma_start3A_211 = arith.constant 7200 : i32
      %dma_start3A_212 = tpu.memref_slice %arg8[%dma_start3A_211] : memref<8000xf32, #tpu.memory_space<vmem>> -> memref<400xf32, #tpu.memory_space<vmem>>
      %dma_start3A_213 = tpu.memref_slice %arg4[%mul3A_2] : memref<25088xf32, #tpu.memory_space<hbm>> -> memref<400xf32, #tpu.memory_space<hbm>>
      %dma_start3A_214 = arith.constant 7200 : i32
      %dma_start3A_215 = tpu.memref_slice %arg8[%dma_start3A_214] : memref<8000xf32, #tpu.memory_space<vmem>> -> memref<400xf32, #tpu.memory_space<vmem>>
      %dma_start3A_216 = tpu.memref_slice %arg4[%mul3A_2] : memref<25088xf32, #tpu.memory_space<hbm>> -> memref<400xf32, #tpu.memory_space<hbm>>
      tpu.enqueue_dma source(%dma_start3A_216 : memref<400xf32, #tpu.memory_space<hbm>>) target(%dma_start3A_215 : memref<400xf32, #tpu.memory_space<vmem>>) target_semaphore(%arg13 : memref<!tpu.dma_semaphore, #tpu.memory_space<semaphore_mem>>)
      %add3A_217 = arith.constant 12544 : i32
      %add3A_218 = arith.addi %add3A_217, %mul3A_2 : i32
      %dma_start3A_219 = arith.constant 7600 : i32
      %dma_start3A_220 = tpu.memref_slice %arg8[%dma_start3A_219] : memref<8000xf32, #tpu.memory_space<vmem>> -> memref<400xf32, #tpu.memory_space<vmem>>
      %dma_start3A_221 = tpu.memref_slice %arg4[%add3A_218] : memref<25088xf32, #tpu.memory_space<hbm>> -> memref<400xf32, #tpu.memory_space<hbm>>
      %dma_start3A_222 = arith.constant 7600 : i32
      %dma_start3A_223 = tpu.memref_slice %arg8[%dma_start3A_222] : memref<8000xf32, #tpu.memory_space<vmem>> -> memref<400xf32, #tpu.memory_space<vmem>>
      %dma_start3A_224 = tpu.memref_slice %arg4[%add3A_218] : memref<25088xf32, #tpu.memory_space<hbm>> -> memref<400xf32, #tpu.memory_space<hbm>>
      tpu.enqueue_dma source(%dma_start3A_224 : memref<400xf32, #tpu.memory_space<hbm>>) target(%dma_start3A_223 : memref<400xf32, #tpu.memory_space<vmem>>) target_semaphore(%arg13 : memref<!tpu.dma_semaphore, #tpu.memory_space<semaphore_mem>>)
      %dma_wait3A = arith.constant 0 : i32
      %dma_wait3A_225 = tpu.memref_slice %arg8[%dma_wait3A] : memref<8000xf32, #tpu.memory_space<vmem>> -> memref<400xf32, #tpu.memory_space<vmem>>
      %dma_wait3A_226 = tpu.memref_slice %arg3[%add3A_69] : memref<225792xf32, #tpu.memory_space<hbm>> -> memref<400xf32, #tpu.memory_space<hbm>>
      %dma_wait3A_227 = arith.constant 0 : i32
      %dma_wait3A_228 = tpu.memref_slice %arg8[%dma_wait3A_227] : memref<8000xf32, #tpu.memory_space<vmem>> -> memref<400xf32, #tpu.memory_space<vmem>>
      %dma_wait3A_229 = tpu.memref_slice %arg3[%add3A_69] : memref<225792xf32, #tpu.memory_space<hbm>> -> memref<400xf32, #tpu.memory_space<hbm>>
      tpu.wait_dma2 semaphore(%arg13 : memref<!tpu.dma_semaphore, #tpu.memory_space<semaphore_mem>>) src(%dma_wait3A_229 : memref<400xf32, #tpu.memory_space<hbm>>) dst(%dma_wait3A_228 : memref<400xf32, #tpu.memory_space<vmem>>)
      %dma_wait3A_230 = arith.constant 400 : i32
      %dma_wait3A_231 = tpu.memref_slice %arg8[%dma_wait3A_230] : memref<8000xf32, #tpu.memory_space<vmem>> -> memref<400xf32, #tpu.memory_space<vmem>>
      %dma_wait3A_232 = tpu.memref_slice %arg3[%add3A_76] : memref<225792xf32, #tpu.memory_space<hbm>> -> memref<400xf32, #tpu.memory_space<hbm>>
      %dma_wait3A_233 = arith.constant 400 : i32
      %dma_wait3A_234 = tpu.memref_slice %arg8[%dma_wait3A_233] : memref<8000xf32, #tpu.memory_space<vmem>> -> memref<400xf32, #tpu.memory_space<vmem>>
      %dma_wait3A_235 = tpu.memref_slice %arg3[%add3A_76] : memref<225792xf32, #tpu.memory_space<hbm>> -> memref<400xf32, #tpu.memory_space<hbm>>
      tpu.wait_dma2 semaphore(%arg13 : memref<!tpu.dma_semaphore, #tpu.memory_space<semaphore_mem>>) src(%dma_wait3A_235 : memref<400xf32, #tpu.memory_space<hbm>>) dst(%dma_wait3A_234 : memref<400xf32, #tpu.memory_space<vmem>>)
      %dma_wait3A_236 = arith.constant 800 : i32
      %dma_wait3A_237 = tpu.memref_slice %arg8[%dma_wait3A_236] : memref<8000xf32, #tpu.memory_space<vmem>> -> memref<400xf32, #tpu.memory_space<vmem>>
      %dma_wait3A_238 = tpu.memref_slice %arg3[%add3A_84] : memref<225792xf32, #tpu.memory_space<hbm>> -> memref<400xf32, #tpu.memory_space<hbm>>
      %dma_wait3A_239 = arith.constant 800 : i32
      %dma_wait3A_240 = tpu.memref_slice %arg8[%dma_wait3A_239] : memref<8000xf32, #tpu.memory_space<vmem>> -> memref<400xf32, #tpu.memory_space<vmem>>
      %dma_wait3A_241 = tpu.memref_slice %arg3[%add3A_84] : memref<225792xf32, #tpu.memory_space<hbm>> -> memref<400xf32, #tpu.memory_space<hbm>>
      tpu.wait_dma2 semaphore(%arg13 : memref<!tpu.dma_semaphore, #tpu.memory_space<semaphore_mem>>) src(%dma_wait3A_241 : memref<400xf32, #tpu.memory_space<hbm>>) dst(%dma_wait3A_240 : memref<400xf32, #tpu.memory_space<vmem>>)
      %dma_wait3A_242 = arith.constant 1200 : i32
      %dma_wait3A_243 = tpu.memref_slice %arg8[%dma_wait3A_242] : memref<8000xf32, #tpu.memory_space<vmem>> -> memref<400xf32, #tpu.memory_space<vmem>>
      %dma_wait3A_244 = tpu.memref_slice %arg3[%add3A_92] : memref<225792xf32, #tpu.memory_space<hbm>> -> memref<400xf32, #tpu.memory_space<hbm>>
      %dma_wait3A_245 = arith.constant 1200 : i32
      %dma_wait3A_246 = tpu.memref_slice %arg8[%dma_wait3A_245] : memref<8000xf32, #tpu.memory_space<vmem>> -> memref<400xf32, #tpu.memory_space<vmem>>
      %dma_wait3A_247 = tpu.memref_slice %arg3[%add3A_92] : memref<225792xf32, #tpu.memory_space<hbm>> -> memref<400xf32, #tpu.memory_space<hbm>>
      tpu.wait_dma2 semaphore(%arg13 : memref<!tpu.dma_semaphore, #tpu.memory_space<semaphore_mem>>) src(%dma_wait3A_247 : memref<400xf32, #tpu.memory_space<hbm>>) dst(%dma_wait3A_246 : memref<400xf32, #tpu.memory_space<vmem>>)
      %dma_wait3A_248 = arith.constant 1600 : i32
      %dma_wait3A_249 = tpu.memref_slice %arg8[%dma_wait3A_248] : memref<8000xf32, #tpu.memory_space<vmem>> -> memref<400xf32, #tpu.memory_space<vmem>>
      %dma_wait3A_250 = tpu.memref_slice %arg3[%add3A_100] : memref<225792xf32, #tpu.memory_space<hbm>> -> memref<400xf32, #tpu.memory_space<hbm>>
      %dma_wait3A_251 = arith.constant 1600 : i32
      %dma_wait3A_252 = tpu.memref_slice %arg8[%dma_wait3A_251] : memref<8000xf32, #tpu.memory_space<vmem>> -> memref<400xf32, #tpu.memory_space<vmem>>
      %dma_wait3A_253 = tpu.memref_slice %arg3[%add3A_100] : memref<225792xf32, #tpu.memory_space<hbm>> -> memref<400xf32, #tpu.memory_space<hbm>>
      tpu.wait_dma2 semaphore(%arg13 : memref<!tpu.dma_semaphore, #tpu.memory_space<semaphore_mem>>) src(%dma_wait3A_253 : memref<400xf32, #tpu.memory_space<hbm>>) dst(%dma_wait3A_252 : memref<400xf32, #tpu.memory_space<vmem>>)
      %dma_wait3A_254 = arith.constant 2000 : i32
      %dma_wait3A_255 = tpu.memref_slice %arg8[%dma_wait3A_254] : memref<8000xf32, #tpu.memory_space<vmem>> -> memref<400xf32, #tpu.memory_space<vmem>>
      %dma_wait3A_256 = tpu.memref_slice %arg3[%add3A_108] : memref<225792xf32, #tpu.memory_space<hbm>> -> memref<400xf32, #tpu.memory_space<hbm>>
      %dma_wait3A_257 = arith.constant 2000 : i32
      %dma_wait3A_258 = tpu.memref_slice %arg8[%dma_wait3A_257] : memref<8000xf32, #tpu.memory_space<vmem>> -> memref<400xf32, #tpu.memory_space<vmem>>
      %dma_wait3A_259 = tpu.memref_slice %arg3[%add3A_108] : memref<225792xf32, #tpu.memory_space<hbm>> -> memref<400xf32, #tpu.memory_space<hbm>>
      tpu.wait_dma2 semaphore(%arg13 : memref<!tpu.dma_semaphore, #tpu.memory_space<semaphore_mem>>) src(%dma_wait3A_259 : memref<400xf32, #tpu.memory_space<hbm>>) dst(%dma_wait3A_258 : memref<400xf32, #tpu.memory_space<vmem>>)
      %dma_wait3A_260 = arith.constant 2400 : i32
      %dma_wait3A_261 = tpu.memref_slice %arg8[%dma_wait3A_260] : memref<8000xf32, #tpu.memory_space<vmem>> -> memref<400xf32, #tpu.memory_space<vmem>>
      %dma_wait3A_262 = tpu.memref_slice %arg3[%add3A_116] : memref<225792xf32, #tpu.memory_space<hbm>> -> memref<400xf32, #tpu.memory_space<hbm>>
      %dma_wait3A_263 = arith.constant 2400 : i32
      %dma_wait3A_264 = tpu.memref_slice %arg8[%dma_wait3A_263] : memref<8000xf32, #tpu.memory_space<vmem>> -> memref<400xf32, #tpu.memory_space<vmem>>
      %dma_wait3A_265 = tpu.memref_slice %arg3[%add3A_116] : memref<225792xf32, #tpu.memory_space<hbm>> -> memref<400xf32, #tpu.memory_space<hbm>>
      tpu.wait_dma2 semaphore(%arg13 : memref<!tpu.dma_semaphore, #tpu.memory_space<semaphore_mem>>) src(%dma_wait3A_265 : memref<400xf32, #tpu.memory_space<hbm>>) dst(%dma_wait3A_264 : memref<400xf32, #tpu.memory_space<vmem>>)
      %dma_wait3A_266 = arith.constant 2800 : i32
      %dma_wait3A_267 = tpu.memref_slice %arg8[%dma_wait3A_266] : memref<8000xf32, #tpu.memory_space<vmem>> -> memref<400xf32, #tpu.memory_space<vmem>>
      %dma_wait3A_268 = tpu.memref_slice %arg3[%add3A_124] : memref<225792xf32, #tpu.memory_space<hbm>> -> memref<400xf32, #tpu.memory_space<hbm>>
      %dma_wait3A_269 = arith.constant 2800 : i32
      %dma_wait3A_270 = tpu.memref_slice %arg8[%dma_wait3A_269] : memref<8000xf32, #tpu.memory_space<vmem>> -> memref<400xf32, #tpu.memory_space<vmem>>
      %dma_wait3A_271 = tpu.memref_slice %arg3[%add3A_124] : memref<225792xf32, #tpu.memory_space<hbm>> -> memref<400xf32, #tpu.memory_space<hbm>>
      tpu.wait_dma2 semaphore(%arg13 : memref<!tpu.dma_semaphore, #tpu.memory_space<semaphore_mem>>) src(%dma_wait3A_271 : memref<400xf32, #tpu.memory_space<hbm>>) dst(%dma_wait3A_270 : memref<400xf32, #tpu.memory_space<vmem>>)
      %dma_wait3A_272 = arith.constant 3200 : i32
      %dma_wait3A_273 = tpu.memref_slice %arg8[%dma_wait3A_272] : memref<8000xf32, #tpu.memory_space<vmem>> -> memref<400xf32, #tpu.memory_space<vmem>>
      %dma_wait3A_274 = tpu.memref_slice %arg3[%add3A_132] : memref<225792xf32, #tpu.memory_space<hbm>> -> memref<400xf32, #tpu.memory_space<hbm>>
      %dma_wait3A_275 = arith.constant 3200 : i32
      %dma_wait3A_276 = tpu.memref_slice %arg8[%dma_wait3A_275] : memref<8000xf32, #tpu.memory_space<vmem>> -> memref<400xf32, #tpu.memory_space<vmem>>
      %dma_wait3A_277 = tpu.memref_slice %arg3[%add3A_132] : memref<225792xf32, #tpu.memory_space<hbm>> -> memref<400xf32, #tpu.memory_space<hbm>>
      tpu.wait_dma2 semaphore(%arg13 : memref<!tpu.dma_semaphore, #tpu.memory_space<semaphore_mem>>) src(%dma_wait3A_277 : memref<400xf32, #tpu.memory_space<hbm>>) dst(%dma_wait3A_276 : memref<400xf32, #tpu.memory_space<vmem>>)
      %dma_wait3A_278 = arith.constant 3600 : i32
      %dma_wait3A_279 = tpu.memref_slice %arg8[%dma_wait3A_278] : memref<8000xf32, #tpu.memory_space<vmem>> -> memref<400xf32, #tpu.memory_space<vmem>>
      %dma_wait3A_280 = tpu.memref_slice %arg3[%add3A_140] : memref<225792xf32, #tpu.memory_space<hbm>> -> memref<400xf32, #tpu.memory_space<hbm>>
      %dma_wait3A_281 = arith.constant 3600 : i32
      %dma_wait3A_282 = tpu.memref_slice %arg8[%dma_wait3A_281] : memref<8000xf32, #tpu.memory_space<vmem>> -> memref<400xf32, #tpu.memory_space<vmem>>
      %dma_wait3A_283 = tpu.memref_slice %arg3[%add3A_140] : memref<225792xf32, #tpu.memory_space<hbm>> -> memref<400xf32, #tpu.memory_space<hbm>>
      tpu.wait_dma2 semaphore(%arg13 : memref<!tpu.dma_semaphore, #tpu.memory_space<semaphore_mem>>) src(%dma_wait3A_283 : memref<400xf32, #tpu.memory_space<hbm>>) dst(%dma_wait3A_282 : memref<400xf32, #tpu.memory_space<vmem>>)
      %dma_wait3A_284 = arith.constant 4000 : i32
      %dma_wait3A_285 = tpu.memref_slice %arg8[%dma_wait3A_284] : memref<8000xf32, #tpu.memory_space<vmem>> -> memref<400xf32, #tpu.memory_space<vmem>>
      %dma_wait3A_286 = tpu.memref_slice %arg3[%add3A_148] : memref<225792xf32, #tpu.memory_space<hbm>> -> memref<400xf32, #tpu.memory_space<hbm>>
      %dma_wait3A_287 = arith.constant 4000 : i32
      %dma_wait3A_288 = tpu.memref_slice %arg8[%dma_wait3A_287] : memref<8000xf32, #tpu.memory_space<vmem>> -> memref<400xf32, #tpu.memory_space<vmem>>
      %dma_wait3A_289 = tpu.memref_slice %arg3[%add3A_148] : memref<225792xf32, #tpu.memory_space<hbm>> -> memref<400xf32, #tpu.memory_space<hbm>>
      tpu.wait_dma2 semaphore(%arg13 : memref<!tpu.dma_semaphore, #tpu.memory_space<semaphore_mem>>) src(%dma_wait3A_289 : memref<400xf32, #tpu.memory_space<hbm>>) dst(%dma_wait3A_288 : memref<400xf32, #tpu.memory_space<vmem>>)
      %dma_wait3A_290 = arith.constant 4400 : i32
      %dma_wait3A_291 = tpu.memref_slice %arg8[%dma_wait3A_290] : memref<8000xf32, #tpu.memory_space<vmem>> -> memref<400xf32, #tpu.memory_space<vmem>>
      %dma_wait3A_292 = tpu.memref_slice %arg3[%add3A_156] : memref<225792xf32, #tpu.memory_space<hbm>> -> memref<400xf32, #tpu.memory_space<hbm>>
      %dma_wait3A_293 = arith.constant 4400 : i32
      %dma_wait3A_294 = tpu.memref_slice %arg8[%dma_wait3A_293] : memref<8000xf32, #tpu.memory_space<vmem>> -> memref<400xf32, #tpu.memory_space<vmem>>
      %dma_wait3A_295 = tpu.memref_slice %arg3[%add3A_156] : memref<225792xf32, #tpu.memory_space<hbm>> -> memref<400xf32, #tpu.memory_space<hbm>>
      tpu.wait_dma2 semaphore(%arg13 : memref<!tpu.dma_semaphore, #tpu.memory_space<semaphore_mem>>) src(%dma_wait3A_295 : memref<400xf32, #tpu.memory_space<hbm>>) dst(%dma_wait3A_294 : memref<400xf32, #tpu.memory_space<vmem>>)
      %dma_wait3A_296 = arith.constant 4800 : i32
      %dma_wait3A_297 = tpu.memref_slice %arg8[%dma_wait3A_296] : memref<8000xf32, #tpu.memory_space<vmem>> -> memref<400xf32, #tpu.memory_space<vmem>>
      %dma_wait3A_298 = tpu.memref_slice %arg3[%add3A_164] : memref<225792xf32, #tpu.memory_space<hbm>> -> memref<400xf32, #tpu.memory_space<hbm>>
      %dma_wait3A_299 = arith.constant 4800 : i32
      %dma_wait3A_300 = tpu.memref_slice %arg8[%dma_wait3A_299] : memref<8000xf32, #tpu.memory_space<vmem>> -> memref<400xf32, #tpu.memory_space<vmem>>
      %dma_wait3A_301 = tpu.memref_slice %arg3[%add3A_164] : memref<225792xf32, #tpu.memory_space<hbm>> -> memref<400xf32, #tpu.memory_space<hbm>>
      tpu.wait_dma2 semaphore(%arg13 : memref<!tpu.dma_semaphore, #tpu.memory_space<semaphore_mem>>) src(%dma_wait3A_301 : memref<400xf32, #tpu.memory_space<hbm>>) dst(%dma_wait3A_300 : memref<400xf32, #tpu.memory_space<vmem>>)
      %dma_wait3A_302 = arith.constant 5200 : i32
      %dma_wait3A_303 = tpu.memref_slice %arg8[%dma_wait3A_302] : memref<8000xf32, #tpu.memory_space<vmem>> -> memref<400xf32, #tpu.memory_space<vmem>>
      %dma_wait3A_304 = tpu.memref_slice %arg3[%add3A_172] : memref<225792xf32, #tpu.memory_space<hbm>> -> memref<400xf32, #tpu.memory_space<hbm>>
      %dma_wait3A_305 = arith.constant 5200 : i32
      %dma_wait3A_306 = tpu.memref_slice %arg8[%dma_wait3A_305] : memref<8000xf32, #tpu.memory_space<vmem>> -> memref<400xf32, #tpu.memory_space<vmem>>
      %dma_wait3A_307 = tpu.memref_slice %arg3[%add3A_172] : memref<225792xf32, #tpu.memory_space<hbm>> -> memref<400xf32, #tpu.memory_space<hbm>>
      tpu.wait_dma2 semaphore(%arg13 : memref<!tpu.dma_semaphore, #tpu.memory_space<semaphore_mem>>) src(%dma_wait3A_307 : memref<400xf32, #tpu.memory_space<hbm>>) dst(%dma_wait3A_306 : memref<400xf32, #tpu.memory_space<vmem>>)
      %dma_wait3A_308 = arith.constant 5600 : i32
      %dma_wait3A_309 = tpu.memref_slice %arg8[%dma_wait3A_308] : memref<8000xf32, #tpu.memory_space<vmem>> -> memref<400xf32, #tpu.memory_space<vmem>>
      %dma_wait3A_310 = tpu.memref_slice %arg3[%add3A_180] : memref<225792xf32, #tpu.memory_space<hbm>> -> memref<400xf32, #tpu.memory_space<hbm>>
      %dma_wait3A_311 = arith.constant 5600 : i32
      %dma_wait3A_312 = tpu.memref_slice %arg8[%dma_wait3A_311] : memref<8000xf32, #tpu.memory_space<vmem>> -> memref<400xf32, #tpu.memory_space<vmem>>
      %dma_wait3A_313 = tpu.memref_slice %arg3[%add3A_180] : memref<225792xf32, #tpu.memory_space<hbm>> -> memref<400xf32, #tpu.memory_space<hbm>>
      tpu.wait_dma2 semaphore(%arg13 : memref<!tpu.dma_semaphore, #tpu.memory_space<semaphore_mem>>) src(%dma_wait3A_313 : memref<400xf32, #tpu.memory_space<hbm>>) dst(%dma_wait3A_312 : memref<400xf32, #tpu.memory_space<vmem>>)
      %dma_wait3A_314 = arith.constant 6000 : i32
      %dma_wait3A_315 = tpu.memref_slice %arg8[%dma_wait3A_314] : memref<8000xf32, #tpu.memory_space<vmem>> -> memref<400xf32, #tpu.memory_space<vmem>>
      %dma_wait3A_316 = tpu.memref_slice %arg3[%add3A_188] : memref<225792xf32, #tpu.memory_space<hbm>> -> memref<400xf32, #tpu.memory_space<hbm>>
      %dma_wait3A_317 = arith.constant 6000 : i32
      %dma_wait3A_318 = tpu.memref_slice %arg8[%dma_wait3A_317] : memref<8000xf32, #tpu.memory_space<vmem>> -> memref<400xf32, #tpu.memory_space<vmem>>
      %dma_wait3A_319 = tpu.memref_slice %arg3[%add3A_188] : memref<225792xf32, #tpu.memory_space<hbm>> -> memref<400xf32, #tpu.memory_space<hbm>>
      tpu.wait_dma2 semaphore(%arg13 : memref<!tpu.dma_semaphore, #tpu.memory_space<semaphore_mem>>) src(%dma_wait3A_319 : memref<400xf32, #tpu.memory_space<hbm>>) dst(%dma_wait3A_318 : memref<400xf32, #tpu.memory_space<vmem>>)
      %dma_wait3A_320 = arith.constant 6400 : i32
      %dma_wait3A_321 = tpu.memref_slice %arg8[%dma_wait3A_320] : memref<8000xf32, #tpu.memory_space<vmem>> -> memref<400xf32, #tpu.memory_space<vmem>>
      %dma_wait3A_322 = tpu.memref_slice %arg3[%add3A_196] : memref<225792xf32, #tpu.memory_space<hbm>> -> memref<400xf32, #tpu.memory_space<hbm>>
      %dma_wait3A_323 = arith.constant 6400 : i32
      %dma_wait3A_324 = tpu.memref_slice %arg8[%dma_wait3A_323] : memref<8000xf32, #tpu.memory_space<vmem>> -> memref<400xf32, #tpu.memory_space<vmem>>
      %dma_wait3A_325 = tpu.memref_slice %arg3[%add3A_196] : memref<225792xf32, #tpu.memory_space<hbm>> -> memref<400xf32, #tpu.memory_space<hbm>>
      tpu.wait_dma2 semaphore(%arg13 : memref<!tpu.dma_semaphore, #tpu.memory_space<semaphore_mem>>) src(%dma_wait3A_325 : memref<400xf32, #tpu.memory_space<hbm>>) dst(%dma_wait3A_324 : memref<400xf32, #tpu.memory_space<vmem>>)
      %dma_wait3A_326 = arith.constant 6800 : i32
      %dma_wait3A_327 = tpu.memref_slice %arg8[%dma_wait3A_326] : memref<8000xf32, #tpu.memory_space<vmem>> -> memref<400xf32, #tpu.memory_space<vmem>>
      %dma_wait3A_328 = tpu.memref_slice %arg3[%add3A_204] : memref<225792xf32, #tpu.memory_space<hbm>> -> memref<400xf32, #tpu.memory_space<hbm>>
      %dma_wait3A_329 = arith.constant 6800 : i32
      %dma_wait3A_330 = tpu.memref_slice %arg8[%dma_wait3A_329] : memref<8000xf32, #tpu.memory_space<vmem>> -> memref<400xf32, #tpu.memory_space<vmem>>
      %dma_wait3A_331 = tpu.memref_slice %arg3[%add3A_204] : memref<225792xf32, #tpu.memory_space<hbm>> -> memref<400xf32, #tpu.memory_space<hbm>>
      tpu.wait_dma2 semaphore(%arg13 : memref<!tpu.dma_semaphore, #tpu.memory_space<semaphore_mem>>) src(%dma_wait3A_331 : memref<400xf32, #tpu.memory_space<hbm>>) dst(%dma_wait3A_330 : memref<400xf32, #tpu.memory_space<vmem>>)
      %dma_wait3A_332 = arith.constant 7200 : i32
      %dma_wait3A_333 = tpu.memref_slice %arg8[%dma_wait3A_332] : memref<8000xf32, #tpu.memory_space<vmem>> -> memref<400xf32, #tpu.memory_space<vmem>>
      %dma_wait3A_334 = tpu.memref_slice %arg4[%mul3A_2] : memref<25088xf32, #tpu.memory_space<hbm>> -> memref<400xf32, #tpu.memory_space<hbm>>
      %dma_wait3A_335 = arith.constant 7200 : i32
      %dma_wait3A_336 = tpu.memref_slice %arg8[%dma_wait3A_335] : memref<8000xf32, #tpu.memory_space<vmem>> -> memref<400xf32, #tpu.memory_space<vmem>>
      %dma_wait3A_337 = tpu.memref_slice %arg4[%mul3A_2] : memref<25088xf32, #tpu.memory_space<hbm>> -> memref<400xf32, #tpu.memory_space<hbm>>
      tpu.wait_dma2 semaphore(%arg13 : memref<!tpu.dma_semaphore, #tpu.memory_space<semaphore_mem>>) src(%dma_wait3A_337 : memref<400xf32, #tpu.memory_space<hbm>>) dst(%dma_wait3A_336 : memref<400xf32, #tpu.memory_space<vmem>>)
      %dma_wait3A_338 = arith.constant 7600 : i32
      %dma_wait3A_339 = tpu.memref_slice %arg8[%dma_wait3A_338] : memref<8000xf32, #tpu.memory_space<vmem>> -> memref<400xf32, #tpu.memory_space<vmem>>
      %dma_wait3A_340 = tpu.memref_slice %arg4[%add3A_218] : memref<25088xf32, #tpu.memory_space<hbm>> -> memref<400xf32, #tpu.memory_space<hbm>>
      %dma_wait3A_341 = arith.constant 7600 : i32
      %dma_wait3A_342 = tpu.memref_slice %arg8[%dma_wait3A_341] : memref<8000xf32, #tpu.memory_space<vmem>> -> memref<400xf32, #tpu.memory_space<vmem>>
      %dma_wait3A_343 = tpu.memref_slice %arg4[%add3A_218] : memref<25088xf32, #tpu.memory_space<hbm>> -> memref<400xf32, #tpu.memory_space<hbm>>
      tpu.wait_dma2 semaphore(%arg13 : memref<!tpu.dma_semaphore, #tpu.memory_space<semaphore_mem>>) src(%dma_wait3A_343 : memref<400xf32, #tpu.memory_space<hbm>>) dst(%dma_wait3A_342 : memref<400xf32, #tpu.memory_space<vmem>>)
    } else {
    }
    %eq3A = arith.constant 31 : i32
    %eq3A_5 = arith.cmpi eq, %add3A, %eq3A : i32
    %convert_element_type3A_6 = arith.extui %eq3A_5 : i1 to i32
    %cond3A_7 = arith.constant 0 : i32
    %cond3A_8 = arith.cmpi ne, %convert_element_type3A_6, %cond3A_7 : i32
    scf.if %cond3A_8 {
      %add3A_68 = arith.constant 0 : i32
      %add3A_69 = arith.addi %add3A_68, %mul3A_2 : i32
      %dma_start3A = arith.constant 0 : i32
      %dma_start3A_70 = tpu.memref_slice %arg8[%dma_start3A] : memref<8000xf32, #tpu.memory_space<vmem>> -> memref<144xf32, #tpu.memory_space<vmem>>
      %dma_start3A_71 = tpu.memref_slice %arg3[%add3A_69] : memref<225792xf32, #tpu.memory_space<hbm>> -> memref<144xf32, #tpu.memory_space<hbm>>
      %dma_start3A_72 = arith.constant 0 : i32
      %dma_start3A_73 = tpu.memref_slice %arg8[%dma_start3A_72] : memref<8000xf32, #tpu.memory_space<vmem>> -> memref<144xf32, #tpu.memory_space<vmem>>
      %dma_start3A_74 = tpu.memref_slice %arg3[%add3A_69] : memref<225792xf32, #tpu.memory_space<hbm>> -> memref<144xf32, #tpu.memory_space<hbm>>
      tpu.enqueue_dma source(%dma_start3A_74 : memref<144xf32, #tpu.memory_space<hbm>>) target(%dma_start3A_73 : memref<144xf32, #tpu.memory_space<vmem>>) target_semaphore(%arg13 : memref<!tpu.dma_semaphore, #tpu.memory_space<semaphore_mem>>)
      %add3A_75 = arith.constant 12544 : i32
      %add3A_76 = arith.addi %add3A_75, %mul3A_2 : i32
      %dma_start3A_77 = arith.constant 400 : i32
      %dma_start3A_78 = tpu.memref_slice %arg8[%dma_start3A_77] : memref<8000xf32, #tpu.memory_space<vmem>> -> memref<144xf32, #tpu.memory_space<vmem>>
      %dma_start3A_79 = tpu.memref_slice %arg3[%add3A_76] : memref<225792xf32, #tpu.memory_space<hbm>> -> memref<144xf32, #tpu.memory_space<hbm>>
      %dma_start3A_80 = arith.constant 400 : i32
      %dma_start3A_81 = tpu.memref_slice %arg8[%dma_start3A_80] : memref<8000xf32, #tpu.memory_space<vmem>> -> memref<144xf32, #tpu.memory_space<vmem>>
      %dma_start3A_82 = tpu.memref_slice %arg3[%add3A_76] : memref<225792xf32, #tpu.memory_space<hbm>> -> memref<144xf32, #tpu.memory_space<hbm>>
      tpu.enqueue_dma source(%dma_start3A_82 : memref<144xf32, #tpu.memory_space<hbm>>) target(%dma_start3A_81 : memref<144xf32, #tpu.memory_space<vmem>>) target_semaphore(%arg13 : memref<!tpu.dma_semaphore, #tpu.memory_space<semaphore_mem>>)
      %add3A_83 = arith.constant 25088 : i32
      %add3A_84 = arith.addi %add3A_83, %mul3A_2 : i32
      %dma_start3A_85 = arith.constant 800 : i32
      %dma_start3A_86 = tpu.memref_slice %arg8[%dma_start3A_85] : memref<8000xf32, #tpu.memory_space<vmem>> -> memref<144xf32, #tpu.memory_space<vmem>>
      %dma_start3A_87 = tpu.memref_slice %arg3[%add3A_84] : memref<225792xf32, #tpu.memory_space<hbm>> -> memref<144xf32, #tpu.memory_space<hbm>>
      %dma_start3A_88 = arith.constant 800 : i32
      %dma_start3A_89 = tpu.memref_slice %arg8[%dma_start3A_88] : memref<8000xf32, #tpu.memory_space<vmem>> -> memref<144xf32, #tpu.memory_space<vmem>>
      %dma_start3A_90 = tpu.memref_slice %arg3[%add3A_84] : memref<225792xf32, #tpu.memory_space<hbm>> -> memref<144xf32, #tpu.memory_space<hbm>>
      tpu.enqueue_dma source(%dma_start3A_90 : memref<144xf32, #tpu.memory_space<hbm>>) target(%dma_start3A_89 : memref<144xf32, #tpu.memory_space<vmem>>) target_semaphore(%arg13 : memref<!tpu.dma_semaphore, #tpu.memory_space<semaphore_mem>>)
      %add3A_91 = arith.constant 37632 : i32
      %add3A_92 = arith.addi %add3A_91, %mul3A_2 : i32
      %dma_start3A_93 = arith.constant 1200 : i32
      %dma_start3A_94 = tpu.memref_slice %arg8[%dma_start3A_93] : memref<8000xf32, #tpu.memory_space<vmem>> -> memref<144xf32, #tpu.memory_space<vmem>>
      %dma_start3A_95 = tpu.memref_slice %arg3[%add3A_92] : memref<225792xf32, #tpu.memory_space<hbm>> -> memref<144xf32, #tpu.memory_space<hbm>>
      %dma_start3A_96 = arith.constant 1200 : i32
      %dma_start3A_97 = tpu.memref_slice %arg8[%dma_start3A_96] : memref<8000xf32, #tpu.memory_space<vmem>> -> memref<144xf32, #tpu.memory_space<vmem>>
      %dma_start3A_98 = tpu.memref_slice %arg3[%add3A_92] : memref<225792xf32, #tpu.memory_space<hbm>> -> memref<144xf32, #tpu.memory_space<hbm>>
      tpu.enqueue_dma source(%dma_start3A_98 : memref<144xf32, #tpu.memory_space<hbm>>) target(%dma_start3A_97 : memref<144xf32, #tpu.memory_space<vmem>>) target_semaphore(%arg13 : memref<!tpu.dma_semaphore, #tpu.memory_space<semaphore_mem>>)
      %add3A_99 = arith.constant 50176 : i32
      %add3A_100 = arith.addi %add3A_99, %mul3A_2 : i32
      %dma_start3A_101 = arith.constant 1600 : i32
      %dma_start3A_102 = tpu.memref_slice %arg8[%dma_start3A_101] : memref<8000xf32, #tpu.memory_space<vmem>> -> memref<144xf32, #tpu.memory_space<vmem>>
      %dma_start3A_103 = tpu.memref_slice %arg3[%add3A_100] : memref<225792xf32, #tpu.memory_space<hbm>> -> memref<144xf32, #tpu.memory_space<hbm>>
      %dma_start3A_104 = arith.constant 1600 : i32
      %dma_start3A_105 = tpu.memref_slice %arg8[%dma_start3A_104] : memref<8000xf32, #tpu.memory_space<vmem>> -> memref<144xf32, #tpu.memory_space<vmem>>
      %dma_start3A_106 = tpu.memref_slice %arg3[%add3A_100] : memref<225792xf32, #tpu.memory_space<hbm>> -> memref<144xf32, #tpu.memory_space<hbm>>
      tpu.enqueue_dma source(%dma_start3A_106 : memref<144xf32, #tpu.memory_space<hbm>>) target(%dma_start3A_105 : memref<144xf32, #tpu.memory_space<vmem>>) target_semaphore(%arg13 : memref<!tpu.dma_semaphore, #tpu.memory_space<semaphore_mem>>)
      %add3A_107 = arith.constant 62720 : i32
      %add3A_108 = arith.addi %add3A_107, %mul3A_2 : i32
      %dma_start3A_109 = arith.constant 2000 : i32
      %dma_start3A_110 = tpu.memref_slice %arg8[%dma_start3A_109] : memref<8000xf32, #tpu.memory_space<vmem>> -> memref<144xf32, #tpu.memory_space<vmem>>
      %dma_start3A_111 = tpu.memref_slice %arg3[%add3A_108] : memref<225792xf32, #tpu.memory_space<hbm>> -> memref<144xf32, #tpu.memory_space<hbm>>
      %dma_start3A_112 = arith.constant 2000 : i32
      %dma_start3A_113 = tpu.memref_slice %arg8[%dma_start3A_112] : memref<8000xf32, #tpu.memory_space<vmem>> -> memref<144xf32, #tpu.memory_space<vmem>>
      %dma_start3A_114 = tpu.memref_slice %arg3[%add3A_108] : memref<225792xf32, #tpu.memory_space<hbm>> -> memref<144xf32, #tpu.memory_space<hbm>>
      tpu.enqueue_dma source(%dma_start3A_114 : memref<144xf32, #tpu.memory_space<hbm>>) target(%dma_start3A_113 : memref<144xf32, #tpu.memory_space<vmem>>) target_semaphore(%arg13 : memref<!tpu.dma_semaphore, #tpu.memory_space<semaphore_mem>>)
      %add3A_115 = arith.constant 75264 : i32
      %add3A_116 = arith.addi %add3A_115, %mul3A_2 : i32
      %dma_start3A_117 = arith.constant 2400 : i32
      %dma_start3A_118 = tpu.memref_slice %arg8[%dma_start3A_117] : memref<8000xf32, #tpu.memory_space<vmem>> -> memref<144xf32, #tpu.memory_space<vmem>>
      %dma_start3A_119 = tpu.memref_slice %arg3[%add3A_116] : memref<225792xf32, #tpu.memory_space<hbm>> -> memref<144xf32, #tpu.memory_space<hbm>>
      %dma_start3A_120 = arith.constant 2400 : i32
      %dma_start3A_121 = tpu.memref_slice %arg8[%dma_start3A_120] : memref<8000xf32, #tpu.memory_space<vmem>> -> memref<144xf32, #tpu.memory_space<vmem>>
      %dma_start3A_122 = tpu.memref_slice %arg3[%add3A_116] : memref<225792xf32, #tpu.memory_space<hbm>> -> memref<144xf32, #tpu.memory_space<hbm>>
      tpu.enqueue_dma source(%dma_start3A_122 : memref<144xf32, #tpu.memory_space<hbm>>) target(%dma_start3A_121 : memref<144xf32, #tpu.memory_space<vmem>>) target_semaphore(%arg13 : memref<!tpu.dma_semaphore, #tpu.memory_space<semaphore_mem>>)
      %add3A_123 = arith.constant 87808 : i32
      %add3A_124 = arith.addi %add3A_123, %mul3A_2 : i32
      %dma_start3A_125 = arith.constant 2800 : i32
      %dma_start3A_126 = tpu.memref_slice %arg8[%dma_start3A_125] : memref<8000xf32, #tpu.memory_space<vmem>> -> memref<144xf32, #tpu.memory_space<vmem>>
      %dma_start3A_127 = tpu.memref_slice %arg3[%add3A_124] : memref<225792xf32, #tpu.memory_space<hbm>> -> memref<144xf32, #tpu.memory_space<hbm>>
      %dma_start3A_128 = arith.constant 2800 : i32
      %dma_start3A_129 = tpu.memref_slice %arg8[%dma_start3A_128] : memref<8000xf32, #tpu.memory_space<vmem>> -> memref<144xf32, #tpu.memory_space<vmem>>
      %dma_start3A_130 = tpu.memref_slice %arg3[%add3A_124] : memref<225792xf32, #tpu.memory_space<hbm>> -> memref<144xf32, #tpu.memory_space<hbm>>
      tpu.enqueue_dma source(%dma_start3A_130 : memref<144xf32, #tpu.memory_space<hbm>>) target(%dma_start3A_129 : memref<144xf32, #tpu.memory_space<vmem>>) target_semaphore(%arg13 : memref<!tpu.dma_semaphore, #tpu.memory_space<semaphore_mem>>)
      %add3A_131 = arith.constant 100352 : i32
      %add3A_132 = arith.addi %add3A_131, %mul3A_2 : i32
      %dma_start3A_133 = arith.constant 3200 : i32
      %dma_start3A_134 = tpu.memref_slice %arg8[%dma_start3A_133] : memref<8000xf32, #tpu.memory_space<vmem>> -> memref<144xf32, #tpu.memory_space<vmem>>
      %dma_start3A_135 = tpu.memref_slice %arg3[%add3A_132] : memref<225792xf32, #tpu.memory_space<hbm>> -> memref<144xf32, #tpu.memory_space<hbm>>
      %dma_start3A_136 = arith.constant 3200 : i32
      %dma_start3A_137 = tpu.memref_slice %arg8[%dma_start3A_136] : memref<8000xf32, #tpu.memory_space<vmem>> -> memref<144xf32, #tpu.memory_space<vmem>>
      %dma_start3A_138 = tpu.memref_slice %arg3[%add3A_132] : memref<225792xf32, #tpu.memory_space<hbm>> -> memref<144xf32, #tpu.memory_space<hbm>>
      tpu.enqueue_dma source(%dma_start3A_138 : memref<144xf32, #tpu.memory_space<hbm>>) target(%dma_start3A_137 : memref<144xf32, #tpu.memory_space<vmem>>) target_semaphore(%arg13 : memref<!tpu.dma_semaphore, #tpu.memory_space<semaphore_mem>>)
      %add3A_139 = arith.constant 112896 : i32
      %add3A_140 = arith.addi %add3A_139, %mul3A_2 : i32
      %dma_start3A_141 = arith.constant 3600 : i32
      %dma_start3A_142 = tpu.memref_slice %arg8[%dma_start3A_141] : memref<8000xf32, #tpu.memory_space<vmem>> -> memref<144xf32, #tpu.memory_space<vmem>>
      %dma_start3A_143 = tpu.memref_slice %arg3[%add3A_140] : memref<225792xf32, #tpu.memory_space<hbm>> -> memref<144xf32, #tpu.memory_space<hbm>>
      %dma_start3A_144 = arith.constant 3600 : i32
      %dma_start3A_145 = tpu.memref_slice %arg8[%dma_start3A_144] : memref<8000xf32, #tpu.memory_space<vmem>> -> memref<144xf32, #tpu.memory_space<vmem>>
      %dma_start3A_146 = tpu.memref_slice %arg3[%add3A_140] : memref<225792xf32, #tpu.memory_space<hbm>> -> memref<144xf32, #tpu.memory_space<hbm>>
      tpu.enqueue_dma source(%dma_start3A_146 : memref<144xf32, #tpu.memory_space<hbm>>) target(%dma_start3A_145 : memref<144xf32, #tpu.memory_space<vmem>>) target_semaphore(%arg13 : memref<!tpu.dma_semaphore, #tpu.memory_space<semaphore_mem>>)
      %add3A_147 = arith.constant 125440 : i32
      %add3A_148 = arith.addi %add3A_147, %mul3A_2 : i32
      %dma_start3A_149 = arith.constant 4000 : i32
      %dma_start3A_150 = tpu.memref_slice %arg8[%dma_start3A_149] : memref<8000xf32, #tpu.memory_space<vmem>> -> memref<144xf32, #tpu.memory_space<vmem>>
      %dma_start3A_151 = tpu.memref_slice %arg3[%add3A_148] : memref<225792xf32, #tpu.memory_space<hbm>> -> memref<144xf32, #tpu.memory_space<hbm>>
      %dma_start3A_152 = arith.constant 4000 : i32
      %dma_start3A_153 = tpu.memref_slice %arg8[%dma_start3A_152] : memref<8000xf32, #tpu.memory_space<vmem>> -> memref<144xf32, #tpu.memory_space<vmem>>
      %dma_start3A_154 = tpu.memref_slice %arg3[%add3A_148] : memref<225792xf32, #tpu.memory_space<hbm>> -> memref<144xf32, #tpu.memory_space<hbm>>
      tpu.enqueue_dma source(%dma_start3A_154 : memref<144xf32, #tpu.memory_space<hbm>>) target(%dma_start3A_153 : memref<144xf32, #tpu.memory_space<vmem>>) target_semaphore(%arg13 : memref<!tpu.dma_semaphore, #tpu.memory_space<semaphore_mem>>)
      %add3A_155 = arith.constant 137984 : i32
      %add3A_156 = arith.addi %add3A_155, %mul3A_2 : i32
      %dma_start3A_157 = arith.constant 4400 : i32
      %dma_start3A_158 = tpu.memref_slice %arg8[%dma_start3A_157] : memref<8000xf32, #tpu.memory_space<vmem>> -> memref<144xf32, #tpu.memory_space<vmem>>
      %dma_start3A_159 = tpu.memref_slice %arg3[%add3A_156] : memref<225792xf32, #tpu.memory_space<hbm>> -> memref<144xf32, #tpu.memory_space<hbm>>
      %dma_start3A_160 = arith.constant 4400 : i32
      %dma_start3A_161 = tpu.memref_slice %arg8[%dma_start3A_160] : memref<8000xf32, #tpu.memory_space<vmem>> -> memref<144xf32, #tpu.memory_space<vmem>>
      %dma_start3A_162 = tpu.memref_slice %arg3[%add3A_156] : memref<225792xf32, #tpu.memory_space<hbm>> -> memref<144xf32, #tpu.memory_space<hbm>>
      tpu.enqueue_dma source(%dma_start3A_162 : memref<144xf32, #tpu.memory_space<hbm>>) target(%dma_start3A_161 : memref<144xf32, #tpu.memory_space<vmem>>) target_semaphore(%arg13 : memref<!tpu.dma_semaphore, #tpu.memory_space<semaphore_mem>>)
      %add3A_163 = arith.constant 150528 : i32
      %add3A_164 = arith.addi %add3A_163, %mul3A_2 : i32
      %dma_start3A_165 = arith.constant 4800 : i32
      %dma_start3A_166 = tpu.memref_slice %arg8[%dma_start3A_165] : memref<8000xf32, #tpu.memory_space<vmem>> -> memref<144xf32, #tpu.memory_space<vmem>>
      %dma_start3A_167 = tpu.memref_slice %arg3[%add3A_164] : memref<225792xf32, #tpu.memory_space<hbm>> -> memref<144xf32, #tpu.memory_space<hbm>>
      %dma_start3A_168 = arith.constant 4800 : i32
      %dma_start3A_169 = tpu.memref_slice %arg8[%dma_start3A_168] : memref<8000xf32, #tpu.memory_space<vmem>> -> memref<144xf32, #tpu.memory_space<vmem>>
      %dma_start3A_170 = tpu.memref_slice %arg3[%add3A_164] : memref<225792xf32, #tpu.memory_space<hbm>> -> memref<144xf32, #tpu.memory_space<hbm>>
      tpu.enqueue_dma source(%dma_start3A_170 : memref<144xf32, #tpu.memory_space<hbm>>) target(%dma_start3A_169 : memref<144xf32, #tpu.memory_space<vmem>>) target_semaphore(%arg13 : memref<!tpu.dma_semaphore, #tpu.memory_space<semaphore_mem>>)
      %add3A_171 = arith.constant 163072 : i32
      %add3A_172 = arith.addi %add3A_171, %mul3A_2 : i32
      %dma_start3A_173 = arith.constant 5200 : i32
      %dma_start3A_174 = tpu.memref_slice %arg8[%dma_start3A_173] : memref<8000xf32, #tpu.memory_space<vmem>> -> memref<144xf32, #tpu.memory_space<vmem>>
      %dma_start3A_175 = tpu.memref_slice %arg3[%add3A_172] : memref<225792xf32, #tpu.memory_space<hbm>> -> memref<144xf32, #tpu.memory_space<hbm>>
      %dma_start3A_176 = arith.constant 5200 : i32
      %dma_start3A_177 = tpu.memref_slice %arg8[%dma_start3A_176] : memref<8000xf32, #tpu.memory_space<vmem>> -> memref<144xf32, #tpu.memory_space<vmem>>
      %dma_start3A_178 = tpu.memref_slice %arg3[%add3A_172] : memref<225792xf32, #tpu.memory_space<hbm>> -> memref<144xf32, #tpu.memory_space<hbm>>
      tpu.enqueue_dma source(%dma_start3A_178 : memref<144xf32, #tpu.memory_space<hbm>>) target(%dma_start3A_177 : memref<144xf32, #tpu.memory_space<vmem>>) target_semaphore(%arg13 : memref<!tpu.dma_semaphore, #tpu.memory_space<semaphore_mem>>)
      %add3A_179 = arith.constant 175616 : i32
      %add3A_180 = arith.addi %add3A_179, %mul3A_2 : i32
      %dma_start3A_181 = arith.constant 5600 : i32
      %dma_start3A_182 = tpu.memref_slice %arg8[%dma_start3A_181] : memref<8000xf32, #tpu.memory_space<vmem>> -> memref<144xf32, #tpu.memory_space<vmem>>
      %dma_start3A_183 = tpu.memref_slice %arg3[%add3A_180] : memref<225792xf32, #tpu.memory_space<hbm>> -> memref<144xf32, #tpu.memory_space<hbm>>
      %dma_start3A_184 = arith.constant 5600 : i32
      %dma_start3A_185 = tpu.memref_slice %arg8[%dma_start3A_184] : memref<8000xf32, #tpu.memory_space<vmem>> -> memref<144xf32, #tpu.memory_space<vmem>>
      %dma_start3A_186 = tpu.memref_slice %arg3[%add3A_180] : memref<225792xf32, #tpu.memory_space<hbm>> -> memref<144xf32, #tpu.memory_space<hbm>>
      tpu.enqueue_dma source(%dma_start3A_186 : memref<144xf32, #tpu.memory_space<hbm>>) target(%dma_start3A_185 : memref<144xf32, #tpu.memory_space<vmem>>) target_semaphore(%arg13 : memref<!tpu.dma_semaphore, #tpu.memory_space<semaphore_mem>>)
      %add3A_187 = arith.constant 188160 : i32
      %add3A_188 = arith.addi %add3A_187, %mul3A_2 : i32
      %dma_start3A_189 = arith.constant 6000 : i32
      %dma_start3A_190 = tpu.memref_slice %arg8[%dma_start3A_189] : memref<8000xf32, #tpu.memory_space<vmem>> -> memref<144xf32, #tpu.memory_space<vmem>>
      %dma_start3A_191 = tpu.memref_slice %arg3[%add3A_188] : memref<225792xf32, #tpu.memory_space<hbm>> -> memref<144xf32, #tpu.memory_space<hbm>>
      %dma_start3A_192 = arith.constant 6000 : i32
      %dma_start3A_193 = tpu.memref_slice %arg8[%dma_start3A_192] : memref<8000xf32, #tpu.memory_space<vmem>> -> memref<144xf32, #tpu.memory_space<vmem>>
      %dma_start3A_194 = tpu.memref_slice %arg3[%add3A_188] : memref<225792xf32, #tpu.memory_space<hbm>> -> memref<144xf32, #tpu.memory_space<hbm>>
      tpu.enqueue_dma source(%dma_start3A_194 : memref<144xf32, #tpu.memory_space<hbm>>) target(%dma_start3A_193 : memref<144xf32, #tpu.memory_space<vmem>>) target_semaphore(%arg13 : memref<!tpu.dma_semaphore, #tpu.memory_space<semaphore_mem>>)
      %add3A_195 = arith.constant 200704 : i32
      %add3A_196 = arith.addi %add3A_195, %mul3A_2 : i32
      %dma_start3A_197 = arith.constant 6400 : i32
      %dma_start3A_198 = tpu.memref_slice %arg8[%dma_start3A_197] : memref<8000xf32, #tpu.memory_space<vmem>> -> memref<144xf32, #tpu.memory_space<vmem>>
      %dma_start3A_199 = tpu.memref_slice %arg3[%add3A_196] : memref<225792xf32, #tpu.memory_space<hbm>> -> memref<144xf32, #tpu.memory_space<hbm>>
      %dma_start3A_200 = arith.constant 6400 : i32
      %dma_start3A_201 = tpu.memref_slice %arg8[%dma_start3A_200] : memref<8000xf32, #tpu.memory_space<vmem>> -> memref<144xf32, #tpu.memory_space<vmem>>
      %dma_start3A_202 = tpu.memref_slice %arg3[%add3A_196] : memref<225792xf32, #tpu.memory_space<hbm>> -> memref<144xf32, #tpu.memory_space<hbm>>
      tpu.enqueue_dma source(%dma_start3A_202 : memref<144xf32, #tpu.memory_space<hbm>>) target(%dma_start3A_201 : memref<144xf32, #tpu.memory_space<vmem>>) target_semaphore(%arg13 : memref<!tpu.dma_semaphore, #tpu.memory_space<semaphore_mem>>)
      %add3A_203 = arith.constant 213248 : i32
      %add3A_204 = arith.addi %add3A_203, %mul3A_2 : i32
      %dma_start3A_205 = arith.constant 6800 : i32
      %dma_start3A_206 = tpu.memref_slice %arg8[%dma_start3A_205] : memref<8000xf32, #tpu.memory_space<vmem>> -> memref<144xf32, #tpu.memory_space<vmem>>
      %dma_start3A_207 = tpu.memref_slice %arg3[%add3A_204] : memref<225792xf32, #tpu.memory_space<hbm>> -> memref<144xf32, #tpu.memory_space<hbm>>
      %dma_start3A_208 = arith.constant 6800 : i32
      %dma_start3A_209 = tpu.memref_slice %arg8[%dma_start3A_208] : memref<8000xf32, #tpu.memory_space<vmem>> -> memref<144xf32, #tpu.memory_space<vmem>>
      %dma_start3A_210 = tpu.memref_slice %arg3[%add3A_204] : memref<225792xf32, #tpu.memory_space<hbm>> -> memref<144xf32, #tpu.memory_space<hbm>>
      tpu.enqueue_dma source(%dma_start3A_210 : memref<144xf32, #tpu.memory_space<hbm>>) target(%dma_start3A_209 : memref<144xf32, #tpu.memory_space<vmem>>) target_semaphore(%arg13 : memref<!tpu.dma_semaphore, #tpu.memory_space<semaphore_mem>>)
      %dma_start3A_211 = arith.constant 7200 : i32
      %dma_start3A_212 = tpu.memref_slice %arg8[%dma_start3A_211] : memref<8000xf32, #tpu.memory_space<vmem>> -> memref<144xf32, #tpu.memory_space<vmem>>
      %dma_start3A_213 = tpu.memref_slice %arg4[%mul3A_2] : memref<25088xf32, #tpu.memory_space<hbm>> -> memref<144xf32, #tpu.memory_space<hbm>>
      %dma_start3A_214 = arith.constant 7200 : i32
      %dma_start3A_215 = tpu.memref_slice %arg8[%dma_start3A_214] : memref<8000xf32, #tpu.memory_space<vmem>> -> memref<144xf32, #tpu.memory_space<vmem>>
      %dma_start3A_216 = tpu.memref_slice %arg4[%mul3A_2] : memref<25088xf32, #tpu.memory_space<hbm>> -> memref<144xf32, #tpu.memory_space<hbm>>
      tpu.enqueue_dma source(%dma_start3A_216 : memref<144xf32, #tpu.memory_space<hbm>>) target(%dma_start3A_215 : memref<144xf32, #tpu.memory_space<vmem>>) target_semaphore(%arg13 : memref<!tpu.dma_semaphore, #tpu.memory_space<semaphore_mem>>)
      %add3A_217 = arith.constant 12544 : i32
      %add3A_218 = arith.addi %add3A_217, %mul3A_2 : i32
      %dma_start3A_219 = arith.constant 7600 : i32
      %dma_start3A_220 = tpu.memref_slice %arg8[%dma_start3A_219] : memref<8000xf32, #tpu.memory_space<vmem>> -> memref<144xf32, #tpu.memory_space<vmem>>
      %dma_start3A_221 = tpu.memref_slice %arg4[%add3A_218] : memref<25088xf32, #tpu.memory_space<hbm>> -> memref<144xf32, #tpu.memory_space<hbm>>
      %dma_start3A_222 = arith.constant 7600 : i32
      %dma_start3A_223 = tpu.memref_slice %arg8[%dma_start3A_222] : memref<8000xf32, #tpu.memory_space<vmem>> -> memref<144xf32, #tpu.memory_space<vmem>>
      %dma_start3A_224 = tpu.memref_slice %arg4[%add3A_218] : memref<25088xf32, #tpu.memory_space<hbm>> -> memref<144xf32, #tpu.memory_space<hbm>>
      tpu.enqueue_dma source(%dma_start3A_224 : memref<144xf32, #tpu.memory_space<hbm>>) target(%dma_start3A_223 : memref<144xf32, #tpu.memory_space<vmem>>) target_semaphore(%arg13 : memref<!tpu.dma_semaphore, #tpu.memory_space<semaphore_mem>>)
      %dma_wait3A = arith.constant 0 : i32
      %dma_wait3A_225 = tpu.memref_slice %arg8[%dma_wait3A] : memref<8000xf32, #tpu.memory_space<vmem>> -> memref<144xf32, #tpu.memory_space<vmem>>
      %dma_wait3A_226 = tpu.memref_slice %arg3[%add3A_69] : memref<225792xf32, #tpu.memory_space<hbm>> -> memref<144xf32, #tpu.memory_space<hbm>>
      %dma_wait3A_227 = arith.constant 0 : i32
      %dma_wait3A_228 = tpu.memref_slice %arg8[%dma_wait3A_227] : memref<8000xf32, #tpu.memory_space<vmem>> -> memref<144xf32, #tpu.memory_space<vmem>>
      %dma_wait3A_229 = tpu.memref_slice %arg3[%add3A_69] : memref<225792xf32, #tpu.memory_space<hbm>> -> memref<144xf32, #tpu.memory_space<hbm>>
      tpu.wait_dma2 semaphore(%arg13 : memref<!tpu.dma_semaphore, #tpu.memory_space<semaphore_mem>>) src(%dma_wait3A_229 : memref<144xf32, #tpu.memory_space<hbm>>) dst(%dma_wait3A_228 : memref<144xf32, #tpu.memory_space<vmem>>)
      %dma_wait3A_230 = arith.constant 400 : i32
      %dma_wait3A_231 = tpu.memref_slice %arg8[%dma_wait3A_230] : memref<8000xf32, #tpu.memory_space<vmem>> -> memref<144xf32, #tpu.memory_space<vmem>>
      %dma_wait3A_232 = tpu.memref_slice %arg3[%add3A_76] : memref<225792xf32, #tpu.memory_space<hbm>> -> memref<144xf32, #tpu.memory_space<hbm>>
      %dma_wait3A_233 = arith.constant 400 : i32
      %dma_wait3A_234 = tpu.memref_slice %arg8[%dma_wait3A_233] : memref<8000xf32, #tpu.memory_space<vmem>> -> memref<144xf32, #tpu.memory_space<vmem>>
      %dma_wait3A_235 = tpu.memref_slice %arg3[%add3A_76] : memref<225792xf32, #tpu.memory_space<hbm>> -> memref<144xf32, #tpu.memory_space<hbm>>
      tpu.wait_dma2 semaphore(%arg13 : memref<!tpu.dma_semaphore, #tpu.memory_space<semaphore_mem>>) src(%dma_wait3A_235 : memref<144xf32, #tpu.memory_space<hbm>>) dst(%dma_wait3A_234 : memref<144xf32, #tpu.memory_space<vmem>>)
      %dma_wait3A_236 = arith.constant 800 : i32
      %dma_wait3A_237 = tpu.memref_slice %arg8[%dma_wait3A_236] : memref<8000xf32, #tpu.memory_space<vmem>> -> memref<144xf32, #tpu.memory_space<vmem>>
      %dma_wait3A_238 = tpu.memref_slice %arg3[%add3A_84] : memref<225792xf32, #tpu.memory_space<hbm>> -> memref<144xf32, #tpu.memory_space<hbm>>
      %dma_wait3A_239 = arith.constant 800 : i32
      %dma_wait3A_240 = tpu.memref_slice %arg8[%dma_wait3A_239] : memref<8000xf32, #tpu.memory_space<vmem>> -> memref<144xf32, #tpu.memory_space<vmem>>
      %dma_wait3A_241 = tpu.memref_slice %arg3[%add3A_84] : memref<225792xf32, #tpu.memory_space<hbm>> -> memref<144xf32, #tpu.memory_space<hbm>>
      tpu.wait_dma2 semaphore(%arg13 : memref<!tpu.dma_semaphore, #tpu.memory_space<semaphore_mem>>) src(%dma_wait3A_241 : memref<144xf32, #tpu.memory_space<hbm>>) dst(%dma_wait3A_240 : memref<144xf32, #tpu.memory_space<vmem>>)
      %dma_wait3A_242 = arith.constant 1200 : i32
      %dma_wait3A_243 = tpu.memref_slice %arg8[%dma_wait3A_242] : memref<8000xf32, #tpu.memory_space<vmem>> -> memref<144xf32, #tpu.memory_space<vmem>>
      %dma_wait3A_244 = tpu.memref_slice %arg3[%add3A_92] : memref<225792xf32, #tpu.memory_space<hbm>> -> memref<144xf32, #tpu.memory_space<hbm>>
      %dma_wait3A_245 = arith.constant 1200 : i32
      %dma_wait3A_246 = tpu.memref_slice %arg8[%dma_wait3A_245] : memref<8000xf32, #tpu.memory_space<vmem>> -> memref<144xf32, #tpu.memory_space<vmem>>
      %dma_wait3A_247 = tpu.memref_slice %arg3[%add3A_92] : memref<225792xf32, #tpu.memory_space<hbm>> -> memref<144xf32, #tpu.memory_space<hbm>>
      tpu.wait_dma2 semaphore(%arg13 : memref<!tpu.dma_semaphore, #tpu.memory_space<semaphore_mem>>) src(%dma_wait3A_247 : memref<144xf32, #tpu.memory_space<hbm>>) dst(%dma_wait3A_246 : memref<144xf32, #tpu.memory_space<vmem>>)
      %dma_wait3A_248 = arith.constant 1600 : i32
      %dma_wait3A_249 = tpu.memref_slice %arg8[%dma_wait3A_248] : memref<8000xf32, #tpu.memory_space<vmem>> -> memref<144xf32, #tpu.memory_space<vmem>>
      %dma_wait3A_250 = tpu.memref_slice %arg3[%add3A_100] : memref<225792xf32, #tpu.memory_space<hbm>> -> memref<144xf32, #tpu.memory_space<hbm>>
      %dma_wait3A_251 = arith.constant 1600 : i32
      %dma_wait3A_252 = tpu.memref_slice %arg8[%dma_wait3A_251] : memref<8000xf32, #tpu.memory_space<vmem>> -> memref<144xf32, #tpu.memory_space<vmem>>
      %dma_wait3A_253 = tpu.memref_slice %arg3[%add3A_100] : memref<225792xf32, #tpu.memory_space<hbm>> -> memref<144xf32, #tpu.memory_space<hbm>>
      tpu.wait_dma2 semaphore(%arg13 : memref<!tpu.dma_semaphore, #tpu.memory_space<semaphore_mem>>) src(%dma_wait3A_253 : memref<144xf32, #tpu.memory_space<hbm>>) dst(%dma_wait3A_252 : memref<144xf32, #tpu.memory_space<vmem>>)
      %dma_wait3A_254 = arith.constant 2000 : i32
      %dma_wait3A_255 = tpu.memref_slice %arg8[%dma_wait3A_254] : memref<8000xf32, #tpu.memory_space<vmem>> -> memref<144xf32, #tpu.memory_space<vmem>>
      %dma_wait3A_256 = tpu.memref_slice %arg3[%add3A_108] : memref<225792xf32, #tpu.memory_space<hbm>> -> memref<144xf32, #tpu.memory_space<hbm>>
      %dma_wait3A_257 = arith.constant 2000 : i32
      %dma_wait3A_258 = tpu.memref_slice %arg8[%dma_wait3A_257] : memref<8000xf32, #tpu.memory_space<vmem>> -> memref<144xf32, #tpu.memory_space<vmem>>
      %dma_wait3A_259 = tpu.memref_slice %arg3[%add3A_108] : memref<225792xf32, #tpu.memory_space<hbm>> -> memref<144xf32, #tpu.memory_space<hbm>>
      tpu.wait_dma2 semaphore(%arg13 : memref<!tpu.dma_semaphore, #tpu.memory_space<semaphore_mem>>) src(%dma_wait3A_259 : memref<144xf32, #tpu.memory_space<hbm>>) dst(%dma_wait3A_258 : memref<144xf32, #tpu.memory_space<vmem>>)
      %dma_wait3A_260 = arith.constant 2400 : i32
      %dma_wait3A_261 = tpu.memref_slice %arg8[%dma_wait3A_260] : memref<8000xf32, #tpu.memory_space<vmem>> -> memref<144xf32, #tpu.memory_space<vmem>>
      %dma_wait3A_262 = tpu.memref_slice %arg3[%add3A_116] : memref<225792xf32, #tpu.memory_space<hbm>> -> memref<144xf32, #tpu.memory_space<hbm>>
      %dma_wait3A_263 = arith.constant 2400 : i32
      %dma_wait3A_264 = tpu.memref_slice %arg8[%dma_wait3A_263] : memref<8000xf32, #tpu.memory_space<vmem>> -> memref<144xf32, #tpu.memory_space<vmem>>
      %dma_wait3A_265 = tpu.memref_slice %arg3[%add3A_116] : memref<225792xf32, #tpu.memory_space<hbm>> -> memref<144xf32, #tpu.memory_space<hbm>>
      tpu.wait_dma2 semaphore(%arg13 : memref<!tpu.dma_semaphore, #tpu.memory_space<semaphore_mem>>) src(%dma_wait3A_265 : memref<144xf32, #tpu.memory_space<hbm>>) dst(%dma_wait3A_264 : memref<144xf32, #tpu.memory_space<vmem>>)
      %dma_wait3A_266 = arith.constant 2800 : i32
      %dma_wait3A_267 = tpu.memref_slice %arg8[%dma_wait3A_266] : memref<8000xf32, #tpu.memory_space<vmem>> -> memref<144xf32, #tpu.memory_space<vmem>>
      %dma_wait3A_268 = tpu.memref_slice %arg3[%add3A_124] : memref<225792xf32, #tpu.memory_space<hbm>> -> memref<144xf32, #tpu.memory_space<hbm>>
      %dma_wait3A_269 = arith.constant 2800 : i32
      %dma_wait3A_270 = tpu.memref_slice %arg8[%dma_wait3A_269] : memref<8000xf32, #tpu.memory_space<vmem>> -> memref<144xf32, #tpu.memory_space<vmem>>
      %dma_wait3A_271 = tpu.memref_slice %arg3[%add3A_124] : memref<225792xf32, #tpu.memory_space<hbm>> -> memref<144xf32, #tpu.memory_space<hbm>>
      tpu.wait_dma2 semaphore(%arg13 : memref<!tpu.dma_semaphore, #tpu.memory_space<semaphore_mem>>) src(%dma_wait3A_271 : memref<144xf32, #tpu.memory_space<hbm>>) dst(%dma_wait3A_270 : memref<144xf32, #tpu.memory_space<vmem>>)
      %dma_wait3A_272 = arith.constant 3200 : i32
      %dma_wait3A_273 = tpu.memref_slice %arg8[%dma_wait3A_272] : memref<8000xf32, #tpu.memory_space<vmem>> -> memref<144xf32, #tpu.memory_space<vmem>>
      %dma_wait3A_274 = tpu.memref_slice %arg3[%add3A_132] : memref<225792xf32, #tpu.memory_space<hbm>> -> memref<144xf32, #tpu.memory_space<hbm>>
      %dma_wait3A_275 = arith.constant 3200 : i32
      %dma_wait3A_276 = tpu.memref_slice %arg8[%dma_wait3A_275] : memref<8000xf32, #tpu.memory_space<vmem>> -> memref<144xf32, #tpu.memory_space<vmem>>
      %dma_wait3A_277 = tpu.memref_slice %arg3[%add3A_132] : memref<225792xf32, #tpu.memory_space<hbm>> -> memref<144xf32, #tpu.memory_space<hbm>>
      tpu.wait_dma2 semaphore(%arg13 : memref<!tpu.dma_semaphore, #tpu.memory_space<semaphore_mem>>) src(%dma_wait3A_277 : memref<144xf32, #tpu.memory_space<hbm>>) dst(%dma_wait3A_276 : memref<144xf32, #tpu.memory_space<vmem>>)
      %dma_wait3A_278 = arith.constant 3600 : i32
      %dma_wait3A_279 = tpu.memref_slice %arg8[%dma_wait3A_278] : memref<8000xf32, #tpu.memory_space<vmem>> -> memref<144xf32, #tpu.memory_space<vmem>>
      %dma_wait3A_280 = tpu.memref_slice %arg3[%add3A_140] : memref<225792xf32, #tpu.memory_space<hbm>> -> memref<144xf32, #tpu.memory_space<hbm>>
      %dma_wait3A_281 = arith.constant 3600 : i32
      %dma_wait3A_282 = tpu.memref_slice %arg8[%dma_wait3A_281] : memref<8000xf32, #tpu.memory_space<vmem>> -> memref<144xf32, #tpu.memory_space<vmem>>
      %dma_wait3A_283 = tpu.memref_slice %arg3[%add3A_140] : memref<225792xf32, #tpu.memory_space<hbm>> -> memref<144xf32, #tpu.memory_space<hbm>>
      tpu.wait_dma2 semaphore(%arg13 : memref<!tpu.dma_semaphore, #tpu.memory_space<semaphore_mem>>) src(%dma_wait3A_283 : memref<144xf32, #tpu.memory_space<hbm>>) dst(%dma_wait3A_282 : memref<144xf32, #tpu.memory_space<vmem>>)
      %dma_wait3A_284 = arith.constant 4000 : i32
      %dma_wait3A_285 = tpu.memref_slice %arg8[%dma_wait3A_284] : memref<8000xf32, #tpu.memory_space<vmem>> -> memref<144xf32, #tpu.memory_space<vmem>>
      %dma_wait3A_286 = tpu.memref_slice %arg3[%add3A_148] : memref<225792xf32, #tpu.memory_space<hbm>> -> memref<144xf32, #tpu.memory_space<hbm>>
      %dma_wait3A_287 = arith.constant 4000 : i32
      %dma_wait3A_288 = tpu.memref_slice %arg8[%dma_wait3A_287] : memref<8000xf32, #tpu.memory_space<vmem>> -> memref<144xf32, #tpu.memory_space<vmem>>
      %dma_wait3A_289 = tpu.memref_slice %arg3[%add3A_148] : memref<225792xf32, #tpu.memory_space<hbm>> -> memref<144xf32, #tpu.memory_space<hbm>>
      tpu.wait_dma2 semaphore(%arg13 : memref<!tpu.dma_semaphore, #tpu.memory_space<semaphore_mem>>) src(%dma_wait3A_289 : memref<144xf32, #tpu.memory_space<hbm>>) dst(%dma_wait3A_288 : memref<144xf32, #tpu.memory_space<vmem>>)
      %dma_wait3A_290 = arith.constant 4400 : i32
      %dma_wait3A_291 = tpu.memref_slice %arg8[%dma_wait3A_290] : memref<8000xf32, #tpu.memory_space<vmem>> -> memref<144xf32, #tpu.memory_space<vmem>>
      %dma_wait3A_292 = tpu.memref_slice %arg3[%add3A_156] : memref<225792xf32, #tpu.memory_space<hbm>> -> memref<144xf32, #tpu.memory_space<hbm>>
      %dma_wait3A_293 = arith.constant 4400 : i32
      %dma_wait3A_294 = tpu.memref_slice %arg8[%dma_wait3A_293] : memref<8000xf32, #tpu.memory_space<vmem>> -> memref<144xf32, #tpu.memory_space<vmem>>
      %dma_wait3A_295 = tpu.memref_slice %arg3[%add3A_156] : memref<225792xf32, #tpu.memory_space<hbm>> -> memref<144xf32, #tpu.memory_space<hbm>>
      tpu.wait_dma2 semaphore(%arg13 : memref<!tpu.dma_semaphore, #tpu.memory_space<semaphore_mem>>) src(%dma_wait3A_295 : memref<144xf32, #tpu.memory_space<hbm>>) dst(%dma_wait3A_294 : memref<144xf32, #tpu.memory_space<vmem>>)
      %dma_wait3A_296 = arith.constant 4800 : i32
      %dma_wait3A_297 = tpu.memref_slice %arg8[%dma_wait3A_296] : memref<8000xf32, #tpu.memory_space<vmem>> -> memref<144xf32, #tpu.memory_space<vmem>>
      %dma_wait3A_298 = tpu.memref_slice %arg3[%add3A_164] : memref<225792xf32, #tpu.memory_space<hbm>> -> memref<144xf32, #tpu.memory_space<hbm>>
      %dma_wait3A_299 = arith.constant 4800 : i32
      %dma_wait3A_300 = tpu.memref_slice %arg8[%dma_wait3A_299] : memref<8000xf32, #tpu.memory_space<vmem>> -> memref<144xf32, #tpu.memory_space<vmem>>
      %dma_wait3A_301 = tpu.memref_slice %arg3[%add3A_164] : memref<225792xf32, #tpu.memory_space<hbm>> -> memref<144xf32, #tpu.memory_space<hbm>>
      tpu.wait_dma2 semaphore(%arg13 : memref<!tpu.dma_semaphore, #tpu.memory_space<semaphore_mem>>) src(%dma_wait3A_301 : memref<144xf32, #tpu.memory_space<hbm>>) dst(%dma_wait3A_300 : memref<144xf32, #tpu.memory_space<vmem>>)
      %dma_wait3A_302 = arith.constant 5200 : i32
      %dma_wait3A_303 = tpu.memref_slice %arg8[%dma_wait3A_302] : memref<8000xf32, #tpu.memory_space<vmem>> -> memref<144xf32, #tpu.memory_space<vmem>>
      %dma_wait3A_304 = tpu.memref_slice %arg3[%add3A_172] : memref<225792xf32, #tpu.memory_space<hbm>> -> memref<144xf32, #tpu.memory_space<hbm>>
      %dma_wait3A_305 = arith.constant 5200 : i32
      %dma_wait3A_306 = tpu.memref_slice %arg8[%dma_wait3A_305] : memref<8000xf32, #tpu.memory_space<vmem>> -> memref<144xf32, #tpu.memory_space<vmem>>
      %dma_wait3A_307 = tpu.memref_slice %arg3[%add3A_172] : memref<225792xf32, #tpu.memory_space<hbm>> -> memref<144xf32, #tpu.memory_space<hbm>>
      tpu.wait_dma2 semaphore(%arg13 : memref<!tpu.dma_semaphore, #tpu.memory_space<semaphore_mem>>) src(%dma_wait3A_307 : memref<144xf32, #tpu.memory_space<hbm>>) dst(%dma_wait3A_306 : memref<144xf32, #tpu.memory_space<vmem>>)
      %dma_wait3A_308 = arith.constant 5600 : i32
      %dma_wait3A_309 = tpu.memref_slice %arg8[%dma_wait3A_308] : memref<8000xf32, #tpu.memory_space<vmem>> -> memref<144xf32, #tpu.memory_space<vmem>>
      %dma_wait3A_310 = tpu.memref_slice %arg3[%add3A_180] : memref<225792xf32, #tpu.memory_space<hbm>> -> memref<144xf32, #tpu.memory_space<hbm>>
      %dma_wait3A_311 = arith.constant 5600 : i32
      %dma_wait3A_312 = tpu.memref_slice %arg8[%dma_wait3A_311] : memref<8000xf32, #tpu.memory_space<vmem>> -> memref<144xf32, #tpu.memory_space<vmem>>
      %dma_wait3A_313 = tpu.memref_slice %arg3[%add3A_180] : memref<225792xf32, #tpu.memory_space<hbm>> -> memref<144xf32, #tpu.memory_space<hbm>>
      tpu.wait_dma2 semaphore(%arg13 : memref<!tpu.dma_semaphore, #tpu.memory_space<semaphore_mem>>) src(%dma_wait3A_313 : memref<144xf32, #tpu.memory_space<hbm>>) dst(%dma_wait3A_312 : memref<144xf32, #tpu.memory_space<vmem>>)
      %dma_wait3A_314 = arith.constant 6000 : i32
      %dma_wait3A_315 = tpu.memref_slice %arg8[%dma_wait3A_314] : memref<8000xf32, #tpu.memory_space<vmem>> -> memref<144xf32, #tpu.memory_space<vmem>>
      %dma_wait3A_316 = tpu.memref_slice %arg3[%add3A_188] : memref<225792xf32, #tpu.memory_space<hbm>> -> memref<144xf32, #tpu.memory_space<hbm>>
      %dma_wait3A_317 = arith.constant 6000 : i32
      %dma_wait3A_318 = tpu.memref_slice %arg8[%dma_wait3A_317] : memref<8000xf32, #tpu.memory_space<vmem>> -> memref<144xf32, #tpu.memory_space<vmem>>
      %dma_wait3A_319 = tpu.memref_slice %arg3[%add3A_188] : memref<225792xf32, #tpu.memory_space<hbm>> -> memref<144xf32, #tpu.memory_space<hbm>>
      tpu.wait_dma2 semaphore(%arg13 : memref<!tpu.dma_semaphore, #tpu.memory_space<semaphore_mem>>) src(%dma_wait3A_319 : memref<144xf32, #tpu.memory_space<hbm>>) dst(%dma_wait3A_318 : memref<144xf32, #tpu.memory_space<vmem>>)
      %dma_wait3A_320 = arith.constant 6400 : i32
      %dma_wait3A_321 = tpu.memref_slice %arg8[%dma_wait3A_320] : memref<8000xf32, #tpu.memory_space<vmem>> -> memref<144xf32, #tpu.memory_space<vmem>>
      %dma_wait3A_322 = tpu.memref_slice %arg3[%add3A_196] : memref<225792xf32, #tpu.memory_space<hbm>> -> memref<144xf32, #tpu.memory_space<hbm>>
      %dma_wait3A_323 = arith.constant 6400 : i32
      %dma_wait3A_324 = tpu.memref_slice %arg8[%dma_wait3A_323] : memref<8000xf32, #tpu.memory_space<vmem>> -> memref<144xf32, #tpu.memory_space<vmem>>
      %dma_wait3A_325 = tpu.memref_slice %arg3[%add3A_196] : memref<225792xf32, #tpu.memory_space<hbm>> -> memref<144xf32, #tpu.memory_space<hbm>>
      tpu.wait_dma2 semaphore(%arg13 : memref<!tpu.dma_semaphore, #tpu.memory_space<semaphore_mem>>) src(%dma_wait3A_325 : memref<144xf32, #tpu.memory_space<hbm>>) dst(%dma_wait3A_324 : memref<144xf32, #tpu.memory_space<vmem>>)
      %dma_wait3A_326 = arith.constant 6800 : i32
      %dma_wait3A_327 = tpu.memref_slice %arg8[%dma_wait3A_326] : memref<8000xf32, #tpu.memory_space<vmem>> -> memref<144xf32, #tpu.memory_space<vmem>>
      %dma_wait3A_328 = tpu.memref_slice %arg3[%add3A_204] : memref<225792xf32, #tpu.memory_space<hbm>> -> memref<144xf32, #tpu.memory_space<hbm>>
      %dma_wait3A_329 = arith.constant 6800 : i32
      %dma_wait3A_330 = tpu.memref_slice %arg8[%dma_wait3A_329] : memref<8000xf32, #tpu.memory_space<vmem>> -> memref<144xf32, #tpu.memory_space<vmem>>
      %dma_wait3A_331 = tpu.memref_slice %arg3[%add3A_204] : memref<225792xf32, #tpu.memory_space<hbm>> -> memref<144xf32, #tpu.memory_space<hbm>>
      tpu.wait_dma2 semaphore(%arg13 : memref<!tpu.dma_semaphore, #tpu.memory_space<semaphore_mem>>) src(%dma_wait3A_331 : memref<144xf32, #tpu.memory_space<hbm>>) dst(%dma_wait3A_330 : memref<144xf32, #tpu.memory_space<vmem>>)
      %dma_wait3A_332 = arith.constant 7200 : i32
      %dma_wait3A_333 = tpu.memref_slice %arg8[%dma_wait3A_332] : memref<8000xf32, #tpu.memory_space<vmem>> -> memref<144xf32, #tpu.memory_space<vmem>>
      %dma_wait3A_334 = tpu.memref_slice %arg4[%mul3A_2] : memref<25088xf32, #tpu.memory_space<hbm>> -> memref<144xf32, #tpu.memory_space<hbm>>
      %dma_wait3A_335 = arith.constant 7200 : i32
      %dma_wait3A_336 = tpu.memref_slice %arg8[%dma_wait3A_335] : memref<8000xf32, #tpu.memory_space<vmem>> -> memref<144xf32, #tpu.memory_space<vmem>>
      %dma_wait3A_337 = tpu.memref_slice %arg4[%mul3A_2] : memref<25088xf32, #tpu.memory_space<hbm>> -> memref<144xf32, #tpu.memory_space<hbm>>
      tpu.wait_dma2 semaphore(%arg13 : memref<!tpu.dma_semaphore, #tpu.memory_space<semaphore_mem>>) src(%dma_wait3A_337 : memref<144xf32, #tpu.memory_space<hbm>>) dst(%dma_wait3A_336 : memref<144xf32, #tpu.memory_space<vmem>>)
      %dma_wait3A_338 = arith.constant 7600 : i32
      %dma_wait3A_339 = tpu.memref_slice %arg8[%dma_wait3A_338] : memref<8000xf32, #tpu.memory_space<vmem>> -> memref<144xf32, #tpu.memory_space<vmem>>
      %dma_wait3A_340 = tpu.memref_slice %arg4[%add3A_218] : memref<25088xf32, #tpu.memory_space<hbm>> -> memref<144xf32, #tpu.memory_space<hbm>>
      %dma_wait3A_341 = arith.constant 7600 : i32
      %dma_wait3A_342 = tpu.memref_slice %arg8[%dma_wait3A_341] : memref<8000xf32, #tpu.memory_space<vmem>> -> memref<144xf32, #tpu.memory_space<vmem>>
      %dma_wait3A_343 = tpu.memref_slice %arg4[%add3A_218] : memref<25088xf32, #tpu.memory_space<hbm>> -> memref<144xf32, #tpu.memory_space<hbm>>
      tpu.wait_dma2 semaphore(%arg13 : memref<!tpu.dma_semaphore, #tpu.memory_space<semaphore_mem>>) src(%dma_wait3A_343 : memref<144xf32, #tpu.memory_space<hbm>>) dst(%dma_wait3A_342 : memref<144xf32, #tpu.memory_space<vmem>>)
    } else {
    }
    tpu.wait_dma2 semaphore(%arg12 : memref<!tpu.dma_semaphore, #tpu.memory_space<semaphore_mem>>) src(%arg5 : memref<3456xf32, #tpu.memory_space<hbm>>) dst(%arg10 : memref<3456xf32, #tpu.memory_space<vmem>>)
    tpu.wait_dma2 semaphore(%arg12 : memref<!tpu.dma_semaphore, #tpu.memory_space<semaphore_mem>>) src(%arg2 : memref<224x224xf32, #tpu.memory_space<hbm>>) dst(%arg7 : memref<224x224xf32, #tpu.memory_space<vmem>>)
    %broadcast_in_dim3A = arith.constant 0.000000e+00 : f32
    %broadcast_in_dim3A_9 = vector.broadcast %broadcast_in_dim3A : f32 to vector<16xf32>
    %scan3A = arith.constant 0 : i32
    %scan3A_10 = arith.constant 216 : i32
    %scan3A_11 = arith.addi %scan3A, %scan3A_10 : i32
    %scan3A_12 = arith.constant 1 : i32
    %scan3A_13 = scf.for %scan3A_68 = %scan3A to %scan3A_11 step %scan3A_12 iter_args(%scan3A_69 = %broadcast_in_dim3A_9) -> (vector<16xf32>)  : i32 {
      %mul3A_70 = arith.constant 16 : i32
      %mul3A_71 = arith.muli %scan3A_68, %mul3A_70 : i32
      %get3A = arith.index_cast %mul3A_71 : i32 to index
      %get3A_72 = tpu.vector_load %arg10[%get3A] {strides = array<i32>} : memref<3456xf32, #tpu.memory_space<vmem>>, vector<16xf32>,
      %add3A_73 = arith.addf %scan3A_69, %get3A_72 : vector<16xf32>
      scf.yield %add3A_73 : vector<16xf32>
    }
    %scan3A_14 = arith.constant 216 : i32
    %swap3A = arith.constant 0 : index
    %swap3A_15 = tpu.vector_load %arg11[%swap3A] {strides = array<i32>} : memref<16xf32, #tpu.memory_space<vmem>>, vector<16xf32>,
    tpu.vector_store %arg11[%swap3A], %scan3A_13 {strides = array<i32>} : memref<16xf32, #tpu.memory_space<vmem>>, vector<16xf32>,
    %iota3A = tpu.iota {dimensions = array<i32: 0>} : vector<16xi32>
    %xor3A = arith.constant 8 : i32
    %xor3A_16 = vector.broadcast %xor3A : i32 to vector<16xi32>
    %xor3A_17 = arith.xori %iota3A, %xor3A_16 : vector<16xi32>
    %gather3A = tpu.vector_load_idx %arg11[%xor3A_17] : memref<16xf32, #tpu.memory_space<vmem>>[vector<16xi32>], vector<16xf32>,
    %add3A_18 = arith.addf %scan3A_13, %gather3A : vector<16xf32>
    %swap3A_19 = arith.constant 0 : index
    %swap3A_20 = tpu.vector_load %arg11[%swap3A_19] {strides = array<i32>} : memref<16xf32, #tpu.memory_space<vmem>>, vector<16xf32>,
    tpu.vector_store %arg11[%swap3A_19], %add3A_18 {strides = array<i32>} : memref<16xf32, #tpu.memory_space<vmem>>, vector<16xf32>,
    %iota3A_21 = tpu.iota {dimensions = array<i32: 0>} : vector<16xi32>
    %xor3A_22 = arith.constant 4 : i32
    %xor3A_23 = vector.broadcast %xor3A_22 : i32 to vector<16xi32>
    %xor3A_24 = arith.xori %iota3A_21, %xor3A_23 : vector<16xi32>
    %gather3A_25 = tpu.vector_load_idx %arg11[%xor3A_24] : memref<16xf32, #tpu.memory_space<vmem>>[vector<16xi32>], vector<16xf32>,
    %add3A_26 = arith.addf %add3A_18, %gather3A_25 : vector<16xf32>
    %swap3A_27 = arith.constant 0 : index
    %swap3A_28 = tpu.vector_load %arg11[%swap3A_27] {strides = array<i32>} : memref<16xf32, #tpu.memory_space<vmem>>, vector<16xf32>,
    tpu.vector_store %arg11[%swap3A_27], %add3A_26 {strides = array<i32>} : memref<16xf32, #tpu.memory_space<vmem>>, vector<16xf32>,
    %iota3A_29 = tpu.iota {dimensions = array<i32: 0>} : vector<16xi32>
    %xor3A_30 = arith.constant 2 : i32
    %xor3A_31 = vector.broadcast %xor3A_30 : i32 to vector<16xi32>
    %xor3A_32 = arith.xori %iota3A_29, %xor3A_31 : vector<16xi32>
    %gather3A_33 = tpu.vector_load_idx %arg11[%xor3A_32] : memref<16xf32, #tpu.memory_space<vmem>>[vector<16xi32>], vector<16xf32>,
    %add3A_34 = arith.addf %add3A_26, %gather3A_33 : vector<16xf32>
    %swap3A_35 = arith.constant 0 : index
    %swap3A_36 = tpu.vector_load %arg11[%swap3A_35] {strides = array<i32>} : memref<16xf32, #tpu.memory_space<vmem>>, vector<16xf32>,
    tpu.vector_store %arg11[%swap3A_35], %add3A_34 {strides = array<i32>} : memref<16xf32, #tpu.memory_space<vmem>>, vector<16xf32>,
    %iota3A_37 = tpu.iota {dimensions = array<i32: 0>} : vector<16xi32>
    %xor3A_38 = arith.constant 1 : i32
    %xor3A_39 = vector.broadcast %xor3A_38 : i32 to vector<16xi32>
    %xor3A_40 = arith.xori %iota3A_37, %xor3A_39 : vector<16xi32>
    %gather3A_41 = tpu.vector_load_idx %arg11[%xor3A_40] : memref<16xf32, #tpu.memory_space<vmem>>[vector<16xi32>], vector<16xf32>,
    %add3A_42 = arith.addf %add3A_34, %gather3A_41 : vector<16xf32>
    %mul3A_43 = arith.constant 2.89351854E-4 : f32
    %mul3A_44 = vector.broadcast %mul3A_43 : f32 to vector<16xf32>
    %mul3A_45 = arith.mulf %add3A_42, %mul3A_44 : vector<16xf32>
    %eq3A_46 = arith.constant 31 : i32
    %eq3A_47 = arith.cmpi eq, %add3A, %eq3A_46 : i32
    %jit3A = arith.constant 9 : i32
    %jit3A_48 = arith.constant 25 : i32
    %select_n3A = arith.select %eq3A_47, %jit3A, %jit3A_48 : i32
    %while3A = arith.constant 0 : i32
    %while3A_49 = arith.constant 0 : i32
    %while3A_50 = arith.subi %select_n3A, %while3A_49 : i32
    %while3A_51 = arith.addi %while3A_49, %while3A_50 : i32
    %while3A_52 = arith.constant 1 : i32
    %while3A_53 = arith.divsi %while3A_50, %while3A_52 : i32
    %while3A_54 = arith.muli %while3A_53, %while3A_52 : i32
    %while3A_55 = arith.addi %while3A_49, %while3A_54 : i32
    %while3A_56 = arith.constant 1 : i32
    scf.for %while3A_68 = %while3A_49 to %while3A_55 step %while3A_56  : i32 {
      %mul3A_69 = arith.constant 16 : i32
      %mul3A_70 = arith.muli %while3A_68, %mul3A_69 : i32
      %add3A_71 = arith.constant 7200 : i32
      %add3A_72 = arith.addi %add3A_71, %mul3A_70 : i32
      %get3A = arith.index_cast %add3A_72 : i32 to index
      %get3A_73 = tpu.vector_load %arg8[%get3A] {strides = array<i32>} : memref<8000xf32, #tpu.memory_space<vmem>>, vector<16xf32>,
      %add3A_74 = arith.constant 7600 : i32
      %add3A_75 = arith.addi %add3A_74, %mul3A_70 : i32
      %get3A_76 = arith.index_cast %add3A_75 : i32 to index
      %get3A_77 = tpu.vector_load %arg8[%get3A_76] {strides = array<i32>} : memref<8000xf32, #tpu.memory_space<vmem>>, vector<16xf32>,
      %broadcast_in_dim3A_78 = arith.constant 0.000000e+00 : f32
      %broadcast_in_dim3A_79 = vector.broadcast %broadcast_in_dim3A_78 : f32 to vector<16xf32>
      %add3A_80 = arith.constant 0 : i32
      %add3A_81 = arith.addi %add3A_80, %mul3A_70 : i32
      %get3A_82 = arith.index_cast %add3A_81 : i32 to index
      %get3A_83 = tpu.vector_load %arg8[%get3A_82] {strides = array<i32>} : memref<8000xf32, #tpu.memory_space<vmem>>, vector<16xf32>,
      %add3A_84 = arith.constant 400 : i32
      %add3A_85 = arith.addi %add3A_84, %mul3A_70 : i32
      %get3A_86 = arith.index_cast %add3A_85 : i32 to index
      %get3A_87 = tpu.vector_load %arg8[%get3A_86] {strides = array<i32>} : memref<8000xf32, #tpu.memory_space<vmem>>, vector<16xf32>,
      %add3A_88 = arith.constant 0.000000e+00 : f32
      %add3A_89 = vector.broadcast %add3A_88 : f32 to vector<16xf32>
      %add3A_90 = arith.addf %get3A_73, %add3A_89 : vector<16xf32>
      %add3A_91 = arith.addf %add3A_90, %get3A_83 : vector<16xf32>
      %add3A_92 = arith.constant 0.000000e+00 : f32
      %add3A_93 = vector.broadcast %add3A_92 : f32 to vector<16xf32>
      %add3A_94 = arith.addf %get3A_77, %add3A_93 : vector<16xf32>
      %add3A_95 = arith.addf %add3A_94, %get3A_87 : vector<16xf32>
      %convert_element_type3A_96 = arith.fptosi %add3A_91 : vector<16xf32> to vector<16xi32>
      %convert_element_type3A_97 = arith.sitofp %convert_element_type3A_96 : vector<16xi32> to vector<16xf32>
      %gt3A = arith.cmpf ogt, %convert_element_type3A_97, %add3A_91 : vector<16xf32>
      %sub3A = arith.constant 1 : i32
      %sub3A_98 = vector.broadcast %sub3A : i32 to vector<16xi32>
      %sub3A_99 = arith.subi %convert_element_type3A_96, %sub3A_98 : vector<16xi32>
      %select_n3A_100 = arith.select %gt3A, %sub3A_99, %convert_element_type3A_96 : vector<16xi1>, vector<16xi32>
      %convert_element_type3A_101 = arith.fptosi %add3A_95 : vector<16xf32> to vector<16xi32>
      %convert_element_type3A_102 = arith.sitofp %convert_element_type3A_101 : vector<16xi32> to vector<16xf32>
      %gt3A_103 = arith.cmpf ogt, %convert_element_type3A_102, %add3A_95 : vector<16xf32>
      %sub3A_104 = arith.constant 1 : i32
      %sub3A_105 = vector.broadcast %sub3A_104 : i32 to vector<16xi32>
      %sub3A_106 = arith.subi %convert_element_type3A_101, %sub3A_105 : vector<16xi32>
      %select_n3A_107 = arith.select %gt3A_103, %sub3A_106, %convert_element_type3A_101 : vector<16xi1>, vector<16xi32>
      %convert_element_type3A_108 = arith.sitofp %select_n3A_100 : vector<16xi32> to vector<16xf32>
      %sub3A_109 = arith.subf %add3A_91, %convert_element_type3A_108 : vector<16xf32>
      %convert_element_type3A_110 = arith.sitofp %select_n3A_107 : vector<16xi32> to vector<16xf32>
      %sub3A_111 = arith.subf %add3A_95, %convert_element_type3A_110 : vector<16xf32>
      %ge3A = arith.constant 0 : i32
      %ge3A_112 = vector.broadcast %ge3A : i32 to vector<16xi32>
      %ge3A_113 = arith.cmpi sge, %select_n3A_100, %ge3A_112 : vector<16xi32>
      %lt3A = arith.constant 224 : i32
      %lt3A_114 = vector.broadcast %lt3A : i32 to vector<16xi32>
      %lt3A_115 = arith.cmpi slt, %select_n3A_100, %lt3A_114 : vector<16xi32>
      %and3A = arith.andi %ge3A_113, %lt3A_115 : vector<16xi1>
      %ge3A_116 = arith.constant -1 : i32
      %ge3A_117 = vector.broadcast %ge3A_116 : i32 to vector<16xi32>
      %ge3A_118 = arith.cmpi sge, %select_n3A_100, %ge3A_117 : vector<16xi32>
      %lt3A_119 = arith.constant 223 : i32
      %lt3A_120 = vector.broadcast %lt3A_119 : i32 to vector<16xi32>
      %lt3A_121 = arith.cmpi slt, %select_n3A_100, %lt3A_120 : vector<16xi32>
      %and3A_122 = arith.andi %ge3A_118, %lt3A_121 : vector<16xi1>
      %ge3A_123 = arith.constant 0 : i32
      %ge3A_124 = vector.broadcast %ge3A_123 : i32 to vector<16xi32>
      %ge3A_125 = arith.cmpi sge, %select_n3A_107, %ge3A_124 : vector<16xi32>
      %lt3A_126 = arith.constant 224 : i32
      %lt3A_127 = vector.broadcast %lt3A_126 : i32 to vector<16xi32>
      %lt3A_128 = arith.cmpi slt, %select_n3A_107, %lt3A_127 : vector<16xi32>
      %and3A_129 = arith.andi %ge3A_125, %lt3A_128 : vector<16xi1>
      %ge3A_130 = arith.constant -1 : i32
      %ge3A_131 = vector.broadcast %ge3A_130 : i32 to vector<16xi32>
      %ge3A_132 = arith.cmpi sge, %select_n3A_107, %ge3A_131 : vector<16xi32>
      %lt3A_133 = arith.constant 223 : i32
      %lt3A_134 = vector.broadcast %lt3A_133 : i32 to vector<16xi32>
      %lt3A_135 = arith.cmpi slt, %select_n3A_107, %lt3A_134 : vector<16xi32>
      %and3A_136 = arith.andi %ge3A_132, %lt3A_135 : vector<16xi1>
      %jit3A_137 = arith.constant 0 : i32
      %jit3A_138 = arith.constant 223 : i32
      %max3A = vector.broadcast %jit3A_137 : i32 to vector<16xi32>
      %max3A_139 = arith.maxsi %max3A, %select_n3A_100 : vector<16xi32>
      %min3A = vector.broadcast %jit3A_138 : i32 to vector<16xi32>
      %min3A_140 = arith.minsi %min3A, %max3A_139 : vector<16xi32>
      %add3A_141 = arith.constant 1 : i32
      %add3A_142 = vector.broadcast %add3A_141 : i32 to vector<16xi32>
      %add3A_143 = arith.addi %select_n3A_100, %add3A_142 : vector<16xi32>
      %jit3A_144 = arith.constant 0 : i32
      %jit3A_145 = arith.constant 223 : i32
      %max3A_146 = vector.broadcast %jit3A_144 : i32 to vector<16xi32>
      %max3A_147 = arith.maxsi %max3A_146, %add3A_143 : vector<16xi32>
      %min3A_148 = vector.broadcast %jit3A_145 : i32 to vector<16xi32>
      %min3A_149 = arith.minsi %min3A_148, %max3A_147 : vector<16xi32>
      %jit3A_150 = arith.constant 0 : i32
      %jit3A_151 = arith.constant 223 : i32
      %max3A_152 = vector.broadcast %jit3A_150 : i32 to vector<16xi32>
      %max3A_153 = arith.maxsi %max3A_152, %select_n3A_107 : vector<16xi32>
      %min3A_154 = vector.broadcast %jit3A_151 : i32 to vector<16xi32>
      %min3A_155 = arith.minsi %min3A_154, %max3A_153 : vector<16xi32>
      %add3A_156 = arith.constant 1 : i32
      %add3A_157 = vector.broadcast %add3A_156 : i32 to vector<16xi32>
      %add3A_158 = arith.addi %select_n3A_107, %add3A_157 : vector<16xi32>
      %jit3A_159 = arith.constant 0 : i32
      %jit3A_160 = arith.constant 223 : i32
      %max3A_161 = vector.broadcast %jit3A_159 : i32 to vector<16xi32>
      %max3A_162 = arith.maxsi %max3A_161, %add3A_158 : vector<16xi32>
      %min3A_163 = vector.broadcast %jit3A_160 : i32 to vector<16xi32>
      %min3A_164 = arith.minsi %min3A_163, %max3A_162 : vector<16xi32>
      %and3A_165 = arith.andi %and3A, %and3A_129 : vector<16xi1>
      %sub3A_166 = arith.constant 1.000000e+00 : f32
      %sub3A_167 = vector.broadcast %sub3A_166 : f32 to vector<16xf32>
      %sub3A_168 = arith.subf %sub3A_167, %sub3A_109 : vector<16xf32>
      %sub3A_169 = arith.constant 1.000000e+00 : f32
      %sub3A_170 = vector.broadcast %sub3A_169 : f32 to vector<16xf32>
      %sub3A_171 = arith.subf %sub3A_170, %sub3A_111 : vector<16xf32>
      %mul3A_172 = arith.mulf %sub3A_168, %sub3A_171 : vector<16xf32>
      %jit3A_173 = arith.constant 0.000000e+00 : f32
      %broadcast_in_dim3A_174 = vector.broadcast %jit3A_173 : f32 to vector<16xf32>
      %select_n3A_175 = arith.select %and3A_165, %mul3A_172, %broadcast_in_dim3A_174 : vector<16xi1>, vector<16xf32>
      %and3A_176 = arith.andi %and3A, %and3A_136 : vector<16xi1>
      %sub3A_177 = arith.constant 1.000000e+00 : f32
      %sub3A_178 = vector.broadcast %sub3A_177 : f32 to vector<16xf32>
      %sub3A_179 = arith.subf %sub3A_178, %sub3A_109 : vector<16xf32>
      %mul3A_180 = arith.mulf %sub3A_179, %sub3A_111 : vector<16xf32>
      %jit3A_181 = arith.constant 0.000000e+00 : f32
      %broadcast_in_dim3A_182 = vector.broadcast %jit3A_181 : f32 to vector<16xf32>
      %select_n3A_183 = arith.select %and3A_176, %mul3A_180, %broadcast_in_dim3A_182 : vector<16xi1>, vector<16xf32>
      %and3A_184 = arith.andi %and3A_122, %and3A_129 : vector<16xi1>
      %sub3A_185 = arith.constant 1.000000e+00 : f32
      %sub3A_186 = vector.broadcast %sub3A_185 : f32 to vector<16xf32>
      %sub3A_187 = arith.subf %sub3A_186, %sub3A_111 : vector<16xf32>
      %mul3A_188 = arith.mulf %sub3A_109, %sub3A_187 : vector<16xf32>
      %jit3A_189 = arith.constant 0.000000e+00 : f32
      %broadcast_in_dim3A_190 = vector.broadcast %jit3A_189 : f32 to vector<16xf32>
      %select_n3A_191 = arith.select %and3A_184, %mul3A_188, %broadcast_in_dim3A_190 : vector<16xi1>, vector<16xf32>
      %and3A_192 = arith.andi %and3A_122, %and3A_136 : vector<16xi1>
      %mul3A_193 = arith.mulf %sub3A_109, %sub3A_111 : vector<16xf32>
      %jit3A_194 = arith.constant 0.000000e+00 : f32
      %broadcast_in_dim3A_195 = vector.broadcast %jit3A_194 : f32 to vector<16xf32>
      %select_n3A_196 = arith.select %and3A_192, %mul3A_193, %broadcast_in_dim3A_195 : vector<16xi1>, vector<16xf32>
      %gather3A_197 = tpu.vector_load_idx %arg7[%min3A_140, %min3A_155] : memref<224x224xf32, #tpu.memory_space<vmem>>[vector<16xi32>, vector<16xi32>], vector<16xf32>,
      %gather3A_198 = tpu.vector_load_idx %arg7[%min3A_140, %min3A_164] : memref<224x224xf32, #tpu.memory_space<vmem>>[vector<16xi32>, vector<16xi32>], vector<16xf32>,
      %gather3A_199 = tpu.vector_load_idx %arg7[%min3A_149, %min3A_155] : memref<224x224xf32, #tpu.memory_space<vmem>>[vector<16xi32>, vector<16xi32>], vector<16xf32>,
      %gather3A_200 = tpu.vector_load_idx %arg7[%min3A_149, %min3A_164] : memref<224x224xf32, #tpu.memory_space<vmem>>[vector<16xi32>, vector<16xi32>], vector<16xf32>,
      %mul3A_201 = arith.mulf %select_n3A_175, %gather3A_197 : vector<16xf32>
      %mul3A_202 = arith.mulf %select_n3A_183, %gather3A_198 : vector<16xf32>
      %add3A_203 = arith.addf %mul3A_201, %mul3A_202 : vector<16xf32>
      %mul3A_204 = arith.mulf %select_n3A_191, %gather3A_199 : vector<16xf32>
      %add3A_205 = arith.addf %add3A_203, %mul3A_204 : vector<16xf32>
      %mul3A_206 = arith.mulf %select_n3A_196, %gather3A_200 : vector<16xf32>
      %add3A_207 = arith.addf %add3A_205, %mul3A_206 : vector<16xf32>
      %add3A_208 = arith.addf %broadcast_in_dim3A_79, %add3A_207 : vector<16xf32>
      %add3A_209 = arith.constant 800 : i32
      %add3A_210 = arith.addi %add3A_209, %mul3A_70 : i32
      %get3A_211 = arith.index_cast %add3A_210 : i32 to index
      %get3A_212 = tpu.vector_load %arg8[%get3A_211] {strides = array<i32>} : memref<8000xf32, #tpu.memory_space<vmem>>, vector<16xf32>,
      %add3A_213 = arith.constant 1200 : i32
      %add3A_214 = arith.addi %add3A_213, %mul3A_70 : i32
      %get3A_215 = arith.index_cast %add3A_214 : i32 to index
      %get3A_216 = tpu.vector_load %arg8[%get3A_215] {strides = array<i32>} : memref<8000xf32, #tpu.memory_space<vmem>>, vector<16xf32>,
      %add3A_217 = arith.constant 0.000000e+00 : f32
      %add3A_218 = vector.broadcast %add3A_217 : f32 to vector<16xf32>
      %add3A_219 = arith.addf %get3A_73, %add3A_218 : vector<16xf32>
      %add3A_220 = arith.addf %add3A_219, %get3A_212 : vector<16xf32>
      %add3A_221 = arith.constant 1.000000e+00 : f32
      %add3A_222 = vector.broadcast %add3A_221 : f32 to vector<16xf32>
      %add3A_223 = arith.addf %get3A_77, %add3A_222 : vector<16xf32>
      %add3A_224 = arith.addf %add3A_223, %get3A_216 : vector<16xf32>
      %convert_element_type3A_225 = arith.fptosi %add3A_220 : vector<16xf32> to vector<16xi32>
      %convert_element_type3A_226 = arith.sitofp %convert_element_type3A_225 : vector<16xi32> to vector<16xf32>
      %gt3A_227 = arith.cmpf ogt, %convert_element_type3A_226, %add3A_220 : vector<16xf32>
      %sub3A_228 = arith.constant 1 : i32
      %sub3A_229 = vector.broadcast %sub3A_228 : i32 to vector<16xi32>
      %sub3A_230 = arith.subi %convert_element_type3A_225, %sub3A_229 : vector<16xi32>
      %select_n3A_231 = arith.select %gt3A_227, %sub3A_230, %convert_element_type3A_225 : vector<16xi1>, vector<16xi32>
      %convert_element_type3A_232 = arith.fptosi %add3A_224 : vector<16xf32> to vector<16xi32>
      %convert_element_type3A_233 = arith.sitofp %convert_element_type3A_232 : vector<16xi32> to vector<16xf32>
      %gt3A_234 = arith.cmpf ogt, %convert_element_type3A_233, %add3A_224 : vector<16xf32>
      %sub3A_235 = arith.constant 1 : i32
      %sub3A_236 = vector.broadcast %sub3A_235 : i32 to vector<16xi32>
      %sub3A_237 = arith.subi %convert_element_type3A_232, %sub3A_236 : vector<16xi32>
      %select_n3A_238 = arith.select %gt3A_234, %sub3A_237, %convert_element_type3A_232 : vector<16xi1>, vector<16xi32>
      %convert_element_type3A_239 = arith.sitofp %select_n3A_231 : vector<16xi32> to vector<16xf32>
      %sub3A_240 = arith.subf %add3A_220, %convert_element_type3A_239 : vector<16xf32>
      %convert_element_type3A_241 = arith.sitofp %select_n3A_238 : vector<16xi32> to vector<16xf32>
      %sub3A_242 = arith.subf %add3A_224, %convert_element_type3A_241 : vector<16xf32>
      %ge3A_243 = arith.constant 0 : i32
      %ge3A_244 = vector.broadcast %ge3A_243 : i32 to vector<16xi32>
      %ge3A_245 = arith.cmpi sge, %select_n3A_231, %ge3A_244 : vector<16xi32>
      %lt3A_246 = arith.constant 224 : i32
      %lt3A_247 = vector.broadcast %lt3A_246 : i32 to vector<16xi32>
      %lt3A_248 = arith.cmpi slt, %select_n3A_231, %lt3A_247 : vector<16xi32>
      %and3A_249 = arith.andi %ge3A_245, %lt3A_248 : vector<16xi1>
      %ge3A_250 = arith.constant -1 : i32
      %ge3A_251 = vector.broadcast %ge3A_250 : i32 to vector<16xi32>
      %ge3A_252 = arith.cmpi sge, %select_n3A_231, %ge3A_251 : vector<16xi32>
      %lt3A_253 = arith.constant 223 : i32
      %lt3A_254 = vector.broadcast %lt3A_253 : i32 to vector<16xi32>
      %lt3A_255 = arith.cmpi slt, %select_n3A_231, %lt3A_254 : vector<16xi32>
      %and3A_256 = arith.andi %ge3A_252, %lt3A_255 : vector<16xi1>
      %ge3A_257 = arith.constant 0 : i32
      %ge3A_258 = vector.broadcast %ge3A_257 : i32 to vector<16xi32>
      %ge3A_259 = arith.cmpi sge, %select_n3A_238, %ge3A_258 : vector<16xi32>
      %lt3A_260 = arith.constant 224 : i32
      %lt3A_261 = vector.broadcast %lt3A_260 : i32 to vector<16xi32>
      %lt3A_262 = arith.cmpi slt, %select_n3A_238, %lt3A_261 : vector<16xi32>
      %and3A_263 = arith.andi %ge3A_259, %lt3A_262 : vector<16xi1>
      %ge3A_264 = arith.constant -1 : i32
      %ge3A_265 = vector.broadcast %ge3A_264 : i32 to vector<16xi32>
      %ge3A_266 = arith.cmpi sge, %select_n3A_238, %ge3A_265 : vector<16xi32>
      %lt3A_267 = arith.constant 223 : i32
      %lt3A_268 = vector.broadcast %lt3A_267 : i32 to vector<16xi32>
      %lt3A_269 = arith.cmpi slt, %select_n3A_238, %lt3A_268 : vector<16xi32>
      %and3A_270 = arith.andi %ge3A_266, %lt3A_269 : vector<16xi1>
      %jit3A_271 = arith.constant 0 : i32
      %jit3A_272 = arith.constant 223 : i32
      %max3A_273 = vector.broadcast %jit3A_271 : i32 to vector<16xi32>
      %max3A_274 = arith.maxsi %max3A_273, %select_n3A_231 : vector<16xi32>
      %min3A_275 = vector.broadcast %jit3A_272 : i32 to vector<16xi32>
      %min3A_276 = arith.minsi %min3A_275, %max3A_274 : vector<16xi32>
      %add3A_277 = arith.constant 1 : i32
      %add3A_278 = vector.broadcast %add3A_277 : i32 to vector<16xi32>
      %add3A_279 = arith.addi %select_n3A_231, %add3A_278 : vector<16xi32>
      %jit3A_280 = arith.constant 0 : i32
      %jit3A_281 = arith.constant 223 : i32
      %max3A_282 = vector.broadcast %jit3A_280 : i32 to vector<16xi32>
      %max3A_283 = arith.maxsi %max3A_282, %add3A_279 : vector<16xi32>
      %min3A_284 = vector.broadcast %jit3A_281 : i32 to vector<16xi32>
      %min3A_285 = arith.minsi %min3A_284, %max3A_283 : vector<16xi32>
      %jit3A_286 = arith.constant 0 : i32
      %jit3A_287 = arith.constant 223 : i32
      %max3A_288 = vector.broadcast %jit3A_286 : i32 to vector<16xi32>
      %max3A_289 = arith.maxsi %max3A_288, %select_n3A_238 : vector<16xi32>
      %min3A_290 = vector.broadcast %jit3A_287 : i32 to vector<16xi32>
      %min3A_291 = arith.minsi %min3A_290, %max3A_289 : vector<16xi32>
      %add3A_292 = arith.constant 1 : i32
      %add3A_293 = vector.broadcast %add3A_292 : i32 to vector<16xi32>
      %add3A_294 = arith.addi %select_n3A_238, %add3A_293 : vector<16xi32>
      %jit3A_295 = arith.constant 0 : i32
      %jit3A_296 = arith.constant 223 : i32
      %max3A_297 = vector.broadcast %jit3A_295 : i32 to vector<16xi32>
      %max3A_298 = arith.maxsi %max3A_297, %add3A_294 : vector<16xi32>
      %min3A_299 = vector.broadcast %jit3A_296 : i32 to vector<16xi32>
      %min3A_300 = arith.minsi %min3A_299, %max3A_298 : vector<16xi32>
      %and3A_301 = arith.andi %and3A_249, %and3A_263 : vector<16xi1>
      %sub3A_302 = arith.constant 1.000000e+00 : f32
      %sub3A_303 = vector.broadcast %sub3A_302 : f32 to vector<16xf32>
      %sub3A_304 = arith.subf %sub3A_303, %sub3A_240 : vector<16xf32>
      %sub3A_305 = arith.constant 1.000000e+00 : f32
      %sub3A_306 = vector.broadcast %sub3A_305 : f32 to vector<16xf32>
      %sub3A_307 = arith.subf %sub3A_306, %sub3A_242 : vector<16xf32>
      %mul3A_308 = arith.mulf %sub3A_304, %sub3A_307 : vector<16xf32>
      %jit3A_309 = arith.constant 0.000000e+00 : f32
      %broadcast_in_dim3A_310 = vector.broadcast %jit3A_309 : f32 to vector<16xf32>
      %select_n3A_311 = arith.select %and3A_301, %mul3A_308, %broadcast_in_dim3A_310 : vector<16xi1>, vector<16xf32>
      %and3A_312 = arith.andi %and3A_249, %and3A_270 : vector<16xi1>
      %sub3A_313 = arith.constant 1.000000e+00 : f32
      %sub3A_314 = vector.broadcast %sub3A_313 : f32 to vector<16xf32>
      %sub3A_315 = arith.subf %sub3A_314, %sub3A_240 : vector<16xf32>
      %mul3A_316 = arith.mulf %sub3A_315, %sub3A_242 : vector<16xf32>
      %jit3A_317 = arith.constant 0.000000e+00 : f32
      %broadcast_in_dim3A_318 = vector.broadcast %jit3A_317 : f32 to vector<16xf32>
      %select_n3A_319 = arith.select %and3A_312, %mul3A_316, %broadcast_in_dim3A_318 : vector<16xi1>, vector<16xf32>
      %and3A_320 = arith.andi %and3A_256, %and3A_263 : vector<16xi1>
      %sub3A_321 = arith.constant 1.000000e+00 : f32
      %sub3A_322 = vector.broadcast %sub3A_321 : f32 to vector<16xf32>
      %sub3A_323 = arith.subf %sub3A_322, %sub3A_242 : vector<16xf32>
      %mul3A_324 = arith.mulf %sub3A_240, %sub3A_323 : vector<16xf32>
      %jit3A_325 = arith.constant 0.000000e+00 : f32
      %broadcast_in_dim3A_326 = vector.broadcast %jit3A_325 : f32 to vector<16xf32>
      %select_n3A_327 = arith.select %and3A_320, %mul3A_324, %broadcast_in_dim3A_326 : vector<16xi1>, vector<16xf32>
      %and3A_328 = arith.andi %and3A_256, %and3A_270 : vector<16xi1>
      %mul3A_329 = arith.mulf %sub3A_240, %sub3A_242 : vector<16xf32>
      %jit3A_330 = arith.constant 0.000000e+00 : f32
      %broadcast_in_dim3A_331 = vector.broadcast %jit3A_330 : f32 to vector<16xf32>
      %select_n3A_332 = arith.select %and3A_328, %mul3A_329, %broadcast_in_dim3A_331 : vector<16xi1>, vector<16xf32>
      %gather3A_333 = tpu.vector_load_idx %arg7[%min3A_276, %min3A_291] : memref<224x224xf32, #tpu.memory_space<vmem>>[vector<16xi32>, vector<16xi32>], vector<16xf32>,
      %gather3A_334 = tpu.vector_load_idx %arg7[%min3A_276, %min3A_300] : memref<224x224xf32, #tpu.memory_space<vmem>>[vector<16xi32>, vector<16xi32>], vector<16xf32>,
      %gather3A_335 = tpu.vector_load_idx %arg7[%min3A_285, %min3A_291] : memref<224x224xf32, #tpu.memory_space<vmem>>[vector<16xi32>, vector<16xi32>], vector<16xf32>,
      %gather3A_336 = tpu.vector_load_idx %arg7[%min3A_285, %min3A_300] : memref<224x224xf32, #tpu.memory_space<vmem>>[vector<16xi32>, vector<16xi32>], vector<16xf32>,
      %mul3A_337 = arith.mulf %select_n3A_311, %gather3A_333 : vector<16xf32>
      %mul3A_338 = arith.mulf %select_n3A_319, %gather3A_334 : vector<16xf32>
      %add3A_339 = arith.addf %mul3A_337, %mul3A_338 : vector<16xf32>
      %mul3A_340 = arith.mulf %select_n3A_327, %gather3A_335 : vector<16xf32>
      %add3A_341 = arith.addf %add3A_339, %mul3A_340 : vector<16xf32>
      %mul3A_342 = arith.mulf %select_n3A_332, %gather3A_336 : vector<16xf32>
      %add3A_343 = arith.addf %add3A_341, %mul3A_342 : vector<16xf32>
      %add3A_344 = arith.addf %add3A_208, %add3A_343 : vector<16xf32>
      %add3A_345 = arith.constant 1600 : i32
      %add3A_346 = arith.addi %add3A_345, %mul3A_70 : i32
      %get3A_347 = arith.index_cast %add3A_346 : i32 to index
      %get3A_348 = tpu.vector_load %arg8[%get3A_347] {strides = array<i32>} : memref<8000xf32, #tpu.memory_space<vmem>>, vector<16xf32>,
      %add3A_349 = arith.constant 2000 : i32
      %add3A_350 = arith.addi %add3A_349, %mul3A_70 : i32
      %get3A_351 = arith.index_cast %add3A_350 : i32 to index
      %get3A_352 = tpu.vector_load %arg8[%get3A_351] {strides = array<i32>} : memref<8000xf32, #tpu.memory_space<vmem>>, vector<16xf32>,
      %add3A_353 = arith.constant 0.000000e+00 : f32
      %add3A_354 = vector.broadcast %add3A_353 : f32 to vector<16xf32>
      %add3A_355 = arith.addf %get3A_73, %add3A_354 : vector<16xf32>
      %add3A_356 = arith.addf %add3A_355, %get3A_348 : vector<16xf32>
      %add3A_357 = arith.constant 2.000000e+00 : f32
      %add3A_358 = vector.broadcast %add3A_357 : f32 to vector<16xf32>
      %add3A_359 = arith.addf %get3A_77, %add3A_358 : vector<16xf32>
      %add3A_360 = arith.addf %add3A_359, %get3A_352 : vector<16xf32>
      %convert_element_type3A_361 = arith.fptosi %add3A_356 : vector<16xf32> to vector<16xi32>
      %convert_element_type3A_362 = arith.sitofp %convert_element_type3A_361 : vector<16xi32> to vector<16xf32>
      %gt3A_363 = arith.cmpf ogt, %convert_element_type3A_362, %add3A_356 : vector<16xf32>
      %sub3A_364 = arith.constant 1 : i32
      %sub3A_365 = vector.broadcast %sub3A_364 : i32 to vector<16xi32>
      %sub3A_366 = arith.subi %convert_element_type3A_361, %sub3A_365 : vector<16xi32>
      %select_n3A_367 = arith.select %gt3A_363, %sub3A_366, %convert_element_type3A_361 : vector<16xi1>, vector<16xi32>
      %convert_element_type3A_368 = arith.fptosi %add3A_360 : vector<16xf32> to vector<16xi32>
      %convert_element_type3A_369 = arith.sitofp %convert_element_type3A_368 : vector<16xi32> to vector<16xf32>
      %gt3A_370 = arith.cmpf ogt, %convert_element_type3A_369, %add3A_360 : vector<16xf32>
      %sub3A_371 = arith.constant 1 : i32
      %sub3A_372 = vector.broadcast %sub3A_371 : i32 to vector<16xi32>
      %sub3A_373 = arith.subi %convert_element_type3A_368, %sub3A_372 : vector<16xi32>
      %select_n3A_374 = arith.select %gt3A_370, %sub3A_373, %convert_element_type3A_368 : vector<16xi1>, vector<16xi32>
      %convert_element_type3A_375 = arith.sitofp %select_n3A_367 : vector<16xi32> to vector<16xf32>
      %sub3A_376 = arith.subf %add3A_356, %convert_element_type3A_375 : vector<16xf32>
      %convert_element_type3A_377 = arith.sitofp %select_n3A_374 : vector<16xi32> to vector<16xf32>
      %sub3A_378 = arith.subf %add3A_360, %convert_element_type3A_377 : vector<16xf32>
      %ge3A_379 = arith.constant 0 : i32
      %ge3A_380 = vector.broadcast %ge3A_379 : i32 to vector<16xi32>
      %ge3A_381 = arith.cmpi sge, %select_n3A_367, %ge3A_380 : vector<16xi32>
      %lt3A_382 = arith.constant 224 : i32
      %lt3A_383 = vector.broadcast %lt3A_382 : i32 to vector<16xi32>
      %lt3A_384 = arith.cmpi slt, %select_n3A_367, %lt3A_383 : vector<16xi32>
      %and3A_385 = arith.andi %ge3A_381, %lt3A_384 : vector<16xi1>
      %ge3A_386 = arith.constant -1 : i32
      %ge3A_387 = vector.broadcast %ge3A_386 : i32 to vector<16xi32>
      %ge3A_388 = arith.cmpi sge, %select_n3A_367, %ge3A_387 : vector<16xi32>
      %lt3A_389 = arith.constant 223 : i32
      %lt3A_390 = vector.broadcast %lt3A_389 : i32 to vector<16xi32>
      %lt3A_391 = arith.cmpi slt, %select_n3A_367, %lt3A_390 : vector<16xi32>
      %and3A_392 = arith.andi %ge3A_388, %lt3A_391 : vector<16xi1>
      %ge3A_393 = arith.constant 0 : i32
      %ge3A_394 = vector.broadcast %ge3A_393 : i32 to vector<16xi32>
      %ge3A_395 = arith.cmpi sge, %select_n3A_374, %ge3A_394 : vector<16xi32>
      %lt3A_396 = arith.constant 224 : i32
      %lt3A_397 = vector.broadcast %lt3A_396 : i32 to vector<16xi32>
      %lt3A_398 = arith.cmpi slt, %select_n3A_374, %lt3A_397 : vector<16xi32>
      %and3A_399 = arith.andi %ge3A_395, %lt3A_398 : vector<16xi1>
      %ge3A_400 = arith.constant -1 : i32
      %ge3A_401 = vector.broadcast %ge3A_400 : i32 to vector<16xi32>
      %ge3A_402 = arith.cmpi sge, %select_n3A_374, %ge3A_401 : vector<16xi32>
      %lt3A_403 = arith.constant 223 : i32
      %lt3A_404 = vector.broadcast %lt3A_403 : i32 to vector<16xi32>
      %lt3A_405 = arith.cmpi slt, %select_n3A_374, %lt3A_404 : vector<16xi32>
      %and3A_406 = arith.andi %ge3A_402, %lt3A_405 : vector<16xi1>
      %jit3A_407 = arith.constant 0 : i32
      %jit3A_408 = arith.constant 223 : i32
      %max3A_409 = vector.broadcast %jit3A_407 : i32 to vector<16xi32>
      %max3A_410 = arith.maxsi %max3A_409, %select_n3A_367 : vector<16xi32>
      %min3A_411 = vector.broadcast %jit3A_408 : i32 to vector<16xi32>
      %min3A_412 = arith.minsi %min3A_411, %max3A_410 : vector<16xi32>
      %add3A_413 = arith.constant 1 : i32
      %add3A_414 = vector.broadcast %add3A_413 : i32 to vector<16xi32>
      %add3A_415 = arith.addi %select_n3A_367, %add3A_414 : vector<16xi32>
      %jit3A_416 = arith.constant 0 : i32
      %jit3A_417 = arith.constant 223 : i32
      %max3A_418 = vector.broadcast %jit3A_416 : i32 to vector<16xi32>
      %max3A_419 = arith.maxsi %max3A_418, %add3A_415 : vector<16xi32>
      %min3A_420 = vector.broadcast %jit3A_417 : i32 to vector<16xi32>
      %min3A_421 = arith.minsi %min3A_420, %max3A_419 : vector<16xi32>
      %jit3A_422 = arith.constant 0 : i32
      %jit3A_423 = arith.constant 223 : i32
      %max3A_424 = vector.broadcast %jit3A_422 : i32 to vector<16xi32>
      %max3A_425 = arith.maxsi %max3A_424, %select_n3A_374 : vector<16xi32>
      %min3A_426 = vector.broadcast %jit3A_423 : i32 to vector<16xi32>
      %min3A_427 = arith.minsi %min3A_426, %max3A_425 : vector<16xi32>
      %add3A_428 = arith.constant 1 : i32
      %add3A_429 = vector.broadcast %add3A_428 : i32 to vector<16xi32>
      %add3A_430 = arith.addi %select_n3A_374, %add3A_429 : vector<16xi32>
      %jit3A_431 = arith.constant 0 : i32
      %jit3A_432 = arith.constant 223 : i32
      %max3A_433 = vector.broadcast %jit3A_431 : i32 to vector<16xi32>
      %max3A_434 = arith.maxsi %max3A_433, %add3A_430 : vector<16xi32>
      %min3A_435 = vector.broadcast %jit3A_432 : i32 to vector<16xi32>
      %min3A_436 = arith.minsi %min3A_435, %max3A_434 : vector<16xi32>
      %and3A_437 = arith.andi %and3A_385, %and3A_399 : vector<16xi1>
      %sub3A_438 = arith.constant 1.000000e+00 : f32
      %sub3A_439 = vector.broadcast %sub3A_438 : f32 to vector<16xf32>
      %sub3A_440 = arith.subf %sub3A_439, %sub3A_376 : vector<16xf32>
      %sub3A_441 = arith.constant 1.000000e+00 : f32
      %sub3A_442 = vector.broadcast %sub3A_441 : f32 to vector<16xf32>
      %sub3A_443 = arith.subf %sub3A_442, %sub3A_378 : vector<16xf32>
      %mul3A_444 = arith.mulf %sub3A_440, %sub3A_443 : vector<16xf32>
      %jit3A_445 = arith.constant 0.000000e+00 : f32
      %broadcast_in_dim3A_446 = vector.broadcast %jit3A_445 : f32 to vector<16xf32>
      %select_n3A_447 = arith.select %and3A_437, %mul3A_444, %broadcast_in_dim3A_446 : vector<16xi1>, vector<16xf32>
      %and3A_448 = arith.andi %and3A_385, %and3A_406 : vector<16xi1>
      %sub3A_449 = arith.constant 1.000000e+00 : f32
      %sub3A_450 = vector.broadcast %sub3A_449 : f32 to vector<16xf32>
      %sub3A_451 = arith.subf %sub3A_450, %sub3A_376 : vector<16xf32>
      %mul3A_452 = arith.mulf %sub3A_451, %sub3A_378 : vector<16xf32>
      %jit3A_453 = arith.constant 0.000000e+00 : f32
      %broadcast_in_dim3A_454 = vector.broadcast %jit3A_453 : f32 to vector<16xf32>
      %select_n3A_455 = arith.select %and3A_448, %mul3A_452, %broadcast_in_dim3A_454 : vector<16xi1>, vector<16xf32>
      %and3A_456 = arith.andi %and3A_392, %and3A_399 : vector<16xi1>
      %sub3A_457 = arith.constant 1.000000e+00 : f32
      %sub3A_458 = vector.broadcast %sub3A_457 : f32 to vector<16xf32>
      %sub3A_459 = arith.subf %sub3A_458, %sub3A_378 : vector<16xf32>
      %mul3A_460 = arith.mulf %sub3A_376, %sub3A_459 : vector<16xf32>
      %jit3A_461 = arith.constant 0.000000e+00 : f32
      %broadcast_in_dim3A_462 = vector.broadcast %jit3A_461 : f32 to vector<16xf32>
      %select_n3A_463 = arith.select %and3A_456, %mul3A_460, %broadcast_in_dim3A_462 : vector<16xi1>, vector<16xf32>
      %and3A_464 = arith.andi %and3A_392, %and3A_406 : vector<16xi1>
      %mul3A_465 = arith.mulf %sub3A_376, %sub3A_378 : vector<16xf32>
      %jit3A_466 = arith.constant 0.000000e+00 : f32
      %broadcast_in_dim3A_467 = vector.broadcast %jit3A_466 : f32 to vector<16xf32>
      %select_n3A_468 = arith.select %and3A_464, %mul3A_465, %broadcast_in_dim3A_467 : vector<16xi1>, vector<16xf32>
      %gather3A_469 = tpu.vector_load_idx %arg7[%min3A_412, %min3A_427] : memref<224x224xf32, #tpu.memory_space<vmem>>[vector<16xi32>, vector<16xi32>], vector<16xf32>,
      %gather3A_470 = tpu.vector_load_idx %arg7[%min3A_412, %min3A_436] : memref<224x224xf32, #tpu.memory_space<vmem>>[vector<16xi32>, vector<16xi32>], vector<16xf32>,
      %gather3A_471 = tpu.vector_load_idx %arg7[%min3A_421, %min3A_427] : memref<224x224xf32, #tpu.memory_space<vmem>>[vector<16xi32>, vector<16xi32>], vector<16xf32>,
      %gather3A_472 = tpu.vector_load_idx %arg7[%min3A_421, %min3A_436] : memref<224x224xf32, #tpu.memory_space<vmem>>[vector<16xi32>, vector<16xi32>], vector<16xf32>,
      %mul3A_473 = arith.mulf %select_n3A_447, %gather3A_469 : vector<16xf32>
      %mul3A_474 = arith.mulf %select_n3A_455, %gather3A_470 : vector<16xf32>
      %add3A_475 = arith.addf %mul3A_473, %mul3A_474 : vector<16xf32>
      %mul3A_476 = arith.mulf %select_n3A_463, %gather3A_471 : vector<16xf32>
      %add3A_477 = arith.addf %add3A_475, %mul3A_476 : vector<16xf32>
      %mul3A_478 = arith.mulf %select_n3A_468, %gather3A_472 : vector<16xf32>
      %add3A_479 = arith.addf %add3A_477, %mul3A_478 : vector<16xf32>
      %add3A_480 = arith.addf %add3A_344, %add3A_479 : vector<16xf32>
      %add3A_481 = arith.constant 2400 : i32
      %add3A_482 = arith.addi %add3A_481, %mul3A_70 : i32
      %get3A_483 = arith.index_cast %add3A_482 : i32 to index
      %get3A_484 = tpu.vector_load %arg8[%get3A_483] {strides = array<i32>} : memref<8000xf32, #tpu.memory_space<vmem>>, vector<16xf32>,
      %add3A_485 = arith.constant 2800 : i32
      %add3A_486 = arith.addi %add3A_485, %mul3A_70 : i32
      %get3A_487 = arith.index_cast %add3A_486 : i32 to index
      %get3A_488 = tpu.vector_load %arg8[%get3A_487] {strides = array<i32>} : memref<8000xf32, #tpu.memory_space<vmem>>, vector<16xf32>,
      %add3A_489 = arith.constant 1.000000e+00 : f32
      %add3A_490 = vector.broadcast %add3A_489 : f32 to vector<16xf32>
      %add3A_491 = arith.addf %get3A_73, %add3A_490 : vector<16xf32>
      %add3A_492 = arith.addf %add3A_491, %get3A_484 : vector<16xf32>
      %add3A_493 = arith.constant 0.000000e+00 : f32
      %add3A_494 = vector.broadcast %add3A_493 : f32 to vector<16xf32>
      %add3A_495 = arith.addf %get3A_77, %add3A_494 : vector<16xf32>
      %add3A_496 = arith.addf %add3A_495, %get3A_488 : vector<16xf32>
      %convert_element_type3A_497 = arith.fptosi %add3A_492 : vector<16xf32> to vector<16xi32>
      %convert_element_type3A_498 = arith.sitofp %convert_element_type3A_497 : vector<16xi32> to vector<16xf32>
      %gt3A_499 = arith.cmpf ogt, %convert_element_type3A_498, %add3A_492 : vector<16xf32>
      %sub3A_500 = arith.constant 1 : i32
      %sub3A_501 = vector.broadcast %sub3A_500 : i32 to vector<16xi32>
      %sub3A_502 = arith.subi %convert_element_type3A_497, %sub3A_501 : vector<16xi32>
      %select_n3A_503 = arith.select %gt3A_499, %sub3A_502, %convert_element_type3A_497 : vector<16xi1>, vector<16xi32>
      %convert_element_type3A_504 = arith.fptosi %add3A_496 : vector<16xf32> to vector<16xi32>
      %convert_element_type3A_505 = arith.sitofp %convert_element_type3A_504 : vector<16xi32> to vector<16xf32>
      %gt3A_506 = arith.cmpf ogt, %convert_element_type3A_505, %add3A_496 : vector<16xf32>
      %sub3A_507 = arith.constant 1 : i32
      %sub3A_508 = vector.broadcast %sub3A_507 : i32 to vector<16xi32>
      %sub3A_509 = arith.subi %convert_element_type3A_504, %sub3A_508 : vector<16xi32>
      %select_n3A_510 = arith.select %gt3A_506, %sub3A_509, %convert_element_type3A_504 : vector<16xi1>, vector<16xi32>
      %convert_element_type3A_511 = arith.sitofp %select_n3A_503 : vector<16xi32> to vector<16xf32>
      %sub3A_512 = arith.subf %add3A_492, %convert_element_type3A_511 : vector<16xf32>
      %convert_element_type3A_513 = arith.sitofp %select_n3A_510 : vector<16xi32> to vector<16xf32>
      %sub3A_514 = arith.subf %add3A_496, %convert_element_type3A_513 : vector<16xf32>
      %ge3A_515 = arith.constant 0 : i32
      %ge3A_516 = vector.broadcast %ge3A_515 : i32 to vector<16xi32>
      %ge3A_517 = arith.cmpi sge, %select_n3A_503, %ge3A_516 : vector<16xi32>
      %lt3A_518 = arith.constant 224 : i32
      %lt3A_519 = vector.broadcast %lt3A_518 : i32 to vector<16xi32>
      %lt3A_520 = arith.cmpi slt, %select_n3A_503, %lt3A_519 : vector<16xi32>
      %and3A_521 = arith.andi %ge3A_517, %lt3A_520 : vector<16xi1>
      %ge3A_522 = arith.constant -1 : i32
      %ge3A_523 = vector.broadcast %ge3A_522 : i32 to vector<16xi32>
      %ge3A_524 = arith.cmpi sge, %select_n3A_503, %ge3A_523 : vector<16xi32>
      %lt3A_525 = arith.constant 223 : i32
      %lt3A_526 = vector.broadcast %lt3A_525 : i32 to vector<16xi32>
      %lt3A_527 = arith.cmpi slt, %select_n3A_503, %lt3A_526 : vector<16xi32>
      %and3A_528 = arith.andi %ge3A_524, %lt3A_527 : vector<16xi1>
      %ge3A_529 = arith.constant 0 : i32
      %ge3A_530 = vector.broadcast %ge3A_529 : i32 to vector<16xi32>
      %ge3A_531 = arith.cmpi sge, %select_n3A_510, %ge3A_530 : vector<16xi32>
      %lt3A_532 = arith.constant 224 : i32
      %lt3A_533 = vector.broadcast %lt3A_532 : i32 to vector<16xi32>
      %lt3A_534 = arith.cmpi slt, %select_n3A_510, %lt3A_533 : vector<16xi32>
      %and3A_535 = arith.andi %ge3A_531, %lt3A_534 : vector<16xi1>
      %ge3A_536 = arith.constant -1 : i32
      %ge3A_537 = vector.broadcast %ge3A_536 : i32 to vector<16xi32>
      %ge3A_538 = arith.cmpi sge, %select_n3A_510, %ge3A_537 : vector<16xi32>
      %lt3A_539 = arith.constant 223 : i32
      %lt3A_540 = vector.broadcast %lt3A_539 : i32 to vector<16xi32>
      %lt3A_541 = arith.cmpi slt, %select_n3A_510, %lt3A_540 : vector<16xi32>
      %and3A_542 = arith.andi %ge3A_538, %lt3A_541 : vector<16xi1>
      %jit3A_543 = arith.constant 0 : i32
      %jit3A_544 = arith.constant 223 : i32
      %max3A_545 = vector.broadcast %jit3A_543 : i32 to vector<16xi32>
      %max3A_546 = arith.maxsi %max3A_545, %select_n3A_503 : vector<16xi32>
      %min3A_547 = vector.broadcast %jit3A_544 : i32 to vector<16xi32>
      %min3A_548 = arith.minsi %min3A_547, %max3A_546 : vector<16xi32>
      %add3A_549 = arith.constant 1 : i32
      %add3A_550 = vector.broadcast %add3A_549 : i32 to vector<16xi32>
      %add3A_551 = arith.addi %select_n3A_503, %add3A_550 : vector<16xi32>
      %jit3A_552 = arith.constant 0 : i32
      %jit3A_553 = arith.constant 223 : i32
      %max3A_554 = vector.broadcast %jit3A_552 : i32 to vector<16xi32>
      %max3A_555 = arith.maxsi %max3A_554, %add3A_551 : vector<16xi32>
      %min3A_556 = vector.broadcast %jit3A_553 : i32 to vector<16xi32>
      %min3A_557 = arith.minsi %min3A_556, %max3A_555 : vector<16xi32>
      %jit3A_558 = arith.constant 0 : i32
      %jit3A_559 = arith.constant 223 : i32
      %max3A_560 = vector.broadcast %jit3A_558 : i32 to vector<16xi32>
      %max3A_561 = arith.maxsi %max3A_560, %select_n3A_510 : vector<16xi32>
      %min3A_562 = vector.broadcast %jit3A_559 : i32 to vector<16xi32>
      %min3A_563 = arith.minsi %min3A_562, %max3A_561 : vector<16xi32>
      %add3A_564 = arith.constant 1 : i32
      %add3A_565 = vector.broadcast %add3A_564 : i32 to vector<16xi32>
      %add3A_566 = arith.addi %select_n3A_510, %add3A_565 : vector<16xi32>
      %jit3A_567 = arith.constant 0 : i32
      %jit3A_568 = arith.constant 223 : i32
      %max3A_569 = vector.broadcast %jit3A_567 : i32 to vector<16xi32>
      %max3A_570 = arith.maxsi %max3A_569, %add3A_566 : vector<16xi32>
      %min3A_571 = vector.broadcast %jit3A_568 : i32 to vector<16xi32>
      %min3A_572 = arith.minsi %min3A_571, %max3A_570 : vector<16xi32>
      %and3A_573 = arith.andi %and3A_521, %and3A_535 : vector<16xi1>
      %sub3A_574 = arith.constant 1.000000e+00 : f32
      %sub3A_575 = vector.broadcast %sub3A_574 : f32 to vector<16xf32>
      %sub3A_576 = arith.subf %sub3A_575, %sub3A_512 : vector<16xf32>
      %sub3A_577 = arith.constant 1.000000e+00 : f32
      %sub3A_578 = vector.broadcast %sub3A_577 : f32 to vector<16xf32>
      %sub3A_579 = arith.subf %sub3A_578, %sub3A_514 : vector<16xf32>
      %mul3A_580 = arith.mulf %sub3A_576, %sub3A_579 : vector<16xf32>
      %jit3A_581 = arith.constant 0.000000e+00 : f32
      %broadcast_in_dim3A_582 = vector.broadcast %jit3A_581 : f32 to vector<16xf32>
      %select_n3A_583 = arith.select %and3A_573, %mul3A_580, %broadcast_in_dim3A_582 : vector<16xi1>, vector<16xf32>
      %and3A_584 = arith.andi %and3A_521, %and3A_542 : vector<16xi1>
      %sub3A_585 = arith.constant 1.000000e+00 : f32
      %sub3A_586 = vector.broadcast %sub3A_585 : f32 to vector<16xf32>
      %sub3A_587 = arith.subf %sub3A_586, %sub3A_512 : vector<16xf32>
      %mul3A_588 = arith.mulf %sub3A_587, %sub3A_514 : vector<16xf32>
      %jit3A_589 = arith.constant 0.000000e+00 : f32
      %broadcast_in_dim3A_590 = vector.broadcast %jit3A_589 : f32 to vector<16xf32>
      %select_n3A_591 = arith.select %and3A_584, %mul3A_588, %broadcast_in_dim3A_590 : vector<16xi1>, vector<16xf32>
      %and3A_592 = arith.andi %and3A_528, %and3A_535 : vector<16xi1>
      %sub3A_593 = arith.constant 1.000000e+00 : f32
      %sub3A_594 = vector.broadcast %sub3A_593 : f32 to vector<16xf32>
      %sub3A_595 = arith.subf %sub3A_594, %sub3A_514 : vector<16xf32>
      %mul3A_596 = arith.mulf %sub3A_512, %sub3A_595 : vector<16xf32>
      %jit3A_597 = arith.constant 0.000000e+00 : f32
      %broadcast_in_dim3A_598 = vector.broadcast %jit3A_597 : f32 to vector<16xf32>
      %select_n3A_599 = arith.select %and3A_592, %mul3A_596, %broadcast_in_dim3A_598 : vector<16xi1>, vector<16xf32>
      %and3A_600 = arith.andi %and3A_528, %and3A_542 : vector<16xi1>
      %mul3A_601 = arith.mulf %sub3A_512, %sub3A_514 : vector<16xf32>
      %jit3A_602 = arith.constant 0.000000e+00 : f32
      %broadcast_in_dim3A_603 = vector.broadcast %jit3A_602 : f32 to vector<16xf32>
      %select_n3A_604 = arith.select %and3A_600, %mul3A_601, %broadcast_in_dim3A_603 : vector<16xi1>, vector<16xf32>
      %gather3A_605 = tpu.vector_load_idx %arg7[%min3A_548, %min3A_563] : memref<224x224xf32, #tpu.memory_space<vmem>>[vector<16xi32>, vector<16xi32>], vector<16xf32>,
      %gather3A_606 = tpu.vector_load_idx %arg7[%min3A_548, %min3A_572] : memref<224x224xf32, #tpu.memory_space<vmem>>[vector<16xi32>, vector<16xi32>], vector<16xf32>,
      %gather3A_607 = tpu.vector_load_idx %arg7[%min3A_557, %min3A_563] : memref<224x224xf32, #tpu.memory_space<vmem>>[vector<16xi32>, vector<16xi32>], vector<16xf32>,
      %gather3A_608 = tpu.vector_load_idx %arg7[%min3A_557, %min3A_572] : memref<224x224xf32, #tpu.memory_space<vmem>>[vector<16xi32>, vector<16xi32>], vector<16xf32>,
      %mul3A_609 = arith.mulf %select_n3A_583, %gather3A_605 : vector<16xf32>
      %mul3A_610 = arith.mulf %select_n3A_591, %gather3A_606 : vector<16xf32>
      %add3A_611 = arith.addf %mul3A_609, %mul3A_610 : vector<16xf32>
      %mul3A_612 = arith.mulf %select_n3A_599, %gather3A_607 : vector<16xf32>
      %add3A_613 = arith.addf %add3A_611, %mul3A_612 : vector<16xf32>
      %mul3A_614 = arith.mulf %select_n3A_604, %gather3A_608 : vector<16xf32>
      %add3A_615 = arith.addf %add3A_613, %mul3A_614 : vector<16xf32>
      %add3A_616 = arith.addf %add3A_480, %add3A_615 : vector<16xf32>
      %add3A_617 = arith.constant 3200 : i32
      %add3A_618 = arith.addi %add3A_617, %mul3A_70 : i32
      %get3A_619 = arith.index_cast %add3A_618 : i32 to index
      %get3A_620 = tpu.vector_load %arg8[%get3A_619] {strides = array<i32>} : memref<8000xf32, #tpu.memory_space<vmem>>, vector<16xf32>,
      %add3A_621 = arith.constant 3600 : i32
      %add3A_622 = arith.addi %add3A_621, %mul3A_70 : i32
      %get3A_623 = arith.index_cast %add3A_622 : i32 to index
      %get3A_624 = tpu.vector_load %arg8[%get3A_623] {strides = array<i32>} : memref<8000xf32, #tpu.memory_space<vmem>>, vector<16xf32>,
      %add3A_625 = arith.constant 1.000000e+00 : f32
      %add3A_626 = vector.broadcast %add3A_625 : f32 to vector<16xf32>
      %add3A_627 = arith.addf %get3A_73, %add3A_626 : vector<16xf32>
      %add3A_628 = arith.addf %add3A_627, %get3A_620 : vector<16xf32>
      %add3A_629 = arith.constant 1.000000e+00 : f32
      %add3A_630 = vector.broadcast %add3A_629 : f32 to vector<16xf32>
      %add3A_631 = arith.addf %get3A_77, %add3A_630 : vector<16xf32>
      %add3A_632 = arith.addf %add3A_631, %get3A_624 : vector<16xf32>
      %convert_element_type3A_633 = arith.fptosi %add3A_628 : vector<16xf32> to vector<16xi32>
      %convert_element_type3A_634 = arith.sitofp %convert_element_type3A_633 : vector<16xi32> to vector<16xf32>
      %gt3A_635 = arith.cmpf ogt, %convert_element_type3A_634, %add3A_628 : vector<16xf32>
      %sub3A_636 = arith.constant 1 : i32
      %sub3A_637 = vector.broadcast %sub3A_636 : i32 to vector<16xi32>
      %sub3A_638 = arith.subi %convert_element_type3A_633, %sub3A_637 : vector<16xi32>
      %select_n3A_639 = arith.select %gt3A_635, %sub3A_638, %convert_element_type3A_633 : vector<16xi1>, vector<16xi32>
      %convert_element_type3A_640 = arith.fptosi %add3A_632 : vector<16xf32> to vector<16xi32>
      %convert_element_type3A_641 = arith.sitofp %convert_element_type3A_640 : vector<16xi32> to vector<16xf32>
      %gt3A_642 = arith.cmpf ogt, %convert_element_type3A_641, %add3A_632 : vector<16xf32>
      %sub3A_643 = arith.constant 1 : i32
      %sub3A_644 = vector.broadcast %sub3A_643 : i32 to vector<16xi32>
      %sub3A_645 = arith.subi %convert_element_type3A_640, %sub3A_644 : vector<16xi32>
      %select_n3A_646 = arith.select %gt3A_642, %sub3A_645, %convert_element_type3A_640 : vector<16xi1>, vector<16xi32>
      %convert_element_type3A_647 = arith.sitofp %select_n3A_639 : vector<16xi32> to vector<16xf32>
      %sub3A_648 = arith.subf %add3A_628, %convert_element_type3A_647 : vector<16xf32>
      %convert_element_type3A_649 = arith.sitofp %select_n3A_646 : vector<16xi32> to vector<16xf32>
      %sub3A_650 = arith.subf %add3A_632, %convert_element_type3A_649 : vector<16xf32>
      %ge3A_651 = arith.constant 0 : i32
      %ge3A_652 = vector.broadcast %ge3A_651 : i32 to vector<16xi32>
      %ge3A_653 = arith.cmpi sge, %select_n3A_639, %ge3A_652 : vector<16xi32>
      %lt3A_654 = arith.constant 224 : i32
      %lt3A_655 = vector.broadcast %lt3A_654 : i32 to vector<16xi32>
      %lt3A_656 = arith.cmpi slt, %select_n3A_639, %lt3A_655 : vector<16xi32>
      %and3A_657 = arith.andi %ge3A_653, %lt3A_656 : vector<16xi1>
      %ge3A_658 = arith.constant -1 : i32
      %ge3A_659 = vector.broadcast %ge3A_658 : i32 to vector<16xi32>
      %ge3A_660 = arith.cmpi sge, %select_n3A_639, %ge3A_659 : vector<16xi32>
      %lt3A_661 = arith.constant 223 : i32
      %lt3A_662 = vector.broadcast %lt3A_661 : i32 to vector<16xi32>
      %lt3A_663 = arith.cmpi slt, %select_n3A_639, %lt3A_662 : vector<16xi32>
      %and3A_664 = arith.andi %ge3A_660, %lt3A_663 : vector<16xi1>
      %ge3A_665 = arith.constant 0 : i32
      %ge3A_666 = vector.broadcast %ge3A_665 : i32 to vector<16xi32>
      %ge3A_667 = arith.cmpi sge, %select_n3A_646, %ge3A_666 : vector<16xi32>
      %lt3A_668 = arith.constant 224 : i32
      %lt3A_669 = vector.broadcast %lt3A_668 : i32 to vector<16xi32>
      %lt3A_670 = arith.cmpi slt, %select_n3A_646, %lt3A_669 : vector<16xi32>
      %and3A_671 = arith.andi %ge3A_667, %lt3A_670 : vector<16xi1>
      %ge3A_672 = arith.constant -1 : i32
      %ge3A_673 = vector.broadcast %ge3A_672 : i32 to vector<16xi32>
      %ge3A_674 = arith.cmpi sge, %select_n3A_646, %ge3A_673 : vector<16xi32>
      %lt3A_675 = arith.constant 223 : i32
      %lt3A_676 = vector.broadcast %lt3A_675 : i32 to vector<16xi32>
      %lt3A_677 = arith.cmpi slt, %select_n3A_646, %lt3A_676 : vector<16xi32>
      %and3A_678 = arith.andi %ge3A_674, %lt3A_677 : vector<16xi1>
      %jit3A_679 = arith.constant 0 : i32
      %jit3A_680 = arith.constant 223 : i32
      %max3A_681 = vector.broadcast %jit3A_679 : i32 to vector<16xi32>
      %max3A_682 = arith.maxsi %max3A_681, %select_n3A_639 : vector<16xi32>
      %min3A_683 = vector.broadcast %jit3A_680 : i32 to vector<16xi32>
      %min3A_684 = arith.minsi %min3A_683, %max3A_682 : vector<16xi32>
      %add3A_685 = arith.constant 1 : i32
      %add3A_686 = vector.broadcast %add3A_685 : i32 to vector<16xi32>
      %add3A_687 = arith.addi %select_n3A_639, %add3A_686 : vector<16xi32>
      %jit3A_688 = arith.constant 0 : i32
      %jit3A_689 = arith.constant 223 : i32
      %max3A_690 = vector.broadcast %jit3A_688 : i32 to vector<16xi32>
      %max3A_691 = arith.maxsi %max3A_690, %add3A_687 : vector<16xi32>
      %min3A_692 = vector.broadcast %jit3A_689 : i32 to vector<16xi32>
      %min3A_693 = arith.minsi %min3A_692, %max3A_691 : vector<16xi32>
      %jit3A_694 = arith.constant 0 : i32
      %jit3A_695 = arith.constant 223 : i32
      %max3A_696 = vector.broadcast %jit3A_694 : i32 to vector<16xi32>
      %max3A_697 = arith.maxsi %max3A_696, %select_n3A_646 : vector<16xi32>
      %min3A_698 = vector.broadcast %jit3A_695 : i32 to vector<16xi32>
      %min3A_699 = arith.minsi %min3A_698, %max3A_697 : vector<16xi32>
      %add3A_700 = arith.constant 1 : i32
      %add3A_701 = vector.broadcast %add3A_700 : i32 to vector<16xi32>
      %add3A_702 = arith.addi %select_n3A_646, %add3A_701 : vector<16xi32>
      %jit3A_703 = arith.constant 0 : i32
      %jit3A_704 = arith.constant 223 : i32
      %max3A_705 = vector.broadcast %jit3A_703 : i32 to vector<16xi32>
      %max3A_706 = arith.maxsi %max3A_705, %add3A_702 : vector<16xi32>
      %min3A_707 = vector.broadcast %jit3A_704 : i32 to vector<16xi32>
      %min3A_708 = arith.minsi %min3A_707, %max3A_706 : vector<16xi32>
      %and3A_709 = arith.andi %and3A_657, %and3A_671 : vector<16xi1>
      %sub3A_710 = arith.constant 1.000000e+00 : f32
      %sub3A_711 = vector.broadcast %sub3A_710 : f32 to vector<16xf32>
      %sub3A_712 = arith.subf %sub3A_711, %sub3A_648 : vector<16xf32>
      %sub3A_713 = arith.constant 1.000000e+00 : f32
      %sub3A_714 = vector.broadcast %sub3A_713 : f32 to vector<16xf32>
      %sub3A_715 = arith.subf %sub3A_714, %sub3A_650 : vector<16xf32>
      %mul3A_716 = arith.mulf %sub3A_712, %sub3A_715 : vector<16xf32>
      %jit3A_717 = arith.constant 0.000000e+00 : f32
      %broadcast_in_dim3A_718 = vector.broadcast %jit3A_717 : f32 to vector<16xf32>
      %select_n3A_719 = arith.select %and3A_709, %mul3A_716, %broadcast_in_dim3A_718 : vector<16xi1>, vector<16xf32>
      %and3A_720 = arith.andi %and3A_657, %and3A_678 : vector<16xi1>
      %sub3A_721 = arith.constant 1.000000e+00 : f32
      %sub3A_722 = vector.broadcast %sub3A_721 : f32 to vector<16xf32>
      %sub3A_723 = arith.subf %sub3A_722, %sub3A_648 : vector<16xf32>
      %mul3A_724 = arith.mulf %sub3A_723, %sub3A_650 : vector<16xf32>
      %jit3A_725 = arith.constant 0.000000e+00 : f32
      %broadcast_in_dim3A_726 = vector.broadcast %jit3A_725 : f32 to vector<16xf32>
      %select_n3A_727 = arith.select %and3A_720, %mul3A_724, %broadcast_in_dim3A_726 : vector<16xi1>, vector<16xf32>
      %and3A_728 = arith.andi %and3A_664, %and3A_671 : vector<16xi1>
      %sub3A_729 = arith.constant 1.000000e+00 : f32
      %sub3A_730 = vector.broadcast %sub3A_729 : f32 to vector<16xf32>
      %sub3A_731 = arith.subf %sub3A_730, %sub3A_650 : vector<16xf32>
      %mul3A_732 = arith.mulf %sub3A_648, %sub3A_731 : vector<16xf32>
      %jit3A_733 = arith.constant 0.000000e+00 : f32
      %broadcast_in_dim3A_734 = vector.broadcast %jit3A_733 : f32 to vector<16xf32>
      %select_n3A_735 = arith.select %and3A_728, %mul3A_732, %broadcast_in_dim3A_734 : vector<16xi1>, vector<16xf32>
      %and3A_736 = arith.andi %and3A_664, %and3A_678 : vector<16xi1>
      %mul3A_737 = arith.mulf %sub3A_648, %sub3A_650 : vector<16xf32>
      %jit3A_738 = arith.constant 0.000000e+00 : f32
      %broadcast_in_dim3A_739 = vector.broadcast %jit3A_738 : f32 to vector<16xf32>
      %select_n3A_740 = arith.select %and3A_736, %mul3A_737, %broadcast_in_dim3A_739 : vector<16xi1>, vector<16xf32>
      %gather3A_741 = tpu.vector_load_idx %arg7[%min3A_684, %min3A_699] : memref<224x224xf32, #tpu.memory_space<vmem>>[vector<16xi32>, vector<16xi32>], vector<16xf32>,
      %gather3A_742 = tpu.vector_load_idx %arg7[%min3A_684, %min3A_708] : memref<224x224xf32, #tpu.memory_space<vmem>>[vector<16xi32>, vector<16xi32>], vector<16xf32>,
      %gather3A_743 = tpu.vector_load_idx %arg7[%min3A_693, %min3A_699] : memref<224x224xf32, #tpu.memory_space<vmem>>[vector<16xi32>, vector<16xi32>], vector<16xf32>,
      %gather3A_744 = tpu.vector_load_idx %arg7[%min3A_693, %min3A_708] : memref<224x224xf32, #tpu.memory_space<vmem>>[vector<16xi32>, vector<16xi32>], vector<16xf32>,
      %mul3A_745 = arith.mulf %select_n3A_719, %gather3A_741 : vector<16xf32>
      %mul3A_746 = arith.mulf %select_n3A_727, %gather3A_742 : vector<16xf32>
      %add3A_747 = arith.addf %mul3A_745, %mul3A_746 : vector<16xf32>
      %mul3A_748 = arith.mulf %select_n3A_735, %gather3A_743 : vector<16xf32>
      %add3A_749 = arith.addf %add3A_747, %mul3A_748 : vector<16xf32>
      %mul3A_750 = arith.mulf %select_n3A_740, %gather3A_744 : vector<16xf32>
      %add3A_751 = arith.addf %add3A_749, %mul3A_750 : vector<16xf32>
      %add3A_752 = arith.addf %add3A_616, %add3A_751 : vector<16xf32>
      %add3A_753 = arith.constant 4000 : i32
      %add3A_754 = arith.addi %add3A_753, %mul3A_70 : i32
      %get3A_755 = arith.index_cast %add3A_754 : i32 to index
      %get3A_756 = tpu.vector_load %arg8[%get3A_755] {strides = array<i32>} : memref<8000xf32, #tpu.memory_space<vmem>>, vector<16xf32>,
      %add3A_757 = arith.constant 4400 : i32
      %add3A_758 = arith.addi %add3A_757, %mul3A_70 : i32
      %get3A_759 = arith.index_cast %add3A_758 : i32 to index
      %get3A_760 = tpu.vector_load %arg8[%get3A_759] {strides = array<i32>} : memref<8000xf32, #tpu.memory_space<vmem>>, vector<16xf32>,
      %add3A_761 = arith.constant 1.000000e+00 : f32
      %add3A_762 = vector.broadcast %add3A_761 : f32 to vector<16xf32>
      %add3A_763 = arith.addf %get3A_73, %add3A_762 : vector<16xf32>
      %add3A_764 = arith.addf %add3A_763, %get3A_756 : vector<16xf32>
      %add3A_765 = arith.constant 2.000000e+00 : f32
      %add3A_766 = vector.broadcast %add3A_765 : f32 to vector<16xf32>
      %add3A_767 = arith.addf %get3A_77, %add3A_766 : vector<16xf32>
      %add3A_768 = arith.addf %add3A_767, %get3A_760 : vector<16xf32>
      %convert_element_type3A_769 = arith.fptosi %add3A_764 : vector<16xf32> to vector<16xi32>
      %convert_element_type3A_770 = arith.sitofp %convert_element_type3A_769 : vector<16xi32> to vector<16xf32>
      %gt3A_771 = arith.cmpf ogt, %convert_element_type3A_770, %add3A_764 : vector<16xf32>
      %sub3A_772 = arith.constant 1 : i32
      %sub3A_773 = vector.broadcast %sub3A_772 : i32 to vector<16xi32>
      %sub3A_774 = arith.subi %convert_element_type3A_769, %sub3A_773 : vector<16xi32>
      %select_n3A_775 = arith.select %gt3A_771, %sub3A_774, %convert_element_type3A_769 : vector<16xi1>, vector<16xi32>
      %convert_element_type3A_776 = arith.fptosi %add3A_768 : vector<16xf32> to vector<16xi32>
      %convert_element_type3A_777 = arith.sitofp %convert_element_type3A_776 : vector<16xi32> to vector<16xf32>
      %gt3A_778 = arith.cmpf ogt, %convert_element_type3A_777, %add3A_768 : vector<16xf32>
      %sub3A_779 = arith.constant 1 : i32
      %sub3A_780 = vector.broadcast %sub3A_779 : i32 to vector<16xi32>
      %sub3A_781 = arith.subi %convert_element_type3A_776, %sub3A_780 : vector<16xi32>
      %select_n3A_782 = arith.select %gt3A_778, %sub3A_781, %convert_element_type3A_776 : vector<16xi1>, vector<16xi32>
      %convert_element_type3A_783 = arith.sitofp %select_n3A_775 : vector<16xi32> to vector<16xf32>
      %sub3A_784 = arith.subf %add3A_764, %convert_element_type3A_783 : vector<16xf32>
      %convert_element_type3A_785 = arith.sitofp %select_n3A_782 : vector<16xi32> to vector<16xf32>
      %sub3A_786 = arith.subf %add3A_768, %convert_element_type3A_785 : vector<16xf32>
      %ge3A_787 = arith.constant 0 : i32
      %ge3A_788 = vector.broadcast %ge3A_787 : i32 to vector<16xi32>
      %ge3A_789 = arith.cmpi sge, %select_n3A_775, %ge3A_788 : vector<16xi32>
      %lt3A_790 = arith.constant 224 : i32
      %lt3A_791 = vector.broadcast %lt3A_790 : i32 to vector<16xi32>
      %lt3A_792 = arith.cmpi slt, %select_n3A_775, %lt3A_791 : vector<16xi32>
      %and3A_793 = arith.andi %ge3A_789, %lt3A_792 : vector<16xi1>
      %ge3A_794 = arith.constant -1 : i32
      %ge3A_795 = vector.broadcast %ge3A_794 : i32 to vector<16xi32>
      %ge3A_796 = arith.cmpi sge, %select_n3A_775, %ge3A_795 : vector<16xi32>
      %lt3A_797 = arith.constant 223 : i32
      %lt3A_798 = vector.broadcast %lt3A_797 : i32 to vector<16xi32>
      %lt3A_799 = arith.cmpi slt, %select_n3A_775, %lt3A_798 : vector<16xi32>
      %and3A_800 = arith.andi %ge3A_796, %lt3A_799 : vector<16xi1>
      %ge3A_801 = arith.constant 0 : i32
      %ge3A_802 = vector.broadcast %ge3A_801 : i32 to vector<16xi32>
      %ge3A_803 = arith.cmpi sge, %select_n3A_782, %ge3A_802 : vector<16xi32>
      %lt3A_804 = arith.constant 224 : i32
      %lt3A_805 = vector.broadcast %lt3A_804 : i32 to vector<16xi32>
      %lt3A_806 = arith.cmpi slt, %select_n3A_782, %lt3A_805 : vector<16xi32>
      %and3A_807 = arith.andi %ge3A_803, %lt3A_806 : vector<16xi1>
      %ge3A_808 = arith.constant -1 : i32
      %ge3A_809 = vector.broadcast %ge3A_808 : i32 to vector<16xi32>
      %ge3A_810 = arith.cmpi sge, %select_n3A_782, %ge3A_809 : vector<16xi32>
      %lt3A_811 = arith.constant 223 : i32
      %lt3A_812 = vector.broadcast %lt3A_811 : i32 to vector<16xi32>
      %lt3A_813 = arith.cmpi slt, %select_n3A_782, %lt3A_812 : vector<16xi32>
      %and3A_814 = arith.andi %ge3A_810, %lt3A_813 : vector<16xi1>
      %jit3A_815 = arith.constant 0 : i32
      %jit3A_816 = arith.constant 223 : i32
      %max3A_817 = vector.broadcast %jit3A_815 : i32 to vector<16xi32>
      %max3A_818 = arith.maxsi %max3A_817, %select_n3A_775 : vector<16xi32>
      %min3A_819 = vector.broadcast %jit3A_816 : i32 to vector<16xi32>
      %min3A_820 = arith.minsi %min3A_819, %max3A_818 : vector<16xi32>
      %add3A_821 = arith.constant 1 : i32
      %add3A_822 = vector.broadcast %add3A_821 : i32 to vector<16xi32>
      %add3A_823 = arith.addi %select_n3A_775, %add3A_822 : vector<16xi32>
      %jit3A_824 = arith.constant 0 : i32
      %jit3A_825 = arith.constant 223 : i32
      %max3A_826 = vector.broadcast %jit3A_824 : i32 to vector<16xi32>
      %max3A_827 = arith.maxsi %max3A_826, %add3A_823 : vector<16xi32>
      %min3A_828 = vector.broadcast %jit3A_825 : i32 to vector<16xi32>
      %min3A_829 = arith.minsi %min3A_828, %max3A_827 : vector<16xi32>
      %jit3A_830 = arith.constant 0 : i32
      %jit3A_831 = arith.constant 223 : i32
      %max3A_832 = vector.broadcast %jit3A_830 : i32 to vector<16xi32>
      %max3A_833 = arith.maxsi %max3A_832, %select_n3A_782 : vector<16xi32>
      %min3A_834 = vector.broadcast %jit3A_831 : i32 to vector<16xi32>
      %min3A_835 = arith.minsi %min3A_834, %max3A_833 : vector<16xi32>
      %add3A_836 = arith.constant 1 : i32
      %add3A_837 = vector.broadcast %add3A_836 : i32 to vector<16xi32>
      %add3A_838 = arith.addi %select_n3A_782, %add3A_837 : vector<16xi32>
      %jit3A_839 = arith.constant 0 : i32
      %jit3A_840 = arith.constant 223 : i32
      %max3A_841 = vector.broadcast %jit3A_839 : i32 to vector<16xi32>
      %max3A_842 = arith.maxsi %max3A_841, %add3A_838 : vector<16xi32>
      %min3A_843 = vector.broadcast %jit3A_840 : i32 to vector<16xi32>
      %min3A_844 = arith.minsi %min3A_843, %max3A_842 : vector<16xi32>
      %and3A_845 = arith.andi %and3A_793, %and3A_807 : vector<16xi1>
      %sub3A_846 = arith.constant 1.000000e+00 : f32
      %sub3A_847 = vector.broadcast %sub3A_846 : f32 to vector<16xf32>
      %sub3A_848 = arith.subf %sub3A_847, %sub3A_784 : vector<16xf32>
      %sub3A_849 = arith.constant 1.000000e+00 : f32
      %sub3A_850 = vector.broadcast %sub3A_849 : f32 to vector<16xf32>
      %sub3A_851 = arith.subf %sub3A_850, %sub3A_786 : vector<16xf32>
      %mul3A_852 = arith.mulf %sub3A_848, %sub3A_851 : vector<16xf32>
      %jit3A_853 = arith.constant 0.000000e+00 : f32
      %broadcast_in_dim3A_854 = vector.broadcast %jit3A_853 : f32 to vector<16xf32>
      %select_n3A_855 = arith.select %and3A_845, %mul3A_852, %broadcast_in_dim3A_854 : vector<16xi1>, vector<16xf32>
      %and3A_856 = arith.andi %and3A_793, %and3A_814 : vector<16xi1>
      %sub3A_857 = arith.constant 1.000000e+00 : f32
      %sub3A_858 = vector.broadcast %sub3A_857 : f32 to vector<16xf32>
      %sub3A_859 = arith.subf %sub3A_858, %sub3A_784 : vector<16xf32>
      %mul3A_860 = arith.mulf %sub3A_859, %sub3A_786 : vector<16xf32>
      %jit3A_861 = arith.constant 0.000000e+00 : f32
      %broadcast_in_dim3A_862 = vector.broadcast %jit3A_861 : f32 to vector<16xf32>
      %select_n3A_863 = arith.select %and3A_856, %mul3A_860, %broadcast_in_dim3A_862 : vector<16xi1>, vector<16xf32>
      %and3A_864 = arith.andi %and3A_800, %and3A_807 : vector<16xi1>
      %sub3A_865 = arith.constant 1.000000e+00 : f32
      %sub3A_866 = vector.broadcast %sub3A_865 : f32 to vector<16xf32>
      %sub3A_867 = arith.subf %sub3A_866, %sub3A_786 : vector<16xf32>
      %mul3A_868 = arith.mulf %sub3A_784, %sub3A_867 : vector<16xf32>
      %jit3A_869 = arith.constant 0.000000e+00 : f32
      %broadcast_in_dim3A_870 = vector.broadcast %jit3A_869 : f32 to vector<16xf32>
      %select_n3A_871 = arith.select %and3A_864, %mul3A_868, %broadcast_in_dim3A_870 : vector<16xi1>, vector<16xf32>
      %and3A_872 = arith.andi %and3A_800, %and3A_814 : vector<16xi1>
      %mul3A_873 = arith.mulf %sub3A_784, %sub3A_786 : vector<16xf32>
      %jit3A_874 = arith.constant 0.000000e+00 : f32
      %broadcast_in_dim3A_875 = vector.broadcast %jit3A_874 : f32 to vector<16xf32>
      %select_n3A_876 = arith.select %and3A_872, %mul3A_873, %broadcast_in_dim3A_875 : vector<16xi1>, vector<16xf32>
      %gather3A_877 = tpu.vector_load_idx %arg7[%min3A_820, %min3A_835] : memref<224x224xf32, #tpu.memory_space<vmem>>[vector<16xi32>, vector<16xi32>], vector<16xf32>,
      %gather3A_878 = tpu.vector_load_idx %arg7[%min3A_820, %min3A_844] : memref<224x224xf32, #tpu.memory_space<vmem>>[vector<16xi32>, vector<16xi32>], vector<16xf32>,
      %gather3A_879 = tpu.vector_load_idx %arg7[%min3A_829, %min3A_835] : memref<224x224xf32, #tpu.memory_space<vmem>>[vector<16xi32>, vector<16xi32>], vector<16xf32>,
      %gather3A_880 = tpu.vector_load_idx %arg7[%min3A_829, %min3A_844] : memref<224x224xf32, #tpu.memory_space<vmem>>[vector<16xi32>, vector<16xi32>], vector<16xf32>,
      %mul3A_881 = arith.mulf %select_n3A_855, %gather3A_877 : vector<16xf32>
      %mul3A_882 = arith.mulf %select_n3A_863, %gather3A_878 : vector<16xf32>
      %add3A_883 = arith.addf %mul3A_881, %mul3A_882 : vector<16xf32>
      %mul3A_884 = arith.mulf %select_n3A_871, %gather3A_879 : vector<16xf32>
      %add3A_885 = arith.addf %add3A_883, %mul3A_884 : vector<16xf32>
      %mul3A_886 = arith.mulf %select_n3A_876, %gather3A_880 : vector<16xf32>
      %add3A_887 = arith.addf %add3A_885, %mul3A_886 : vector<16xf32>
      %add3A_888 = arith.addf %add3A_752, %add3A_887 : vector<16xf32>
      %add3A_889 = arith.constant 4800 : i32
      %add3A_890 = arith.addi %add3A_889, %mul3A_70 : i32
      %get3A_891 = arith.index_cast %add3A_890 : i32 to index
      %get3A_892 = tpu.vector_load %arg8[%get3A_891] {strides = array<i32>} : memref<8000xf32, #tpu.memory_space<vmem>>, vector<16xf32>,
      %add3A_893 = arith.constant 5200 : i32
      %add3A_894 = arith.addi %add3A_893, %mul3A_70 : i32
      %get3A_895 = arith.index_cast %add3A_894 : i32 to index
      %get3A_896 = tpu.vector_load %arg8[%get3A_895] {strides = array<i32>} : memref<8000xf32, #tpu.memory_space<vmem>>, vector<16xf32>,
      %add3A_897 = arith.constant 2.000000e+00 : f32
      %add3A_898 = vector.broadcast %add3A_897 : f32 to vector<16xf32>
      %add3A_899 = arith.addf %get3A_73, %add3A_898 : vector<16xf32>
      %add3A_900 = arith.addf %add3A_899, %get3A_892 : vector<16xf32>
      %add3A_901 = arith.constant 0.000000e+00 : f32
      %add3A_902 = vector.broadcast %add3A_901 : f32 to vector<16xf32>
      %add3A_903 = arith.addf %get3A_77, %add3A_902 : vector<16xf32>
      %add3A_904 = arith.addf %add3A_903, %get3A_896 : vector<16xf32>
      %convert_element_type3A_905 = arith.fptosi %add3A_900 : vector<16xf32> to vector<16xi32>
      %convert_element_type3A_906 = arith.sitofp %convert_element_type3A_905 : vector<16xi32> to vector<16xf32>
      %gt3A_907 = arith.cmpf ogt, %convert_element_type3A_906, %add3A_900 : vector<16xf32>
      %sub3A_908 = arith.constant 1 : i32
      %sub3A_909 = vector.broadcast %sub3A_908 : i32 to vector<16xi32>
      %sub3A_910 = arith.subi %convert_element_type3A_905, %sub3A_909 : vector<16xi32>
      %select_n3A_911 = arith.select %gt3A_907, %sub3A_910, %convert_element_type3A_905 : vector<16xi1>, vector<16xi32>
      %convert_element_type3A_912 = arith.fptosi %add3A_904 : vector<16xf32> to vector<16xi32>
      %convert_element_type3A_913 = arith.sitofp %convert_element_type3A_912 : vector<16xi32> to vector<16xf32>
      %gt3A_914 = arith.cmpf ogt, %convert_element_type3A_913, %add3A_904 : vector<16xf32>
      %sub3A_915 = arith.constant 1 : i32
      %sub3A_916 = vector.broadcast %sub3A_915 : i32 to vector<16xi32>
      %sub3A_917 = arith.subi %convert_element_type3A_912, %sub3A_916 : vector<16xi32>
      %select_n3A_918 = arith.select %gt3A_914, %sub3A_917, %convert_element_type3A_912 : vector<16xi1>, vector<16xi32>
      %convert_element_type3A_919 = arith.sitofp %select_n3A_911 : vector<16xi32> to vector<16xf32>
      %sub3A_920 = arith.subf %add3A_900, %convert_element_type3A_919 : vector<16xf32>
      %convert_element_type3A_921 = arith.sitofp %select_n3A_918 : vector<16xi32> to vector<16xf32>
      %sub3A_922 = arith.subf %add3A_904, %convert_element_type3A_921 : vector<16xf32>
      %ge3A_923 = arith.constant 0 : i32
      %ge3A_924 = vector.broadcast %ge3A_923 : i32 to vector<16xi32>
      %ge3A_925 = arith.cmpi sge, %select_n3A_911, %ge3A_924 : vector<16xi32>
      %lt3A_926 = arith.constant 224 : i32
      %lt3A_927 = vector.broadcast %lt3A_926 : i32 to vector<16xi32>
      %lt3A_928 = arith.cmpi slt, %select_n3A_911, %lt3A_927 : vector<16xi32>
      %and3A_929 = arith.andi %ge3A_925, %lt3A_928 : vector<16xi1>
      %ge3A_930 = arith.constant -1 : i32
      %ge3A_931 = vector.broadcast %ge3A_930 : i32 to vector<16xi32>
      %ge3A_932 = arith.cmpi sge, %select_n3A_911, %ge3A_931 : vector<16xi32>
      %lt3A_933 = arith.constant 223 : i32
      %lt3A_934 = vector.broadcast %lt3A_933 : i32 to vector<16xi32>
      %lt3A_935 = arith.cmpi slt, %select_n3A_911, %lt3A_934 : vector<16xi32>
      %and3A_936 = arith.andi %ge3A_932, %lt3A_935 : vector<16xi1>
      %ge3A_937 = arith.constant 0 : i32
      %ge3A_938 = vector.broadcast %ge3A_937 : i32 to vector<16xi32>
      %ge3A_939 = arith.cmpi sge, %select_n3A_918, %ge3A_938 : vector<16xi32>
      %lt3A_940 = arith.constant 224 : i32
      %lt3A_941 = vector.broadcast %lt3A_940 : i32 to vector<16xi32>
      %lt3A_942 = arith.cmpi slt, %select_n3A_918, %lt3A_941 : vector<16xi32>
      %and3A_943 = arith.andi %ge3A_939, %lt3A_942 : vector<16xi1>
      %ge3A_944 = arith.constant -1 : i32
      %ge3A_945 = vector.broadcast %ge3A_944 : i32 to vector<16xi32>
      %ge3A_946 = arith.cmpi sge, %select_n3A_918, %ge3A_945 : vector<16xi32>
      %lt3A_947 = arith.constant 223 : i32
      %lt3A_948 = vector.broadcast %lt3A_947 : i32 to vector<16xi32>
      %lt3A_949 = arith.cmpi slt, %select_n3A_918, %lt3A_948 : vector<16xi32>
      %and3A_950 = arith.andi %ge3A_946, %lt3A_949 : vector<16xi1>
      %jit3A_951 = arith.constant 0 : i32
      %jit3A_952 = arith.constant 223 : i32
      %max3A_953 = vector.broadcast %jit3A_951 : i32 to vector<16xi32>
      %max3A_954 = arith.maxsi %max3A_953, %select_n3A_911 : vector<16xi32>
      %min3A_955 = vector.broadcast %jit3A_952 : i32 to vector<16xi32>
      %min3A_956 = arith.minsi %min3A_955, %max3A_954 : vector<16xi32>
      %add3A_957 = arith.constant 1 : i32
      %add3A_958 = vector.broadcast %add3A_957 : i32 to vector<16xi32>
      %add3A_959 = arith.addi %select_n3A_911, %add3A_958 : vector<16xi32>
      %jit3A_960 = arith.constant 0 : i32
      %jit3A_961 = arith.constant 223 : i32
      %max3A_962 = vector.broadcast %jit3A_960 : i32 to vector<16xi32>
      %max3A_963 = arith.maxsi %max3A_962, %add3A_959 : vector<16xi32>
      %min3A_964 = vector.broadcast %jit3A_961 : i32 to vector<16xi32>
      %min3A_965 = arith.minsi %min3A_964, %max3A_963 : vector<16xi32>
      %jit3A_966 = arith.constant 0 : i32
      %jit3A_967 = arith.constant 223 : i32
      %max3A_968 = vector.broadcast %jit3A_966 : i32 to vector<16xi32>
      %max3A_969 = arith.maxsi %max3A_968, %select_n3A_918 : vector<16xi32>
      %min3A_970 = vector.broadcast %jit3A_967 : i32 to vector<16xi32>
      %min3A_971 = arith.minsi %min3A_970, %max3A_969 : vector<16xi32>
      %add3A_972 = arith.constant 1 : i32
      %add3A_973 = vector.broadcast %add3A_972 : i32 to vector<16xi32>
      %add3A_974 = arith.addi %select_n3A_918, %add3A_973 : vector<16xi32>
      %jit3A_975 = arith.constant 0 : i32
      %jit3A_976 = arith.constant 223 : i32
      %max3A_977 = vector.broadcast %jit3A_975 : i32 to vector<16xi32>
      %max3A_978 = arith.maxsi %max3A_977, %add3A_974 : vector<16xi32>
      %min3A_979 = vector.broadcast %jit3A_976 : i32 to vector<16xi32>
      %min3A_980 = arith.minsi %min3A_979, %max3A_978 : vector<16xi32>
      %and3A_981 = arith.andi %and3A_929, %and3A_943 : vector<16xi1>
      %sub3A_982 = arith.constant 1.000000e+00 : f32
      %sub3A_983 = vector.broadcast %sub3A_982 : f32 to vector<16xf32>
      %sub3A_984 = arith.subf %sub3A_983, %sub3A_920 : vector<16xf32>
      %sub3A_985 = arith.constant 1.000000e+00 : f32
      %sub3A_986 = vector.broadcast %sub3A_985 : f32 to vector<16xf32>
      %sub3A_987 = arith.subf %sub3A_986, %sub3A_922 : vector<16xf32>
      %mul3A_988 = arith.mulf %sub3A_984, %sub3A_987 : vector<16xf32>
      %jit3A_989 = arith.constant 0.000000e+00 : f32
      %broadcast_in_dim3A_990 = vector.broadcast %jit3A_989 : f32 to vector<16xf32>
      %select_n3A_991 = arith.select %and3A_981, %mul3A_988, %broadcast_in_dim3A_990 : vector<16xi1>, vector<16xf32>
      %and3A_992 = arith.andi %and3A_929, %and3A_950 : vector<16xi1>
      %sub3A_993 = arith.constant 1.000000e+00 : f32
      %sub3A_994 = vector.broadcast %sub3A_993 : f32 to vector<16xf32>
      %sub3A_995 = arith.subf %sub3A_994, %sub3A_920 : vector<16xf32>
      %mul3A_996 = arith.mulf %sub3A_995, %sub3A_922 : vector<16xf32>
      %jit3A_997 = arith.constant 0.000000e+00 : f32
      %broadcast_in_dim3A_998 = vector.broadcast %jit3A_997 : f32 to vector<16xf32>
      %select_n3A_999 = arith.select %and3A_992, %mul3A_996, %broadcast_in_dim3A_998 : vector<16xi1>, vector<16xf32>
      %and3A_1000 = arith.andi %and3A_936, %and3A_943 : vector<16xi1>
      %sub3A_1001 = arith.constant 1.000000e+00 : f32
      %sub3A_1002 = vector.broadcast %sub3A_1001 : f32 to vector<16xf32>
      %sub3A_1003 = arith.subf %sub3A_1002, %sub3A_922 : vector<16xf32>
      %mul3A_1004 = arith.mulf %sub3A_920, %sub3A_1003 : vector<16xf32>
      %jit3A_1005 = arith.constant 0.000000e+00 : f32
      %broadcast_in_dim3A_1006 = vector.broadcast %jit3A_1005 : f32 to vector<16xf32>
      %select_n3A_1007 = arith.select %and3A_1000, %mul3A_1004, %broadcast_in_dim3A_1006 : vector<16xi1>, vector<16xf32>
      %and3A_1008 = arith.andi %and3A_936, %and3A_950 : vector<16xi1>
      %mul3A_1009 = arith.mulf %sub3A_920, %sub3A_922 : vector<16xf32>
      %jit3A_1010 = arith.constant 0.000000e+00 : f32
      %broadcast_in_dim3A_1011 = vector.broadcast %jit3A_1010 : f32 to vector<16xf32>
      %select_n3A_1012 = arith.select %and3A_1008, %mul3A_1009, %broadcast_in_dim3A_1011 : vector<16xi1>, vector<16xf32>
      %gather3A_1013 = tpu.vector_load_idx %arg7[%min3A_956, %min3A_971] : memref<224x224xf32, #tpu.memory_space<vmem>>[vector<16xi32>, vector<16xi32>], vector<16xf32>,
      %gather3A_1014 = tpu.vector_load_idx %arg7[%min3A_956, %min3A_980] : memref<224x224xf32, #tpu.memory_space<vmem>>[vector<16xi32>, vector<16xi32>], vector<16xf32>,
      %gather3A_1015 = tpu.vector_load_idx %arg7[%min3A_965, %min3A_971] : memref<224x224xf32, #tpu.memory_space<vmem>>[vector<16xi32>, vector<16xi32>], vector<16xf32>,
      %gather3A_1016 = tpu.vector_load_idx %arg7[%min3A_965, %min3A_980] : memref<224x224xf32, #tpu.memory_space<vmem>>[vector<16xi32>, vector<16xi32>], vector<16xf32>,
      %mul3A_1017 = arith.mulf %select_n3A_991, %gather3A_1013 : vector<16xf32>
      %mul3A_1018 = arith.mulf %select_n3A_999, %gather3A_1014 : vector<16xf32>
      %add3A_1019 = arith.addf %mul3A_1017, %mul3A_1018 : vector<16xf32>
      %mul3A_1020 = arith.mulf %select_n3A_1007, %gather3A_1015 : vector<16xf32>
      %add3A_1021 = arith.addf %add3A_1019, %mul3A_1020 : vector<16xf32>
      %mul3A_1022 = arith.mulf %select_n3A_1012, %gather3A_1016 : vector<16xf32>
      %add3A_1023 = arith.addf %add3A_1021, %mul3A_1022 : vector<16xf32>
      %add3A_1024 = arith.addf %add3A_888, %add3A_1023 : vector<16xf32>
      %add3A_1025 = arith.constant 5600 : i32
      %add3A_1026 = arith.addi %add3A_1025, %mul3A_70 : i32
      %get3A_1027 = arith.index_cast %add3A_1026 : i32 to index
      %get3A_1028 = tpu.vector_load %arg8[%get3A_1027] {strides = array<i32>} : memref<8000xf32, #tpu.memory_space<vmem>>, vector<16xf32>,
      %add3A_1029 = arith.constant 6000 : i32
      %add3A_1030 = arith.addi %add3A_1029, %mul3A_70 : i32
      %get3A_1031 = arith.index_cast %add3A_1030 : i32 to index
      %get3A_1032 = tpu.vector_load %arg8[%get3A_1031] {strides = array<i32>} : memref<8000xf32, #tpu.memory_space<vmem>>, vector<16xf32>,
      %add3A_1033 = arith.constant 2.000000e+00 : f32
      %add3A_1034 = vector.broadcast %add3A_1033 : f32 to vector<16xf32>
      %add3A_1035 = arith.addf %get3A_73, %add3A_1034 : vector<16xf32>
      %add3A_1036 = arith.addf %add3A_1035, %get3A_1028 : vector<16xf32>
      %add3A_1037 = arith.constant 1.000000e+00 : f32
      %add3A_1038 = vector.broadcast %add3A_1037 : f32 to vector<16xf32>
      %add3A_1039 = arith.addf %get3A_77, %add3A_1038 : vector<16xf32>
      %add3A_1040 = arith.addf %add3A_1039, %get3A_1032 : vector<16xf32>
      %convert_element_type3A_1041 = arith.fptosi %add3A_1036 : vector<16xf32> to vector<16xi32>
      %convert_element_type3A_1042 = arith.sitofp %convert_element_type3A_1041 : vector<16xi32> to vector<16xf32>
      %gt3A_1043 = arith.cmpf ogt, %convert_element_type3A_1042, %add3A_1036 : vector<16xf32>
      %sub3A_1044 = arith.constant 1 : i32
      %sub3A_1045 = vector.broadcast %sub3A_1044 : i32 to vector<16xi32>
      %sub3A_1046 = arith.subi %convert_element_type3A_1041, %sub3A_1045 : vector<16xi32>
      %select_n3A_1047 = arith.select %gt3A_1043, %sub3A_1046, %convert_element_type3A_1041 : vector<16xi1>, vector<16xi32>
      %convert_element_type3A_1048 = arith.fptosi %add3A_1040 : vector<16xf32> to vector<16xi32>
      %convert_element_type3A_1049 = arith.sitofp %convert_element_type3A_1048 : vector<16xi32> to vector<16xf32>
      %gt3A_1050 = arith.cmpf ogt, %convert_element_type3A_1049, %add3A_1040 : vector<16xf32>
      %sub3A_1051 = arith.constant 1 : i32
      %sub3A_1052 = vector.broadcast %sub3A_1051 : i32 to vector<16xi32>
      %sub3A_1053 = arith.subi %convert_element_type3A_1048, %sub3A_1052 : vector<16xi32>
      %select_n3A_1054 = arith.select %gt3A_1050, %sub3A_1053, %convert_element_type3A_1048 : vector<16xi1>, vector<16xi32>
      %convert_element_type3A_1055 = arith.sitofp %select_n3A_1047 : vector<16xi32> to vector<16xf32>
      %sub3A_1056 = arith.subf %add3A_1036, %convert_element_type3A_1055 : vector<16xf32>
      %convert_element_type3A_1057 = arith.sitofp %select_n3A_1054 : vector<16xi32> to vector<16xf32>
      %sub3A_1058 = arith.subf %add3A_1040, %convert_element_type3A_1057 : vector<16xf32>
      %ge3A_1059 = arith.constant 0 : i32
      %ge3A_1060 = vector.broadcast %ge3A_1059 : i32 to vector<16xi32>
      %ge3A_1061 = arith.cmpi sge, %select_n3A_1047, %ge3A_1060 : vector<16xi32>
      %lt3A_1062 = arith.constant 224 : i32
      %lt3A_1063 = vector.broadcast %lt3A_1062 : i32 to vector<16xi32>
      %lt3A_1064 = arith.cmpi slt, %select_n3A_1047, %lt3A_1063 : vector<16xi32>
      %and3A_1065 = arith.andi %ge3A_1061, %lt3A_1064 : vector<16xi1>
      %ge3A_1066 = arith.constant -1 : i32
      %ge3A_1067 = vector.broadcast %ge3A_1066 : i32 to vector<16xi32>
      %ge3A_1068 = arith.cmpi sge, %select_n3A_1047, %ge3A_1067 : vector<16xi32>
      %lt3A_1069 = arith.constant 223 : i32
      %lt3A_1070 = vector.broadcast %lt3A_1069 : i32 to vector<16xi32>
      %lt3A_1071 = arith.cmpi slt, %select_n3A_1047, %lt3A_1070 : vector<16xi32>
      %and3A_1072 = arith.andi %ge3A_1068, %lt3A_1071 : vector<16xi1>
      %ge3A_1073 = arith.constant 0 : i32
      %ge3A_1074 = vector.broadcast %ge3A_1073 : i32 to vector<16xi32>
      %ge3A_1075 = arith.cmpi sge, %select_n3A_1054, %ge3A_1074 : vector<16xi32>
      %lt3A_1076 = arith.constant 224 : i32
      %lt3A_1077 = vector.broadcast %lt3A_1076 : i32 to vector<16xi32>
      %lt3A_1078 = arith.cmpi slt, %select_n3A_1054, %lt3A_1077 : vector<16xi32>
      %and3A_1079 = arith.andi %ge3A_1075, %lt3A_1078 : vector<16xi1>
      %ge3A_1080 = arith.constant -1 : i32
      %ge3A_1081 = vector.broadcast %ge3A_1080 : i32 to vector<16xi32>
      %ge3A_1082 = arith.cmpi sge, %select_n3A_1054, %ge3A_1081 : vector<16xi32>
      %lt3A_1083 = arith.constant 223 : i32
      %lt3A_1084 = vector.broadcast %lt3A_1083 : i32 to vector<16xi32>
      %lt3A_1085 = arith.cmpi slt, %select_n3A_1054, %lt3A_1084 : vector<16xi32>
      %and3A_1086 = arith.andi %ge3A_1082, %lt3A_1085 : vector<16xi1>
      %jit3A_1087 = arith.constant 0 : i32
      %jit3A_1088 = arith.constant 223 : i32
      %max3A_1089 = vector.broadcast %jit3A_1087 : i32 to vector<16xi32>
      %max3A_1090 = arith.maxsi %max3A_1089, %select_n3A_1047 : vector<16xi32>
      %min3A_1091 = vector.broadcast %jit3A_1088 : i32 to vector<16xi32>
      %min3A_1092 = arith.minsi %min3A_1091, %max3A_1090 : vector<16xi32>
      %add3A_1093 = arith.constant 1 : i32
      %add3A_1094 = vector.broadcast %add3A_1093 : i32 to vector<16xi32>
      %add3A_1095 = arith.addi %select_n3A_1047, %add3A_1094 : vector<16xi32>
      %jit3A_1096 = arith.constant 0 : i32
      %jit3A_1097 = arith.constant 223 : i32
      %max3A_1098 = vector.broadcast %jit3A_1096 : i32 to vector<16xi32>
      %max3A_1099 = arith.maxsi %max3A_1098, %add3A_1095 : vector<16xi32>
      %min3A_1100 = vector.broadcast %jit3A_1097 : i32 to vector<16xi32>
      %min3A_1101 = arith.minsi %min3A_1100, %max3A_1099 : vector<16xi32>
      %jit3A_1102 = arith.constant 0 : i32
      %jit3A_1103 = arith.constant 223 : i32
      %max3A_1104 = vector.broadcast %jit3A_1102 : i32 to vector<16xi32>
      %max3A_1105 = arith.maxsi %max3A_1104, %select_n3A_1054 : vector<16xi32>
      %min3A_1106 = vector.broadcast %jit3A_1103 : i32 to vector<16xi32>
      %min3A_1107 = arith.minsi %min3A_1106, %max3A_1105 : vector<16xi32>
      %add3A_1108 = arith.constant 1 : i32
      %add3A_1109 = vector.broadcast %add3A_1108 : i32 to vector<16xi32>
      %add3A_1110 = arith.addi %select_n3A_1054, %add3A_1109 : vector<16xi32>
      %jit3A_1111 = arith.constant 0 : i32
      %jit3A_1112 = arith.constant 223 : i32
      %max3A_1113 = vector.broadcast %jit3A_1111 : i32 to vector<16xi32>
      %max3A_1114 = arith.maxsi %max3A_1113, %add3A_1110 : vector<16xi32>
      %min3A_1115 = vector.broadcast %jit3A_1112 : i32 to vector<16xi32>
      %min3A_1116 = arith.minsi %min3A_1115, %max3A_1114 : vector<16xi32>
      %and3A_1117 = arith.andi %and3A_1065, %and3A_1079 : vector<16xi1>
      %sub3A_1118 = arith.constant 1.000000e+00 : f32
      %sub3A_1119 = vector.broadcast %sub3A_1118 : f32 to vector<16xf32>
      %sub3A_1120 = arith.subf %sub3A_1119, %sub3A_1056 : vector<16xf32>
      %sub3A_1121 = arith.constant 1.000000e+00 : f32
      %sub3A_1122 = vector.broadcast %sub3A_1121 : f32 to vector<16xf32>
      %sub3A_1123 = arith.subf %sub3A_1122, %sub3A_1058 : vector<16xf32>
      %mul3A_1124 = arith.mulf %sub3A_1120, %sub3A_1123 : vector<16xf32>
      %jit3A_1125 = arith.constant 0.000000e+00 : f32
      %broadcast_in_dim3A_1126 = vector.broadcast %jit3A_1125 : f32 to vector<16xf32>
      %select_n3A_1127 = arith.select %and3A_1117, %mul3A_1124, %broadcast_in_dim3A_1126 : vector<16xi1>, vector<16xf32>
      %and3A_1128 = arith.andi %and3A_1065, %and3A_1086 : vector<16xi1>
      %sub3A_1129 = arith.constant 1.000000e+00 : f32
      %sub3A_1130 = vector.broadcast %sub3A_1129 : f32 to vector<16xf32>
      %sub3A_1131 = arith.subf %sub3A_1130, %sub3A_1056 : vector<16xf32>
      %mul3A_1132 = arith.mulf %sub3A_1131, %sub3A_1058 : vector<16xf32>
      %jit3A_1133 = arith.constant 0.000000e+00 : f32
      %broadcast_in_dim3A_1134 = vector.broadcast %jit3A_1133 : f32 to vector<16xf32>
      %select_n3A_1135 = arith.select %and3A_1128, %mul3A_1132, %broadcast_in_dim3A_1134 : vector<16xi1>, vector<16xf32>
      %and3A_1136 = arith.andi %and3A_1072, %and3A_1079 : vector<16xi1>
      %sub3A_1137 = arith.constant 1.000000e+00 : f32
      %sub3A_1138 = vector.broadcast %sub3A_1137 : f32 to vector<16xf32>
      %sub3A_1139 = arith.subf %sub3A_1138, %sub3A_1058 : vector<16xf32>
      %mul3A_1140 = arith.mulf %sub3A_1056, %sub3A_1139 : vector<16xf32>
      %jit3A_1141 = arith.constant 0.000000e+00 : f32
      %broadcast_in_dim3A_1142 = vector.broadcast %jit3A_1141 : f32 to vector<16xf32>
      %select_n3A_1143 = arith.select %and3A_1136, %mul3A_1140, %broadcast_in_dim3A_1142 : vector<16xi1>, vector<16xf32>
      %and3A_1144 = arith.andi %and3A_1072, %and3A_1086 : vector<16xi1>
      %mul3A_1145 = arith.mulf %sub3A_1056, %sub3A_1058 : vector<16xf32>
      %jit3A_1146 = arith.constant 0.000000e+00 : f32
      %broadcast_in_dim3A_1147 = vector.broadcast %jit3A_1146 : f32 to vector<16xf32>
      %select_n3A_1148 = arith.select %and3A_1144, %mul3A_1145, %broadcast_in_dim3A_1147 : vector<16xi1>, vector<16xf32>
      %gather3A_1149 = tpu.vector_load_idx %arg7[%min3A_1092, %min3A_1107] : memref<224x224xf32, #tpu.memory_space<vmem>>[vector<16xi32>, vector<16xi32>], vector<16xf32>,
      %gather3A_1150 = tpu.vector_load_idx %arg7[%min3A_1092, %min3A_1116] : memref<224x224xf32, #tpu.memory_space<vmem>>[vector<16xi32>, vector<16xi32>], vector<16xf32>,
      %gather3A_1151 = tpu.vector_load_idx %arg7[%min3A_1101, %min3A_1107] : memref<224x224xf32, #tpu.memory_space<vmem>>[vector<16xi32>, vector<16xi32>], vector<16xf32>,
      %gather3A_1152 = tpu.vector_load_idx %arg7[%min3A_1101, %min3A_1116] : memref<224x224xf32, #tpu.memory_space<vmem>>[vector<16xi32>, vector<16xi32>], vector<16xf32>,
      %mul3A_1153 = arith.mulf %select_n3A_1127, %gather3A_1149 : vector<16xf32>
      %mul3A_1154 = arith.mulf %select_n3A_1135, %gather3A_1150 : vector<16xf32>
      %add3A_1155 = arith.addf %mul3A_1153, %mul3A_1154 : vector<16xf32>
      %mul3A_1156 = arith.mulf %select_n3A_1143, %gather3A_1151 : vector<16xf32>
      %add3A_1157 = arith.addf %add3A_1155, %mul3A_1156 : vector<16xf32>
      %mul3A_1158 = arith.mulf %select_n3A_1148, %gather3A_1152 : vector<16xf32>
      %add3A_1159 = arith.addf %add3A_1157, %mul3A_1158 : vector<16xf32>
      %add3A_1160 = arith.addf %add3A_1024, %add3A_1159 : vector<16xf32>
      %add3A_1161 = arith.constant 6400 : i32
      %add3A_1162 = arith.addi %add3A_1161, %mul3A_70 : i32
      %get3A_1163 = arith.index_cast %add3A_1162 : i32 to index
      %get3A_1164 = tpu.vector_load %arg8[%get3A_1163] {strides = array<i32>} : memref<8000xf32, #tpu.memory_space<vmem>>, vector<16xf32>,
      %add3A_1165 = arith.constant 6800 : i32
      %add3A_1166 = arith.addi %add3A_1165, %mul3A_70 : i32
      %get3A_1167 = arith.index_cast %add3A_1166 : i32 to index
      %get3A_1168 = tpu.vector_load %arg8[%get3A_1167] {strides = array<i32>} : memref<8000xf32, #tpu.memory_space<vmem>>, vector<16xf32>,
      %add3A_1169 = arith.constant 2.000000e+00 : f32
      %add3A_1170 = vector.broadcast %add3A_1169 : f32 to vector<16xf32>
      %add3A_1171 = arith.addf %get3A_73, %add3A_1170 : vector<16xf32>
      %add3A_1172 = arith.addf %add3A_1171, %get3A_1164 : vector<16xf32>
      %add3A_1173 = arith.constant 2.000000e+00 : f32
      %add3A_1174 = vector.broadcast %add3A_1173 : f32 to vector<16xf32>
      %add3A_1175 = arith.addf %get3A_77, %add3A_1174 : vector<16xf32>
      %add3A_1176 = arith.addf %add3A_1175, %get3A_1168 : vector<16xf32>
      %convert_element_type3A_1177 = arith.fptosi %add3A_1172 : vector<16xf32> to vector<16xi32>
      %convert_element_type3A_1178 = arith.sitofp %convert_element_type3A_1177 : vector<16xi32> to vector<16xf32>
      %gt3A_1179 = arith.cmpf ogt, %convert_element_type3A_1178, %add3A_1172 : vector<16xf32>
      %sub3A_1180 = arith.constant 1 : i32
      %sub3A_1181 = vector.broadcast %sub3A_1180 : i32 to vector<16xi32>
      %sub3A_1182 = arith.subi %convert_element_type3A_1177, %sub3A_1181 : vector<16xi32>
      %select_n3A_1183 = arith.select %gt3A_1179, %sub3A_1182, %convert_element_type3A_1177 : vector<16xi1>, vector<16xi32>
      %convert_element_type3A_1184 = arith.fptosi %add3A_1176 : vector<16xf32> to vector<16xi32>
      %convert_element_type3A_1185 = arith.sitofp %convert_element_type3A_1184 : vector<16xi32> to vector<16xf32>
      %gt3A_1186 = arith.cmpf ogt, %convert_element_type3A_1185, %add3A_1176 : vector<16xf32>
      %sub3A_1187 = arith.constant 1 : i32
      %sub3A_1188 = vector.broadcast %sub3A_1187 : i32 to vector<16xi32>
      %sub3A_1189 = arith.subi %convert_element_type3A_1184, %sub3A_1188 : vector<16xi32>
      %select_n3A_1190 = arith.select %gt3A_1186, %sub3A_1189, %convert_element_type3A_1184 : vector<16xi1>, vector<16xi32>
      %convert_element_type3A_1191 = arith.sitofp %select_n3A_1183 : vector<16xi32> to vector<16xf32>
      %sub3A_1192 = arith.subf %add3A_1172, %convert_element_type3A_1191 : vector<16xf32>
      %convert_element_type3A_1193 = arith.sitofp %select_n3A_1190 : vector<16xi32> to vector<16xf32>
      %sub3A_1194 = arith.subf %add3A_1176, %convert_element_type3A_1193 : vector<16xf32>
      %ge3A_1195 = arith.constant 0 : i32
      %ge3A_1196 = vector.broadcast %ge3A_1195 : i32 to vector<16xi32>
      %ge3A_1197 = arith.cmpi sge, %select_n3A_1183, %ge3A_1196 : vector<16xi32>
      %lt3A_1198 = arith.constant 224 : i32
      %lt3A_1199 = vector.broadcast %lt3A_1198 : i32 to vector<16xi32>
      %lt3A_1200 = arith.cmpi slt, %select_n3A_1183, %lt3A_1199 : vector<16xi32>
      %and3A_1201 = arith.andi %ge3A_1197, %lt3A_1200 : vector<16xi1>
      %ge3A_1202 = arith.constant -1 : i32
      %ge3A_1203 = vector.broadcast %ge3A_1202 : i32 to vector<16xi32>
      %ge3A_1204 = arith.cmpi sge, %select_n3A_1183, %ge3A_1203 : vector<16xi32>
      %lt3A_1205 = arith.constant 223 : i32
      %lt3A_1206 = vector.broadcast %lt3A_1205 : i32 to vector<16xi32>
      %lt3A_1207 = arith.cmpi slt, %select_n3A_1183, %lt3A_1206 : vector<16xi32>
      %and3A_1208 = arith.andi %ge3A_1204, %lt3A_1207 : vector<16xi1>
      %ge3A_1209 = arith.constant 0 : i32
      %ge3A_1210 = vector.broadcast %ge3A_1209 : i32 to vector<16xi32>
      %ge3A_1211 = arith.cmpi sge, %select_n3A_1190, %ge3A_1210 : vector<16xi32>
      %lt3A_1212 = arith.constant 224 : i32
      %lt3A_1213 = vector.broadcast %lt3A_1212 : i32 to vector<16xi32>
      %lt3A_1214 = arith.cmpi slt, %select_n3A_1190, %lt3A_1213 : vector<16xi32>
      %and3A_1215 = arith.andi %ge3A_1211, %lt3A_1214 : vector<16xi1>
      %ge3A_1216 = arith.constant -1 : i32
      %ge3A_1217 = vector.broadcast %ge3A_1216 : i32 to vector<16xi32>
      %ge3A_1218 = arith.cmpi sge, %select_n3A_1190, %ge3A_1217 : vector<16xi32>
      %lt3A_1219 = arith.constant 223 : i32
      %lt3A_1220 = vector.broadcast %lt3A_1219 : i32 to vector<16xi32>
      %lt3A_1221 = arith.cmpi slt, %select_n3A_1190, %lt3A_1220 : vector<16xi32>
      %and3A_1222 = arith.andi %ge3A_1218, %lt3A_1221 : vector<16xi1>
      %jit3A_1223 = arith.constant 0 : i32
      %jit3A_1224 = arith.constant 223 : i32
      %max3A_1225 = vector.broadcast %jit3A_1223 : i32 to vector<16xi32>
      %max3A_1226 = arith.maxsi %max3A_1225, %select_n3A_1183 : vector<16xi32>
      %min3A_1227 = vector.broadcast %jit3A_1224 : i32 to vector<16xi32>
      %min3A_1228 = arith.minsi %min3A_1227, %max3A_1226 : vector<16xi32>
      %add3A_1229 = arith.constant 1 : i32
      %add3A_1230 = vector.broadcast %add3A_1229 : i32 to vector<16xi32>
      %add3A_1231 = arith.addi %select_n3A_1183, %add3A_1230 : vector<16xi32>
      %jit3A_1232 = arith.constant 0 : i32
      %jit3A_1233 = arith.constant 223 : i32
      %max3A_1234 = vector.broadcast %jit3A_1232 : i32 to vector<16xi32>
      %max3A_1235 = arith.maxsi %max3A_1234, %add3A_1231 : vector<16xi32>
      %min3A_1236 = vector.broadcast %jit3A_1233 : i32 to vector<16xi32>
      %min3A_1237 = arith.minsi %min3A_1236, %max3A_1235 : vector<16xi32>
      %jit3A_1238 = arith.constant 0 : i32
      %jit3A_1239 = arith.constant 223 : i32
      %max3A_1240 = vector.broadcast %jit3A_1238 : i32 to vector<16xi32>
      %max3A_1241 = arith.maxsi %max3A_1240, %select_n3A_1190 : vector<16xi32>
      %min3A_1242 = vector.broadcast %jit3A_1239 : i32 to vector<16xi32>
      %min3A_1243 = arith.minsi %min3A_1242, %max3A_1241 : vector<16xi32>
      %add3A_1244 = arith.constant 1 : i32
      %add3A_1245 = vector.broadcast %add3A_1244 : i32 to vector<16xi32>
      %add3A_1246 = arith.addi %select_n3A_1190, %add3A_1245 : vector<16xi32>
      %jit3A_1247 = arith.constant 0 : i32
      %jit3A_1248 = arith.constant 223 : i32
      %max3A_1249 = vector.broadcast %jit3A_1247 : i32 to vector<16xi32>
      %max3A_1250 = arith.maxsi %max3A_1249, %add3A_1246 : vector<16xi32>
      %min3A_1251 = vector.broadcast %jit3A_1248 : i32 to vector<16xi32>
      %min3A_1252 = arith.minsi %min3A_1251, %max3A_1250 : vector<16xi32>
      %and3A_1253 = arith.andi %and3A_1201, %and3A_1215 : vector<16xi1>
      %sub3A_1254 = arith.constant 1.000000e+00 : f32
      %sub3A_1255 = vector.broadcast %sub3A_1254 : f32 to vector<16xf32>
      %sub3A_1256 = arith.subf %sub3A_1255, %sub3A_1192 : vector<16xf32>
      %sub3A_1257 = arith.constant 1.000000e+00 : f32
      %sub3A_1258 = vector.broadcast %sub3A_1257 : f32 to vector<16xf32>
      %sub3A_1259 = arith.subf %sub3A_1258, %sub3A_1194 : vector<16xf32>
      %mul3A_1260 = arith.mulf %sub3A_1256, %sub3A_1259 : vector<16xf32>
      %jit3A_1261 = arith.constant 0.000000e+00 : f32
      %broadcast_in_dim3A_1262 = vector.broadcast %jit3A_1261 : f32 to vector<16xf32>
      %select_n3A_1263 = arith.select %and3A_1253, %mul3A_1260, %broadcast_in_dim3A_1262 : vector<16xi1>, vector<16xf32>
      %and3A_1264 = arith.andi %and3A_1201, %and3A_1222 : vector<16xi1>
      %sub3A_1265 = arith.constant 1.000000e+00 : f32
      %sub3A_1266 = vector.broadcast %sub3A_1265 : f32 to vector<16xf32>
      %sub3A_1267 = arith.subf %sub3A_1266, %sub3A_1192 : vector<16xf32>
      %mul3A_1268 = arith.mulf %sub3A_1267, %sub3A_1194 : vector<16xf32>
      %jit3A_1269 = arith.constant 0.000000e+00 : f32
      %broadcast_in_dim3A_1270 = vector.broadcast %jit3A_1269 : f32 to vector<16xf32>
      %select_n3A_1271 = arith.select %and3A_1264, %mul3A_1268, %broadcast_in_dim3A_1270 : vector<16xi1>, vector<16xf32>
      %and3A_1272 = arith.andi %and3A_1208, %and3A_1215 : vector<16xi1>
      %sub3A_1273 = arith.constant 1.000000e+00 : f32
      %sub3A_1274 = vector.broadcast %sub3A_1273 : f32 to vector<16xf32>
      %sub3A_1275 = arith.subf %sub3A_1274, %sub3A_1194 : vector<16xf32>
      %mul3A_1276 = arith.mulf %sub3A_1192, %sub3A_1275 : vector<16xf32>
      %jit3A_1277 = arith.constant 0.000000e+00 : f32
      %broadcast_in_dim3A_1278 = vector.broadcast %jit3A_1277 : f32 to vector<16xf32>
      %select_n3A_1279 = arith.select %and3A_1272, %mul3A_1276, %broadcast_in_dim3A_1278 : vector<16xi1>, vector<16xf32>
      %and3A_1280 = arith.andi %and3A_1208, %and3A_1222 : vector<16xi1>
      %mul3A_1281 = arith.mulf %sub3A_1192, %sub3A_1194 : vector<16xf32>
      %jit3A_1282 = arith.constant 0.000000e+00 : f32
      %broadcast_in_dim3A_1283 = vector.broadcast %jit3A_1282 : f32 to vector<16xf32>
      %select_n3A_1284 = arith.select %and3A_1280, %mul3A_1281, %broadcast_in_dim3A_1283 : vector<16xi1>, vector<16xf32>
      %gather3A_1285 = tpu.vector_load_idx %arg7[%min3A_1228, %min3A_1243] : memref<224x224xf32, #tpu.memory_space<vmem>>[vector<16xi32>, vector<16xi32>], vector<16xf32>,
      %gather3A_1286 = tpu.vector_load_idx %arg7[%min3A_1228, %min3A_1252] : memref<224x224xf32, #tpu.memory_space<vmem>>[vector<16xi32>, vector<16xi32>], vector<16xf32>,
      %gather3A_1287 = tpu.vector_load_idx %arg7[%min3A_1237, %min3A_1243] : memref<224x224xf32, #tpu.memory_space<vmem>>[vector<16xi32>, vector<16xi32>], vector<16xf32>,
      %gather3A_1288 = tpu.vector_load_idx %arg7[%min3A_1237, %min3A_1252] : memref<224x224xf32, #tpu.memory_space<vmem>>[vector<16xi32>, vector<16xi32>], vector<16xf32>,
      %mul3A_1289 = arith.mulf %select_n3A_1263, %gather3A_1285 : vector<16xf32>
      %mul3A_1290 = arith.mulf %select_n3A_1271, %gather3A_1286 : vector<16xf32>
      %add3A_1291 = arith.addf %mul3A_1289, %mul3A_1290 : vector<16xf32>
      %mul3A_1292 = arith.mulf %select_n3A_1279, %gather3A_1287 : vector<16xf32>
      %add3A_1293 = arith.addf %add3A_1291, %mul3A_1292 : vector<16xf32>
      %mul3A_1294 = arith.mulf %select_n3A_1284, %gather3A_1288 : vector<16xf32>
      %add3A_1295 = arith.addf %add3A_1293, %mul3A_1294 : vector<16xf32>
      %add3A_1296 = arith.addf %add3A_1160, %add3A_1295 : vector<16xf32>
      %mul3A_1297 = arith.mulf %add3A_1296, %mul3A_45 : vector<16xf32>
      %swap3A_1298 = arith.index_cast %mul3A_70 : i32 to index
      %swap3A_1299 = tpu.vector_load %arg9[%swap3A_1298] {strides = array<i32>} : memref<400xf32, #tpu.memory_space<vmem>>, vector<16xf32>,
      tpu.vector_store %arg9[%swap3A_1298], %mul3A_1297 {strides = array<i32>} : memref<400xf32, #tpu.memory_space<vmem>>, vector<16xf32>,
    }
    %while3A_57 = arith.constant 1 : i32
    scf.for %while3A_68 = %while3A_55 to %while3A_51 step %while3A_57  : i32 {
      %mul3A_69 = arith.constant 16 : i32
      %mul3A_70 = arith.muli %while3A_68, %mul3A_69 : i32
      %add3A_71 = arith.constant 7200 : i32
      %add3A_72 = arith.addi %add3A_71, %mul3A_70 : i32
      %get3A = arith.index_cast %add3A_72 : i32 to index
      %get3A_73 = tpu.vector_load %arg8[%get3A] {strides = array<i32>} : memref<8000xf32, #tpu.memory_space<vmem>>, vector<16xf32>,
      %add3A_74 = arith.constant 7600 : i32
      %add3A_75 = arith.addi %add3A_74, %mul3A_70 : i32
      %get3A_76 = arith.index_cast %add3A_75 : i32 to index
      %get3A_77 = tpu.vector_load %arg8[%get3A_76] {strides = array<i32>} : memref<8000xf32, #tpu.memory_space<vmem>>, vector<16xf32>,
      %broadcast_in_dim3A_78 = arith.constant 0.000000e+00 : f32
      %broadcast_in_dim3A_79 = vector.broadcast %broadcast_in_dim3A_78 : f32 to vector<16xf32>
      %add3A_80 = arith.constant 0 : i32
      %add3A_81 = arith.addi %add3A_80, %mul3A_70 : i32
      %get3A_82 = arith.index_cast %add3A_81 : i32 to index
      %get3A_83 = tpu.vector_load %arg8[%get3A_82] {strides = array<i32>} : memref<8000xf32, #tpu.memory_space<vmem>>, vector<16xf32>,
      %add3A_84 = arith.constant 400 : i32
      %add3A_85 = arith.addi %add3A_84, %mul3A_70 : i32
      %get3A_86 = arith.index_cast %add3A_85 : i32 to index
      %get3A_87 = tpu.vector_load %arg8[%get3A_86] {strides = array<i32>} : memref<8000xf32, #tpu.memory_space<vmem>>, vector<16xf32>,
      %add3A_88 = arith.constant 0.000000e+00 : f32
      %add3A_89 = vector.broadcast %add3A_88 : f32 to vector<16xf32>
      %add3A_90 = arith.addf %get3A_73, %add3A_89 : vector<16xf32>
      %add3A_91 = arith.addf %add3A_90, %get3A_83 : vector<16xf32>
      %add3A_92 = arith.constant 0.000000e+00 : f32
      %add3A_93 = vector.broadcast %add3A_92 : f32 to vector<16xf32>
      %add3A_94 = arith.addf %get3A_77, %add3A_93 : vector<16xf32>
      %add3A_95 = arith.addf %add3A_94, %get3A_87 : vector<16xf32>
      %convert_element_type3A_96 = arith.fptosi %add3A_91 : vector<16xf32> to vector<16xi32>
      %convert_element_type3A_97 = arith.sitofp %convert_element_type3A_96 : vector<16xi32> to vector<16xf32>
      %gt3A = arith.cmpf ogt, %convert_element_type3A_97, %add3A_91 : vector<16xf32>
      %sub3A = arith.constant 1 : i32
      %sub3A_98 = vector.broadcast %sub3A : i32 to vector<16xi32>
      %sub3A_99 = arith.subi %convert_element_type3A_96, %sub3A_98 : vector<16xi32>
      %select_n3A_100 = arith.select %gt3A, %sub3A_99, %convert_element_type3A_96 : vector<16xi1>, vector<16xi32>
      %convert_element_type3A_101 = arith.fptosi %add3A_95 : vector<16xf32> to vector<16xi32>
      %convert_element_type3A_102 = arith.sitofp %convert_element_type3A_101 : vector<16xi32> to vector<16xf32>
      %gt3A_103 = arith.cmpf ogt, %convert_element_type3A_102, %add3A_95 : vector<16xf32>
      %sub3A_104 = arith.constant 1 : i32
      %sub3A_105 = vector.broadcast %sub3A_104 : i32 to vector<16xi32>
      %sub3A_106 = arith.subi %convert_element_type3A_101, %sub3A_105 : vector<16xi32>
      %select_n3A_107 = arith.select %gt3A_103, %sub3A_106, %convert_element_type3A_101 : vector<16xi1>, vector<16xi32>
      %convert_element_type3A_108 = arith.sitofp %select_n3A_100 : vector<16xi32> to vector<16xf32>
      %sub3A_109 = arith.subf %add3A_91, %convert_element_type3A_108 : vector<16xf32>
      %convert_element_type3A_110 = arith.sitofp %select_n3A_107 : vector<16xi32> to vector<16xf32>
      %sub3A_111 = arith.subf %add3A_95, %convert_element_type3A_110 : vector<16xf32>
      %ge3A = arith.constant 0 : i32
      %ge3A_112 = vector.broadcast %ge3A : i32 to vector<16xi32>
      %ge3A_113 = arith.cmpi sge, %select_n3A_100, %ge3A_112 : vector<16xi32>
      %lt3A = arith.constant 224 : i32
      %lt3A_114 = vector.broadcast %lt3A : i32 to vector<16xi32>
      %lt3A_115 = arith.cmpi slt, %select_n3A_100, %lt3A_114 : vector<16xi32>
      %and3A = arith.andi %ge3A_113, %lt3A_115 : vector<16xi1>
      %ge3A_116 = arith.constant -1 : i32
      %ge3A_117 = vector.broadcast %ge3A_116 : i32 to vector<16xi32>
      %ge3A_118 = arith.cmpi sge, %select_n3A_100, %ge3A_117 : vector<16xi32>
      %lt3A_119 = arith.constant 223 : i32
      %lt3A_120 = vector.broadcast %lt3A_119 : i32 to vector<16xi32>
      %lt3A_121 = arith.cmpi slt, %select_n3A_100, %lt3A_120 : vector<16xi32>
      %and3A_122 = arith.andi %ge3A_118, %lt3A_121 : vector<16xi1>
      %ge3A_123 = arith.constant 0 : i32
      %ge3A_124 = vector.broadcast %ge3A_123 : i32 to vector<16xi32>
      %ge3A_125 = arith.cmpi sge, %select_n3A_107, %ge3A_124 : vector<16xi32>
      %lt3A_126 = arith.constant 224 : i32
      %lt3A_127 = vector.broadcast %lt3A_126 : i32 to vector<16xi32>
      %lt3A_128 = arith.cmpi slt, %select_n3A_107, %lt3A_127 : vector<16xi32>
      %and3A_129 = arith.andi %ge3A_125, %lt3A_128 : vector<16xi1>
      %ge3A_130 = arith.constant -1 : i32
      %ge3A_131 = vector.broadcast %ge3A_130 : i32 to vector<16xi32>
      %ge3A_132 = arith.cmpi sge, %select_n3A_107, %ge3A_131 : vector<16xi32>
      %lt3A_133 = arith.constant 223 : i32
      %lt3A_134 = vector.broadcast %lt3A_133 : i32 to vector<16xi32>
      %lt3A_135 = arith.cmpi slt, %select_n3A_107, %lt3A_134 : vector<16xi32>
      %and3A_136 = arith.andi %ge3A_132, %lt3A_135 : vector<16xi1>
      %jit3A_137 = arith.constant 0 : i32
      %jit3A_138 = arith.constant 223 : i32
      %max3A = vector.broadcast %jit3A_137 : i32 to vector<16xi32>
      %max3A_139 = arith.maxsi %max3A, %select_n3A_100 : vector<16xi32>
      %min3A = vector.broadcast %jit3A_138 : i32 to vector<16xi32>
      %min3A_140 = arith.minsi %min3A, %max3A_139 : vector<16xi32>
      %add3A_141 = arith.constant 1 : i32
      %add3A_142 = vector.broadcast %add3A_141 : i32 to vector<16xi32>
      %add3A_143 = arith.addi %select_n3A_100, %add3A_142 : vector<16xi32>
      %jit3A_144 = arith.constant 0 : i32
      %jit3A_145 = arith.constant 223 : i32
      %max3A_146 = vector.broadcast %jit3A_144 : i32 to vector<16xi32>
      %max3A_147 = arith.maxsi %max3A_146, %add3A_143 : vector<16xi32>
      %min3A_148 = vector.broadcast %jit3A_145 : i32 to vector<16xi32>
      %min3A_149 = arith.minsi %min3A_148, %max3A_147 : vector<16xi32>
      %jit3A_150 = arith.constant 0 : i32
      %jit3A_151 = arith.constant 223 : i32
      %max3A_152 = vector.broadcast %jit3A_150 : i32 to vector<16xi32>
      %max3A_153 = arith.maxsi %max3A_152, %select_n3A_107 : vector<16xi32>
      %min3A_154 = vector.broadcast %jit3A_151 : i32 to vector<16xi32>
      %min3A_155 = arith.minsi %min3A_154, %max3A_153 : vector<16xi32>
      %add3A_156 = arith.constant 1 : i32
      %add3A_157 = vector.broadcast %add3A_156 : i32 to vector<16xi32>
      %add3A_158 = arith.addi %select_n3A_107, %add3A_157 : vector<16xi32>
      %jit3A_159 = arith.constant 0 : i32
      %jit3A_160 = arith.constant 223 : i32
      %max3A_161 = vector.broadcast %jit3A_159 : i32 to vector<16xi32>
      %max3A_162 = arith.maxsi %max3A_161, %add3A_158 : vector<16xi32>
      %min3A_163 = vector.broadcast %jit3A_160 : i32 to vector<16xi32>
      %min3A_164 = arith.minsi %min3A_163, %max3A_162 : vector<16xi32>
      %and3A_165 = arith.andi %and3A, %and3A_129 : vector<16xi1>
      %sub3A_166 = arith.constant 1.000000e+00 : f32
      %sub3A_167 = vector.broadcast %sub3A_166 : f32 to vector<16xf32>
      %sub3A_168 = arith.subf %sub3A_167, %sub3A_109 : vector<16xf32>
      %sub3A_169 = arith.constant 1.000000e+00 : f32
      %sub3A_170 = vector.broadcast %sub3A_169 : f32 to vector<16xf32>
      %sub3A_171 = arith.subf %sub3A_170, %sub3A_111 : vector<16xf32>
      %mul3A_172 = arith.mulf %sub3A_168, %sub3A_171 : vector<16xf32>
      %jit3A_173 = arith.constant 0.000000e+00 : f32
      %broadcast_in_dim3A_174 = vector.broadcast %jit3A_173 : f32 to vector<16xf32>
      %select_n3A_175 = arith.select %and3A_165, %mul3A_172, %broadcast_in_dim3A_174 : vector<16xi1>, vector<16xf32>
      %and3A_176 = arith.andi %and3A, %and3A_136 : vector<16xi1>
      %sub3A_177 = arith.constant 1.000000e+00 : f32
      %sub3A_178 = vector.broadcast %sub3A_177 : f32 to vector<16xf32>
      %sub3A_179 = arith.subf %sub3A_178, %sub3A_109 : vector<16xf32>
      %mul3A_180 = arith.mulf %sub3A_179, %sub3A_111 : vector<16xf32>
      %jit3A_181 = arith.constant 0.000000e+00 : f32
      %broadcast_in_dim3A_182 = vector.broadcast %jit3A_181 : f32 to vector<16xf32>
      %select_n3A_183 = arith.select %and3A_176, %mul3A_180, %broadcast_in_dim3A_182 : vector<16xi1>, vector<16xf32>
      %and3A_184 = arith.andi %and3A_122, %and3A_129 : vector<16xi1>
      %sub3A_185 = arith.constant 1.000000e+00 : f32
      %sub3A_186 = vector.broadcast %sub3A_185 : f32 to vector<16xf32>
      %sub3A_187 = arith.subf %sub3A_186, %sub3A_111 : vector<16xf32>
      %mul3A_188 = arith.mulf %sub3A_109, %sub3A_187 : vector<16xf32>
      %jit3A_189 = arith.constant 0.000000e+00 : f32
      %broadcast_in_dim3A_190 = vector.broadcast %jit3A_189 : f32 to vector<16xf32>
      %select_n3A_191 = arith.select %and3A_184, %mul3A_188, %broadcast_in_dim3A_190 : vector<16xi1>, vector<16xf32>
      %and3A_192 = arith.andi %and3A_122, %and3A_136 : vector<16xi1>
      %mul3A_193 = arith.mulf %sub3A_109, %sub3A_111 : vector<16xf32>
      %jit3A_194 = arith.constant 0.000000e+00 : f32
      %broadcast_in_dim3A_195 = vector.broadcast %jit3A_194 : f32 to vector<16xf32>
      %select_n3A_196 = arith.select %and3A_192, %mul3A_193, %broadcast_in_dim3A_195 : vector<16xi1>, vector<16xf32>
      %gather3A_197 = tpu.vector_load_idx %arg7[%min3A_140, %min3A_155] : memref<224x224xf32, #tpu.memory_space<vmem>>[vector<16xi32>, vector<16xi32>], vector<16xf32>,
      %gather3A_198 = tpu.vector_load_idx %arg7[%min3A_140, %min3A_164] : memref<224x224xf32, #tpu.memory_space<vmem>>[vector<16xi32>, vector<16xi32>], vector<16xf32>,
      %gather3A_199 = tpu.vector_load_idx %arg7[%min3A_149, %min3A_155] : memref<224x224xf32, #tpu.memory_space<vmem>>[vector<16xi32>, vector<16xi32>], vector<16xf32>,
      %gather3A_200 = tpu.vector_load_idx %arg7[%min3A_149, %min3A_164] : memref<224x224xf32, #tpu.memory_space<vmem>>[vector<16xi32>, vector<16xi32>], vector<16xf32>,
      %mul3A_201 = arith.mulf %select_n3A_175, %gather3A_197 : vector<16xf32>
      %mul3A_202 = arith.mulf %select_n3A_183, %gather3A_198 : vector<16xf32>
      %add3A_203 = arith.addf %mul3A_201, %mul3A_202 : vector<16xf32>
      %mul3A_204 = arith.mulf %select_n3A_191, %gather3A_199 : vector<16xf32>
      %add3A_205 = arith.addf %add3A_203, %mul3A_204 : vector<16xf32>
      %mul3A_206 = arith.mulf %select_n3A_196, %gather3A_200 : vector<16xf32>
      %add3A_207 = arith.addf %add3A_205, %mul3A_206 : vector<16xf32>
      %add3A_208 = arith.addf %broadcast_in_dim3A_79, %add3A_207 : vector<16xf32>
      %add3A_209 = arith.constant 800 : i32
      %add3A_210 = arith.addi %add3A_209, %mul3A_70 : i32
      %get3A_211 = arith.index_cast %add3A_210 : i32 to index
      %get3A_212 = tpu.vector_load %arg8[%get3A_211] {strides = array<i32>} : memref<8000xf32, #tpu.memory_space<vmem>>, vector<16xf32>,
      %add3A_213 = arith.constant 1200 : i32
      %add3A_214 = arith.addi %add3A_213, %mul3A_70 : i32
      %get3A_215 = arith.index_cast %add3A_214 : i32 to index
      %get3A_216 = tpu.vector_load %arg8[%get3A_215] {strides = array<i32>} : memref<8000xf32, #tpu.memory_space<vmem>>, vector<16xf32>,
      %add3A_217 = arith.constant 0.000000e+00 : f32
      %add3A_218 = vector.broadcast %add3A_217 : f32 to vector<16xf32>
      %add3A_219 = arith.addf %get3A_73, %add3A_218 : vector<16xf32>
      %add3A_220 = arith.addf %add3A_219, %get3A_212 : vector<16xf32>
      %add3A_221 = arith.constant 1.000000e+00 : f32
      %add3A_222 = vector.broadcast %add3A_221 : f32 to vector<16xf32>
      %add3A_223 = arith.addf %get3A_77, %add3A_222 : vector<16xf32>
      %add3A_224 = arith.addf %add3A_223, %get3A_216 : vector<16xf32>
      %convert_element_type3A_225 = arith.fptosi %add3A_220 : vector<16xf32> to vector<16xi32>
      %convert_element_type3A_226 = arith.sitofp %convert_element_type3A_225 : vector<16xi32> to vector<16xf32>
      %gt3A_227 = arith.cmpf ogt, %convert_element_type3A_226, %add3A_220 : vector<16xf32>
      %sub3A_228 = arith.constant 1 : i32
      %sub3A_229 = vector.broadcast %sub3A_228 : i32 to vector<16xi32>
      %sub3A_230 = arith.subi %convert_element_type3A_225, %sub3A_229 : vector<16xi32>
      %select_n3A_231 = arith.select %gt3A_227, %sub3A_230, %convert_element_type3A_225 : vector<16xi1>, vector<16xi32>
      %convert_element_type3A_232 = arith.fptosi %add3A_224 : vector<16xf32> to vector<16xi32>
      %convert_element_type3A_233 = arith.sitofp %convert_element_type3A_232 : vector<16xi32> to vector<16xf32>
      %gt3A_234 = arith.cmpf ogt, %convert_element_type3A_233, %add3A_224 : vector<16xf32>
      %sub3A_235 = arith.constant 1 : i32
      %sub3A_236 = vector.broadcast %sub3A_235 : i32 to vector<16xi32>
      %sub3A_237 = arith.subi %convert_element_type3A_232, %sub3A_236 : vector<16xi32>
      %select_n3A_238 = arith.select %gt3A_234, %sub3A_237, %convert_element_type3A_232 : vector<16xi1>, vector<16xi32>
      %convert_element_type3A_239 = arith.sitofp %select_n3A_231 : vector<16xi32> to vector<16xf32>
      %sub3A_240 = arith.subf %add3A_220, %convert_element_type3A_239 : vector<16xf32>
      %convert_element_type3A_241 = arith.sitofp %select_n3A_238 : vector<16xi32> to vector<16xf32>
      %sub3A_242 = arith.subf %add3A_224, %convert_element_type3A_241 : vector<16xf32>
      %ge3A_243 = arith.constant 0 : i32
      %ge3A_244 = vector.broadcast %ge3A_243 : i32 to vector<16xi32>
      %ge3A_245 = arith.cmpi sge, %select_n3A_231, %ge3A_244 : vector<16xi32>
      %lt3A_246 = arith.constant 224 : i32
      %lt3A_247 = vector.broadcast %lt3A_246 : i32 to vector<16xi32>
      %lt3A_248 = arith.cmpi slt, %select_n3A_231, %lt3A_247 : vector<16xi32>
      %and3A_249 = arith.andi %ge3A_245, %lt3A_248 : vector<16xi1>
      %ge3A_250 = arith.constant -1 : i32
      %ge3A_251 = vector.broadcast %ge3A_250 : i32 to vector<16xi32>
      %ge3A_252 = arith.cmpi sge, %select_n3A_231, %ge3A_251 : vector<16xi32>
      %lt3A_253 = arith.constant 223 : i32
      %lt3A_254 = vector.broadcast %lt3A_253 : i32 to vector<16xi32>
      %lt3A_255 = arith.cmpi slt, %select_n3A_231, %lt3A_254 : vector<16xi32>
      %and3A_256 = arith.andi %ge3A_252, %lt3A_255 : vector<16xi1>
      %ge3A_257 = arith.constant 0 : i32
      %ge3A_258 = vector.broadcast %ge3A_257 : i32 to vector<16xi32>
      %ge3A_259 = arith.cmpi sge, %select_n3A_238, %ge3A_258 : vector<16xi32>
      %lt3A_260 = arith.constant 224 : i32
      %lt3A_261 = vector.broadcast %lt3A_260 : i32 to vector<16xi32>
      %lt3A_262 = arith.cmpi slt, %select_n3A_238, %lt3A_261 : vector<16xi32>
      %and3A_263 = arith.andi %ge3A_259, %lt3A_262 : vector<16xi1>
      %ge3A_264 = arith.constant -1 : i32
      %ge3A_265 = vector.broadcast %ge3A_264 : i32 to vector<16xi32>
      %ge3A_266 = arith.cmpi sge, %select_n3A_238, %ge3A_265 : vector<16xi32>
      %lt3A_267 = arith.constant 223 : i32
      %lt3A_268 = vector.broadcast %lt3A_267 : i32 to vector<16xi32>
      %lt3A_269 = arith.cmpi slt, %select_n3A_238, %lt3A_268 : vector<16xi32>
      %and3A_270 = arith.andi %ge3A_266, %lt3A_269 : vector<16xi1>
      %jit3A_271 = arith.constant 0 : i32
      %jit3A_272 = arith.constant 223 : i32
      %max3A_273 = vector.broadcast %jit3A_271 : i32 to vector<16xi32>
      %max3A_274 = arith.maxsi %max3A_273, %select_n3A_231 : vector<16xi32>
      %min3A_275 = vector.broadcast %jit3A_272 : i32 to vector<16xi32>
      %min3A_276 = arith.minsi %min3A_275, %max3A_274 : vector<16xi32>
      %add3A_277 = arith.constant 1 : i32
      %add3A_278 = vector.broadcast %add3A_277 : i32 to vector<16xi32>
      %add3A_279 = arith.addi %select_n3A_231, %add3A_278 : vector<16xi32>
      %jit3A_280 = arith.constant 0 : i32
      %jit3A_281 = arith.constant 223 : i32
      %max3A_282 = vector.broadcast %jit3A_280 : i32 to vector<16xi32>
      %max3A_283 = arith.maxsi %max3A_282, %add3A_279 : vector<16xi32>
      %min3A_284 = vector.broadcast %jit3A_281 : i32 to vector<16xi32>
      %min3A_285 = arith.minsi %min3A_284, %max3A_283 : vector<16xi32>
      %jit3A_286 = arith.constant 0 : i32
      %jit3A_287 = arith.constant 223 : i32
      %max3A_288 = vector.broadcast %jit3A_286 : i32 to vector<16xi32>
      %max3A_289 = arith.maxsi %max3A_288, %select_n3A_238 : vector<16xi32>
      %min3A_290 = vector.broadcast %jit3A_287 : i32 to vector<16xi32>
      %min3A_291 = arith.minsi %min3A_290, %max3A_289 : vector<16xi32>
      %add3A_292 = arith.constant 1 : i32
      %add3A_293 = vector.broadcast %add3A_292 : i32 to vector<16xi32>
      %add3A_294 = arith.addi %select_n3A_238, %add3A_293 : vector<16xi32>
      %jit3A_295 = arith.constant 0 : i32
      %jit3A_296 = arith.constant 223 : i32
      %max3A_297 = vector.broadcast %jit3A_295 : i32 to vector<16xi32>
      %max3A_298 = arith.maxsi %max3A_297, %add3A_294 : vector<16xi32>
      %min3A_299 = vector.broadcast %jit3A_296 : i32 to vector<16xi32>
      %min3A_300 = arith.minsi %min3A_299, %max3A_298 : vector<16xi32>
      %and3A_301 = arith.andi %and3A_249, %and3A_263 : vector<16xi1>
      %sub3A_302 = arith.constant 1.000000e+00 : f32
      %sub3A_303 = vector.broadcast %sub3A_302 : f32 to vector<16xf32>
      %sub3A_304 = arith.subf %sub3A_303, %sub3A_240 : vector<16xf32>
      %sub3A_305 = arith.constant 1.000000e+00 : f32
      %sub3A_306 = vector.broadcast %sub3A_305 : f32 to vector<16xf32>
      %sub3A_307 = arith.subf %sub3A_306, %sub3A_242 : vector<16xf32>
      %mul3A_308 = arith.mulf %sub3A_304, %sub3A_307 : vector<16xf32>
      %jit3A_309 = arith.constant 0.000000e+00 : f32
      %broadcast_in_dim3A_310 = vector.broadcast %jit3A_309 : f32 to vector<16xf32>
      %select_n3A_311 = arith.select %and3A_301, %mul3A_308, %broadcast_in_dim3A_310 : vector<16xi1>, vector<16xf32>
      %and3A_312 = arith.andi %and3A_249, %and3A_270 : vector<16xi1>
      %sub3A_313 = arith.constant 1.000000e+00 : f32
      %sub3A_314 = vector.broadcast %sub3A_313 : f32 to vector<16xf32>
      %sub3A_315 = arith.subf %sub3A_314, %sub3A_240 : vector<16xf32>
      %mul3A_316 = arith.mulf %sub3A_315, %sub3A_242 : vector<16xf32>
      %jit3A_317 = arith.constant 0.000000e+00 : f32
      %broadcast_in_dim3A_318 = vector.broadcast %jit3A_317 : f32 to vector<16xf32>
      %select_n3A_319 = arith.select %and3A_312, %mul3A_316, %broadcast_in_dim3A_318 : vector<16xi1>, vector<16xf32>
      %and3A_320 = arith.andi %and3A_256, %and3A_263 : vector<16xi1>
      %sub3A_321 = arith.constant 1.000000e+00 : f32
      %sub3A_322 = vector.broadcast %sub3A_321 : f32 to vector<16xf32>
      %sub3A_323 = arith.subf %sub3A_322, %sub3A_242 : vector<16xf32>
      %mul3A_324 = arith.mulf %sub3A_240, %sub3A_323 : vector<16xf32>
      %jit3A_325 = arith.constant 0.000000e+00 : f32
      %broadcast_in_dim3A_326 = vector.broadcast %jit3A_325 : f32 to vector<16xf32>
      %select_n3A_327 = arith.select %and3A_320, %mul3A_324, %broadcast_in_dim3A_326 : vector<16xi1>, vector<16xf32>
      %and3A_328 = arith.andi %and3A_256, %and3A_270 : vector<16xi1>
      %mul3A_329 = arith.mulf %sub3A_240, %sub3A_242 : vector<16xf32>
      %jit3A_330 = arith.constant 0.000000e+00 : f32
      %broadcast_in_dim3A_331 = vector.broadcast %jit3A_330 : f32 to vector<16xf32>
      %select_n3A_332 = arith.select %and3A_328, %mul3A_329, %broadcast_in_dim3A_331 : vector<16xi1>, vector<16xf32>
      %gather3A_333 = tpu.vector_load_idx %arg7[%min3A_276, %min3A_291] : memref<224x224xf32, #tpu.memory_space<vmem>>[vector<16xi32>, vector<16xi32>], vector<16xf32>,
      %gather3A_334 = tpu.vector_load_idx %arg7[%min3A_276, %min3A_300] : memref<224x224xf32, #tpu.memory_space<vmem>>[vector<16xi32>, vector<16xi32>], vector<16xf32>,
      %gather3A_335 = tpu.vector_load_idx %arg7[%min3A_285, %min3A_291] : memref<224x224xf32, #tpu.memory_space<vmem>>[vector<16xi32>, vector<16xi32>], vector<16xf32>,
      %gather3A_336 = tpu.vector_load_idx %arg7[%min3A_285, %min3A_300] : memref<224x224xf32, #tpu.memory_space<vmem>>[vector<16xi32>, vector<16xi32>], vector<16xf32>,
      %mul3A_337 = arith.mulf %select_n3A_311, %gather3A_333 : vector<16xf32>
      %mul3A_338 = arith.mulf %select_n3A_319, %gather3A_334 : vector<16xf32>
      %add3A_339 = arith.addf %mul3A_337, %mul3A_338 : vector<16xf32>
      %mul3A_340 = arith.mulf %select_n3A_327, %gather3A_335 : vector<16xf32>
      %add3A_341 = arith.addf %add3A_339, %mul3A_340 : vector<16xf32>
      %mul3A_342 = arith.mulf %select_n3A_332, %gather3A_336 : vector<16xf32>
      %add3A_343 = arith.addf %add3A_341, %mul3A_342 : vector<16xf32>
      %add3A_344 = arith.addf %add3A_208, %add3A_343 : vector<16xf32>
      %add3A_345 = arith.constant 1600 : i32
      %add3A_346 = arith.addi %add3A_345, %mul3A_70 : i32
      %get3A_347 = arith.index_cast %add3A_346 : i32 to index
      %get3A_348 = tpu.vector_load %arg8[%get3A_347] {strides = array<i32>} : memref<8000xf32, #tpu.memory_space<vmem>>, vector<16xf32>,
      %add3A_349 = arith.constant 2000 : i32
      %add3A_350 = arith.addi %add3A_349, %mul3A_70 : i32
      %get3A_351 = arith.index_cast %add3A_350 : i32 to index
      %get3A_352 = tpu.vector_load %arg8[%get3A_351] {strides = array<i32>} : memref<8000xf32, #tpu.memory_space<vmem>>, vector<16xf32>,
      %add3A_353 = arith.constant 0.000000e+00 : f32
      %add3A_354 = vector.broadcast %add3A_353 : f32 to vector<16xf32>
      %add3A_355 = arith.addf %get3A_73, %add3A_354 : vector<16xf32>
      %add3A_356 = arith.addf %add3A_355, %get3A_348 : vector<16xf32>
      %add3A_357 = arith.constant 2.000000e+00 : f32
      %add3A_358 = vector.broadcast %add3A_357 : f32 to vector<16xf32>
      %add3A_359 = arith.addf %get3A_77, %add3A_358 : vector<16xf32>
      %add3A_360 = arith.addf %add3A_359, %get3A_352 : vector<16xf32>
      %convert_element_type3A_361 = arith.fptosi %add3A_356 : vector<16xf32> to vector<16xi32>
      %convert_element_type3A_362 = arith.sitofp %convert_element_type3A_361 : vector<16xi32> to vector<16xf32>
      %gt3A_363 = arith.cmpf ogt, %convert_element_type3A_362, %add3A_356 : vector<16xf32>
      %sub3A_364 = arith.constant 1 : i32
      %sub3A_365 = vector.broadcast %sub3A_364 : i32 to vector<16xi32>
      %sub3A_366 = arith.subi %convert_element_type3A_361, %sub3A_365 : vector<16xi32>
      %select_n3A_367 = arith.select %gt3A_363, %sub3A_366, %convert_element_type3A_361 : vector<16xi1>, vector<16xi32>
      %convert_element_type3A_368 = arith.fptosi %add3A_360 : vector<16xf32> to vector<16xi32>
      %convert_element_type3A_369 = arith.sitofp %convert_element_type3A_368 : vector<16xi32> to vector<16xf32>
      %gt3A_370 = arith.cmpf ogt, %convert_element_type3A_369, %add3A_360 : vector<16xf32>
      %sub3A_371 = arith.constant 1 : i32
      %sub3A_372 = vector.broadcast %sub3A_371 : i32 to vector<16xi32>
      %sub3A_373 = arith.subi %convert_element_type3A_368, %sub3A_372 : vector<16xi32>
      %select_n3A_374 = arith.select %gt3A_370, %sub3A_373, %convert_element_type3A_368 : vector<16xi1>, vector<16xi32>
      %convert_element_type3A_375 = arith.sitofp %select_n3A_367 : vector<16xi32> to vector<16xf32>
      %sub3A_376 = arith.subf %add3A_356, %convert_element_type3A_375 : vector<16xf32>
      %convert_element_type3A_377 = arith.sitofp %select_n3A_374 : vector<16xi32> to vector<16xf32>
      %sub3A_378 = arith.subf %add3A_360, %convert_element_type3A_377 : vector<16xf32>
      %ge3A_379 = arith.constant 0 : i32
      %ge3A_380 = vector.broadcast %ge3A_379 : i32 to vector<16xi32>
      %ge3A_381 = arith.cmpi sge, %select_n3A_367, %ge3A_380 : vector<16xi32>
      %lt3A_382 = arith.constant 224 : i32
      %lt3A_383 = vector.broadcast %lt3A_382 : i32 to vector<16xi32>
      %lt3A_384 = arith.cmpi slt, %select_n3A_367, %lt3A_383 : vector<16xi32>
      %and3A_385 = arith.andi %ge3A_381, %lt3A_384 : vector<16xi1>
      %ge3A_386 = arith.constant -1 : i32
      %ge3A_387 = vector.broadcast %ge3A_386 : i32 to vector<16xi32>
      %ge3A_388 = arith.cmpi sge, %select_n3A_367, %ge3A_387 : vector<16xi32>
      %lt3A_389 = arith.constant 223 : i32
      %lt3A_390 = vector.broadcast %lt3A_389 : i32 to vector<16xi32>
      %lt3A_391 = arith.cmpi slt, %select_n3A_367, %lt3A_390 : vector<16xi32>
      %and3A_392 = arith.andi %ge3A_388, %lt3A_391 : vector<16xi1>
      %ge3A_393 = arith.constant 0 : i32
      %ge3A_394 = vector.broadcast %ge3A_393 : i32 to vector<16xi32>
      %ge3A_395 = arith.cmpi sge, %select_n3A_374, %ge3A_394 : vector<16xi32>
      %lt3A_396 = arith.constant 224 : i32
      %lt3A_397 = vector.broadcast %lt3A_396 : i32 to vector<16xi32>
      %lt3A_398 = arith.cmpi slt, %select_n3A_374, %lt3A_397 : vector<16xi32>
      %and3A_399 = arith.andi %ge3A_395, %lt3A_398 : vector<16xi1>
      %ge3A_400 = arith.constant -1 : i32
      %ge3A_401 = vector.broadcast %ge3A_400 : i32 to vector<16xi32>
      %ge3A_402 = arith.cmpi sge, %select_n3A_374, %ge3A_401 : vector<16xi32>
      %lt3A_403 = arith.constant 223 : i32
      %lt3A_404 = vector.broadcast %lt3A_403 : i32 to vector<16xi32>
      %lt3A_405 = arith.cmpi slt, %select_n3A_374, %lt3A_404 : vector<16xi32>
      %and3A_406 = arith.andi %ge3A_402, %lt3A_405 : vector<16xi1>
      %jit3A_407 = arith.constant 0 : i32
      %jit3A_408 = arith.constant 223 : i32
      %max3A_409 = vector.broadcast %jit3A_407 : i32 to vector<16xi32>
      %max3A_410 = arith.maxsi %max3A_409, %select_n3A_367 : vector<16xi32>
      %min3A_411 = vector.broadcast %jit3A_408 : i32 to vector<16xi32>
      %min3A_412 = arith.minsi %min3A_411, %max3A_410 : vector<16xi32>
      %add3A_413 = arith.constant 1 : i32
      %add3A_414 = vector.broadcast %add3A_413 : i32 to vector<16xi32>
      %add3A_415 = arith.addi %select_n3A_367, %add3A_414 : vector<16xi32>
      %jit3A_416 = arith.constant 0 : i32
      %jit3A_417 = arith.constant 223 : i32
      %max3A_418 = vector.broadcast %jit3A_416 : i32 to vector<16xi32>
      %max3A_419 = arith.maxsi %max3A_418, %add3A_415 : vector<16xi32>
      %min3A_420 = vector.broadcast %jit3A_417 : i32 to vector<16xi32>
      %min3A_421 = arith.minsi %min3A_420, %max3A_419 : vector<16xi32>
      %jit3A_422 = arith.constant 0 : i32
      %jit3A_423 = arith.constant 223 : i32
      %max3A_424 = vector.broadcast %jit3A_422 : i32 to vector<16xi32>
      %max3A_425 = arith.maxsi %max3A_424, %select_n3A_374 : vector<16xi32>
      %min3A_426 = vector.broadcast %jit3A_423 : i32 to vector<16xi32>
      %min3A_427 = arith.minsi %min3A_426, %max3A_425 : vector<16xi32>
      %add3A_428 = arith.constant 1 : i32
      %add3A_429 = vector.broadcast %add3A_428 : i32 to vector<16xi32>
      %add3A_430 = arith.addi %select_n3A_374, %add3A_429 : vector<16xi32>
      %jit3A_431 = arith.constant 0 : i32
      %jit3A_432 = arith.constant 223 : i32
      %max3A_433 = vector.broadcast %jit3A_431 : i32 to vector<16xi32>
      %max3A_434 = arith.maxsi %max3A_433, %add3A_430 : vector<16xi32>
      %min3A_435 = vector.broadcast %jit3A_432 : i32 to vector<16xi32>
      %min3A_436 = arith.minsi %min3A_435, %max3A_434 : vector<16xi32>
      %and3A_437 = arith.andi %and3A_385, %and3A_399 : vector<16xi1>
      %sub3A_438 = arith.constant 1.000000e+00 : f32
      %sub3A_439 = vector.broadcast %sub3A_438 : f32 to vector<16xf32>
      %sub3A_440 = arith.subf %sub3A_439, %sub3A_376 : vector<16xf32>
      %sub3A_441 = arith.constant 1.000000e+00 : f32
      %sub3A_442 = vector.broadcast %sub3A_441 : f32 to vector<16xf32>
      %sub3A_443 = arith.subf %sub3A_442, %sub3A_378 : vector<16xf32>
      %mul3A_444 = arith.mulf %sub3A_440, %sub3A_443 : vector<16xf32>
      %jit3A_445 = arith.constant 0.000000e+00 : f32
      %broadcast_in_dim3A_446 = vector.broadcast %jit3A_445 : f32 to vector<16xf32>
      %select_n3A_447 = arith.select %and3A_437, %mul3A_444, %broadcast_in_dim3A_446 : vector<16xi1>, vector<16xf32>
      %and3A_448 = arith.andi %and3A_385, %and3A_406 : vector<16xi1>
      %sub3A_449 = arith.constant 1.000000e+00 : f32
      %sub3A_450 = vector.broadcast %sub3A_449 : f32 to vector<16xf32>
      %sub3A_451 = arith.subf %sub3A_450, %sub3A_376 : vector<16xf32>
      %mul3A_452 = arith.mulf %sub3A_451, %sub3A_378 : vector<16xf32>
      %jit3A_453 = arith.constant 0.000000e+00 : f32
      %broadcast_in_dim3A_454 = vector.broadcast %jit3A_453 : f32 to vector<16xf32>
      %select_n3A_455 = arith.select %and3A_448, %mul3A_452, %broadcast_in_dim3A_454 : vector<16xi1>, vector<16xf32>
      %and3A_456 = arith.andi %and3A_392, %and3A_399 : vector<16xi1>
      %sub3A_457 = arith.constant 1.000000e+00 : f32
      %sub3A_458 = vector.broadcast %sub3A_457 : f32 to vector<16xf32>
      %sub3A_459 = arith.subf %sub3A_458, %sub3A_378 : vector<16xf32>
      %mul3A_460 = arith.mulf %sub3A_376, %sub3A_459 : vector<16xf32>
      %jit3A_461 = arith.constant 0.000000e+00 : f32
      %broadcast_in_dim3A_462 = vector.broadcast %jit3A_461 : f32 to vector<16xf32>
      %select_n3A_463 = arith.select %and3A_456, %mul3A_460, %broadcast_in_dim3A_462 : vector<16xi1>, vector<16xf32>
      %and3A_464 = arith.andi %and3A_392, %and3A_406 : vector<16xi1>
      %mul3A_465 = arith.mulf %sub3A_376, %sub3A_378 : vector<16xf32>
      %jit3A_466 = arith.constant 0.000000e+00 : f32
      %broadcast_in_dim3A_467 = vector.broadcast %jit3A_466 : f32 to vector<16xf32>
      %select_n3A_468 = arith.select %and3A_464, %mul3A_465, %broadcast_in_dim3A_467 : vector<16xi1>, vector<16xf32>
      %gather3A_469 = tpu.vector_load_idx %arg7[%min3A_412, %min3A_427] : memref<224x224xf32, #tpu.memory_space<vmem>>[vector<16xi32>, vector<16xi32>], vector<16xf32>,
      %gather3A_470 = tpu.vector_load_idx %arg7[%min3A_412, %min3A_436] : memref<224x224xf32, #tpu.memory_space<vmem>>[vector<16xi32>, vector<16xi32>], vector<16xf32>,
      %gather3A_471 = tpu.vector_load_idx %arg7[%min3A_421, %min3A_427] : memref<224x224xf32, #tpu.memory_space<vmem>>[vector<16xi32>, vector<16xi32>], vector<16xf32>,
      %gather3A_472 = tpu.vector_load_idx %arg7[%min3A_421, %min3A_436] : memref<224x224xf32, #tpu.memory_space<vmem>>[vector<16xi32>, vector<16xi32>], vector<16xf32>,
      %mul3A_473 = arith.mulf %select_n3A_447, %gather3A_469 : vector<16xf32>
      %mul3A_474 = arith.mulf %select_n3A_455, %gather3A_470 : vector<16xf32>
      %add3A_475 = arith.addf %mul3A_473, %mul3A_474 : vector<16xf32>
      %mul3A_476 = arith.mulf %select_n3A_463, %gather3A_471 : vector<16xf32>
      %add3A_477 = arith.addf %add3A_475, %mul3A_476 : vector<16xf32>
      %mul3A_478 = arith.mulf %select_n3A_468, %gather3A_472 : vector<16xf32>
      %add3A_479 = arith.addf %add3A_477, %mul3A_478 : vector<16xf32>
      %add3A_480 = arith.addf %add3A_344, %add3A_479 : vector<16xf32>
      %add3A_481 = arith.constant 2400 : i32
      %add3A_482 = arith.addi %add3A_481, %mul3A_70 : i32
      %get3A_483 = arith.index_cast %add3A_482 : i32 to index
      %get3A_484 = tpu.vector_load %arg8[%get3A_483] {strides = array<i32>} : memref<8000xf32, #tpu.memory_space<vmem>>, vector<16xf32>,
      %add3A_485 = arith.constant 2800 : i32
      %add3A_486 = arith.addi %add3A_485, %mul3A_70 : i32
      %get3A_487 = arith.index_cast %add3A_486 : i32 to index
      %get3A_488 = tpu.vector_load %arg8[%get3A_487] {strides = array<i32>} : memref<8000xf32, #tpu.memory_space<vmem>>, vector<16xf32>,
      %add3A_489 = arith.constant 1.000000e+00 : f32
      %add3A_490 = vector.broadcast %add3A_489 : f32 to vector<16xf32>
      %add3A_491 = arith.addf %get3A_73, %add3A_490 : vector<16xf32>
      %add3A_492 = arith.addf %add3A_491, %get3A_484 : vector<16xf32>
      %add3A_493 = arith.constant 0.000000e+00 : f32
      %add3A_494 = vector.broadcast %add3A_493 : f32 to vector<16xf32>
      %add3A_495 = arith.addf %get3A_77, %add3A_494 : vector<16xf32>
      %add3A_496 = arith.addf %add3A_495, %get3A_488 : vector<16xf32>
      %convert_element_type3A_497 = arith.fptosi %add3A_492 : vector<16xf32> to vector<16xi32>
      %convert_element_type3A_498 = arith.sitofp %convert_element_type3A_497 : vector<16xi32> to vector<16xf32>
      %gt3A_499 = arith.cmpf ogt, %convert_element_type3A_498, %add3A_492 : vector<16xf32>
      %sub3A_500 = arith.constant 1 : i32
      %sub3A_501 = vector.broadcast %sub3A_500 : i32 to vector<16xi32>
      %sub3A_502 = arith.subi %convert_element_type3A_497, %sub3A_501 : vector<16xi32>
      %select_n3A_503 = arith.select %gt3A_499, %sub3A_502, %convert_element_type3A_497 : vector<16xi1>, vector<16xi32>
      %convert_element_type3A_504 = arith.fptosi %add3A_496 : vector<16xf32> to vector<16xi32>
      %convert_element_type3A_505 = arith.sitofp %convert_element_type3A_504 : vector<16xi32> to vector<16xf32>
      %gt3A_506 = arith.cmpf ogt, %convert_element_type3A_505, %add3A_496 : vector<16xf32>
      %sub3A_507 = arith.constant 1 : i32
      %sub3A_508 = vector.broadcast %sub3A_507 : i32 to vector<16xi32>
      %sub3A_509 = arith.subi %convert_element_type3A_504, %sub3A_508 : vector<16xi32>
      %select_n3A_510 = arith.select %gt3A_506, %sub3A_509, %convert_element_type3A_504 : vector<16xi1>, vector<16xi32>
      %convert_element_type3A_511 = arith.sitofp %select_n3A_503 : vector<16xi32> to vector<16xf32>
      %sub3A_512 = arith.subf %add3A_492, %convert_element_type3A_511 : vector<16xf32>
      %convert_element_type3A_513 = arith.sitofp %select_n3A_510 : vector<16xi32> to vector<16xf32>
      %sub3A_514 = arith.subf %add3A_496, %convert_element_type3A_513 : vector<16xf32>
      %ge3A_515 = arith.constant 0 : i32
      %ge3A_516 = vector.broadcast %ge3A_515 : i32 to vector<16xi32>
      %ge3A_517 = arith.cmpi sge, %select_n3A_503, %ge3A_516 : vector<16xi32>
      %lt3A_518 = arith.constant 224 : i32
      %lt3A_519 = vector.broadcast %lt3A_518 : i32 to vector<16xi32>
      %lt3A_520 = arith.cmpi slt, %select_n3A_503, %lt3A_519 : vector<16xi32>
      %and3A_521 = arith.andi %ge3A_517, %lt3A_520 : vector<16xi1>
      %ge3A_522 = arith.constant -1 : i32
      %ge3A_523 = vector.broadcast %ge3A_522 : i32 to vector<16xi32>
      %ge3A_524 = arith.cmpi sge, %select_n3A_503, %ge3A_523 : vector<16xi32>
      %lt3A_525 = arith.constant 223 : i32
      %lt3A_526 = vector.broadcast %lt3A_525 : i32 to vector<16xi32>
      %lt3A_527 = arith.cmpi slt, %select_n3A_503, %lt3A_526 : vector<16xi32>
      %and3A_528 = arith.andi %ge3A_524, %lt3A_527 : vector<16xi1>
      %ge3A_529 = arith.constant 0 : i32
      %ge3A_530 = vector.broadcast %ge3A_529 : i32 to vector<16xi32>
      %ge3A_531 = arith.cmpi sge, %select_n3A_510, %ge3A_530 : vector<16xi32>
      %lt3A_532 = arith.constant 224 : i32
      %lt3A_533 = vector.broadcast %lt3A_532 : i32 to vector<16xi32>
      %lt3A_534 = arith.cmpi slt, %select_n3A_510, %lt3A_533 : vector<16xi32>
      %and3A_535 = arith.andi %ge3A_531, %lt3A_534 : vector<16xi1>
      %ge3A_536 = arith.constant -1 : i32
      %ge3A_537 = vector.broadcast %ge3A_536 : i32 to vector<16xi32>
      %ge3A_538 = arith.cmpi sge, %select_n3A_510, %ge3A_537 : vector<16xi32>
      %lt3A_539 = arith.constant 223 : i32
      %lt3A_540 = vector.broadcast %lt3A_539 : i32 to vector<16xi32>
      %lt3A_541 = arith.cmpi slt, %select_n3A_510, %lt3A_540 : vector<16xi32>
      %and3A_542 = arith.andi %ge3A_538, %lt3A_541 : vector<16xi1>
      %jit3A_543 = arith.constant 0 : i32
      %jit3A_544 = arith.constant 223 : i32
      %max3A_545 = vector.broadcast %jit3A_543 : i32 to vector<16xi32>
      %max3A_546 = arith.maxsi %max3A_545, %select_n3A_503 : vector<16xi32>
      %min3A_547 = vector.broadcast %jit3A_544 : i32 to vector<16xi32>
      %min3A_548 = arith.minsi %min3A_547, %max3A_546 : vector<16xi32>
      %add3A_549 = arith.constant 1 : i32
      %add3A_550 = vector.broadcast %add3A_549 : i32 to vector<16xi32>
      %add3A_551 = arith.addi %select_n3A_503, %add3A_550 : vector<16xi32>
      %jit3A_552 = arith.constant 0 : i32
      %jit3A_553 = arith.constant 223 : i32
      %max3A_554 = vector.broadcast %jit3A_552 : i32 to vector<16xi32>
      %max3A_555 = arith.maxsi %max3A_554, %add3A_551 : vector<16xi32>
      %min3A_556 = vector.broadcast %jit3A_553 : i32 to vector<16xi32>
      %min3A_557 = arith.minsi %min3A_556, %max3A_555 : vector<16xi32>
      %jit3A_558 = arith.constant 0 : i32
      %jit3A_559 = arith.constant 223 : i32
      %max3A_560 = vector.broadcast %jit3A_558 : i32 to vector<16xi32>
      %max3A_561 = arith.maxsi %max3A_560, %select_n3A_510 : vector<16xi32>
      %min3A_562 = vector.broadcast %jit3A_559 : i32 to vector<16xi32>
      %min3A_563 = arith.minsi %min3A_562, %max3A_561 : vector<16xi32>
      %add3A_564 = arith.constant 1 : i32
      %add3A_565 = vector.broadcast %add3A_564 : i32 to vector<16xi32>
      %add3A_566 = arith.addi %select_n3A_510, %add3A_565 : vector<16xi32>
      %jit3A_567 = arith.constant 0 : i32
      %jit3A_568 = arith.constant 223 : i32
      %max3A_569 = vector.broadcast %jit3A_567 : i32 to vector<16xi32>
      %max3A_570 = arith.maxsi %max3A_569, %add3A_566 : vector<16xi32>
      %min3A_571 = vector.broadcast %jit3A_568 : i32 to vector<16xi32>
      %min3A_572 = arith.minsi %min3A_571, %max3A_570 : vector<16xi32>
      %and3A_573 = arith.andi %and3A_521, %and3A_535 : vector<16xi1>
      %sub3A_574 = arith.constant 1.000000e+00 : f32
      %sub3A_575 = vector.broadcast %sub3A_574 : f32 to vector<16xf32>
      %sub3A_576 = arith.subf %sub3A_575, %sub3A_512 : vector<16xf32>
      %sub3A_577 = arith.constant 1.000000e+00 : f32
      %sub3A_578 = vector.broadcast %sub3A_577 : f32 to vector<16xf32>
      %sub3A_579 = arith.subf %sub3A_578, %sub3A_514 : vector<16xf32>
      %mul3A_580 = arith.mulf %sub3A_576, %sub3A_579 : vector<16xf32>
      %jit3A_581 = arith.constant 0.000000e+00 : f32
      %broadcast_in_dim3A_582 = vector.broadcast %jit3A_581 : f32 to vector<16xf32>
      %select_n3A_583 = arith.select %and3A_573, %mul3A_580, %broadcast_in_dim3A_582 : vector<16xi1>, vector<16xf32>
      %and3A_584 = arith.andi %and3A_521, %and3A_542 : vector<16xi1>
      %sub3A_585 = arith.constant 1.000000e+00 : f32
      %sub3A_586 = vector.broadcast %sub3A_585 : f32 to vector<16xf32>
      %sub3A_587 = arith.subf %sub3A_586, %sub3A_512 : vector<16xf32>
      %mul3A_588 = arith.mulf %sub3A_587, %sub3A_514 : vector<16xf32>
      %jit3A_589 = arith.constant 0.000000e+00 : f32
      %broadcast_in_dim3A_590 = vector.broadcast %jit3A_589 : f32 to vector<16xf32>
      %select_n3A_591 = arith.select %and3A_584, %mul3A_588, %broadcast_in_dim3A_590 : vector<16xi1>, vector<16xf32>
      %and3A_592 = arith.andi %and3A_528, %and3A_535 : vector<16xi1>
      %sub3A_593 = arith.constant 1.000000e+00 : f32
      %sub3A_594 = vector.broadcast %sub3A_593 : f32 to vector<16xf32>
      %sub3A_595 = arith.subf %sub3A_594, %sub3A_514 : vector<16xf32>
      %mul3A_596 = arith.mulf %sub3A_512, %sub3A_595 : vector<16xf32>
      %jit3A_597 = arith.constant 0.000000e+00 : f32
      %broadcast_in_dim3A_598 = vector.broadcast %jit3A_597 : f32 to vector<16xf32>
      %select_n3A_599 = arith.select %and3A_592, %mul3A_596, %broadcast_in_dim3A_598 : vector<16xi1>, vector<16xf32>
      %and3A_600 = arith.andi %and3A_528, %and3A_542 : vector<16xi1>
      %mul3A_601 = arith.mulf %sub3A_512, %sub3A_514 : vector<16xf32>
      %jit3A_602 = arith.constant 0.000000e+00 : f32
      %broadcast_in_dim3A_603 = vector.broadcast %jit3A_602 : f32 to vector<16xf32>
      %select_n3A_604 = arith.select %and3A_600, %mul3A_601, %broadcast_in_dim3A_603 : vector<16xi1>, vector<16xf32>
      %gather3A_605 = tpu.vector_load_idx %arg7[%min3A_548, %min3A_563] : memref<224x224xf32, #tpu.memory_space<vmem>>[vector<16xi32>, vector<16xi32>], vector<16xf32>,
      %gather3A_606 = tpu.vector_load_idx %arg7[%min3A_548, %min3A_572] : memref<224x224xf32, #tpu.memory_space<vmem>>[vector<16xi32>, vector<16xi32>], vector<16xf32>,
      %gather3A_607 = tpu.vector_load_idx %arg7[%min3A_557, %min3A_563] : memref<224x224xf32, #tpu.memory_space<vmem>>[vector<16xi32>, vector<16xi32>], vector<16xf32>,
      %gather3A_608 = tpu.vector_load_idx %arg7[%min3A_557, %min3A_572] : memref<224x224xf32, #tpu.memory_space<vmem>>[vector<16xi32>, vector<16xi32>], vector<16xf32>,
      %mul3A_609 = arith.mulf %select_n3A_583, %gather3A_605 : vector<16xf32>
      %mul3A_610 = arith.mulf %select_n3A_591, %gather3A_606 : vector<16xf32>
      %add3A_611 = arith.addf %mul3A_609, %mul3A_610 : vector<16xf32>
      %mul3A_612 = arith.mulf %select_n3A_599, %gather3A_607 : vector<16xf32>
      %add3A_613 = arith.addf %add3A_611, %mul3A_612 : vector<16xf32>
      %mul3A_614 = arith.mulf %select_n3A_604, %gather3A_608 : vector<16xf32>
      %add3A_615 = arith.addf %add3A_613, %mul3A_614 : vector<16xf32>
      %add3A_616 = arith.addf %add3A_480, %add3A_615 : vector<16xf32>
      %add3A_617 = arith.constant 3200 : i32
      %add3A_618 = arith.addi %add3A_617, %mul3A_70 : i32
      %get3A_619 = arith.index_cast %add3A_618 : i32 to index
      %get3A_620 = tpu.vector_load %arg8[%get3A_619] {strides = array<i32>} : memref<8000xf32, #tpu.memory_space<vmem>>, vector<16xf32>,
      %add3A_621 = arith.constant 3600 : i32
      %add3A_622 = arith.addi %add3A_621, %mul3A_70 : i32
      %get3A_623 = arith.index_cast %add3A_622 : i32 to index
      %get3A_624 = tpu.vector_load %arg8[%get3A_623] {strides = array<i32>} : memref<8000xf32, #tpu.memory_space<vmem>>, vector<16xf32>,
      %add3A_625 = arith.constant 1.000000e+00 : f32
      %add3A_626 = vector.broadcast %add3A_625 : f32 to vector<16xf32>
      %add3A_627 = arith.addf %get3A_73, %add3A_626 : vector<16xf32>
      %add3A_628 = arith.addf %add3A_627, %get3A_620 : vector<16xf32>
      %add3A_629 = arith.constant 1.000000e+00 : f32
      %add3A_630 = vector.broadcast %add3A_629 : f32 to vector<16xf32>
      %add3A_631 = arith.addf %get3A_77, %add3A_630 : vector<16xf32>
      %add3A_632 = arith.addf %add3A_631, %get3A_624 : vector<16xf32>
      %convert_element_type3A_633 = arith.fptosi %add3A_628 : vector<16xf32> to vector<16xi32>
      %convert_element_type3A_634 = arith.sitofp %convert_element_type3A_633 : vector<16xi32> to vector<16xf32>
      %gt3A_635 = arith.cmpf ogt, %convert_element_type3A_634, %add3A_628 : vector<16xf32>
      %sub3A_636 = arith.constant 1 : i32
      %sub3A_637 = vector.broadcast %sub3A_636 : i32 to vector<16xi32>
      %sub3A_638 = arith.subi %convert_element_type3A_633, %sub3A_637 : vector<16xi32>
      %select_n3A_639 = arith.select %gt3A_635, %sub3A_638, %convert_element_type3A_633 : vector<16xi1>, vector<16xi32>
      %convert_element_type3A_640 = arith.fptosi %add3A_632 : vector<16xf32> to vector<16xi32>
      %convert_element_type3A_641 = arith.sitofp %convert_element_type3A_640 : vector<16xi32> to vector<16xf32>
      %gt3A_642 = arith.cmpf ogt, %convert_element_type3A_641, %add3A_632 : vector<16xf32>
      %sub3A_643 = arith.constant 1 : i32
      %sub3A_644 = vector.broadcast %sub3A_643 : i32 to vector<16xi32>
      %sub3A_645 = arith.subi %convert_element_type3A_640, %sub3A_644 : vector<16xi32>
      %select_n3A_646 = arith.select %gt3A_642, %sub3A_645, %convert_element_type3A_640 : vector<16xi1>, vector<16xi32>
      %convert_element_type3A_647 = arith.sitofp %select_n3A_639 : vector<16xi32> to vector<16xf32>
      %sub3A_648 = arith.subf %add3A_628, %convert_element_type3A_647 : vector<16xf32>
      %convert_element_type3A_649 = arith.sitofp %select_n3A_646 : vector<16xi32> to vector<16xf32>
      %sub3A_650 = arith.subf %add3A_632, %convert_element_type3A_649 : vector<16xf32>
      %ge3A_651 = arith.constant 0 : i32
      %ge3A_652 = vector.broadcast %ge3A_651 : i32 to vector<16xi32>
      %ge3A_653 = arith.cmpi sge, %select_n3A_639, %ge3A_652 : vector<16xi32>
      %lt3A_654 = arith.constant 224 : i32
      %lt3A_655 = vector.broadcast %lt3A_654 : i32 to vector<16xi32>
      %lt3A_656 = arith.cmpi slt, %select_n3A_639, %lt3A_655 : vector<16xi32>
      %and3A_657 = arith.andi %ge3A_653, %lt3A_656 : vector<16xi1>
      %ge3A_658 = arith.constant -1 : i32
      %ge3A_659 = vector.broadcast %ge3A_658 : i32 to vector<16xi32>
      %ge3A_660 = arith.cmpi sge, %select_n3A_639, %ge3A_659 : vector<16xi32>
      %lt3A_661 = arith.constant 223 : i32
      %lt3A_662 = vector.broadcast %lt3A_661 : i32 to vector<16xi32>
      %lt3A_663 = arith.cmpi slt, %select_n3A_639, %lt3A_662 : vector<16xi32>
      %and3A_664 = arith.andi %ge3A_660, %lt3A_663 : vector<16xi1>
      %ge3A_665 = arith.constant 0 : i32
      %ge3A_666 = vector.broadcast %ge3A_665 : i32 to vector<16xi32>
      %ge3A_667 = arith.cmpi sge, %select_n3A_646, %ge3A_666 : vector<16xi32>
      %lt3A_668 = arith.constant 224 : i32
      %lt3A_669 = vector.broadcast %lt3A_668 : i32 to vector<16xi32>
      %lt3A_670 = arith.cmpi slt, %select_n3A_646, %lt3A_669 : vector<16xi32>
      %and3A_671 = arith.andi %ge3A_667, %lt3A_670 : vector<16xi1>
      %ge3A_672 = arith.constant -1 : i32
      %ge3A_673 = vector.broadcast %ge3A_672 : i32 to vector<16xi32>
      %ge3A_674 = arith.cmpi sge, %select_n3A_646, %ge3A_673 : vector<16xi32>
      %lt3A_675 = arith.constant 223 : i32
      %lt3A_676 = vector.broadcast %lt3A_675 : i32 to vector<16xi32>
      %lt3A_677 = arith.cmpi slt, %select_n3A_646, %lt3A_676 : vector<16xi32>
      %and3A_678 = arith.andi %ge3A_674, %lt3A_677 : vector<16xi1>
      %jit3A_679 = arith.constant 0 : i32
      %jit3A_680 = arith.constant 223 : i32
      %max3A_681 = vector.broadcast %jit3A_679 : i32 to vector<16xi32>
      %max3A_682 = arith.maxsi %max3A_681, %select_n3A_639 : vector<16xi32>
      %min3A_683 = vector.broadcast %jit3A_680 : i32 to vector<16xi32>
      %min3A_684 = arith.minsi %min3A_683, %max3A_682 : vector<16xi32>
      %add3A_685 = arith.constant 1 : i32
      %add3A_686 = vector.broadcast %add3A_685 : i32 to vector<16xi32>
      %add3A_687 = arith.addi %select_n3A_639, %add3A_686 : vector<16xi32>
      %jit3A_688 = arith.constant 0 : i32
      %jit3A_689 = arith.constant 223 : i32
      %max3A_690 = vector.broadcast %jit3A_688 : i32 to vector<16xi32>
      %max3A_691 = arith.maxsi %max3A_690, %add3A_687 : vector<16xi32>
      %min3A_692 = vector.broadcast %jit3A_689 : i32 to vector<16xi32>
      %min3A_693 = arith.minsi %min3A_692, %max3A_691 : vector<16xi32>
      %jit3A_694 = arith.constant 0 : i32
      %jit3A_695 = arith.constant 223 : i32
      %max3A_696 = vector.broadcast %jit3A_694 : i32 to vector<16xi32>
      %max3A_697 = arith.maxsi %max3A_696, %select_n3A_646 : vector<16xi32>
      %min3A_698 = vector.broadcast %jit3A_695 : i32 to vector<16xi32>
      %min3A_699 = arith.minsi %min3A_698, %max3A_697 : vector<16xi32>
      %add3A_700 = arith.constant 1 : i32
      %add3A_701 = vector.broadcast %add3A_700 : i32 to vector<16xi32>
      %add3A_702 = arith.addi %select_n3A_646, %add3A_701 : vector<16xi32>
      %jit3A_703 = arith.constant 0 : i32
      %jit3A_704 = arith.constant 223 : i32
      %max3A_705 = vector.broadcast %jit3A_703 : i32 to vector<16xi32>
      %max3A_706 = arith.maxsi %max3A_705, %add3A_702 : vector<16xi32>
      %min3A_707 = vector.broadcast %jit3A_704 : i32 to vector<16xi32>
      %min3A_708 = arith.minsi %min3A_707, %max3A_706 : vector<16xi32>
      %and3A_709 = arith.andi %and3A_657, %and3A_671 : vector<16xi1>
      %sub3A_710 = arith.constant 1.000000e+00 : f32
      %sub3A_711 = vector.broadcast %sub3A_710 : f32 to vector<16xf32>
      %sub3A_712 = arith.subf %sub3A_711, %sub3A_648 : vector<16xf32>
      %sub3A_713 = arith.constant 1.000000e+00 : f32
      %sub3A_714 = vector.broadcast %sub3A_713 : f32 to vector<16xf32>
      %sub3A_715 = arith.subf %sub3A_714, %sub3A_650 : vector<16xf32>
      %mul3A_716 = arith.mulf %sub3A_712, %sub3A_715 : vector<16xf32>
      %jit3A_717 = arith.constant 0.000000e+00 : f32
      %broadcast_in_dim3A_718 = vector.broadcast %jit3A_717 : f32 to vector<16xf32>
      %select_n3A_719 = arith.select %and3A_709, %mul3A_716, %broadcast_in_dim3A_718 : vector<16xi1>, vector<16xf32>
      %and3A_720 = arith.andi %and3A_657, %and3A_678 : vector<16xi1>
      %sub3A_721 = arith.constant 1.000000e+00 : f32
      %sub3A_722 = vector.broadcast %sub3A_721 : f32 to vector<16xf32>
      %sub3A_723 = arith.subf %sub3A_722, %sub3A_648 : vector<16xf32>
      %mul3A_724 = arith.mulf %sub3A_723, %sub3A_650 : vector<16xf32>
      %jit3A_725 = arith.constant 0.000000e+00 : f32
      %broadcast_in_dim3A_726 = vector.broadcast %jit3A_725 : f32 to vector<16xf32>
      %select_n3A_727 = arith.select %and3A_720, %mul3A_724, %broadcast_in_dim3A_726 : vector<16xi1>, vector<16xf32>
      %and3A_728 = arith.andi %and3A_664, %and3A_671 : vector<16xi1>
      %sub3A_729 = arith.constant 1.000000e+00 : f32
      %sub3A_730 = vector.broadcast %sub3A_729 : f32 to vector<16xf32>
      %sub3A_731 = arith.subf %sub3A_730, %sub3A_650 : vector<16xf32>
      %mul3A_732 = arith.mulf %sub3A_648, %sub3A_731 : vector<16xf32>
      %jit3A_733 = arith.constant 0.000000e+00 : f32
      %broadcast_in_dim3A_734 = vector.broadcast %jit3A_733 : f32 to vector<16xf32>
      %select_n3A_735 = arith.select %and3A_728, %mul3A_732, %broadcast_in_dim3A_734 : vector<16xi1>, vector<16xf32>
      %and3A_736 = arith.andi %and3A_664, %and3A_678 : vector<16xi1>
      %mul3A_737 = arith.mulf %sub3A_648, %sub3A_650 : vector<16xf32>
      %jit3A_738 = arith.constant 0.000000e+00 : f32
      %broadcast_in_dim3A_739 = vector.broadcast %jit3A_738 : f32 to vector<16xf32>
      %select_n3A_740 = arith.select %and3A_736, %mul3A_737, %broadcast_in_dim3A_739 : vector<16xi1>, vector<16xf32>
      %gather3A_741 = tpu.vector_load_idx %arg7[%min3A_684, %min3A_699] : memref<224x224xf32, #tpu.memory_space<vmem>>[vector<16xi32>, vector<16xi32>], vector<16xf32>,
      %gather3A_742 = tpu.vector_load_idx %arg7[%min3A_684, %min3A_708] : memref<224x224xf32, #tpu.memory_space<vmem>>[vector<16xi32>, vector<16xi32>], vector<16xf32>,
      %gather3A_743 = tpu.vector_load_idx %arg7[%min3A_693, %min3A_699] : memref<224x224xf32, #tpu.memory_space<vmem>>[vector<16xi32>, vector<16xi32>], vector<16xf32>,
      %gather3A_744 = tpu.vector_load_idx %arg7[%min3A_693, %min3A_708] : memref<224x224xf32, #tpu.memory_space<vmem>>[vector<16xi32>, vector<16xi32>], vector<16xf32>,
      %mul3A_745 = arith.mulf %select_n3A_719, %gather3A_741 : vector<16xf32>
      %mul3A_746 = arith.mulf %select_n3A_727, %gather3A_742 : vector<16xf32>
      %add3A_747 = arith.addf %mul3A_745, %mul3A_746 : vector<16xf32>
      %mul3A_748 = arith.mulf %select_n3A_735, %gather3A_743 : vector<16xf32>
      %add3A_749 = arith.addf %add3A_747, %mul3A_748 : vector<16xf32>
      %mul3A_750 = arith.mulf %select_n3A_740, %gather3A_744 : vector<16xf32>
      %add3A_751 = arith.addf %add3A_749, %mul3A_750 : vector<16xf32>
      %add3A_752 = arith.addf %add3A_616, %add3A_751 : vector<16xf32>
      %add3A_753 = arith.constant 4000 : i32
      %add3A_754 = arith.addi %add3A_753, %mul3A_70 : i32
      %get3A_755 = arith.index_cast %add3A_754 : i32 to index
      %get3A_756 = tpu.vector_load %arg8[%get3A_755] {strides = array<i32>} : memref<8000xf32, #tpu.memory_space<vmem>>, vector<16xf32>,
      %add3A_757 = arith.constant 4400 : i32
      %add3A_758 = arith.addi %add3A_757, %mul3A_70 : i32
      %get3A_759 = arith.index_cast %add3A_758 : i32 to index
      %get3A_760 = tpu.vector_load %arg8[%get3A_759] {strides = array<i32>} : memref<8000xf32, #tpu.memory_space<vmem>>, vector<16xf32>,
      %add3A_761 = arith.constant 1.000000e+00 : f32
      %add3A_762 = vector.broadcast %add3A_761 : f32 to vector<16xf32>
      %add3A_763 = arith.addf %get3A_73, %add3A_762 : vector<16xf32>
      %add3A_764 = arith.addf %add3A_763, %get3A_756 : vector<16xf32>
      %add3A_765 = arith.constant 2.000000e+00 : f32
      %add3A_766 = vector.broadcast %add3A_765 : f32 to vector<16xf32>
      %add3A_767 = arith.addf %get3A_77, %add3A_766 : vector<16xf32>
      %add3A_768 = arith.addf %add3A_767, %get3A_760 : vector<16xf32>
      %convert_element_type3A_769 = arith.fptosi %add3A_764 : vector<16xf32> to vector<16xi32>
      %convert_element_type3A_770 = arith.sitofp %convert_element_type3A_769 : vector<16xi32> to vector<16xf32>
      %gt3A_771 = arith.cmpf ogt, %convert_element_type3A_770, %add3A_764 : vector<16xf32>
      %sub3A_772 = arith.constant 1 : i32
      %sub3A_773 = vector.broadcast %sub3A_772 : i32 to vector<16xi32>
      %sub3A_774 = arith.subi %convert_element_type3A_769, %sub3A_773 : vector<16xi32>
      %select_n3A_775 = arith.select %gt3A_771, %sub3A_774, %convert_element_type3A_769 : vector<16xi1>, vector<16xi32>
      %convert_element_type3A_776 = arith.fptosi %add3A_768 : vector<16xf32> to vector<16xi32>
      %convert_element_type3A_777 = arith.sitofp %convert_element_type3A_776 : vector<16xi32> to vector<16xf32>
      %gt3A_778 = arith.cmpf ogt, %convert_element_type3A_777, %add3A_768 : vector<16xf32>
      %sub3A_779 = arith.constant 1 : i32
      %sub3A_780 = vector.broadcast %sub3A_779 : i32 to vector<16xi32>
      %sub3A_781 = arith.subi %convert_element_type3A_776, %sub3A_780 : vector<16xi32>
      %select_n3A_782 = arith.select %gt3A_778, %sub3A_781, %convert_element_type3A_776 : vector<16xi1>, vector<16xi32>
      %convert_element_type3A_783 = arith.sitofp %select_n3A_775 : vector<16xi32> to vector<16xf32>
      %sub3A_784 = arith.subf %add3A_764, %convert_element_type3A_783 : vector<16xf32>
      %convert_element_type3A_785 = arith.sitofp %select_n3A_782 : vector<16xi32> to vector<16xf32>
      %sub3A_786 = arith.subf %add3A_768, %convert_element_type3A_785 : vector<16xf32>
      %ge3A_787 = arith.constant 0 : i32
      %ge3A_788 = vector.broadcast %ge3A_787 : i32 to vector<16xi32>
      %ge3A_789 = arith.cmpi sge, %select_n3A_775, %ge3A_788 : vector<16xi32>
      %lt3A_790 = arith.constant 224 : i32
      %lt3A_791 = vector.broadcast %lt3A_790 : i32 to vector<16xi32>
      %lt3A_792 = arith.cmpi slt, %select_n3A_775, %lt3A_791 : vector<16xi32>
      %and3A_793 = arith.andi %ge3A_789, %lt3A_792 : vector<16xi1>
      %ge3A_794 = arith.constant -1 : i32
      %ge3A_795 = vector.broadcast %ge3A_794 : i32 to vector<16xi32>
      %ge3A_796 = arith.cmpi sge, %select_n3A_775, %ge3A_795 : vector<16xi32>
      %lt3A_797 = arith.constant 223 : i32
      %lt3A_798 = vector.broadcast %lt3A_797 : i32 to vector<16xi32>
      %lt3A_799 = arith.cmpi slt, %select_n3A_775, %lt3A_798 : vector<16xi32>
      %and3A_800 = arith.andi %ge3A_796, %lt3A_799 : vector<16xi1>
      %ge3A_801 = arith.constant 0 : i32
      %ge3A_802 = vector.broadcast %ge3A_801 : i32 to vector<16xi32>
      %ge3A_803 = arith.cmpi sge, %select_n3A_782, %ge3A_802 : vector<16xi32>
      %lt3A_804 = arith.constant 224 : i32
      %lt3A_805 = vector.broadcast %lt3A_804 : i32 to vector<16xi32>
      %lt3A_806 = arith.cmpi slt, %select_n3A_782, %lt3A_805 : vector<16xi32>
      %and3A_807 = arith.andi %ge3A_803, %lt3A_806 : vector<16xi1>
      %ge3A_808 = arith.constant -1 : i32
      %ge3A_809 = vector.broadcast %ge3A_808 : i32 to vector<16xi32>
      %ge3A_810 = arith.cmpi sge, %select_n3A_782, %ge3A_809 : vector<16xi32>
      %lt3A_811 = arith.constant 223 : i32
      %lt3A_812 = vector.broadcast %lt3A_811 : i32 to vector<16xi32>
      %lt3A_813 = arith.cmpi slt, %select_n3A_782, %lt3A_812 : vector<16xi32>
      %and3A_814 = arith.andi %ge3A_810, %lt3A_813 : vector<16xi1>
      %jit3A_815 = arith.constant 0 : i32
      %jit3A_816 = arith.constant 223 : i32
      %max3A_817 = vector.broadcast %jit3A_815 : i32 to vector<16xi32>
      %max3A_818 = arith.maxsi %max3A_817, %select_n3A_775 : vector<16xi32>
      %min3A_819 = vector.broadcast %jit3A_816 : i32 to vector<16xi32>
      %min3A_820 = arith.minsi %min3A_819, %max3A_818 : vector<16xi32>
      %add3A_821 = arith.constant 1 : i32
      %add3A_822 = vector.broadcast %add3A_821 : i32 to vector<16xi32>
      %add3A_823 = arith.addi %select_n3A_775, %add3A_822 : vector<16xi32>
      %jit3A_824 = arith.constant 0 : i32
      %jit3A_825 = arith.constant 223 : i32
      %max3A_826 = vector.broadcast %jit3A_824 : i32 to vector<16xi32>
      %max3A_827 = arith.maxsi %max3A_826, %add3A_823 : vector<16xi32>
      %min3A_828 = vector.broadcast %jit3A_825 : i32 to vector<16xi32>
      %min3A_829 = arith.minsi %min3A_828, %max3A_827 : vector<16xi32>
      %jit3A_830 = arith.constant 0 : i32
      %jit3A_831 = arith.constant 223 : i32
      %max3A_832 = vector.broadcast %jit3A_830 : i32 to vector<16xi32>
      %max3A_833 = arith.maxsi %max3A_832, %select_n3A_782 : vector<16xi32>
      %min3A_834 = vector.broadcast %jit3A_831 : i32 to vector<16xi32>
      %min3A_835 = arith.minsi %min3A_834, %max3A_833 : vector<16xi32>
      %add3A_836 = arith.constant 1 : i32
      %add3A_837 = vector.broadcast %add3A_836 : i32 to vector<16xi32>
      %add3A_838 = arith.addi %select_n3A_782, %add3A_837 : vector<16xi32>
      %jit3A_839 = arith.constant 0 : i32
      %jit3A_840 = arith.constant 223 : i32
      %max3A_841 = vector.broadcast %jit3A_839 : i32 to vector<16xi32>
      %max3A_842 = arith.maxsi %max3A_841, %add3A_838 : vector<16xi32>
      %min3A_843 = vector.broadcast %jit3A_840 : i32 to vector<16xi32>
      %min3A_844 = arith.minsi %min3A_843, %max3A_842 : vector<16xi32>
      %and3A_845 = arith.andi %and3A_793, %and3A_807 : vector<16xi1>
      %sub3A_846 = arith.constant 1.000000e+00 : f32
      %sub3A_847 = vector.broadcast %sub3A_846 : f32 to vector<16xf32>
      %sub3A_848 = arith.subf %sub3A_847, %sub3A_784 : vector<16xf32>
      %sub3A_849 = arith.constant 1.000000e+00 : f32
      %sub3A_850 = vector.broadcast %sub3A_849 : f32 to vector<16xf32>
      %sub3A_851 = arith.subf %sub3A_850, %sub3A_786 : vector<16xf32>
      %mul3A_852 = arith.mulf %sub3A_848, %sub3A_851 : vector<16xf32>
      %jit3A_853 = arith.constant 0.000000e+00 : f32
      %broadcast_in_dim3A_854 = vector.broadcast %jit3A_853 : f32 to vector<16xf32>
      %select_n3A_855 = arith.select %and3A_845, %mul3A_852, %broadcast_in_dim3A_854 : vector<16xi1>, vector<16xf32>
      %and3A_856 = arith.andi %and3A_793, %and3A_814 : vector<16xi1>
      %sub3A_857 = arith.constant 1.000000e+00 : f32
      %sub3A_858 = vector.broadcast %sub3A_857 : f32 to vector<16xf32>
      %sub3A_859 = arith.subf %sub3A_858, %sub3A_784 : vector<16xf32>
      %mul3A_860 = arith.mulf %sub3A_859, %sub3A_786 : vector<16xf32>
      %jit3A_861 = arith.constant 0.000000e+00 : f32
      %broadcast_in_dim3A_862 = vector.broadcast %jit3A_861 : f32 to vector<16xf32>
      %select_n3A_863 = arith.select %and3A_856, %mul3A_860, %broadcast_in_dim3A_862 : vector<16xi1>, vector<16xf32>
      %and3A_864 = arith.andi %and3A_800, %and3A_807 : vector<16xi1>
      %sub3A_865 = arith.constant 1.000000e+00 : f32
      %sub3A_866 = vector.broadcast %sub3A_865 : f32 to vector<16xf32>
      %sub3A_867 = arith.subf %sub3A_866, %sub3A_786 : vector<16xf32>
      %mul3A_868 = arith.mulf %sub3A_784, %sub3A_867 : vector<16xf32>
      %jit3A_869 = arith.constant 0.000000e+00 : f32
      %broadcast_in_dim3A_870 = vector.broadcast %jit3A_869 : f32 to vector<16xf32>
      %select_n3A_871 = arith.select %and3A_864, %mul3A_868, %broadcast_in_dim3A_870 : vector<16xi1>, vector<16xf32>
      %and3A_872 = arith.andi %and3A_800, %and3A_814 : vector<16xi1>
      %mul3A_873 = arith.mulf %sub3A_784, %sub3A_786 : vector<16xf32>
      %jit3A_874 = arith.constant 0.000000e+00 : f32
      %broadcast_in_dim3A_875 = vector.broadcast %jit3A_874 : f32 to vector<16xf32>
      %select_n3A_876 = arith.select %and3A_872, %mul3A_873, %broadcast_in_dim3A_875 : vector<16xi1>, vector<16xf32>
      %gather3A_877 = tpu.vector_load_idx %arg7[%min3A_820, %min3A_835] : memref<224x224xf32, #tpu.memory_space<vmem>>[vector<16xi32>, vector<16xi32>], vector<16xf32>,
      %gather3A_878 = tpu.vector_load_idx %arg7[%min3A_820, %min3A_844] : memref<224x224xf32, #tpu.memory_space<vmem>>[vector<16xi32>, vector<16xi32>], vector<16xf32>,
      %gather3A_879 = tpu.vector_load_idx %arg7[%min3A_829, %min3A_835] : memref<224x224xf32, #tpu.memory_space<vmem>>[vector<16xi32>, vector<16xi32>], vector<16xf32>,
      %gather3A_880 = tpu.vector_load_idx %arg7[%min3A_829, %min3A_844] : memref<224x224xf32, #tpu.memory_space<vmem>>[vector<16xi32>, vector<16xi32>], vector<16xf32>,
      %mul3A_881 = arith.mulf %select_n3A_855, %gather3A_877 : vector<16xf32>
      %mul3A_882 = arith.mulf %select_n3A_863, %gather3A_878 : vector<16xf32>
      %add3A_883 = arith.addf %mul3A_881, %mul3A_882 : vector<16xf32>
      %mul3A_884 = arith.mulf %select_n3A_871, %gather3A_879 : vector<16xf32>
      %add3A_885 = arith.addf %add3A_883, %mul3A_884 : vector<16xf32>
      %mul3A_886 = arith.mulf %select_n3A_876, %gather3A_880 : vector<16xf32>
      %add3A_887 = arith.addf %add3A_885, %mul3A_886 : vector<16xf32>
      %add3A_888 = arith.addf %add3A_752, %add3A_887 : vector<16xf32>
      %add3A_889 = arith.constant 4800 : i32
      %add3A_890 = arith.addi %add3A_889, %mul3A_70 : i32
      %get3A_891 = arith.index_cast %add3A_890 : i32 to index
      %get3A_892 = tpu.vector_load %arg8[%get3A_891] {strides = array<i32>} : memref<8000xf32, #tpu.memory_space<vmem>>, vector<16xf32>,
      %add3A_893 = arith.constant 5200 : i32
      %add3A_894 = arith.addi %add3A_893, %mul3A_70 : i32
      %get3A_895 = arith.index_cast %add3A_894 : i32 to index
      %get3A_896 = tpu.vector_load %arg8[%get3A_895] {strides = array<i32>} : memref<8000xf32, #tpu.memory_space<vmem>>, vector<16xf32>,
      %add3A_897 = arith.constant 2.000000e+00 : f32
      %add3A_898 = vector.broadcast %add3A_897 : f32 to vector<16xf32>
      %add3A_899 = arith.addf %get3A_73, %add3A_898 : vector<16xf32>
      %add3A_900 = arith.addf %add3A_899, %get3A_892 : vector<16xf32>
      %add3A_901 = arith.constant 0.000000e+00 : f32
      %add3A_902 = vector.broadcast %add3A_901 : f32 to vector<16xf32>
      %add3A_903 = arith.addf %get3A_77, %add3A_902 : vector<16xf32>
      %add3A_904 = arith.addf %add3A_903, %get3A_896 : vector<16xf32>
      %convert_element_type3A_905 = arith.fptosi %add3A_900 : vector<16xf32> to vector<16xi32>
      %convert_element_type3A_906 = arith.sitofp %convert_element_type3A_905 : vector<16xi32> to vector<16xf32>
      %gt3A_907 = arith.cmpf ogt, %convert_element_type3A_906, %add3A_900 : vector<16xf32>
      %sub3A_908 = arith.constant 1 : i32
      %sub3A_909 = vector.broadcast %sub3A_908 : i32 to vector<16xi32>
      %sub3A_910 = arith.subi %convert_element_type3A_905, %sub3A_909 : vector<16xi32>
      %select_n3A_911 = arith.select %gt3A_907, %sub3A_910, %convert_element_type3A_905 : vector<16xi1>, vector<16xi32>
      %convert_element_type3A_912 = arith.fptosi %add3A_904 : vector<16xf32> to vector<16xi32>
      %convert_element_type3A_913 = arith.sitofp %convert_element_type3A_912 : vector<16xi32> to vector<16xf32>
      %gt3A_914 = arith.cmpf ogt, %convert_element_type3A_913, %add3A_904 : vector<16xf32>
      %sub3A_915 = arith.constant 1 : i32
      %sub3A_916 = vector.broadcast %sub3A_915 : i32 to vector<16xi32>
      %sub3A_917 = arith.subi %convert_element_type3A_912, %sub3A_916 : vector<16xi32>
      %select_n3A_918 = arith.select %gt3A_914, %sub3A_917, %convert_element_type3A_912 : vector<16xi1>, vector<16xi32>
      %convert_element_type3A_919 = arith.sitofp %select_n3A_911 : vector<16xi32> to vector<16xf32>
      %sub3A_920 = arith.subf %add3A_900, %convert_element_type3A_919 : vector<16xf32>
      %convert_element_type3A_921 = arith.sitofp %select_n3A_918 : vector<16xi32> to vector<16xf32>
      %sub3A_922 = arith.subf %add3A_904, %convert_element_type3A_921 : vector<16xf32>
      %ge3A_923 = arith.constant 0 : i32
      %ge3A_924 = vector.broadcast %ge3A_923 : i32 to vector<16xi32>
      %ge3A_925 = arith.cmpi sge, %select_n3A_911, %ge3A_924 : vector<16xi32>
      %lt3A_926 = arith.constant 224 : i32
      %lt3A_927 = vector.broadcast %lt3A_926 : i32 to vector<16xi32>
      %lt3A_928 = arith.cmpi slt, %select_n3A_911, %lt3A_927 : vector<16xi32>
      %and3A_929 = arith.andi %ge3A_925, %lt3A_928 : vector<16xi1>
      %ge3A_930 = arith.constant -1 : i32
      %ge3A_931 = vector.broadcast %ge3A_930 : i32 to vector<16xi32>
      %ge3A_932 = arith.cmpi sge, %select_n3A_911, %ge3A_931 : vector<16xi32>
      %lt3A_933 = arith.constant 223 : i32
      %lt3A_934 = vector.broadcast %lt3A_933 : i32 to vector<16xi32>
      %lt3A_935 = arith.cmpi slt, %select_n3A_911, %lt3A_934 : vector<16xi32>
      %and3A_936 = arith.andi %ge3A_932, %lt3A_935 : vector<16xi1>
      %ge3A_937 = arith.constant 0 : i32
      %ge3A_938 = vector.broadcast %ge3A_937 : i32 to vector<16xi32>
      %ge3A_939 = arith.cmpi sge, %select_n3A_918, %ge3A_938 : vector<16xi32>
      %lt3A_940 = arith.constant 224 : i32
      %lt3A_941 = vector.broadcast %lt3A_940 : i32 to vector<16xi32>
      %lt3A_942 = arith.cmpi slt, %select_n3A_918, %lt3A_941 : vector<16xi32>
      %and3A_943 = arith.andi %ge3A_939, %lt3A_942 : vector<16xi1>
      %ge3A_944 = arith.constant -1 : i32
      %ge3A_945 = vector.broadcast %ge3A_944 : i32 to vector<16xi32>
      %ge3A_946 = arith.cmpi sge, %select_n3A_918, %ge3A_945 : vector<16xi32>
      %lt3A_947 = arith.constant 223 : i32
      %lt3A_948 = vector.broadcast %lt3A_947 : i32 to vector<16xi32>
      %lt3A_949 = arith.cmpi slt, %select_n3A_918, %lt3A_948 : vector<16xi32>
      %and3A_950 = arith.andi %ge3A_946, %lt3A_949 : vector<16xi1>
      %jit3A_951 = arith.constant 0 : i32
      %jit3A_952 = arith.constant 223 : i32
      %max3A_953 = vector.broadcast %jit3A_951 : i32 to vector<16xi32>
      %max3A_954 = arith.maxsi %max3A_953, %select_n3A_911 : vector<16xi32>
      %min3A_955 = vector.broadcast %jit3A_952 : i32 to vector<16xi32>
      %min3A_956 = arith.minsi %min3A_955, %max3A_954 : vector<16xi32>
      %add3A_957 = arith.constant 1 : i32
      %add3A_958 = vector.broadcast %add3A_957 : i32 to vector<16xi32>
      %add3A_959 = arith.addi %select_n3A_911, %add3A_958 : vector<16xi32>
      %jit3A_960 = arith.constant 0 : i32
      %jit3A_961 = arith.constant 223 : i32
      %max3A_962 = vector.broadcast %jit3A_960 : i32 to vector<16xi32>
      %max3A_963 = arith.maxsi %max3A_962, %add3A_959 : vector<16xi32>
      %min3A_964 = vector.broadcast %jit3A_961 : i32 to vector<16xi32>
      %min3A_965 = arith.minsi %min3A_964, %max3A_963 : vector<16xi32>
      %jit3A_966 = arith.constant 0 : i32
      %jit3A_967 = arith.constant 223 : i32
      %max3A_968 = vector.broadcast %jit3A_966 : i32 to vector<16xi32>
      %max3A_969 = arith.maxsi %max3A_968, %select_n3A_918 : vector<16xi32>
      %min3A_970 = vector.broadcast %jit3A_967 : i32 to vector<16xi32>
      %min3A_971 = arith.minsi %min3A_970, %max3A_969 : vector<16xi32>
      %add3A_972 = arith.constant 1 : i32
      %add3A_973 = vector.broadcast %add3A_972 : i32 to vector<16xi32>
      %add3A_974 = arith.addi %select_n3A_918, %add3A_973 : vector<16xi32>
      %jit3A_975 = arith.constant 0 : i32
      %jit3A_976 = arith.constant 223 : i32
      %max3A_977 = vector.broadcast %jit3A_975 : i32 to vector<16xi32>
      %max3A_978 = arith.maxsi %max3A_977, %add3A_974 : vector<16xi32>
      %min3A_979 = vector.broadcast %jit3A_976 : i32 to vector<16xi32>
      %min3A_980 = arith.minsi %min3A_979, %max3A_978 : vector<16xi32>
      %and3A_981 = arith.andi %and3A_929, %and3A_943 : vector<16xi1>
      %sub3A_982 = arith.constant 1.000000e+00 : f32
      %sub3A_983 = vector.broadcast %sub3A_982 : f32 to vector<16xf32>
      %sub3A_984 = arith.subf %sub3A_983, %sub3A_920 : vector<16xf32>
      %sub3A_985 = arith.constant 1.000000e+00 : f32
      %sub3A_986 = vector.broadcast %sub3A_985 : f32 to vector<16xf32>
      %sub3A_987 = arith.subf %sub3A_986, %sub3A_922 : vector<16xf32>
      %mul3A_988 = arith.mulf %sub3A_984, %sub3A_987 : vector<16xf32>
      %jit3A_989 = arith.constant 0.000000e+00 : f32
      %broadcast_in_dim3A_990 = vector.broadcast %jit3A_989 : f32 to vector<16xf32>
      %select_n3A_991 = arith.select %and3A_981, %mul3A_988, %broadcast_in_dim3A_990 : vector<16xi1>, vector<16xf32>
      %and3A_992 = arith.andi %and3A_929, %and3A_950 : vector<16xi1>
      %sub3A_993 = arith.constant 1.000000e+00 : f32
      %sub3A_994 = vector.broadcast %sub3A_993 : f32 to vector<16xf32>
      %sub3A_995 = arith.subf %sub3A_994, %sub3A_920 : vector<16xf32>
      %mul3A_996 = arith.mulf %sub3A_995, %sub3A_922 : vector<16xf32>
      %jit3A_997 = arith.constant 0.000000e+00 : f32
      %broadcast_in_dim3A_998 = vector.broadcast %jit3A_997 : f32 to vector<16xf32>
      %select_n3A_999 = arith.select %and3A_992, %mul3A_996, %broadcast_in_dim3A_998 : vector<16xi1>, vector<16xf32>
      %and3A_1000 = arith.andi %and3A_936, %and3A_943 : vector<16xi1>
      %sub3A_1001 = arith.constant 1.000000e+00 : f32
      %sub3A_1002 = vector.broadcast %sub3A_1001 : f32 to vector<16xf32>
      %sub3A_1003 = arith.subf %sub3A_1002, %sub3A_922 : vector<16xf32>
      %mul3A_1004 = arith.mulf %sub3A_920, %sub3A_1003 : vector<16xf32>
      %jit3A_1005 = arith.constant 0.000000e+00 : f32
      %broadcast_in_dim3A_1006 = vector.broadcast %jit3A_1005 : f32 to vector<16xf32>
      %select_n3A_1007 = arith.select %and3A_1000, %mul3A_1004, %broadcast_in_dim3A_1006 : vector<16xi1>, vector<16xf32>
      %and3A_1008 = arith.andi %and3A_936, %and3A_950 : vector<16xi1>
      %mul3A_1009 = arith.mulf %sub3A_920, %sub3A_922 : vector<16xf32>
      %jit3A_1010 = arith.constant 0.000000e+00 : f32
      %broadcast_in_dim3A_1011 = vector.broadcast %jit3A_1010 : f32 to vector<16xf32>
      %select_n3A_1012 = arith.select %and3A_1008, %mul3A_1009, %broadcast_in_dim3A_1011 : vector<16xi1>, vector<16xf32>
      %gather3A_1013 = tpu.vector_load_idx %arg7[%min3A_956, %min3A_971] : memref<224x224xf32, #tpu.memory_space<vmem>>[vector<16xi32>, vector<16xi32>], vector<16xf32>,
      %gather3A_1014 = tpu.vector_load_idx %arg7[%min3A_956, %min3A_980] : memref<224x224xf32, #tpu.memory_space<vmem>>[vector<16xi32>, vector<16xi32>], vector<16xf32>,
      %gather3A_1015 = tpu.vector_load_idx %arg7[%min3A_965, %min3A_971] : memref<224x224xf32, #tpu.memory_space<vmem>>[vector<16xi32>, vector<16xi32>], vector<16xf32>,
      %gather3A_1016 = tpu.vector_load_idx %arg7[%min3A_965, %min3A_980] : memref<224x224xf32, #tpu.memory_space<vmem>>[vector<16xi32>, vector<16xi32>], vector<16xf32>,
      %mul3A_1017 = arith.mulf %select_n3A_991, %gather3A_1013 : vector<16xf32>
      %mul3A_1018 = arith.mulf %select_n3A_999, %gather3A_1014 : vector<16xf32>
      %add3A_1019 = arith.addf %mul3A_1017, %mul3A_1018 : vector<16xf32>
      %mul3A_1020 = arith.mulf %select_n3A_1007, %gather3A_1015 : vector<16xf32>
      %add3A_1021 = arith.addf %add3A_1019, %mul3A_1020 : vector<16xf32>
      %mul3A_1022 = arith.mulf %select_n3A_1012, %gather3A_1016 : vector<16xf32>
      %add3A_1023 = arith.addf %add3A_1021, %mul3A_1022 : vector<16xf32>
      %add3A_1024 = arith.addf %add3A_888, %add3A_1023 : vector<16xf32>
      %add3A_1025 = arith.constant 5600 : i32
      %add3A_1026 = arith.addi %add3A_1025, %mul3A_70 : i32
      %get3A_1027 = arith.index_cast %add3A_1026 : i32 to index
      %get3A_1028 = tpu.vector_load %arg8[%get3A_1027] {strides = array<i32>} : memref<8000xf32, #tpu.memory_space<vmem>>, vector<16xf32>,
      %add3A_1029 = arith.constant 6000 : i32
      %add3A_1030 = arith.addi %add3A_1029, %mul3A_70 : i32
      %get3A_1031 = arith.index_cast %add3A_1030 : i32 to index
      %get3A_1032 = tpu.vector_load %arg8[%get3A_1031] {strides = array<i32>} : memref<8000xf32, #tpu.memory_space<vmem>>, vector<16xf32>,
      %add3A_1033 = arith.constant 2.000000e+00 : f32
      %add3A_1034 = vector.broadcast %add3A_1033 : f32 to vector<16xf32>
      %add3A_1035 = arith.addf %get3A_73, %add3A_1034 : vector<16xf32>
      %add3A_1036 = arith.addf %add3A_1035, %get3A_1028 : vector<16xf32>
      %add3A_1037 = arith.constant 1.000000e+00 : f32
      %add3A_1038 = vector.broadcast %add3A_1037 : f32 to vector<16xf32>
      %add3A_1039 = arith.addf %get3A_77, %add3A_1038 : vector<16xf32>
      %add3A_1040 = arith.addf %add3A_1039, %get3A_1032 : vector<16xf32>
      %convert_element_type3A_1041 = arith.fptosi %add3A_1036 : vector<16xf32> to vector<16xi32>
      %convert_element_type3A_1042 = arith.sitofp %convert_element_type3A_1041 : vector<16xi32> to vector<16xf32>
      %gt3A_1043 = arith.cmpf ogt, %convert_element_type3A_1042, %add3A_1036 : vector<16xf32>
      %sub3A_1044 = arith.constant 1 : i32
      %sub3A_1045 = vector.broadcast %sub3A_1044 : i32 to vector<16xi32>
      %sub3A_1046 = arith.subi %convert_element_type3A_1041, %sub3A_1045 : vector<16xi32>
      %select_n3A_1047 = arith.select %gt3A_1043, %sub3A_1046, %convert_element_type3A_1041 : vector<16xi1>, vector<16xi32>
      %convert_element_type3A_1048 = arith.fptosi %add3A_1040 : vector<16xf32> to vector<16xi32>
      %convert_element_type3A_1049 = arith.sitofp %convert_element_type3A_1048 : vector<16xi32> to vector<16xf32>
      %gt3A_1050 = arith.cmpf ogt, %convert_element_type3A_1049, %add3A_1040 : vector<16xf32>
      %sub3A_1051 = arith.constant 1 : i32
      %sub3A_1052 = vector.broadcast %sub3A_1051 : i32 to vector<16xi32>
      %sub3A_1053 = arith.subi %convert_element_type3A_1048, %sub3A_1052 : vector<16xi32>
      %select_n3A_1054 = arith.select %gt3A_1050, %sub3A_1053, %convert_element_type3A_1048 : vector<16xi1>, vector<16xi32>
      %convert_element_type3A_1055 = arith.sitofp %select_n3A_1047 : vector<16xi32> to vector<16xf32>
      %sub3A_1056 = arith.subf %add3A_1036, %convert_element_type3A_1055 : vector<16xf32>
      %convert_element_type3A_1057 = arith.sitofp %select_n3A_1054 : vector<16xi32> to vector<16xf32>
      %sub3A_1058 = arith.subf %add3A_1040, %convert_element_type3A_1057 : vector<16xf32>
      %ge3A_1059 = arith.constant 0 : i32
      %ge3A_1060 = vector.broadcast %ge3A_1059 : i32 to vector<16xi32>
      %ge3A_1061 = arith.cmpi sge, %select_n3A_1047, %ge3A_1060 : vector<16xi32>
      %lt3A_1062 = arith.constant 224 : i32
      %lt3A_1063 = vector.broadcast %lt3A_1062 : i32 to vector<16xi32>
      %lt3A_1064 = arith.cmpi slt, %select_n3A_1047, %lt3A_1063 : vector<16xi32>
      %and3A_1065 = arith.andi %ge3A_1061, %lt3A_1064 : vector<16xi1>
      %ge3A_1066 = arith.constant -1 : i32
      %ge3A_1067 = vector.broadcast %ge3A_1066 : i32 to vector<16xi32>
      %ge3A_1068 = arith.cmpi sge, %select_n3A_1047, %ge3A_1067 : vector<16xi32>
      %lt3A_1069 = arith.constant 223 : i32
      %lt3A_1070 = vector.broadcast %lt3A_1069 : i32 to vector<16xi32>
      %lt3A_1071 = arith.cmpi slt, %select_n3A_1047, %lt3A_1070 : vector<16xi32>
      %and3A_1072 = arith.andi %ge3A_1068, %lt3A_1071 : vector<16xi1>
      %ge3A_1073 = arith.constant 0 : i32
      %ge3A_1074 = vector.broadcast %ge3A_1073 : i32 to vector<16xi32>
      %ge3A_1075 = arith.cmpi sge, %select_n3A_1054, %ge3A_1074 : vector<16xi32>
      %lt3A_1076 = arith.constant 224 : i32
      %lt3A_1077 = vector.broadcast %lt3A_1076 : i32 to vector<16xi32>
      %lt3A_1078 = arith.cmpi slt, %select_n3A_1054, %lt3A_1077 : vector<16xi32>
      %and3A_1079 = arith.andi %ge3A_1075, %lt3A_1078 : vector<16xi1>
      %ge3A_1080 = arith.constant -1 : i32
      %ge3A_1081 = vector.broadcast %ge3A_1080 : i32 to vector<16xi32>
      %ge3A_1082 = arith.cmpi sge, %select_n3A_1054, %ge3A_1081 : vector<16xi32>
      %lt3A_1083 = arith.constant 223 : i32
      %lt3A_1084 = vector.broadcast %lt3A_1083 : i32 to vector<16xi32>
      %lt3A_1085 = arith.cmpi slt, %select_n3A_1054, %lt3A_1084 : vector<16xi32>
      %and3A_1086 = arith.andi %ge3A_1082, %lt3A_1085 : vector<16xi1>
      %jit3A_1087 = arith.constant 0 : i32
      %jit3A_1088 = arith.constant 223 : i32
      %max3A_1089 = vector.broadcast %jit3A_1087 : i32 to vector<16xi32>
      %max3A_1090 = arith.maxsi %max3A_1089, %select_n3A_1047 : vector<16xi32>
      %min3A_1091 = vector.broadcast %jit3A_1088 : i32 to vector<16xi32>
      %min3A_1092 = arith.minsi %min3A_1091, %max3A_1090 : vector<16xi32>
      %add3A_1093 = arith.constant 1 : i32
      %add3A_1094 = vector.broadcast %add3A_1093 : i32 to vector<16xi32>
      %add3A_1095 = arith.addi %select_n3A_1047, %add3A_1094 : vector<16xi32>
      %jit3A_1096 = arith.constant 0 : i32
      %jit3A_1097 = arith.constant 223 : i32
      %max3A_1098 = vector.broadcast %jit3A_1096 : i32 to vector<16xi32>
      %max3A_1099 = arith.maxsi %max3A_1098, %add3A_1095 : vector<16xi32>
      %min3A_1100 = vector.broadcast %jit3A_1097 : i32 to vector<16xi32>
      %min3A_1101 = arith.minsi %min3A_1100, %max3A_1099 : vector<16xi32>
      %jit3A_1102 = arith.constant 0 : i32
      %jit3A_1103 = arith.constant 223 : i32
      %max3A_1104 = vector.broadcast %jit3A_1102 : i32 to vector<16xi32>
      %max3A_1105 = arith.maxsi %max3A_1104, %select_n3A_1054 : vector<16xi32>
      %min3A_1106 = vector.broadcast %jit3A_1103 : i32 to vector<16xi32>
      %min3A_1107 = arith.minsi %min3A_1106, %max3A_1105 : vector<16xi32>
      %add3A_1108 = arith.constant 1 : i32
      %add3A_1109 = vector.broadcast %add3A_1108 : i32 to vector<16xi32>
      %add3A_1110 = arith.addi %select_n3A_1054, %add3A_1109 : vector<16xi32>
      %jit3A_1111 = arith.constant 0 : i32
      %jit3A_1112 = arith.constant 223 : i32
      %max3A_1113 = vector.broadcast %jit3A_1111 : i32 to vector<16xi32>
      %max3A_1114 = arith.maxsi %max3A_1113, %add3A_1110 : vector<16xi32>
      %min3A_1115 = vector.broadcast %jit3A_1112 : i32 to vector<16xi32>
      %min3A_1116 = arith.minsi %min3A_1115, %max3A_1114 : vector<16xi32>
      %and3A_1117 = arith.andi %and3A_1065, %and3A_1079 : vector<16xi1>
      %sub3A_1118 = arith.constant 1.000000e+00 : f32
      %sub3A_1119 = vector.broadcast %sub3A_1118 : f32 to vector<16xf32>
      %sub3A_1120 = arith.subf %sub3A_1119, %sub3A_1056 : vector<16xf32>
      %sub3A_1121 = arith.constant 1.000000e+00 : f32
      %sub3A_1122 = vector.broadcast %sub3A_1121 : f32 to vector<16xf32>
      %sub3A_1123 = arith.subf %sub3A_1122, %sub3A_1058 : vector<16xf32>
      %mul3A_1124 = arith.mulf %sub3A_1120, %sub3A_1123 : vector<16xf32>
      %jit3A_1125 = arith.constant 0.000000e+00 : f32
      %broadcast_in_dim3A_1126 = vector.broadcast %jit3A_1125 : f32 to vector<16xf32>
      %select_n3A_1127 = arith.select %and3A_1117, %mul3A_1124, %broadcast_in_dim3A_1126 : vector<16xi1>, vector<16xf32>
      %and3A_1128 = arith.andi %and3A_1065, %and3A_1086 : vector<16xi1>
      %sub3A_1129 = arith.constant 1.000000e+00 : f32
      %sub3A_1130 = vector.broadcast %sub3A_1129 : f32 to vector<16xf32>
      %sub3A_1131 = arith.subf %sub3A_1130, %sub3A_1056 : vector<16xf32>
      %mul3A_1132 = arith.mulf %sub3A_1131, %sub3A_1058 : vector<16xf32>
      %jit3A_1133 = arith.constant 0.000000e+00 : f32
      %broadcast_in_dim3A_1134 = vector.broadcast %jit3A_1133 : f32 to vector<16xf32>
      %select_n3A_1135 = arith.select %and3A_1128, %mul3A_1132, %broadcast_in_dim3A_1134 : vector<16xi1>, vector<16xf32>
      %and3A_1136 = arith.andi %and3A_1072, %and3A_1079 : vector<16xi1>
      %sub3A_1137 = arith.constant 1.000000e+00 : f32
      %sub3A_1138 = vector.broadcast %sub3A_1137 : f32 to vector<16xf32>
      %sub3A_1139 = arith.subf %sub3A_1138, %sub3A_1058 : vector<16xf32>
      %mul3A_1140 = arith.mulf %sub3A_1056, %sub3A_1139 : vector<16xf32>
      %jit3A_1141 = arith.constant 0.000000e+00 : f32
      %broadcast_in_dim3A_1142 = vector.broadcast %jit3A_1141 : f32 to vector<16xf32>
      %select_n3A_1143 = arith.select %and3A_1136, %mul3A_1140, %broadcast_in_dim3A_1142 : vector<16xi1>, vector<16xf32>
      %and3A_1144 = arith.andi %and3A_1072, %and3A_1086 : vector<16xi1>
      %mul3A_1145 = arith.mulf %sub3A_1056, %sub3A_1058 : vector<16xf32>
      %jit3A_1146 = arith.constant 0.000000e+00 : f32
      %broadcast_in_dim3A_1147 = vector.broadcast %jit3A_1146 : f32 to vector<16xf32>
      %select_n3A_1148 = arith.select %and3A_1144, %mul3A_1145, %broadcast_in_dim3A_1147 : vector<16xi1>, vector<16xf32>
      %gather3A_1149 = tpu.vector_load_idx %arg7[%min3A_1092, %min3A_1107] : memref<224x224xf32, #tpu.memory_space<vmem>>[vector<16xi32>, vector<16xi32>], vector<16xf32>,
      %gather3A_1150 = tpu.vector_load_idx %arg7[%min3A_1092, %min3A_1116] : memref<224x224xf32, #tpu.memory_space<vmem>>[vector<16xi32>, vector<16xi32>], vector<16xf32>,
      %gather3A_1151 = tpu.vector_load_idx %arg7[%min3A_1101, %min3A_1107] : memref<224x224xf32, #tpu.memory_space<vmem>>[vector<16xi32>, vector<16xi32>], vector<16xf32>,
      %gather3A_1152 = tpu.vector_load_idx %arg7[%min3A_1101, %min3A_1116] : memref<224x224xf32, #tpu.memory_space<vmem>>[vector<16xi32>, vector<16xi32>], vector<16xf32>,
      %mul3A_1153 = arith.mulf %select_n3A_1127, %gather3A_1149 : vector<16xf32>
      %mul3A_1154 = arith.mulf %select_n3A_1135, %gather3A_1150 : vector<16xf32>
      %add3A_1155 = arith.addf %mul3A_1153, %mul3A_1154 : vector<16xf32>
      %mul3A_1156 = arith.mulf %select_n3A_1143, %gather3A_1151 : vector<16xf32>
      %add3A_1157 = arith.addf %add3A_1155, %mul3A_1156 : vector<16xf32>
      %mul3A_1158 = arith.mulf %select_n3A_1148, %gather3A_1152 : vector<16xf32>
      %add3A_1159 = arith.addf %add3A_1157, %mul3A_1158 : vector<16xf32>
      %add3A_1160 = arith.addf %add3A_1024, %add3A_1159 : vector<16xf32>
      %add3A_1161 = arith.constant 6400 : i32
      %add3A_1162 = arith.addi %add3A_1161, %mul3A_70 : i32
      %get3A_1163 = arith.index_cast %add3A_1162 : i32 to index
      %get3A_1164 = tpu.vector_load %arg8[%get3A_1163] {strides = array<i32>} : memref<8000xf32, #tpu.memory_space<vmem>>, vector<16xf32>,
      %add3A_1165 = arith.constant 6800 : i32
      %add3A_1166 = arith.addi %add3A_1165, %mul3A_70 : i32
      %get3A_1167 = arith.index_cast %add3A_1166 : i32 to index
      %get3A_1168 = tpu.vector_load %arg8[%get3A_1167] {strides = array<i32>} : memref<8000xf32, #tpu.memory_space<vmem>>, vector<16xf32>,
      %add3A_1169 = arith.constant 2.000000e+00 : f32
      %add3A_1170 = vector.broadcast %add3A_1169 : f32 to vector<16xf32>
      %add3A_1171 = arith.addf %get3A_73, %add3A_1170 : vector<16xf32>
      %add3A_1172 = arith.addf %add3A_1171, %get3A_1164 : vector<16xf32>
      %add3A_1173 = arith.constant 2.000000e+00 : f32
      %add3A_1174 = vector.broadcast %add3A_1173 : f32 to vector<16xf32>
      %add3A_1175 = arith.addf %get3A_77, %add3A_1174 : vector<16xf32>
      %add3A_1176 = arith.addf %add3A_1175, %get3A_1168 : vector<16xf32>
      %convert_element_type3A_1177 = arith.fptosi %add3A_1172 : vector<16xf32> to vector<16xi32>
      %convert_element_type3A_1178 = arith.sitofp %convert_element_type3A_1177 : vector<16xi32> to vector<16xf32>
      %gt3A_1179 = arith.cmpf ogt, %convert_element_type3A_1178, %add3A_1172 : vector<16xf32>
      %sub3A_1180 = arith.constant 1 : i32
      %sub3A_1181 = vector.broadcast %sub3A_1180 : i32 to vector<16xi32>
      %sub3A_1182 = arith.subi %convert_element_type3A_1177, %sub3A_1181 : vector<16xi32>
      %select_n3A_1183 = arith.select %gt3A_1179, %sub3A_1182, %convert_element_type3A_1177 : vector<16xi1>, vector<16xi32>
      %convert_element_type3A_1184 = arith.fptosi %add3A_1176 : vector<16xf32> to vector<16xi32>
      %convert_element_type3A_1185 = arith.sitofp %convert_element_type3A_1184 : vector<16xi32> to vector<16xf32>
      %gt3A_1186 = arith.cmpf ogt, %convert_element_type3A_1185, %add3A_1176 : vector<16xf32>
      %sub3A_1187 = arith.constant 1 : i32
      %sub3A_1188 = vector.broadcast %sub3A_1187 : i32 to vector<16xi32>
      %sub3A_1189 = arith.subi %convert_element_type3A_1184, %sub3A_1188 : vector<16xi32>
      %select_n3A_1190 = arith.select %gt3A_1186, %sub3A_1189, %convert_element_type3A_1184 : vector<16xi1>, vector<16xi32>
      %convert_element_type3A_1191 = arith.sitofp %select_n3A_1183 : vector<16xi32> to vector<16xf32>
      %sub3A_1192 = arith.subf %add3A_1172, %convert_element_type3A_1191 : vector<16xf32>
      %convert_element_type3A_1193 = arith.sitofp %select_n3A_1190 : vector<16xi32> to vector<16xf32>
      %sub3A_1194 = arith.subf %add3A_1176, %convert_element_type3A_1193 : vector<16xf32>
      %ge3A_1195 = arith.constant 0 : i32
      %ge3A_1196 = vector.broadcast %ge3A_1195 : i32 to vector<16xi32>
      %ge3A_1197 = arith.cmpi sge, %select_n3A_1183, %ge3A_1196 : vector<16xi32>
      %lt3A_1198 = arith.constant 224 : i32
      %lt3A_1199 = vector.broadcast %lt3A_1198 : i32 to vector<16xi32>
      %lt3A_1200 = arith.cmpi slt, %select_n3A_1183, %lt3A_1199 : vector<16xi32>
      %and3A_1201 = arith.andi %ge3A_1197, %lt3A_1200 : vector<16xi1>
      %ge3A_1202 = arith.constant -1 : i32
      %ge3A_1203 = vector.broadcast %ge3A_1202 : i32 to vector<16xi32>
      %ge3A_1204 = arith.cmpi sge, %select_n3A_1183, %ge3A_1203 : vector<16xi32>
      %lt3A_1205 = arith.constant 223 : i32
      %lt3A_1206 = vector.broadcast %lt3A_1205 : i32 to vector<16xi32>
      %lt3A_1207 = arith.cmpi slt, %select_n3A_1183, %lt3A_1206 : vector<16xi32>
      %and3A_1208 = arith.andi %ge3A_1204, %lt3A_1207 : vector<16xi1>
      %ge3A_1209 = arith.constant 0 : i32
      %ge3A_1210 = vector.broadcast %ge3A_1209 : i32 to vector<16xi32>
      %ge3A_1211 = arith.cmpi sge, %select_n3A_1190, %ge3A_1210 : vector<16xi32>
      %lt3A_1212 = arith.constant 224 : i32
      %lt3A_1213 = vector.broadcast %lt3A_1212 : i32 to vector<16xi32>
      %lt3A_1214 = arith.cmpi slt, %select_n3A_1190, %lt3A_1213 : vector<16xi32>
      %and3A_1215 = arith.andi %ge3A_1211, %lt3A_1214 : vector<16xi1>
      %ge3A_1216 = arith.constant -1 : i32
      %ge3A_1217 = vector.broadcast %ge3A_1216 : i32 to vector<16xi32>
      %ge3A_1218 = arith.cmpi sge, %select_n3A_1190, %ge3A_1217 : vector<16xi32>
      %lt3A_1219 = arith.constant 223 : i32
      %lt3A_1220 = vector.broadcast %lt3A_1219 : i32 to vector<16xi32>
      %lt3A_1221 = arith.cmpi slt, %select_n3A_1190, %lt3A_1220 : vector<16xi32>
      %and3A_1222 = arith.andi %ge3A_1218, %lt3A_1221 : vector<16xi1>
      %jit3A_1223 = arith.constant 0 : i32
      %jit3A_1224 = arith.constant 223 : i32
      %max3A_1225 = vector.broadcast %jit3A_1223 : i32 to vector<16xi32>
      %max3A_1226 = arith.maxsi %max3A_1225, %select_n3A_1183 : vector<16xi32>
      %min3A_1227 = vector.broadcast %jit3A_1224 : i32 to vector<16xi32>
      %min3A_1228 = arith.minsi %min3A_1227, %max3A_1226 : vector<16xi32>
      %add3A_1229 = arith.constant 1 : i32
      %add3A_1230 = vector.broadcast %add3A_1229 : i32 to vector<16xi32>
      %add3A_1231 = arith.addi %select_n3A_1183, %add3A_1230 : vector<16xi32>
      %jit3A_1232 = arith.constant 0 : i32
      %jit3A_1233 = arith.constant 223 : i32
      %max3A_1234 = vector.broadcast %jit3A_1232 : i32 to vector<16xi32>
      %max3A_1235 = arith.maxsi %max3A_1234, %add3A_1231 : vector<16xi32>
      %min3A_1236 = vector.broadcast %jit3A_1233 : i32 to vector<16xi32>
      %min3A_1237 = arith.minsi %min3A_1236, %max3A_1235 : vector<16xi32>
      %jit3A_1238 = arith.constant 0 : i32
      %jit3A_1239 = arith.constant 223 : i32
      %max3A_1240 = vector.broadcast %jit3A_1238 : i32 to vector<16xi32>
      %max3A_1241 = arith.maxsi %max3A_1240, %select_n3A_1190 : vector<16xi32>
      %min3A_1242 = vector.broadcast %jit3A_1239 : i32 to vector<16xi32>
      %min3A_1243 = arith.minsi %min3A_1242, %max3A_1241 : vector<16xi32>
      %add3A_1244 = arith.constant 1 : i32
      %add3A_1245 = vector.broadcast %add3A_1244 : i32 to vector<16xi32>
      %add3A_1246 = arith.addi %select_n3A_1190, %add3A_1245 : vector<16xi32>
      %jit3A_1247 = arith.constant 0 : i32
      %jit3A_1248 = arith.constant 223 : i32
      %max3A_1249 = vector.broadcast %jit3A_1247 : i32 to vector<16xi32>
      %max3A_1250 = arith.maxsi %max3A_1249, %add3A_1246 : vector<16xi32>
      %min3A_1251 = vector.broadcast %jit3A_1248 : i32 to vector<16xi32>
      %min3A_1252 = arith.minsi %min3A_1251, %max3A_1250 : vector<16xi32>
      %and3A_1253 = arith.andi %and3A_1201, %and3A_1215 : vector<16xi1>
      %sub3A_1254 = arith.constant 1.000000e+00 : f32
      %sub3A_1255 = vector.broadcast %sub3A_1254 : f32 to vector<16xf32>
      %sub3A_1256 = arith.subf %sub3A_1255, %sub3A_1192 : vector<16xf32>
      %sub3A_1257 = arith.constant 1.000000e+00 : f32
      %sub3A_1258 = vector.broadcast %sub3A_1257 : f32 to vector<16xf32>
      %sub3A_1259 = arith.subf %sub3A_1258, %sub3A_1194 : vector<16xf32>
      %mul3A_1260 = arith.mulf %sub3A_1256, %sub3A_1259 : vector<16xf32>
      %jit3A_1261 = arith.constant 0.000000e+00 : f32
      %broadcast_in_dim3A_1262 = vector.broadcast %jit3A_1261 : f32 to vector<16xf32>
      %select_n3A_1263 = arith.select %and3A_1253, %mul3A_1260, %broadcast_in_dim3A_1262 : vector<16xi1>, vector<16xf32>
      %and3A_1264 = arith.andi %and3A_1201, %and3A_1222 : vector<16xi1>
      %sub3A_1265 = arith.constant 1.000000e+00 : f32
      %sub3A_1266 = vector.broadcast %sub3A_1265 : f32 to vector<16xf32>
      %sub3A_1267 = arith.subf %sub3A_1266, %sub3A_1192 : vector<16xf32>
      %mul3A_1268 = arith.mulf %sub3A_1267, %sub3A_1194 : vector<16xf32>
      %jit3A_1269 = arith.constant 0.000000e+00 : f32
      %broadcast_in_dim3A_1270 = vector.broadcast %jit3A_1269 : f32 to vector<16xf32>
      %select_n3A_1271 = arith.select %and3A_1264, %mul3A_1268, %broadcast_in_dim3A_1270 : vector<16xi1>, vector<16xf32>
      %and3A_1272 = arith.andi %and3A_1208, %and3A_1215 : vector<16xi1>
      %sub3A_1273 = arith.constant 1.000000e+00 : f32
      %sub3A_1274 = vector.broadcast %sub3A_1273 : f32 to vector<16xf32>
      %sub3A_1275 = arith.subf %sub3A_1274, %sub3A_1194 : vector<16xf32>
      %mul3A_1276 = arith.mulf %sub3A_1192, %sub3A_1275 : vector<16xf32>
      %jit3A_1277 = arith.constant 0.000000e+00 : f32
      %broadcast_in_dim3A_1278 = vector.broadcast %jit3A_1277 : f32 to vector<16xf32>
      %select_n3A_1279 = arith.select %and3A_1272, %mul3A_1276, %broadcast_in_dim3A_1278 : vector<16xi1>, vector<16xf32>
      %and3A_1280 = arith.andi %and3A_1208, %and3A_1222 : vector<16xi1>
      %mul3A_1281 = arith.mulf %sub3A_1192, %sub3A_1194 : vector<16xf32>
      %jit3A_1282 = arith.constant 0.000000e+00 : f32
      %broadcast_in_dim3A_1283 = vector.broadcast %jit3A_1282 : f32 to vector<16xf32>
      %select_n3A_1284 = arith.select %and3A_1280, %mul3A_1281, %broadcast_in_dim3A_1283 : vector<16xi1>, vector<16xf32>
      %gather3A_1285 = tpu.vector_load_idx %arg7[%min3A_1228, %min3A_1243] : memref<224x224xf32, #tpu.memory_space<vmem>>[vector<16xi32>, vector<16xi32>], vector<16xf32>,
      %gather3A_1286 = tpu.vector_load_idx %arg7[%min3A_1228, %min3A_1252] : memref<224x224xf32, #tpu.memory_space<vmem>>[vector<16xi32>, vector<16xi32>], vector<16xf32>,
      %gather3A_1287 = tpu.vector_load_idx %arg7[%min3A_1237, %min3A_1243] : memref<224x224xf32, #tpu.memory_space<vmem>>[vector<16xi32>, vector<16xi32>], vector<16xf32>,
      %gather3A_1288 = tpu.vector_load_idx %arg7[%min3A_1237, %min3A_1252] : memref<224x224xf32, #tpu.memory_space<vmem>>[vector<16xi32>, vector<16xi32>], vector<16xf32>,
      %mul3A_1289 = arith.mulf %select_n3A_1263, %gather3A_1285 : vector<16xf32>
      %mul3A_1290 = arith.mulf %select_n3A_1271, %gather3A_1286 : vector<16xf32>
      %add3A_1291 = arith.addf %mul3A_1289, %mul3A_1290 : vector<16xf32>
      %mul3A_1292 = arith.mulf %select_n3A_1279, %gather3A_1287 : vector<16xf32>
      %add3A_1293 = arith.addf %add3A_1291, %mul3A_1292 : vector<16xf32>
      %mul3A_1294 = arith.mulf %select_n3A_1284, %gather3A_1288 : vector<16xf32>
      %add3A_1295 = arith.addf %add3A_1293, %mul3A_1294 : vector<16xf32>
      %add3A_1296 = arith.addf %add3A_1160, %add3A_1295 : vector<16xf32>
      %mul3A_1297 = arith.mulf %add3A_1296, %mul3A_45 : vector<16xf32>
      %swap3A_1298 = arith.index_cast %mul3A_70 : i32 to index
      %swap3A_1299 = tpu.vector_load %arg9[%swap3A_1298] {strides = array<i32>} : memref<400xf32, #tpu.memory_space<vmem>>, vector<16xf32>,
      tpu.vector_store %arg9[%swap3A_1298], %mul3A_1297 {strides = array<i32>} : memref<400xf32, #tpu.memory_space<vmem>>, vector<16xf32>,
    }
    %ne3A_58 = arith.constant 31 : i32
    %ne3A_59 = arith.cmpi ne, %add3A, %ne3A_58 : i32
    %convert_element_type3A_60 = arith.extui %ne3A_59 : i1 to i32
    %cond3A_61 = arith.constant 0 : i32
    %cond3A_62 = arith.cmpi ne, %convert_element_type3A_60, %cond3A_61 : i32
    scf.if %cond3A_62 {
      %add3A_68 = arith.constant 0 : i32
      %add3A_69 = arith.addi %add3A_68, %mul3A_2 : i32
      %dma_start3A = arith.constant 0 : i32
      %dma_start3A_70 = tpu.memref_slice %arg9[%dma_start3A] : memref<400xf32, #tpu.memory_space<vmem>> -> memref<400xf32, #tpu.memory_space<vmem>>
      %dma_start3A_71 = tpu.memref_slice %arg6[%add3A_69] : memref<50176xf32, #tpu.memory_space<hbm>> -> memref<400xf32, #tpu.memory_space<hbm>>
      %dma_start3A_72 = tpu.memref_slice %arg6[%add3A_69] : memref<50176xf32, #tpu.memory_space<hbm>> -> memref<400xf32, #tpu.memory_space<hbm>>
      %dma_start3A_73 = arith.constant 0 : i32
      %dma_start3A_74 = tpu.memref_slice %arg9[%dma_start3A_73] : memref<400xf32, #tpu.memory_space<vmem>> -> memref<400xf32, #tpu.memory_space<vmem>>
      tpu.enqueue_dma source(%dma_start3A_74 : memref<400xf32, #tpu.memory_space<vmem>>) target(%dma_start3A_72 : memref<400xf32, #tpu.memory_space<hbm>>) target_semaphore(%arg13 : memref<!tpu.dma_semaphore, #tpu.memory_space<semaphore_mem>>)
      %add3A_75 = arith.constant 12544 : i32
      %add3A_76 = arith.addi %add3A_75, %mul3A_2 : i32
      %dma_start3A_77 = arith.constant 0 : i32
      %dma_start3A_78 = tpu.memref_slice %arg9[%dma_start3A_77] : memref<400xf32, #tpu.memory_space<vmem>> -> memref<400xf32, #tpu.memory_space<vmem>>
      %dma_start3A_79 = tpu.memref_slice %arg6[%add3A_76] : memref<50176xf32, #tpu.memory_space<hbm>> -> memref<400xf32, #tpu.memory_space<hbm>>
      %dma_start3A_80 = tpu.memref_slice %arg6[%add3A_76] : memref<50176xf32, #tpu.memory_space<hbm>> -> memref<400xf32, #tpu.memory_space<hbm>>
      %dma_start3A_81 = arith.constant 0 : i32
      %dma_start3A_82 = tpu.memref_slice %arg9[%dma_start3A_81] : memref<400xf32, #tpu.memory_space<vmem>> -> memref<400xf32, #tpu.memory_space<vmem>>
      tpu.enqueue_dma source(%dma_start3A_82 : memref<400xf32, #tpu.memory_space<vmem>>) target(%dma_start3A_80 : memref<400xf32, #tpu.memory_space<hbm>>) target_semaphore(%arg13 : memref<!tpu.dma_semaphore, #tpu.memory_space<semaphore_mem>>)
      %add3A_83 = arith.constant 25088 : i32
      %add3A_84 = arith.addi %add3A_83, %mul3A_2 : i32
      %dma_start3A_85 = arith.constant 0 : i32
      %dma_start3A_86 = tpu.memref_slice %arg9[%dma_start3A_85] : memref<400xf32, #tpu.memory_space<vmem>> -> memref<400xf32, #tpu.memory_space<vmem>>
      %dma_start3A_87 = tpu.memref_slice %arg6[%add3A_84] : memref<50176xf32, #tpu.memory_space<hbm>> -> memref<400xf32, #tpu.memory_space<hbm>>
      %dma_start3A_88 = tpu.memref_slice %arg6[%add3A_84] : memref<50176xf32, #tpu.memory_space<hbm>> -> memref<400xf32, #tpu.memory_space<hbm>>
      %dma_start3A_89 = arith.constant 0 : i32
      %dma_start3A_90 = tpu.memref_slice %arg9[%dma_start3A_89] : memref<400xf32, #tpu.memory_space<vmem>> -> memref<400xf32, #tpu.memory_space<vmem>>
      tpu.enqueue_dma source(%dma_start3A_90 : memref<400xf32, #tpu.memory_space<vmem>>) target(%dma_start3A_88 : memref<400xf32, #tpu.memory_space<hbm>>) target_semaphore(%arg13 : memref<!tpu.dma_semaphore, #tpu.memory_space<semaphore_mem>>)
      %add3A_91 = arith.constant 37632 : i32
      %add3A_92 = arith.addi %add3A_91, %mul3A_2 : i32
      %dma_start3A_93 = arith.constant 0 : i32
      %dma_start3A_94 = tpu.memref_slice %arg9[%dma_start3A_93] : memref<400xf32, #tpu.memory_space<vmem>> -> memref<400xf32, #tpu.memory_space<vmem>>
      %dma_start3A_95 = tpu.memref_slice %arg6[%add3A_92] : memref<50176xf32, #tpu.memory_space<hbm>> -> memref<400xf32, #tpu.memory_space<hbm>>
      %dma_start3A_96 = tpu.memref_slice %arg6[%add3A_92] : memref<50176xf32, #tpu.memory_space<hbm>> -> memref<400xf32, #tpu.memory_space<hbm>>
      %dma_start3A_97 = arith.constant 0 : i32
      %dma_start3A_98 = tpu.memref_slice %arg9[%dma_start3A_97] : memref<400xf32, #tpu.memory_space<vmem>> -> memref<400xf32, #tpu.memory_space<vmem>>
      tpu.enqueue_dma source(%dma_start3A_98 : memref<400xf32, #tpu.memory_space<vmem>>) target(%dma_start3A_96 : memref<400xf32, #tpu.memory_space<hbm>>) target_semaphore(%arg13 : memref<!tpu.dma_semaphore, #tpu.memory_space<semaphore_mem>>)
      %dma_wait3A = arith.constant 0 : i32
      %dma_wait3A_99 = tpu.memref_slice %arg9[%dma_wait3A] : memref<400xf32, #tpu.memory_space<vmem>> -> memref<400xf32, #tpu.memory_space<vmem>>
      %dma_wait3A_100 = tpu.memref_slice %arg6[%add3A_69] : memref<50176xf32, #tpu.memory_space<hbm>> -> memref<400xf32, #tpu.memory_space<hbm>>
      %dma_wait3A_101 = tpu.memref_slice %arg6[%add3A_69] : memref<50176xf32, #tpu.memory_space<hbm>> -> memref<400xf32, #tpu.memory_space<hbm>>
      %dma_wait3A_102 = arith.constant 0 : i32
      %dma_wait3A_103 = tpu.memref_slice %arg9[%dma_wait3A_102] : memref<400xf32, #tpu.memory_space<vmem>> -> memref<400xf32, #tpu.memory_space<vmem>>
      tpu.wait_dma2 semaphore(%arg13 : memref<!tpu.dma_semaphore, #tpu.memory_space<semaphore_mem>>) src(%dma_wait3A_103 : memref<400xf32, #tpu.memory_space<vmem>>) dst(%dma_wait3A_101 : memref<400xf32, #tpu.memory_space<hbm>>)
      %dma_wait3A_104 = arith.constant 0 : i32
      %dma_wait3A_105 = tpu.memref_slice %arg9[%dma_wait3A_104] : memref<400xf32, #tpu.memory_space<vmem>> -> memref<400xf32, #tpu.memory_space<vmem>>
      %dma_wait3A_106 = tpu.memref_slice %arg6[%add3A_76] : memref<50176xf32, #tpu.memory_space<hbm>> -> memref<400xf32, #tpu.memory_space<hbm>>
      %dma_wait3A_107 = tpu.memref_slice %arg6[%add3A_76] : memref<50176xf32, #tpu.memory_space<hbm>> -> memref<400xf32, #tpu.memory_space<hbm>>
      %dma_wait3A_108 = arith.constant 0 : i32
      %dma_wait3A_109 = tpu.memref_slice %arg9[%dma_wait3A_108] : memref<400xf32, #tpu.memory_space<vmem>> -> memref<400xf32, #tpu.memory_space<vmem>>
      tpu.wait_dma2 semaphore(%arg13 : memref<!tpu.dma_semaphore, #tpu.memory_space<semaphore_mem>>) src(%dma_wait3A_109 : memref<400xf32, #tpu.memory_space<vmem>>) dst(%dma_wait3A_107 : memref<400xf32, #tpu.memory_space<hbm>>)
      %dma_wait3A_110 = arith.constant 0 : i32
      %dma_wait3A_111 = tpu.memref_slice %arg9[%dma_wait3A_110] : memref<400xf32, #tpu.memory_space<vmem>> -> memref<400xf32, #tpu.memory_space<vmem>>
      %dma_wait3A_112 = tpu.memref_slice %arg6[%add3A_84] : memref<50176xf32, #tpu.memory_space<hbm>> -> memref<400xf32, #tpu.memory_space<hbm>>
      %dma_wait3A_113 = tpu.memref_slice %arg6[%add3A_84] : memref<50176xf32, #tpu.memory_space<hbm>> -> memref<400xf32, #tpu.memory_space<hbm>>
      %dma_wait3A_114 = arith.constant 0 : i32
      %dma_wait3A_115 = tpu.memref_slice %arg9[%dma_wait3A_114] : memref<400xf32, #tpu.memory_space<vmem>> -> memref<400xf32, #tpu.memory_space<vmem>>
      tpu.wait_dma2 semaphore(%arg13 : memref<!tpu.dma_semaphore, #tpu.memory_space<semaphore_mem>>) src(%dma_wait3A_115 : memref<400xf32, #tpu.memory_space<vmem>>) dst(%dma_wait3A_113 : memref<400xf32, #tpu.memory_space<hbm>>)
      %dma_wait3A_116 = arith.constant 0 : i32
      %dma_wait3A_117 = tpu.memref_slice %arg9[%dma_wait3A_116] : memref<400xf32, #tpu.memory_space<vmem>> -> memref<400xf32, #tpu.memory_space<vmem>>
      %dma_wait3A_118 = tpu.memref_slice %arg6[%add3A_92] : memref<50176xf32, #tpu.memory_space<hbm>> -> memref<400xf32, #tpu.memory_space<hbm>>
      %dma_wait3A_119 = tpu.memref_slice %arg6[%add3A_92] : memref<50176xf32, #tpu.memory_space<hbm>> -> memref<400xf32, #tpu.memory_space<hbm>>
      %dma_wait3A_120 = arith.constant 0 : i32
      %dma_wait3A_121 = tpu.memref_slice %arg9[%dma_wait3A_120] : memref<400xf32, #tpu.memory_space<vmem>> -> memref<400xf32, #tpu.memory_space<vmem>>
      tpu.wait_dma2 semaphore(%arg13 : memref<!tpu.dma_semaphore, #tpu.memory_space<semaphore_mem>>) src(%dma_wait3A_121 : memref<400xf32, #tpu.memory_space<vmem>>) dst(%dma_wait3A_119 : memref<400xf32, #tpu.memory_space<hbm>>)
    } else {
    }
    %eq3A_63 = arith.constant 31 : i32
    %eq3A_64 = arith.cmpi eq, %add3A, %eq3A_63 : i32
    %convert_element_type3A_65 = arith.extui %eq3A_64 : i1 to i32
    %cond3A_66 = arith.constant 0 : i32
    %cond3A_67 = arith.cmpi ne, %convert_element_type3A_65, %cond3A_66 : i32
    scf.if %cond3A_67 {
      %add3A_68 = arith.constant 0 : i32
      %add3A_69 = arith.addi %add3A_68, %mul3A_2 : i32
      %dma_start3A = arith.constant 0 : i32
      %dma_start3A_70 = tpu.memref_slice %arg9[%dma_start3A] : memref<400xf32, #tpu.memory_space<vmem>> -> memref<144xf32, #tpu.memory_space<vmem>>
      %dma_start3A_71 = tpu.memref_slice %arg6[%add3A_69] : memref<50176xf32, #tpu.memory_space<hbm>> -> memref<144xf32, #tpu.memory_space<hbm>>
      %dma_start3A_72 = tpu.memref_slice %arg6[%add3A_69] : memref<50176xf32, #tpu.memory_space<hbm>> -> memref<144xf32, #tpu.memory_space<hbm>>
      %dma_start3A_73 = arith.constant 0 : i32
      %dma_start3A_74 = tpu.memref_slice %arg9[%dma_start3A_73] : memref<400xf32, #tpu.memory_space<vmem>> -> memref<144xf32, #tpu.memory_space<vmem>>
      tpu.enqueue_dma source(%dma_start3A_74 : memref<144xf32, #tpu.memory_space<vmem>>) target(%dma_start3A_72 : memref<144xf32, #tpu.memory_space<hbm>>) target_semaphore(%arg13 : memref<!tpu.dma_semaphore, #tpu.memory_space<semaphore_mem>>)
      %add3A_75 = arith.constant 12544 : i32
      %add3A_76 = arith.addi %add3A_75, %mul3A_2 : i32
      %dma_start3A_77 = arith.constant 0 : i32
      %dma_start3A_78 = tpu.memref_slice %arg9[%dma_start3A_77] : memref<400xf32, #tpu.memory_space<vmem>> -> memref<144xf32, #tpu.memory_space<vmem>>
      %dma_start3A_79 = tpu.memref_slice %arg6[%add3A_76] : memref<50176xf32, #tpu.memory_space<hbm>> -> memref<144xf32, #tpu.memory_space<hbm>>
      %dma_start3A_80 = tpu.memref_slice %arg6[%add3A_76] : memref<50176xf32, #tpu.memory_space<hbm>> -> memref<144xf32, #tpu.memory_space<hbm>>
      %dma_start3A_81 = arith.constant 0 : i32
      %dma_start3A_82 = tpu.memref_slice %arg9[%dma_start3A_81] : memref<400xf32, #tpu.memory_space<vmem>> -> memref<144xf32, #tpu.memory_space<vmem>>
      tpu.enqueue_dma source(%dma_start3A_82 : memref<144xf32, #tpu.memory_space<vmem>>) target(%dma_start3A_80 : memref<144xf32, #tpu.memory_space<hbm>>) target_semaphore(%arg13 : memref<!tpu.dma_semaphore, #tpu.memory_space<semaphore_mem>>)
      %add3A_83 = arith.constant 25088 : i32
      %add3A_84 = arith.addi %add3A_83, %mul3A_2 : i32
      %dma_start3A_85 = arith.constant 0 : i32
      %dma_start3A_86 = tpu.memref_slice %arg9[%dma_start3A_85] : memref<400xf32, #tpu.memory_space<vmem>> -> memref<144xf32, #tpu.memory_space<vmem>>
      %dma_start3A_87 = tpu.memref_slice %arg6[%add3A_84] : memref<50176xf32, #tpu.memory_space<hbm>> -> memref<144xf32, #tpu.memory_space<hbm>>
      %dma_start3A_88 = tpu.memref_slice %arg6[%add3A_84] : memref<50176xf32, #tpu.memory_space<hbm>> -> memref<144xf32, #tpu.memory_space<hbm>>
      %dma_start3A_89 = arith.constant 0 : i32
      %dma_start3A_90 = tpu.memref_slice %arg9[%dma_start3A_89] : memref<400xf32, #tpu.memory_space<vmem>> -> memref<144xf32, #tpu.memory_space<vmem>>
      tpu.enqueue_dma source(%dma_start3A_90 : memref<144xf32, #tpu.memory_space<vmem>>) target(%dma_start3A_88 : memref<144xf32, #tpu.memory_space<hbm>>) target_semaphore(%arg13 : memref<!tpu.dma_semaphore, #tpu.memory_space<semaphore_mem>>)
      %add3A_91 = arith.constant 37632 : i32
      %add3A_92 = arith.addi %add3A_91, %mul3A_2 : i32
      %dma_start3A_93 = arith.constant 0 : i32
      %dma_start3A_94 = tpu.memref_slice %arg9[%dma_start3A_93] : memref<400xf32, #tpu.memory_space<vmem>> -> memref<144xf32, #tpu.memory_space<vmem>>
      %dma_start3A_95 = tpu.memref_slice %arg6[%add3A_92] : memref<50176xf32, #tpu.memory_space<hbm>> -> memref<144xf32, #tpu.memory_space<hbm>>
      %dma_start3A_96 = tpu.memref_slice %arg6[%add3A_92] : memref<50176xf32, #tpu.memory_space<hbm>> -> memref<144xf32, #tpu.memory_space<hbm>>
      %dma_start3A_97 = arith.constant 0 : i32
      %dma_start3A_98 = tpu.memref_slice %arg9[%dma_start3A_97] : memref<400xf32, #tpu.memory_space<vmem>> -> memref<144xf32, #tpu.memory_space<vmem>>
      tpu.enqueue_dma source(%dma_start3A_98 : memref<144xf32, #tpu.memory_space<vmem>>) target(%dma_start3A_96 : memref<144xf32, #tpu.memory_space<hbm>>) target_semaphore(%arg13 : memref<!tpu.dma_semaphore, #tpu.memory_space<semaphore_mem>>)
      %dma_wait3A = arith.constant 0 : i32
      %dma_wait3A_99 = tpu.memref_slice %arg9[%dma_wait3A] : memref<400xf32, #tpu.memory_space<vmem>> -> memref<144xf32, #tpu.memory_space<vmem>>
      %dma_wait3A_100 = tpu.memref_slice %arg6[%add3A_69] : memref<50176xf32, #tpu.memory_space<hbm>> -> memref<144xf32, #tpu.memory_space<hbm>>
      %dma_wait3A_101 = tpu.memref_slice %arg6[%add3A_69] : memref<50176xf32, #tpu.memory_space<hbm>> -> memref<144xf32, #tpu.memory_space<hbm>>
      %dma_wait3A_102 = arith.constant 0 : i32
      %dma_wait3A_103 = tpu.memref_slice %arg9[%dma_wait3A_102] : memref<400xf32, #tpu.memory_space<vmem>> -> memref<144xf32, #tpu.memory_space<vmem>>
      tpu.wait_dma2 semaphore(%arg13 : memref<!tpu.dma_semaphore, #tpu.memory_space<semaphore_mem>>) src(%dma_wait3A_103 : memref<144xf32, #tpu.memory_space<vmem>>) dst(%dma_wait3A_101 : memref<144xf32, #tpu.memory_space<hbm>>)
      %dma_wait3A_104 = arith.constant 0 : i32
      %dma_wait3A_105 = tpu.memref_slice %arg9[%dma_wait3A_104] : memref<400xf32, #tpu.memory_space<vmem>> -> memref<144xf32, #tpu.memory_space<vmem>>
      %dma_wait3A_106 = tpu.memref_slice %arg6[%add3A_76] : memref<50176xf32, #tpu.memory_space<hbm>> -> memref<144xf32, #tpu.memory_space<hbm>>
      %dma_wait3A_107 = tpu.memref_slice %arg6[%add3A_76] : memref<50176xf32, #tpu.memory_space<hbm>> -> memref<144xf32, #tpu.memory_space<hbm>>
      %dma_wait3A_108 = arith.constant 0 : i32
      %dma_wait3A_109 = tpu.memref_slice %arg9[%dma_wait3A_108] : memref<400xf32, #tpu.memory_space<vmem>> -> memref<144xf32, #tpu.memory_space<vmem>>
      tpu.wait_dma2 semaphore(%arg13 : memref<!tpu.dma_semaphore, #tpu.memory_space<semaphore_mem>>) src(%dma_wait3A_109 : memref<144xf32, #tpu.memory_space<vmem>>) dst(%dma_wait3A_107 : memref<144xf32, #tpu.memory_space<hbm>>)
      %dma_wait3A_110 = arith.constant 0 : i32
      %dma_wait3A_111 = tpu.memref_slice %arg9[%dma_wait3A_110] : memref<400xf32, #tpu.memory_space<vmem>> -> memref<144xf32, #tpu.memory_space<vmem>>
      %dma_wait3A_112 = tpu.memref_slice %arg6[%add3A_84] : memref<50176xf32, #tpu.memory_space<hbm>> -> memref<144xf32, #tpu.memory_space<hbm>>
      %dma_wait3A_113 = tpu.memref_slice %arg6[%add3A_84] : memref<50176xf32, #tpu.memory_space<hbm>> -> memref<144xf32, #tpu.memory_space<hbm>>
      %dma_wait3A_114 = arith.constant 0 : i32
      %dma_wait3A_115 = tpu.memref_slice %arg9[%dma_wait3A_114] : memref<400xf32, #tpu.memory_space<vmem>> -> memref<144xf32, #tpu.memory_space<vmem>>
      tpu.wait_dma2 semaphore(%arg13 : memref<!tpu.dma_semaphore, #tpu.memory_space<semaphore_mem>>) src(%dma_wait3A_115 : memref<144xf32, #tpu.memory_space<vmem>>) dst(%dma_wait3A_113 : memref<144xf32, #tpu.memory_space<hbm>>)
      %dma_wait3A_116 = arith.constant 0 : i32
      %dma_wait3A_117 = tpu.memref_slice %arg9[%dma_wait3A_116] : memref<400xf32, #tpu.memory_space<vmem>> -> memref<144xf32, #tpu.memory_space<vmem>>
      %dma_wait3A_118 = tpu.memref_slice %arg6[%add3A_92] : memref<50176xf32, #tpu.memory_space<hbm>> -> memref<144xf32, #tpu.memory_space<hbm>>
      %dma_wait3A_119 = tpu.memref_slice %arg6[%add3A_92] : memref<50176xf32, #tpu.memory_space<hbm>> -> memref<144xf32, #tpu.memory_space<hbm>>
      %dma_wait3A_120 = arith.constant 0 : i32
      %dma_wait3A_121 = tpu.memref_slice %arg9[%dma_wait3A_120] : memref<400xf32, #tpu.memory_space<vmem>> -> memref<144xf32, #tpu.memory_space<vmem>>
      tpu.wait_dma2 semaphore(%arg13 : memref<!tpu.dma_semaphore, #tpu.memory_space<semaphore_mem>>) src(%dma_wait3A_121 : memref<144xf32, #tpu.memory_space<vmem>>) dst(%dma_wait3A_119 : memref<144xf32, #tpu.memory_space<hbm>>)
    } else {
    }
    return
  }
}

module attributes {stable_mosaic.version = 14 : i64} {
  func.func @_csum_body(%arg0: i32, %arg1: memref<1x96x56x224xf32, #tpu.memory_space<vmem>>, %arg2: memref<1x56x224xf32, #tpu.memory_space<vmem>>) attributes {dimension_semantics = [#tpu.dimension_semantics<arbitrary>], iteration_bounds = array<i64: 4>, scalar_prefetch = 0 : i64, scratch_operands = 0 : i64, tpu.core_type = #tpu.core_type<tc>, window_params = [{transform_indices = @transform_0, window_bounds = array<i64: 1, 96, 56, 224>}, {transform_indices = @transform_1, window_bounds = array<i64: 1, 56, 224>}]} {
    %get3A = arith.constant 0 : index
    %get3A_0 = arith.constant 0 : index
    %get3A_1 = arith.constant 0 : index
    %get3A_2 = arith.constant 0 : index
    %get3A_3 = vector.load %arg1[%get3A, %get3A_0, %get3A_1, %get3A_2] : memref<1x96x56x224xf32, #tpu.memory_space<vmem>>, vector<1x96x56x224xf32>
    %reduce_sum3A = arith.constant dense<0.000000e+00> : vector<1x56x224xf32>
    %reduce_sum3A_4 = vector.multi_reduction <add>, %get3A_3, %reduce_sum3A [1] : vector<1x96x56x224xf32> to vector<1x56x224xf32>
    %swap3A = arith.constant 0 : index
    %swap3A_5 = arith.constant 0 : index
    %swap3A_6 = arith.constant 0 : index
    %swap3A_7 = vector.load %arg2[%swap3A, %swap3A_5, %swap3A_6] : memref<1x56x224xf32, #tpu.memory_space<vmem>>, vector<1x56x224xf32>
    tpu.vector_store %arg2[%swap3A, %swap3A_5, %swap3A_6], %reduce_sum3A_4 {strides = array<i32>} : memref<1x56x224xf32, #tpu.memory_space<vmem>>, vector<1x56x224xf32>,
    return
  }
  func.func @transform_0(%arg0: i32) -> (i32, i32, i32, i32) {
    %c0_i32 = arith.constant 0 : i32
    %c0_i32_0 = arith.constant 0 : i32
    %c0_i32_1 = arith.constant 0 : i32
    %c0_i32_2 = arith.constant 0 : i32
    return %c0_i32, %c0_i32_0, %arg0, %c0_i32_1 : i32, i32, i32, i32
  }
  func.func @transform_1(%arg0: i32) -> (i32, i32, i32) {
    %c0_i32 = arith.constant 0 : i32
    %c0_i32_0 = arith.constant 0 : i32
    %c0_i32_1 = arith.constant 0 : i32
    return %c0_i32, %arg0, %c0_i32_0 : i32, i32, i32
  }
}

</mosaic_0001>

<sc_bundles>
// kernel: kernel.4.cloned.1.call-start
scs
__scs_entry_jumppad:
0x0: {  	(pc) =	sbr.rel $0x88, $3  }
0x1: {  	(tag) =	ssettag $0x0;
	lr =	simm.s32 $0x1  }
0x2: {  	[smem:$0x3F9E] =	sst lr;
	_ =	strace $0xD0000000  }
0x3: {  	_ = 	snop  }
0x4: {  	_ = 	snop  }
0x5: {  	_ = 	snop  }
0x6: {  	_ = 	snop  }
0x7: {  	_ = 	snop  }
__scs_overlays_trampoline_lowered:
0x8: {  	[smem:$0x3FAD] =	sst s0  }
0x9: {  	[smem:$0x3FAE] =	sst s1  }
0xa: {  	[smem:$0x3FAF] =	sst s2  }
0xb: {  	[smem:$0x3FB0] =	sst s3  }
0xc: {  	[smem:$0x3FB1] =	sst s4  }
0xd: {  	[smem:$0x3FB2] =	sst s5  }
0xe: {  	[smem:$0x3FB3] =	sst s6  }
0xf: {  	[smem:$0x3FB4] =	sst s7  }
0x10: {  	[smem:$0x3FB5] =	sst s8  }
0x11: {  	[smem:$0x3FB6] =	sst s9;
	s0 =	simm.s32 @!p0 $0x0  }
0x12: {  	s1 =	sld [smem:$0x3F9C];
	s0 =	simm.s32 @p0 $0x1  }
0x13: {  	[smem:$0x3FB7] =	sst s0;
	s0 =	simm.s32 @!p1 $0x0  }
0x14: {  	s2 =	sld [smem:$0x3F9B];
	s0 =	simm.s32 @p1 $0x1  }
0x15: {  	[smem:$0x3FB8] =	sst s0;
	s0 =	simm.s32 @!p2 $0x0  }
0x16: {  	s3 =	sld [smem:$0x3FDB];
	s0 =	simm.s32 @p2 $0x1  }
0x17: {  	s4 =	simm.s32 $0x1BF5;
	[smem:$0x3FBA] =	sst s0  }
0x18: {  	s0 =	sld [smem:$0x3F9D];
	_ =	swait.ge [sflag:s4], $0x0  }
0x19: {  	s7 =	sld [smem:$0x3F9E]  }
0x1a: {  	s8 =	sadd.s32 $0xFFFFE003, lr  }
0x1b: {  	s9 =	sadd.s32 $0xFFFFFEF7, lr;
	s5 =	simm.s32 $0xFFFFFFFF;
	p2 =	slt.u32 s8, $0xFFFFF086  }
0x1c: {  	p1 =	slt.u32 s9, $0xF7A;
	s5 =	simm.s32 @!p2 $0x0  }
0x1d: {  	s5 =	simm.s32 @p1 $0x1;
	p0 =	seq.s32 s7, s2  }
0x1e: {  	s7 =	smul.u32 @!p0 $0xF7A, s2;
	p2 =	seq.s32 @!p0 s5, $0x0  }
0x1f: {  	s9 =	smul.u32 $0xF7A, s1;
	s8 =	simm.s32 @!p0 $0x1BF5;
	p2 =	por !p2, p0  }
0x20: {  	[sflag:s8] =	ssyncset.s32 @!p0 $0xFFFFF086;
	s6 =	sadd.s32 @!p0 s3, s7;
	s7 =	simm.s32 @!p0 $0x108  }
0x21: {  	s3 =	sadd.s32 s3, s9;
	s6 =	sadd.s32 @!p0 $0x88, s6;
	s7 =	simm.s32 @p2 $0x1082  }
0x22: {  	[simem:s7], [sflag:s8] =	dma.local @!p0 [hbm:s6], $0xF7A  }
0x23: {  	s9 =	sor.u32 $0xD0000000, s2;
	s6 =	simm.s32 $0x108;
	_ =	swait.ge @!p0 [sflag:s8], $0x0  }
0x24: {  	s3 =	sadd.s32 $0x88, s3;
	s6 =	simm.s32 @!p1 $0x1082;
	[sflag:s4] =	ssyncset.s32 $0xFFFFF086  }
0x25: {  	[simem:s6], [sflag:s4] =	dma.local [hbm:s3], $0xF7A  }
0x26: {  	[smem:$0x3F9E] =	sst s1;
	(tag) =	ssettag s2;
	_ =	strace s9  }
0x27: {  	s1 =	sld [smem:$0x3FAE]  }
0x28: {  	s2 =	sld [smem:$0x3FAF]  }
0x29: {  	s4 =	sld [smem:$0x3FB1]  }
0x2a: {  	p0 =	seq.s32 s5, $0x0;
	s5 =	sld [smem:$0x3FB2]  }
0x2b: {  	s6 =	sld [smem:$0x3FB3]  }
0x2c: {  	s7 =	sld [smem:$0x3FB4]  }
0x2d: {  	s3 =	simm.s32 $0x108;
	s8 =	sld [smem:$0x3FB5]  }
0x2e: {  	s3 =	simm.s32 @!p0 $0x1082;
	s9 =	sld [smem:$0x3FB6]  }
0x2f: {  	lr =	sadd.s32 s0, s3;
	s0 =	sld [smem:$0x3FAD]  }
0x30: {  	s3 =	sld [smem:$0x3FB0]  }
0x31: {  	[smem:$0x3FB9] =	sst s10  }
0x32: {  	s10 =	sld [smem:$0x3FB7];
	_ =	sdelay $0x3  }
0x33: {  	p0 =	seq.s32 s10, $0x1;
	s10 =	sld [smem:$0x3FB9];
	_ =	sdelay $0x3  }
0x34: {  	[smem:$0x3FB9] =	sst s10  }
0x35: {  	s10 =	sld [smem:$0x3FB8];
	_ =	sdelay $0x3  }
0x36: {  	p1 =	seq.s32 s10, $0x1;
	s10 =	sld [smem:$0x3FB9];
	_ =	sdelay $0x3  }
0x37: {  	[smem:$0x3FB9] =	sst s10  }
0x38: {  	s10 =	sld [smem:$0x3FBA]  }
0x39: {  	_ = 	snop;
	(pc) =	sbr.ind lr, $3  }
0x3a: {  	_ = 	snop  }
0x3b: {  	_ = 	snop  }
0x3c: {  	p2 =	seq.s32 s10, $0x1;
	s10 =	sld [smem:$0x3FB9]  }
0x3d: {  	_ =	shalt  }
0x3e: {  	_ =	shalt  }
0x3f: {  	_ =	shalt  }
0x40: {  	_ =	shalt  }
0x41: {  	_ =	shalt  }
0x42: {  	_ =	shalt  }
0x43: {  	_ =	shalt  }
0x44: {  	_ =	shalt  }
0x45: {  	_ =	shalt  }
0x46: {  	_ =	shalt  }
0x47: {  	_ =	shalt  }
0x48: {  	_ =	shalt  }
0x49: {  	_ =	shalt  }
0x4a: {  	_ =	shalt  }
0x4b: {  	_ =	shalt  }
0x4c: {  	_ =	shalt  }
0x4d: {  	_ =	shalt  }
0x4e: {  	_ =	shalt  }
0x4f: {  	_ =	shalt  }
0x50: {  	_ =	shalt  }
0x51: {  	_ =	shalt  }
0x52: {  	_ =	shalt  }
0x53: {  	_ =	shalt  }
0x54: {  	_ =	shalt  }
0x55: {  	_ =	shalt  }
0x56: {  	_ =	shalt  }
0x57: {  	_ =	shalt  }
0x58: {  	_ =	shalt  }
0x59: {  	_ =	shalt  }
0x5a: {  	_ =	shalt  }
0x5b: {  	_ =	shalt  }
0x5c: {  	_ =	shalt  }
0x5d: {  	_ =	shalt  }
0x5e: {  	_ =	shalt  }
0x5f: {  	_ =	shalt  }
0x60: {  	_ =	shalt  }
0x61: {  	_ =	shalt  }
0x62: {  	_ =	shalt  }
0x63: {  	_ =	shalt  }
0x64: {  	_ =	shalt  }
0x65: {  	_ =	shalt  }
0x66: {  	_ =	shalt  }
0x67: {  	_ =	shalt  }
0x68: {  	_ =	shalt  }
0x69: {  	_ =	shalt  }
0x6a: {  	_ =	shalt  }
0x6b: {  	_ =	shalt  }
0x6c: {  	_ =	shalt  }
0x6d: {  	_ =	shalt  }
0x6e: {  	_ =	shalt  }
0x6f: {  	_ =	shalt  }
0x70: {  	_ =	shalt  }
0x71: {  	_ =	shalt  }
0x72: {  	_ =	shalt  }
0x73: {  	_ =	shalt  }
0x74: {  	_ =	shalt  }
0x75: {  	_ =	shalt  }
0x76: {  	_ =	shalt  }
0x77: {  	_ =	shalt  }
0x78: {  	_ =	shalt  }
0x79: {  	_ =	shalt  }
0x7a: {  	_ =	shalt  }
0x7b: {  	_ =	shalt  }
0x7c: {  	_ =	shalt  }
0x7d: {  	_ =	shalt  }
0x7e: {  	_ =	shalt  }
0x7f: {  	_ =	shalt  }
0x80: {  	_ =	shalt  }
0x81: {  	_ =	shalt  }
0x82: {  	_ =	shalt  }
0x83: {  	_ =	shalt  }
0x84: {  	_ =	shalt  }
0x85: {  	_ =	shalt  }
0x86: {  	_ =	shalt  }
0x87: {  	_ =	shalt  }
.Lfunc_end0:
.L_simem_size_0:
called_computation_lowered:
.L_overlay_start_0:
0x88: {  	s2 =	sld [smem:$0x3FD9]  }
0x89: {  	s3 =	sld [smem:$0x3FFE];
	_ =	sdelay $0x1  }
0x8a: {  	s1 =	srdreg.scid  }
0x8b: {  	s0 =	sand.u32 $0x1, s1  }
0x8c: {  	s17 =	sshll.u32 s0, $0xA;
	s2 =	sadd.s32 s3, s2  }
0x8d: {  	s2 =	sadd.s32 s2, s17  }
0x8e: {  	[smem:$0x3FC5] =	sst s2  }
0x8f: {  	_ = 	snop  }
0x90: {  	s2 =	sld [smem:$0x3FD0];
	(tm) =	ssettm $0x1  }
0x91: {  	s18 =	sld [smem:$0x3FFB];
	_ =	sdelay $0x3  }
0x92: {  	_ =	strace s18  }
0x93: {  	s3 =	sld [smem:$0x3FFC];
	_ =	sdelay $0x3  }
0x94: {  	_ =	strace s3  }
0x95: {  	s3 =	sld [smem:$0x3FFD];
	_ =	sdelay $0x3  }
0x96: {  	_ =	strace s3  }
0x97: {  	_ =	strace $0x8FFFFFFF  }
0x98: {  	s19 =	sld [smem:$0x3FDB];
	_ =	sdelay $0x1  }
0x99: {  	s4 =	simm.s32 $_scs_section_size  }
0x9a: {  	s5 =	simm.s32 $_size__tile_overlayer_lowered;
	s6 =	simm.s32 $_tile_overlayer_lowered  }
0x9b: {  	s22 =	simm.s32 $0x1BFF;
	s21 =	sshll.u32 s6, $0x1;
	s3 =	sadd.s32 s4, s19  }
0x9c: {  	s7 =	simm.s32 $0x0;
	s20 =	sshll.u32 s5, $0x1;
	s5 =	sadd.s32 s21, s3  }
0x9d: {  	[timem:s7], [sflag:s22] =	dma.local [hbm:s5], s20  }
0x9e: {  	_ =	swait.ge [sflag:s22], s20  }
0x9f: {  	s4 =	ssub.s32 $0x0, s20;
	[sflag:s22] =	ssyncset.done $0x0  }
0xa0: {  	[sflag:s22] =	ssyncadd.s32 s4;
	_ =	sdelay $0x1  }
0xa1: {  	s23 =	simm.s32 $0x1B8B  }
0xa2: {  	_ =	swait.ge [sflag:s23], $0x1  }
0xa3: {  	[sflag:s23] =	ssyncset.done $0x0  }
0xa4: {  	s25 =	simm.s32 $0x1B8E;
	s24 =	sld [smem:$0x3FFE];
	[sflag:s23] =	ssyncadd.s32 $0xFFFFFFFF  }
0xa5: {  	s26 =	simm.s32 $execute0_lowered;
	[smem:$0x3FD2] =	sst s25  }
0xa6: {  	s5 =	sshll.u32 s26, $0x1;
	_ =	strace $0x80000046;
	[dreg:$0x1] =	wrdreg $0xFFFFFFFF  }
0xa7: {  	s28 =	simm.s32 $_size_execute0_lowered;
	s3 =	sadd.s32 s3, s5;
	[dreg:$0x0] =	wrdreg $0x0  }
0xa8: {  	s5 =	sshll.u32 s28, $0x1;
	[dreg:$0x2] =	wrdreg s3  }
0xa9: {  	[dreg:$0x3] =	wrdreg s5  }
0xaa: {  	[dreg:$0x4] =	wrdreg $0xC0  }
0xab: {  	_ =	task [dreg:s7], $0x5FFFF  }
0xac: {  	[dreg:$0x1] =	wrdreg $0xFFFFFFFF  }
0xad: {  	[dreg:$0x0] =	wrdreg $0x60  }
0xae: {  	[dreg:$0x2] =	wrdreg s2  }
0xaf: {  	[dreg:$0x3] =	wrdreg s24  }
0xb0: {  	[dreg:$0x4] =	wrdreg $0x9  }
0xb1: {  	_ =	task.clear_ibuf [dreg:s7], $0x5FFFF;
	_ =	strace $0x90000046  }
0xb2: {  	s29 =	simm.s32 $0x9;
	_ =	strace $0x80000048  }
0xb3: {  	_ =	swait.ge [sflag:s29], $0x1  }
0xb4: {  	[sflag:s29] =	ssyncadd.s32 $0xFFFFFFFF  }
0xb5: {  	_ =	strace $0x90000048  }
0xb6: {  	_ =	sfence  }
0xb7: {  	s30 =	sld [smem:$0x0];
	_ =	sdelay $0x2  }
0xb8: {  	s31 =	sshll.u32 s1, $0xD;
	s1 =	sshrl.u32 s1, $0x2  }
0xb9: {  	s3 =	sand.u32 $0x4000, s31;
	s1 =	sadd.s32 s1, s30  }
0xba: {  	s0 =	sor.u32 s3, s0;
	s1 =	sshll.u32 s1, $0x11  }
0xbb: {  	s0 =	sor.u32 s1, s0  }
0xbc: {  	s0 =	sadd.s32 $0x8F2B, s0  }
0xbd: {  	[sflag:s0] =	ssyncadd.remote.s32 $0x1  }
0xbe: {  	_ =	sfence.sel $0xFFFF  }
0xbf: {  	[dreg:$0x0] =	wrdreg $0xFFFFFFFF;
	(pc) =	sbr.abs _section_cstart, $3  }
0xc0: {  	[dreg:$0x1] =	wrdreg $0xFFFFFFFF  }
0xc1: {  	_ =	task.clear_ibuf [dreg:s7], $0x2FFFF;
	_ =	strace $0x9FFFFFFF  }
0xc2: {  	(tm) =	ssettm $0x7FFFFFFF  }
0xc3: {  	_ =	shalt  }
tec
execute0_lowered:
.L_overlay_start_1:
0x0: {  	(tag) =	ssettag $0x1  }
0x1: {  	s0 =	rddreg [dreg:$0x1]  }
0x2: {  	s1 =	srdreg.scid;
	s2 =	stileid.u32;
	s3 =	simm.s32 $0x0  }
0x3: {  	s1 =	sand.u32 $0x1, s1;
	[smem:$0x7FF] =	sst s3;
	s29 =	sadd.s32 $0x140E, s0  }
0x4: {  	s13 =	sadd.s32 $0x266E, s0;
	_ =	strace $0x80000047;
	[dreg:$0x8] =	wrdreg s29  }
0x5: {  	s2 =	sshll.u32 s2, $0x1;
	s14 =	sadd.s32 $0x2C8E, s0;
	[dreg:$0xb] =	wrdreg s13  }
0x6: {  	s6 =	sadd.s32 $0xE00, s0;
	s15 =	sadd.s32 $0x32AE, s0;
	[dreg:$0xc] =	wrdreg s14  }
0x7: {  	s7 =	sadd.s32 $0x7E00, s0;
	s16 =	sadd.s32 $0x38CE, s0;
	[dreg:$0xd] =	wrdreg s15  }
0x8: {  	s17 =	sadd.s32 $0x3EEE, s0;
	s18 =	sadd.s32 $0x450E, s0;
	[dreg:$0xe] =	wrdreg s16  }
0x9: {  	s2 =	sor.u32 s1, s2;
	s1 =	ssub.s32 $0x2, s1;
	[dreg:$0xf] =	wrdreg s17  }
0xa: {  	[dreg:$0x10] =	wrdreg s18;
	s29 =	sadd.s32 $0x63AE, s0;
	s5 =	smul.u32 $0x190, s2  }
0xb: {  	s8 =	sadd.s32 $0x8C00, s0;
	s9 =	sshrl.u32 s1, $0x1;
	[dreg:$0x15] =	wrdreg s29  }
0xc: {  	s1 =	ssub.s32 s1, s9;
	s9 =	sadd.s32 $0x760E, s0;
	s10 =	sshrl.u32 s5, $0x3  }
0xd: {  	[dreg:$0x18] =	wrdreg s9;
	s5 =	sadd.s32 s6, s10;
	s22 =	sadd.s32 $0x620, s10  }
0xe: {  	s23 =	sadd.s32 $0xC40, s10;
	s11 =	sadd.s32 $0x1260, s10;
	s25 =	sadd.s32 s7, s10  }
0xf: {  	s19 =	sadd.s32 s8, s10;
	s10 =	sadd.s32 $0x7C2E, s0;
	[dreg:$0x6] =	wrdreg s25  }
0x10: {  	s12 =	sadd.s32 s6, s22;
	[dreg:$0x19] =	wrdreg s10  }
0x11: {  	s24 =	sadd.s32 s6, s23;
	[dreg:$0x3] =	wrdreg s12  }
0x12: {  	s6 =	sadd.s32 s6, s11;
	[dreg:$0x4] =	wrdreg s24  }
0x13: {  	s28 =	simm.s32 $0x0;
	s26 =	sadd.s32 s7, s22;
	[dreg:$0x5] =	wrdreg s6  }
0x14: {  	s4 =	sadd.s32 $0xC00, s0;
	s7 =	sadd.s32 $0x1A2E, s0;
	[dreg:$0x7] =	wrdreg s26  }
0x15: {  	s21 =	sadd.s32 s8, s23;
	s23 =	sadd.s32 $0x4B2E, s0;
	[dreg:$0x9] =	wrdreg s7  }
0x16: {  	s20 =	sadd.s32 s8, s22;
	s25 =	sadd.s32 $0x576E, s0;
	[dreg:$0x11] =	wrdreg s23  }
0x17: {  	s22 =	sadd.s32 s8, s11;
	s8 =	sadd.s32 $0x6FEE, s0;
	[dreg:$0x13] =	wrdreg s25  }
0x18: {  	p0 =	seq.s32 s2, $0x1F;
	s11 =	sadd.s32 $0x840E, s0;
	[dreg:$0x17] =	wrdreg s8  }
0x19: {  	s2 =	simm.s32 $0x9;
	s13 =	sadd.s32 $0x1880, s5;
	[dreg:$0x1a] =	wrdreg s11  }
0x1a: {  	s2 =	simm.s32 @!p0 $0x19;
	s14 =	sadd.s32 $0x1EA0, s5;
	[dreg:$0x1c] =	wrdreg s13  }
0x1b: {  	s9 =	sadd.s32 $0x982E, s0;
	s15 =	sadd.s32 $0x24C0, s5;
	[dreg:$0x1d] =	wrdreg s14  }
0x1c: {  	v0 =	vimm.s32 $0x76543210;
	s10 =	sadd.s32 $0x9E4E, s0;
	s16 =	sadd.s32 $0x2AE0, s5;
	[dreg:$0x1e] =	wrdreg s15  }
0x1d: {  	v1 =	vimm.s32 $0xFEDCBA98;
	v2 =	vimm.s32 $0xBA98FEDC;
	s17 =	sadd.s32 $0x3100, s5;
	s18 =	sadd.s32 $0x3720, s5;
	[dreg:$0x1f] =	wrdreg s16  }
0x1e: {  	v3 =	vimm.s32 $0x32107654;
	s29 =	sadd.s32 $0x55C0, s5;
	s30 =	sadd.s32 $0x5BE0, s5;
	[smem:$0x7F7] =	sst s17  }
0x1f: {  	v4 =	vimm.s32 $0xDCFE98BA;
	s31 =	sadd.s32 $0x6200, s5;
	s12 =	sadd.s32 $0x204E, s0;
	[smem:$0x7F8] =	sst s18  }
0x20: {  	v5 =	vimm.s32 $0x54761032;
	s24 =	sadd.s32 $0x514E, s0;
	s26 =	sadd.s32 $0x5D8E, s0;
	[smem:$0x7FD] =	sst s29  }
0x21: {  	v6 =	vimm.s32 $0xEFCDAB89;
	v7 =	vimm.s32 $0x67452301;
	s7 =	sadd.s32 $0x69CE, s0;
	s8 =	sadd.s32 $0x920E, s0;
	[dreg:$0xa] =	wrdreg s12  }
0x22: {  	v1 =	vunpack.c.l.s4.s8 v1;
	v0 =	vunpack.c.l.s4.s8 v0;
	v2 =	vunpack.c.l.s4.s8 v2;
	s11 =	sadd.s32 $0xA46E, s0;
	s23 =	sadd.s32 $0x3D40, s5;
	[dreg:$0x12] =	wrdreg s24  }
0x23: {  	v3 =	vunpack.c.l.s4.s8 v3;
	v4 =	vunpack.c.l.s4.s8 v4;
	v5 =	vunpack.c.l.s4.s8 v5;
	s25 =	sadd.s32 $0x4980, s5;
	s6 =	simm.s32 $0xD6C0;
	[dreg:$0x14] =	wrdreg s26  }
0x24: {  	v6 =	vunpack.c.l.s4.s8 v6;
	v7 =	vunpack.c.l.s4.s8 v7;
	v1 =	vunpack.c.0.s8.s32 v1;
	s16 =	simm.s32 $0xD850;
	s17 =	simm.s32 $0xD9E0;
	[dreg:$0x16] =	wrdreg s7  }
0x25: {  	v2 =	vunpack.c.0.s8.s32 v2;
	v3 =	vunpack.c.0.s8.s32 v3;
	v4 =	vunpack.c.0.s8.s32 v4;
	s18 =	simm.s32 $0xDB70;
	s13 =	simm.s32 $0xDE90;
	[smem:$0x7F9] =	sst s23  }
0x26: {  	v5 =	vunpack.c.0.s8.s32 v5;
	v6 =	vunpack.c.0.s8.s32 v6;
	v7 =	vunpack.c.0.s8.s32 v7;
	s14 =	simm.s32 $0xE1B0;
	s12 =	sadd.s32 $0x8A2E, s0;
	[smem:$0x7FB] =	sst s25  }
0x27: {  	v0 =	vunpack.c.0.s8.s32 v0;
	v2 =	vcombine.low v3, v2;
	s24 =	sadd.s32 $0x4360, s5;
	s26 =	sadd.s32 $0x4FA0, s5;
	[dreg:$0x1b] =	wrdreg s12  }
0x28: {  	v3 =	vcombine.low v5, v4;
	v4 =	vcombine.low v7, v6;
	v1 =	vand.u32 $0xF, v1;
	s0 =	sadd.s32 $0x6820, s5;
	s7 =	simm.s32 $0xDD00;
	[smem:$0x7FA] =	sst s24  }
0x29: {  	v0 =	vcombine.low v1, v0;
	v1 =	vand.u32 $0xF, v2;
	s25 =	simm.s32 $0x2;
	s12 =	smax.u32 s1, $0x1;
	[smem:$0x7FC] =	sst s26  }
0x2a: {  	v2 =	vand.u32 $0xF, v3;
	v3 =	vand.u32 $0xF, v4;
	v4 =	vimm.s32 $0x0;
	s24 =	simm.s32 $0xE020;
	s26 =	simm.s32 $0x1;
	s1 =	simm.s32 $0xF250  }
.LBB2_1:
.Ltmp0:
0x2b: {  	(pc) =	sbr.rel @!p0 .LBB2_2-.Ltmp0, $4  }
0x2c: {  	s15 =	rddreg [dreg:$0x0]  }
0x2d: {  	[tilespmem:s3], [sflag:$0x1] =	stream.linear.gather [hbm4b:s15+s3], $0xC400, $0x38;
	[tilespmem:$0xF260] =	vst v63  }
0x2e: {  	s29 =	simm.s32 $0xE4D0  }
0x2f: {  	[tilespmem:s29], [sflag:$0x1] =	stream.linear.gather [hbm4b:s4+s3], $0xD80, $0x38;
	[tilespmem:$0xF260] =	vst v63  }
0x30: {  	s15 =	rddreg [dreg:$0x8];
	s23 =	simm.s32 $0xC400  }
0x31: {  	[tilespmem:s23], [sflag:$0x2] =	stream.linear.gather [hbm4b:s15+s3], $0x90, $0x38;
	[tilespmem:$0xF260] =	vst v63  }
0x32: {  	s29 =	simm.s32 $0xC590;
	s23 =	rddreg [dreg:$0x9]  }
0x33: {  	[tilespmem:s29], [sflag:$0x2] =	stream.linear.gather [hbm4b:s23+s3], $0x90, $0x38;
	[tilespmem:$0xF260] =	vst v63  }
0x34: {  	s23 =	rddreg [dreg:$0xa];
	s29 =	simm.s32 $0xC720  }
0x35: {  	[tilespmem:s29], [sflag:$0x2] =	stream.linear.gather [hbm4b:s23+s3], $0x90, $0x38;
	[tilespmem:$0xF260] =	vst v63  }
0x36: {  	s23 =	rddreg [dreg:$0xb];
	s29 =	simm.s32 $0xC8B0  }
0x37: {  	[tilespmem:s29], [sflag:$0x2] =	stream.linear.gather [hbm4b:s23+s3], $0x90, $0x38;
	[tilespmem:$0xF260] =	vst v63  }
0x38: {  	s23 =	rddreg [dreg:$0xc];
	s29 =	simm.s32 $0xCA40  }
0x39: {  	[tilespmem:s29], [sflag:$0x2] =	stream.linear.gather [hbm4b:s23+s3], $0x90, $0x38;
	[tilespmem:$0xF260] =	vst v63  }
0x3a: {  	s23 =	rddreg [dreg:$0xd];
	s29 =	simm.s32 $0xCBD0  }
0x3b: {  	[tilespmem:s29], [sflag:$0x2] =	stream.linear.gather [hbm4b:s23+s3], $0x90, $0x38;
	[tilespmem:$0xF260] =	vst v63  }
0x3c: {  	s23 =	rddreg [dreg:$0xe];
	s29 =	simm.s32 $0xCD60  }
0x3d: {  	[tilespmem:s29], [sflag:$0x2] =	stream.linear.gather [hbm4b:s23+s3], $0x90, $0x38;
	[tilespmem:$0xF260] =	vst v63  }
0x3e: {  	s23 =	rddreg [dreg:$0xf];
	s29 =	simm.s32 $0xCEF0  }
0x3f: {  	[tilespmem:s29], [sflag:$0x2] =	stream.linear.gather [hbm4b:s23+s3], $0x90, $0x38;
	[tilespmem:$0xF260] =	vst v63  }
0x40: {  	s23 =	rddreg [dreg:$0x10];
	s29 =	simm.s32 $0xD080  }
0x41: {  	[tilespmem:s29], [sflag:$0x2] =	stream.linear.gather [hbm4b:s23+s3], $0x90, $0x38;
	[tilespmem:$0xF260] =	vst v63  }
0x42: {  	s23 =	rddreg [dreg:$0x11];
	s29 =	simm.s32 $0xD210  }
0x43: {  	[tilespmem:s29], [sflag:$0x2] =	stream.linear.gather [hbm4b:s23+s3], $0x90, $0x38;
	[tilespmem:$0xF260] =	vst v63  }
0x44: {  	s23 =	rddreg [dreg:$0x12];
	s29 =	simm.s32 $0xD3A0  }
0x45: {  	[tilespmem:s29], [sflag:$0x2] =	stream.linear.gather [hbm4b:s23+s3], $0x90, $0x38;
	[tilespmem:$0xF260] =	vst v63  }
0x46: {  	s23 =	rddreg [dreg:$0x13];
	s29 =	simm.s32 $0xD530  }
0x47: {  	[tilespmem:s29], [sflag:$0x2] =	stream.linear.gather [hbm4b:s23+s3], $0x90, $0x38;
	[tilespmem:$0xF260] =	vst v63  }
0x48: {  	s23 =	rddreg [dreg:$0x14]  }
0x49: {  	[tilespmem:s6], [sflag:$0x2] =	stream.linear.gather [hbm4b:s23+s3], $0x90, $0x38;
	[tilespmem:$0xF260] =	vst v63  }
0x4a: {  	s29 =	rddreg [dreg:$0x15]  }
0x4b: {  	[tilespmem:s16], [sflag:$0x2] =	stream.linear.gather [hbm4b:s29+s3], $0x90, $0x38;
	[tilespmem:$0xF260] =	vst v63  }
0x4c: {  	s23 =	rddreg [dreg:$0x16]  }
0x4d: {  	[tilespmem:s17], [sflag:$0x2] =	stream.linear.gather [hbm4b:s23+s3], $0x90, $0x38;
	[tilespmem:$0xF260] =	vst v63  }
0x4e: {  	s29 =	rddreg [dreg:$0x17]  }
0x4f: {  	[tilespmem:s18], [sflag:$0x2] =	stream.linear.gather [hbm4b:s29+s3], $0x90, $0x38;
	[tilespmem:$0xF260] =	vst v63  }
0x50: {  	s23 =	rddreg [dreg:$0x18]  }
0x51: {  	[tilespmem:s7], [sflag:$0x2] =	stream.linear.gather [hbm4b:s23+s3], $0x90, $0x38;
	[tilespmem:$0xF260] =	vst v63  }
0x52: {  	s29 =	rddreg [dreg:$0x19]  }
0x53: {  	[tilespmem:s13], [sflag:$0x2] =	stream.linear.gather [hbm4b:s29+s3], $0x90, $0x38;
	[tilespmem:$0xF260] =	vst v63  }
0x54: {  	s23 =	rddreg [dreg:$0x1a]  }
0x55: {  	[tilespmem:s24], [sflag:$0x2] =	stream.linear.gather [hbm4b:s23+s3], $0x90, $0x38;
	[tilespmem:$0xF260] =	vst v63  }
0x56: {  	s29 =	rddreg [dreg:$0x1b]  }
0x57: {  	[tilespmem:s14], [sflag:$0x2] =	stream.linear.gather [hbm4b:s29+s3], $0x90, $0x38;
	[tilespmem:$0xF260] =	vst v63  }
0x58: {  	_ =	swait.ge [sflag:s25], $0x90  }
0x59: {  	[sflag:s25] =	ssyncset.done $0x0  }
0x5a: {  	[sflag:s25] =	ssyncadd.s32 $0xFFFFFF70  }
0x5b: {  	_ =	swait.ge [sflag:s25], $0x90  }
0x5c: {  	[sflag:s25] =	ssyncset.done $0x0  }
0x5d: {  	[sflag:s25] =	ssyncadd.s32 $0xFFFFFF70  }
0x5e: {  	_ =	swait.ge [sflag:s25], $0x90  }
0x5f: {  	[sflag:s25] =	ssyncset.done $0x0  }
0x60: {  	[sflag:s25] =	ssyncadd.s32 $0xFFFFFF70  }
0x61: {  	_ =	swait.ge [sflag:s25], $0x90  }
0x62: {  	[sflag:s25] =	ssyncset.done $0x0  }
0x63: {  	[sflag:s25] =	ssyncadd.s32 $0xFFFFFF70  }
0x64: {  	_ =	swait.ge [sflag:s25], $0x90  }
0x65: {  	[sflag:s25] =	ssyncset.done $0x0  }
0x66: {  	[sflag:s25] =	ssyncadd.s32 $0xFFFFFF70  }
0x67: {  	_ =	swait.ge [sflag:s25], $0x90  }
0x68: {  	[sflag:s25] =	ssyncset.done $0x0  }
0x69: {  	[sflag:s25] =	ssyncadd.s32 $0xFFFFFF70  }
0x6a: {  	_ =	swait.ge [sflag:s25], $0x90  }
0x6b: {  	[sflag:s25] =	ssyncset.done $0x0  }
0x6c: {  	[sflag:s25] =	ssyncadd.s32 $0xFFFFFF70  }
0x6d: {  	_ =	swait.ge [sflag:s25], $0x90  }
0x6e: {  	[sflag:s25] =	ssyncset.done $0x0  }
0x6f: {  	[sflag:s25] =	ssyncadd.s32 $0xFFFFFF70  }
0x70: {  	_ =	swait.ge [sflag:s25], $0x90  }
0x71: {  	[sflag:s25] =	ssyncset.done $0x0  }
0x72: {  	[sflag:s25] =	ssyncadd.s32 $0xFFFFFF70  }
0x73: {  	_ =	swait.ge [sflag:s25], $0x90  }
0x74: {  	[sflag:s25] =	ssyncset.done $0x0  }
0x75: {  	[sflag:s25] =	ssyncadd.s32 $0xFFFFFF70  }
0x76: {  	_ =	swait.ge [sflag:s25], $0x90  }
0x77: {  	[sflag:s25] =	ssyncset.done $0x0  }
0x78: {  	[sflag:s25] =	ssyncadd.s32 $0xFFFFFF70  }
0x79: {  	_ =	swait.ge [sflag:s25], $0x90  }
0x7a: {  	[sflag:s25] =	ssyncset.done $0x0  }
0x7b: {  	[sflag:s25] =	ssyncadd.s32 $0xFFFFFF70  }
0x7c: {  	_ =	swait.ge [sflag:s25], $0x90  }
0x7d: {  	[sflag:s25] =	ssyncset.done $0x0  }
0x7e: {  	[sflag:s25] =	ssyncadd.s32 $0xFFFFFF70  }
0x7f: {  	_ =	swait.ge [sflag:s25], $0x90  }
0x80: {  	[sflag:s25] =	ssyncset.done $0x0  }
0x81: {  	[sflag:s25] =	ssyncadd.s32 $0xFFFFFF70  }
0x82: {  	_ =	swait.ge [sflag:s25], $0x90  }
0x83: {  	[sflag:s25] =	ssyncset.done $0x0  }
0x84: {  	[sflag:s25] =	ssyncadd.s32 $0xFFFFFF70  }
0x85: {  	_ =	swait.ge [sflag:s25], $0x90  }
0x86: {  	[sflag:s25] =	ssyncset.done $0x0  }
0x87: {  	[sflag:s25] =	ssyncadd.s32 $0xFFFFFF70  }
0x88: {  	_ =	swait.ge [sflag:s25], $0x90  }
0x89: {  	[sflag:s25] =	ssyncset.done $0x0  }
0x8a: {  	[sflag:s25] =	ssyncadd.s32 $0xFFFFFF70  }
0x8b: {  	_ =	swait.ge [sflag:s25], $0x90  }
0x8c: {  	[sflag:s25] =	ssyncset.done $0x0  }
0x8d: {  	[sflag:s25] =	ssyncadd.s32 $0xFFFFFF70  }
0x8e: {  	_ =	swait.ge [sflag:s25], $0x90  }
.Ltmp1:
0x8f: {  	[sflag:s25] =	ssyncset.done $0x0;
	(pc) =	sbr.rel .LBB2_4-.Ltmp1, $4  }
0x90: {  	[sflag:s25] =	ssyncadd.s32 $0xFFFFFF70  }
0x91: {  	_ =	swait.ge [sflag:s25], $0x90  }
0x92: {  	[sflag:s25] =	ssyncset.done $0x0  }
0x93: {  	[sflag:s25] =	ssyncadd.s32 $0xFFFFFF70  }
.LBB2_2:
0x94: {  	s15 =	simm.s32 $0xC400  }
0x95: {  	[tilespmem:s15], [sflag:$0x2] =	stream.linear.gather [hbm4b:s5+s3], $0x190, $0x38;
	[tilespmem:$0xF260] =	vst v63  }
0x96: {  	s29 =	rddreg [dreg:$0x3];
	s23 =	simm.s32 $0xC590  }
0x97: {  	[tilespmem:s23], [sflag:$0x2] =	stream.linear.gather [hbm4b:s29+s3], $0x190, $0x38;
	[tilespmem:$0xF260] =	vst v63  }
0x98: {  	s23 =	rddreg [dreg:$0x4];
	s29 =	simm.s32 $0xC720  }
0x99: {  	[tilespmem:s29], [sflag:$0x2] =	stream.linear.gather [hbm4b:s23+s3], $0x190, $0x38;
	[tilespmem:$0xF260] =	vst v63  }
0x9a: {  	s23 =	rddreg [dreg:$0x5];
	s29 =	simm.s32 $0xC8B0  }
0x9b: {  	[tilespmem:s29], [sflag:$0x2] =	stream.linear.gather [hbm4b:s23+s3], $0x190, $0x38;
	[tilespmem:$0xF260] =	vst v63  }
0x9c: {  	s23 =	rddreg [dreg:$0x1c];
	s29 =	simm.s32 $0xCA40  }
0x9d: {  	[tilespmem:s29], [sflag:$0x2] =	stream.linear.gather [hbm4b:s23+s3], $0x190, $0x38;
	[tilespmem:$0xF260] =	vst v63  }
0x9e: {  	s23 =	rddreg [dreg:$0x1d];
	s29 =	simm.s32 $0xCBD0  }
0x9f: {  	[tilespmem:s29], [sflag:$0x2] =	stream.linear.gather [hbm4b:s23+s3], $0x190, $0x38;
	[tilespmem:$0xF260] =	vst v63  }
0xa0: {  	s23 =	rddreg [dreg:$0x1e];
	s29 =	simm.s32 $0xCD60  }
0xa1: {  	[tilespmem:s29], [sflag:$0x2] =	stream.linear.gather [hbm4b:s23+s3], $0x190, $0x38;
	[tilespmem:$0xF260] =	vst v63  }
0xa2: {  	s23 =	rddreg [dreg:$0x1f];
	s29 =	simm.s32 $0xCEF0  }
0xa3: {  	[tilespmem:s29], [sflag:$0x2] =	stream.linear.gather [hbm4b:s23+s3], $0x190, $0x38;
	[tilespmem:$0xF260] =	vst v63  }
0xa4: {  	s23 =	sld [smem:$0x7F7];
	_ =	sdelay $0x1  }
0xa5: {  	s29 =	simm.s32 $0xD080  }
0xa6: {  	[tilespmem:s29], [sflag:$0x2] =	stream.linear.gather [hbm4b:s23+s3], $0x190, $0x38;
	[tilespmem:$0xF260] =	vst v63  }
0xa7: {  	s23 =	sld [smem:$0x7F8];
	_ =	sdelay $0x1  }
0xa8: {  	s29 =	simm.s32 $0xD210  }
0xa9: {  	[tilespmem:s29], [sflag:$0x2] =	stream.linear.gather [hbm4b:s23+s3], $0x190, $0x38;
	[tilespmem:$0xF260] =	vst v63  }
0xaa: {  	s23 =	sld [smem:$0x7F9];
	_ =	sdelay $0x1  }
0xab: {  	s29 =	simm.s32 $0xD3A0  }
0xac: {  	[tilespmem:s29], [sflag:$0x2] =	stream.linear.gather [hbm4b:s23+s3], $0x190, $0x38;
	[tilespmem:$0xF260] =	vst v63  }
0xad: {  	s23 =	sld [smem:$0x7FA];
	_ =	sdelay $0x1  }
0xae: {  	s29 =	simm.s32 $0xD530  }
0xaf: {  	[tilespmem:s29], [sflag:$0x2] =	stream.linear.gather [hbm4b:s23+s3], $0x190, $0x38;
	[tilespmem:$0xF260] =	vst v63  }
0xb0: {  	s29 =	sld [smem:$0x7FB];
	_ =	sdelay $0x1  }
0xb1: {  	s23 =	sld [smem:$0x7FC]  }
0xb2: {  	[tilespmem:s6], [sflag:$0x2] =	stream.linear.gather [hbm4b:s29+s3], $0x190, $0x38;
	[tilespmem:$0xF260] =	vst v63  }
0xb3: {  	s29 =	sld [smem:$0x7FD]  }
0xb4: {  	[tilespmem:s16], [sflag:$0x2] =	stream.linear.gather [hbm4b:s23+s3], $0x190, $0x38;
	[tilespmem:$0xF260] =	vst v63  }
0xb5: {  	_ = 	snop  }
0xb6: {  	[tilespmem:s17], [sflag:$0x2] =	stream.linear.gather [hbm4b:s29+s3], $0x190, $0x38;
	[tilespmem:$0xF260] =	vst v63  }
0xb7: {  	_ = 	snop  }
0xb8: {  	[tilespmem:s18], [sflag:$0x2] =	stream.linear.gather [hbm4b:s30+s3], $0x190, $0x38;
	[tilespmem:$0xF260] =	vst v63  }
0xb9: {  	_ = 	snop  }
0xba: {  	[tilespmem:s7], [sflag:$0x2] =	stream.linear.gather [hbm4b:s31+s3], $0x190, $0x38;
	[tilespmem:$0xF260] =	vst v63  }
0xbb: {  	_ = 	snop  }
0xbc: {  	[tilespmem:s13], [sflag:$0x2] =	stream.linear.gather [hbm4b:s0+s3], $0x190, $0x38;
	[tilespmem:$0xF260] =	vst v63  }
0xbd: {  	s23 =	rddreg [dreg:$0x6]  }
0xbe: {  	[tilespmem:s24], [sflag:$0x2] =	stream.linear.gather [hbm4b:s23+s3], $0x190, $0x38;
	[tilespmem:$0xF260] =	vst v63  }
0xbf: {  	s29 =	rddreg [dreg:$0x7]  }
0xc0: {  	[tilespmem:s14], [sflag:$0x2] =	stream.linear.gather [hbm4b:s29+s3], $0x190, $0x38;
	[tilespmem:$0xF260] =	vst v63  }
0xc1: {  	_ =	swait.ge [sflag:s25], $0x190  }
0xc2: {  	[sflag:s25] =	ssyncset.done $0x0  }
0xc3: {  	[sflag:s25] =	ssyncadd.s32 $0xFFFFFE70  }
0xc4: {  	_ =	swait.ge [sflag:s25], $0x190  }
0xc5: {  	[sflag:s25] =	ssyncset.done $0x0  }
0xc6: {  	[sflag:s25] =	ssyncadd.s32 $0xFFFFFE70  }
0xc7: {  	_ =	swait.ge [sflag:s25], $0x190  }
0xc8: {  	[sflag:s25] =	ssyncset.done $0x0  }
0xc9: {  	[sflag:s25] =	ssyncadd.s32 $0xFFFFFE70  }
0xca: {  	_ =	swait.ge [sflag:s25], $0x190  }
0xcb: {  	[sflag:s25] =	ssyncset.done $0x0  }
0xcc: {  	[sflag:s25] =	ssyncadd.s32 $0xFFFFFE70  }
0xcd: {  	_ =	swait.ge [sflag:s25], $0x190  }
0xce: {  	[sflag:s25] =	ssyncset.done $0x0  }
0xcf: {  	[sflag:s25] =	ssyncadd.s32 $0xFFFFFE70  }
0xd0: {  	_ =	swait.ge [sflag:s25], $0x190  }
0xd1: {  	[sflag:s25] =	ssyncset.done $0x0  }
0xd2: {  	[sflag:s25] =	ssyncadd.s32 $0xFFFFFE70  }
0xd3: {  	_ =	swait.ge [sflag:s25], $0x190  }
0xd4: {  	[sflag:s25] =	ssyncset.done $0x0  }
0xd5: {  	[sflag:s25] =	ssyncadd.s32 $0xFFFFFE70  }
0xd6: {  	_ =	swait.ge [sflag:s25], $0x190  }
0xd7: {  	[sflag:s25] =	ssyncset.done $0x0  }
0xd8: {  	[sflag:s25] =	ssyncadd.s32 $0xFFFFFE70  }
0xd9: {  	_ =	swait.ge [sflag:s25], $0x190  }
0xda: {  	[sflag:s25] =	ssyncset.done $0x0  }
0xdb: {  	[sflag:s25] =	ssyncadd.s32 $0xFFFFFE70  }
0xdc: {  	_ =	swait.ge [sflag:s25], $0x190  }
0xdd: {  	[sflag:s25] =	ssyncset.done $0x0  }
0xde: {  	[sflag:s25] =	ssyncadd.s32 $0xFFFFFE70  }
0xdf: {  	_ =	swait.ge [sflag:s25], $0x190  }
0xe0: {  	[sflag:s25] =	ssyncset.done $0x0  }
0xe1: {  	[sflag:s25] =	ssyncadd.s32 $0xFFFFFE70  }
0xe2: {  	_ =	swait.ge [sflag:s25], $0x190  }
0xe3: {  	[sflag:s25] =	ssyncset.done $0x0  }
0xe4: {  	[sflag:s25] =	ssyncadd.s32 $0xFFFFFE70  }
0xe5: {  	_ =	swait.ge [sflag:s25], $0x190  }
0xe6: {  	[sflag:s25] =	ssyncset.done $0x0  }
0xe7: {  	[sflag:s25] =	ssyncadd.s32 $0xFFFFFE70  }
0xe8: {  	_ =	swait.ge [sflag:s25], $0x190  }
0xe9: {  	[sflag:s25] =	ssyncset.done $0x0  }
0xea: {  	[sflag:s25] =	ssyncadd.s32 $0xFFFFFE70  }
0xeb: {  	_ =	swait.ge [sflag:s25], $0x190  }
0xec: {  	[sflag:s25] =	ssyncset.done $0x0  }
0xed: {  	[sflag:s25] =	ssyncadd.s32 $0xFFFFFE70  }
0xee: {  	_ =	swait.ge [sflag:s25], $0x190  }
0xef: {  	[sflag:s25] =	ssyncset.done $0x0  }
0xf0: {  	[sflag:s25] =	ssyncadd.s32 $0xFFFFFE70  }
0xf1: {  	_ =	swait.ge [sflag:s25], $0x190  }
0xf2: {  	[sflag:s25] =	ssyncset.done $0x0  }
0xf3: {  	[sflag:s25] =	ssyncadd.s32 $0xFFFFFE70  }
0xf4: {  	_ =	swait.ge [sflag:s25], $0x190  }
0xf5: {  	[sflag:s25] =	ssyncset.done $0x0  }
0xf6: {  	[sflag:s25] =	ssyncadd.s32 $0xFFFFFE70  }
0xf7: {  	_ =	swait.ge [sflag:s25], $0x190  }
0xf8: {  	[sflag:s25] =	ssyncset.done $0x0  }
0xf9: {  	[sflag:s25] =	ssyncadd.s32 $0xFFFFFE70  }
0xfa: {  	_ =	swait.ge [sflag:s25], $0x190  }
0xfb: {  	[sflag:s25] =	ssyncset.done $0x0  }
0xfc: {  	[sflag:s25] =	ssyncadd.s32 $0xFFFFFE70  }
.LBB2_4:
0xfd: {  	_ =	swait.ge [sflag:s26], $0xD80  }
0xfe: {  	[sflag:s26] =	ssyncset.done $0x0  }
0xff: {  	[sflag:s26] =	ssyncadd.s32 $0xFFFFF280  }
0x100: {  	_ =	swait.ge [sflag:s26], $0xC400  }
0x101: {  	[sflag:s26] =	ssyncset.done $0x0  }
0x102: {  	s23 =	simm.s32 $0x0;
	[sflag:s26] =	ssyncadd.s32 $0xFFFF3C00  }
0x103: {  	v5 =	vimm.f32 $0.0e+00;
	s15 =	simm.s32 $0x40;
	v6 =	vld [tilespmem:s23+$0xE4D0]  }
.LBB2_5:
0x104: {  	p1 =	sne.s32 s15, $0x35C0  }
.Ltmp2:
0x105: {  	_ = 	snop;
	(pc) =	sbr.rel @p1 .LBB2_5-.Ltmp2, $3  }
0x106: {  	_ =	sdelay $0x1  }
0x107: {  	s23 =	sshra.s32 s15, $0x2;
	s15 =	sadd.s32 $0x40, s15;
	v5 =	vadd.f32 v6, v5  }
0x108: {  	v6 =	vld [tilespmem:s23+$0xE4D0]  }
0x109: {  	_ =	sdelay $0x3  }
0x10a: {  	v5 =	vadd.f32 v6, v5;
	_ =	sdelay $0x1  }
0x10b: {  	[tilespmem:$0xF250] =	vst v5  }
0x10c: {  	v6 =	vld.idx.msk [tilespmem:v0+s1+$0x0], $0xffff;
	_ =	sdelay $0x4  }
0x10d: {  	v5 =	vadd.f32 v6, v5;
	_ =	sdelay $0x1  }
0x10e: {  	[tilespmem:$0xF250] =	vst v5  }
0x10f: {  	v6 =	vld.idx.msk [tilespmem:v1+s1+$0x0], $0xffff;
	_ =	sdelay $0x4  }
0x110: {  	v5 =	vadd.f32 v6, v5;
	_ =	sdelay $0x1  }
0x111: {  	[tilespmem:$0xF250] =	vst v5  }
0x112: {  	v6 =	vld.idx.msk [tilespmem:v2+s1+$0x0], $0xffff;
	_ =	sdelay $0x4  }
0x113: {  	v5 =	vadd.f32 v6, v5;
	_ =	sdelay $0x1  }
0x114: {  	[tilespmem:$0xF250] =	vst v5  }
0x115: {  	v6 =	vld.idx.msk [tilespmem:v3+s1+$0x0], $0xffff;
	_ =	sdelay $0x4  }
0x116: {  	v5 =	vadd.f32 v6, v5;
	_ =	sdelay $0x1  }
0x117: {  	s15 =	simm.s32 $0xE340;
	s29 =	simm.s32 $0xD3A0;
	s23 =	smov.u32 s2;
	v5 =	vmul.f32 $2.893518540e-04, v5  }
.LBB2_7:
0x118: {  	v9 =	vld [tilespmem:s29+$0xC80]  }
0x119: {  	v7 =	vld [tilespmem:s29+$0xE10]  }
0x11a: {  	v6 =	vld [tilespmem:s29+$0xFFFFF060]  }
0x11b: {  	v11 =	vld [tilespmem:s29+$0xFFFFF1F0]  }
0x11c: {  	v21 =	vld [tilespmem:s29+$0xFFFFF380]  }
0x11d: {  	v36 =	vld [tilespmem:s29+$0xFFFFF6A0]  }
0x11e: {  	v10 =	vadd.f32 $0.0e+00, v9  }
0x11f: {  	v8 =	vadd.f32 $0.0e+00, v7  }
0x120: {  	v6 =	vadd.f32 v6, v10  }
0x121: {  	v11 =	vadd.f32 v11, v8;
	v21 =	vadd.f32 v21, v10  }
0x122: {  	v10 =	vadd.f32 v36, v10;
	v12 =	vtrunc.f32 v6  }
0x123: {  	v45 =	vtrunc.f32 v11;
	v49 =	vtrunc.f32 v21  }
0x124: {  	v44 =	vtrunc.f32 v10;
	v13 =	vcvt.f32.s32 v12  }
0x125: {  	vm0 =	vlt.f32 v6, v12;
	v15 =	vcvt.f32.s32 v45;
	vm10 =	vlt.f32 v11, v45  }
0x126: {  	v50 =	vcvt.f32.s32 v49;
	v14 =	vsel vm0, $0xFFFFFFFF, v4;
	v47 =	vsel vm10, $0xFFFFFFFF, v4  }
0x127: {  	v45 =	vcvt.f32.s32 v44;
	v46 =	vadd.s32 v13, v14;
	v13 =	vadd.s32 v15, v47  }
0x128: {  	v14 =	vcvt.s32.f32 v46;
	v15 =	vcvt.s32.f32 v13  }
0x129: {  	vm2 =	vlt.u32 v46, $0xE0;
	vm1 =	vlt.u32 v13, $0xE0;
	vm3 =	vgt.s32 v46, $0x0  }
0x12a: {  	v48 =	vadd.s32 $0x1, v13;
	vm4 =	vgt.s32 v13, $0x0;
	v12 =	vnsel vm3, $0x0, v46  }
0x12b: {  	v13 =	vnsel vm4, $0x0, v13;
	vm13 =	vgt.s32 v48, $0x0;
	vm14 =	vlt.u32 v48, $0xE0  }
0x12c: {  	vm15 =	vmand vm2, vm1;
	vm4 =	vlt.f32 v21, v49;
	v14 =	vsub.f32 v6, v14  }
0x12d: {  	v6 =	vadd.s32 $0x1, v46;
	v11 =	vsub.f32 v11, v15;
	v12 =	vmin.u32 v12, $0xDF  }
0x12e: {  	v15 =	vnsel vm13, $0x0, v48;
	v13 =	vmin.u32 v13, $0xDF;
	vm2 =	vmand vm2, vm14  }
0x12f: {  	v52 =	vsel vm4, $0xFFFFFFFF, v4;
	vm4 =	vlt.f32 v10, v44;
	vm11 =	vlt.u32 v6, $0xE0  }
0x130: {  	vm12 =	vgt.s32 v6, $0x0;
	v15 =	vmin.u32 v15, $0xDF;
	v12 =	vmul.u32 $0xE0, v12  }
0x131: {  	v18 =	vand.u32 $0xF8, v13;
	v13 =	vand.u32 $0x7, v13;
	v54 =	vadd.s32 v50, v52  }
0x132: {  	v47 =	vsel vm4, $0xFFFFFFFF, v4;
	v6 =	vnsel vm12, $0x0, v6;
	v16 =	vsub.f32 $1.000000000e+00, v14  }
0x133: {  	v17 =	vsub.f32 $1.000000000e+00, v11;
	v20 =	vand.u32 $0xF8, v15;
	v15 =	vand.u32 $0x7, v15  }
0x134: {  	vm1 =	vmand vm11, vm1;
	vm0 =	vmand vm11, vm14;
	vm6 =	vgt.s32 v54, $0x0  }
0x135: {  	v57 =	vadd.s32 $0x1, v54;
	v62 =	vcvt.s32.f32 v54;
	vm10 =	vlt.u32 v54, $0xE0  }
0x136: {  	v49 =	vadd.s32 v45, v47;
	v19 =	vadd.s32 v12, v18;
	v12 =	vadd.s32 v12, v20  }
0x137: {  	v23 =	vld [tilespmem:s29+$0xFFFFF510];
	v6 =	vmin.u32 v6, $0xDF;
	vm7 =	vgt.s32 v57, $0x0;
	vm11 =	vlt.u32 v57, $0xE0  }
0x138: {  	v39 =	vld [tilespmem:s29+$0xFFFFF830];
	v19 =	vor.u32 v13, v19;
	v22 =	vmul.f32 v17, v16;
	v16 =	vmul.f32 v11, v16  }
0x139: {  	v36 =	vld [tilespmem:s29+$0xFFFFFB50];
	v12 =	vor.u32 v15, v12;
	v17 =	vmul.f32 v17, v14;
	v24 =	vmul.u32 $0xE0, v6  }
0x13a: {  	v6 =	vadd.f32 $1.000000000e+00, v7;
	v59 =	vnsel vm7, $0x0, v57;
	v11 =	vmul.f32 v11, v14  }
0x13b: {  	v7 =	vadd.f32 $2.000000000e+00, v7;
	v22 =	vnsel vm15, $0x0, v22;
	v16 =	vnsel vm2, $0x0, v16  }
0x13c: {  	v17 =	vnsel vm1, $0x0, v17;
	v18 =	vadd.s32 v18, v24;
	v20 =	vadd.s32 v24, v20  }
0x13d: {  	v23 =	vadd.f32 v23, v6;
	v24 =	vnsel vm6, $0x0, v54;
	v11 =	vnsel vm0, $0x0, v11  }
0x13e: {  	v41 =	vadd.f32 v39, v7;
	vm6 =	vgt.s32 v49, $0x0;
	v39 =	vadd.f32 v36, v8  }
0x13f: {  	v13 =	vor.u32 v13, v18;
	v15 =	vor.u32 v15, v20;
	v24 =	vmin.u32 v24, $0xDF  }
0x140: {  	v18 =	vsub.f32 v21, v62;
	v52 =	vnsel vm6, $0x0, v49;
	v51 =	vtrunc.f32 v23  }
0x141: {  	v24 =	vmul.u32 $0xE0, v24;
	v25 =	vcvt.f32.s32 v51;
	vm5 =	vlt.f32 v23, v51  }
0x142: {  	v46 =	vtrunc.f32 v41;
	v34 =	vsub.f32 $1.000000000e+00, v18;
	v55 =	vsel vm5, $0xFFFFFFFF, v4  }
0x143: {  	v48 =	vcvt.f32.s32 v46;
	vm5 =	vlt.f32 v41, v46;
	v56 =	vadd.s32 v25, v55  }
0x144: {  	v19 =	vld.idx.msk [tilespmem:v19+s3+$0x0], $0xffff;
	v25 =	vmin.u32 v59, $0xDF;
	v50 =	vsel vm5, $0xFFFFFFFF, v4;
	v58 =	vadd.s32 $0x1, v56  }
0x145: {  	v12 =	vld.idx.msk [tilespmem:v12+s3+$0x0], $0xffff;
	vm8 =	vgt.s32 v56, $0x0;
	v61 =	vmul.u32 $0xE0, v25;
	v63 =	vcvt.s32.f32 v56  }
0x146: {  	vm12 =	vlt.u32 v56, $0xE0;
	v51 =	vadd.s32 v48, v50;
	v26 =	vnsel vm8, $0x0, v56  }
0x147: {  	vm9 =	vgt.s32 v58, $0x0;
	vm13 =	vlt.u32 v58, $0xE0;
	vm14 =	vmand vm10, vm12  }
0x148: {  	vm2 =	vmand vm11, vm12;
	vm7 =	vgt.s32 v51, $0x0;
	v21 =	vadd.s32 $0x1, v51  }
0x149: {  	v59 =	vcvt.s32.f32 v51;
	vm12 =	vlt.u32 v51, $0xE0;
	v53 =	vmul.f32 v22, v19  }
0x14a: {  	v12 =	vmul.f32 v16, v12;
	v26 =	vmin.u32 v26, $0xDF;
	v27 =	vnsel vm9, $0x0, v58  }
0x14b: {  	v32 =	vsub.f32 v23, v63;
	vm0 =	vmand vm10, vm13;
	vm15 =	vmand vm11, vm13  }
0x14c: {  	v54 =	vnsel vm7, $0x0, v51;
	vm8 =	vgt.s32 v21, $0x0;
	v58 =	vadd.s32 $0x1, v49  }
0x14d: {  	v13 =	vld.idx.msk [tilespmem:v13+s3+$0x0], $0xffff;
	vm10 =	vlt.u32 v49, $0xE0;
	vm13 =	vlt.u32 v21, $0xE0;
	v27 =	vmin.u32 v27, $0xDF  }
0x14e: {  	v28 =	vand.u32 $0xF8, v26;
	v26 =	vand.u32 $0x7, v26;
	v56 =	vnsel vm8, $0x0, v21  }
0x14f: {  	v15 =	vld.idx.msk [tilespmem:v15+s3+$0x0], $0xffff;
	vm9 =	vgt.s32 v58, $0x0;
	v16 =	vsub.f32 v41, v59;
	vm11 =	vlt.u32 v58, $0xE0  }
0x150: {  	v29 =	vadd.s32 v24, v28;
	v30 =	vand.u32 $0xF8, v27;
	v27 =	vand.u32 $0x7, v27  }
0x151: {  	v12 =	vadd.f32 v53, v12;
	v31 =	vadd.s32 v28, v61;
	v29 =	vor.u32 v26, v29  }
0x152: {  	v24 =	vadd.s32 v24, v30;
	v13 =	vmul.f32 v17, v13;
	v17 =	vor.u32 v26, v31  }
0x153: {  	v35 =	vsub.f32 $1.000000000e+00, v32;
	v40 =	vmul.f32 v32, v18;
	v60 =	vor.u32 v27, v24  }
0x154: {  	v53 =	vcvt.s32.f32 v49;
	v11 =	vmul.f32 v11, v15;
	v38 =	vadd.s32 v61, v30  }
0x155: {  	v15 =	vmul.f32 v32, v34;
	v61 =	vnsel vm9, $0x0, v58;
	v22 =	vor.u32 v27, v38  }
0x156: {  	v37 =	vmul.f32 v35, v34;
	v19 =	vmul.f32 v35, v18;
	v18 =	vmin.u32 v52, $0xDF;
	v33 =	vld.idx.msk [tilespmem:v29+s3+$0x0], $0xffff  }
0x157: {  	v62 =	vmin.u32 v61, $0xDF;
	v12 =	vadd.f32 v12, v13;
	v15 =	vnsel vm0, $0x0, v15;
	v17 =	vld.idx.msk [tilespmem:v17+s3+$0x0], $0xffff  }
0x158: {  	v18 =	vmul.u32 $0xE0, v18;
	v31 =	vmul.u32 $0xE0, v62;
	vm0 =	vmand vm10, vm13;
	v14 =	vld.idx.msk [tilespmem:v60+s3+$0x0], $0xffff  }
0x159: {  	v20 =	vnsel vm14, $0x0, v37;
	v19 =	vnsel vm2, $0x0, v19;
	v11 =	vadd.f32 v12, v11  }
0x15a: {  	vm14 =	vmand vm10, vm12;
	vm2 =	vmand vm11, vm12;
	v42 =	vld.idx.msk [tilespmem:v22+s3+$0x0], $0xffff;
	v22 =	vmin.u32 v56, $0xDF  }
0x15b: {  	v11 =	vadd.f32 $0.0e+00, v11;
	v60 =	vand.u32 $0xF8, v22;
	v22 =	vand.u32 $0x7, v22  }
0x15c: {  	v13 =	vmul.f32 v20, v33;
	v43 =	vmul.f32 v19, v17;
	v20 =	vmin.u32 v54, $0xDF  }
0x15d: {  	v19 =	vsub.f32 v10, v53;
	v33 =	vsub.f32 $1.000000000e+00, v16;
	v14 =	vmul.f32 v15, v14  }
0x15e: {  	v15 =	vnsel vm15, $0x0, v40;
	v55 =	vand.u32 $0xF8, v20;
	v20 =	vand.u32 $0x7, v20  }
0x15f: {  	vm15 =	vmand vm11, vm13;
	v15 =	vmul.f32 v15, v42;
	v57 =	vadd.s32 v18, v55  }
0x160: {  	v34 =	vld [tilespmem:s29+$0xFFFFF9C0];
	v18 =	vadd.s32 v18, v60;
	v32 =	vsub.f32 $1.000000000e+00, v19;
	v10 =	vadd.s32 v55, v31  }
0x161: {  	v30 =	vld [tilespmem:s29+$0xFFFFFCE0];
	v17 =	vmul.f32 v33, v19;
	v42 =	vtrunc.f32 v39;
	v13 =	vadd.f32 v13, v14  }
0x162: {  	v23 =	vor.u32 v20, v57;
	v18 =	vor.u32 v22, v18;
	v20 =	vor.u32 v20, v10  }
0x163: {  	v10 =	vadd.f32 $1.000000000e+00, v9;
	v44 =	vcvt.f32.s32 v42;
	vm5 =	vlt.f32 v39, v42  }
0x164: {  	v9 =	vadd.f32 $2.000000000e+00, v9;
	v35 =	vmul.f32 v33, v32;
	v17 =	vnsel vm2, $0x0, v17  }
0x165: {  	v46 =	vsel vm5, $0xFFFFFFFF, v4;
	v13 =	vadd.f32 v13, v43;
	v14 =	vadd.f32 v34, v10  }
0x166: {  	v47 =	vadd.s32 v44, v46;
	v34 =	vadd.f32 v30, v10;
	v21 =	vnsel vm14, $0x0, v35  }
0x167: {  	v49 =	vadd.s32 $0x1, v47;
	vm8 =	vgt.s32 v47, $0x0;
	v57 =	vcvt.s32.f32 v47  }
0x168: {  	vm11 =	vlt.u32 v47, $0xE0;
	v63 =	vadd.f32 v13, v15;
	v15 =	vmul.f32 v16, v32  }
0x169: {  	v16 =	vmul.f32 v16, v19;
	v13 =	vadd.s32 v31, v60;
	v40 =	vtrunc.f32 v14  }
0x16a: {  	v51 =	vnsel vm8, $0x0, v47;
	vm9 =	vgt.s32 v49, $0x0;
	vm12 =	vlt.u32 v49, $0xE0  }
0x16b: {  	v13 =	vor.u32 v22, v13;
	v41 =	vcvt.f32.s32 v40;
	vm4 =	vlt.f32 v14, v40  }
0x16c: {  	v32 =	vld [tilespmem:s29+$0xFFFFFE70];
	v25 =	vmin.u32 v51, $0xDF;
	v52 =	vnsel vm9, $0x0, v49;
	v59 =	vsub.f32 v39, v57  }
0x16d: {  	v23 =	vld.idx.msk [tilespmem:v23+s3+$0x0], $0xffff;
	v15 =	vnsel vm0, $0x0, v15;
	v43 =	vsel vm4, $0xFFFFFFFF, v4;
	v26 =	vmin.u32 v52, $0xDF  }
0x16e: {  	v18 =	vld.idx.msk [tilespmem:v18+s3+$0x0], $0xffff;
	v53 =	vand.u32 $0xF8, v25;
	v25 =	vand.u32 $0x7, v25;
	v16 =	vnsel vm15, $0x0, v16  }
0x16f: {  	v37 =	vld.idx.msk [tilespmem:v20+s3+$0x0], $0xffff;
	v11 =	vadd.f32 v63, v11;
	v45 =	vadd.s32 v41, v43;
	v55 =	vand.u32 $0xF8, v26  }
0x170: {  	v26 =	vand.u32 $0x7, v26;
	v63 =	vsub.f32 $1.000000000e+00, v59;
	vm6 =	vgt.s32 v45, $0x0  }
0x171: {  	v48 =	vadd.s32 $0x1, v45;
	v56 =	vcvt.s32.f32 v45;
	vm10 =	vlt.u32 v45, $0xE0  }
0x172: {  	vm7 =	vgt.s32 v48, $0x0;
	vm13 =	vlt.u32 v48, $0xE0;
	vm14 =	vmand vm10, vm11  }
0x173: {  	vm0 =	vmand vm10, vm12;
	v35 =	vadd.f32 v32, v6;
	v38 =	vmul.f32 v21, v23  }
0x174: {  	v15 =	vmul.f32 v15, v18;
	v17 =	vmul.f32 v17, v37;
	v23 =	vnsel vm6, $0x0, v45  }
0x175: {  	v50 =	vnsel vm7, $0x0, v48;
	v14 =	vsub.f32 v14, v56;
	vm15 =	vmand vm13, vm11  }
0x176: {  	vm4 =	vmand vm13, vm12;
	v37 =	vtrunc.f32 v34;
	v23 =	vmin.u32 v23, $0xDF  }
0x177: {  	v13 =	vld.idx.msk [tilespmem:v13+s3+$0x0], $0xffff;
	v24 =	vmin.u32 v50, $0xDF;
	vm5 =	vlt.f32 v34, v37;
	v39 =	vtrunc.f32 v35  }
0x178: {  	v15 =	vadd.f32 v38, v15;
	v23 =	vmul.u32 $0xE0, v23;
	v24 =	vmul.u32 $0xE0, v24  }
0x179: {  	v62 =	vsub.f32 $1.000000000e+00, v14;
	v18 =	vmul.f32 v63, v14;
	v14 =	vmul.f32 v59, v14  }
0x17a: {  	v38 =	vcvt.f32.s32 v37;
	v40 =	vsel vm5, $0xFFFFFFFF, v4;
	v54 =	vadd.s32 v23, v53  }
0x17b: {  	v23 =	vadd.s32 v23, v55;
	v15 =	vadd.f32 v15, v17;
	v28 =	vor.u32 v25, v54  }
0x17c: {  	v58 =	vadd.s32 v53, v24;
	v23 =	vor.u32 v26, v23;
	v13 =	vmul.f32 v16, v13  }
0x17d: {  	v41 =	vcvt.f32.s32 v39;
	v29 =	vadd.s32 v24, v55;
	v16 =	vor.u32 v25, v58  }
0x17e: {  	v19 =	vor.u32 v26, v29;
	v60 =	vadd.f32 v15, v13;
	v15 =	vmul.f32 v59, v62;
	v59 =	vld [tilespmem:s29+$0x0]  }
0x17f: {  	vm6 =	vlt.f32 v35, v39;
	v31 =	vmul.f32 v63, v62;
	v42 =	vadd.s32 v38, v40;
	v62 =	vld [tilespmem:s29+$0x190]  }
0x180: {  	v18 =	vnsel vm15, $0x0, v18;
	v14 =	vnsel vm4, $0x0, v14;
	vm7 =	vgt.s32 v42, $0x0;
	v61 =	vld.idx.msk [tilespmem:v28+s3+$0x0], $0xffff  }
0x181: {  	v46 =	vcvt.s32.f32 v42;
	v53 =	vadd.s32 $0x1, v42;
	vm11 =	vlt.u32 v42, $0xE0;
	v28 =	vld.idx.msk [tilespmem:v23+s3+$0x0], $0xffff  }
0x182: {  	v33 =	vnsel vm14, $0x0, v31;
	v43 =	vnsel vm7, $0x0, v42;
	vm10 =	vgt.s32 v53, $0x0;
	v16 =	vld.idx.msk [tilespmem:v16+s3+$0x0], $0xffff  }
0x183: {  	vm12 =	vlt.u32 v53, $0xE0;
	v12 =	vmin.u32 v43, $0xDF;
	v17 =	vsub.f32 v34, v46;
	v19 =	vld.idx.msk [tilespmem:v19+s3+$0x0], $0xffff  }
0x184: {  	v55 =	vnsel vm10, $0x0, v53;
	v12 =	vmul.u32 $0xE0, v12;
	v10 =	vadd.f32 v59, v10  }
0x185: {  	v56 =	vmin.u32 v55, $0xDF;
	v15 =	vnsel vm0, $0x0, v15;
	v11 =	vadd.f32 v60, v11  }
0x186: {  	v57 =	vsub.f32 $1.000000000e+00, v17;
	v31 =	vtrunc.f32 v10;
	v13 =	vmul.f32 v33, v61  }
0x187: {  	v30 =	vadd.f32 v62, v7;
	v15 =	vmul.f32 v15, v28;
	v36 =	vmul.f32 v18, v16  }
0x188: {  	v16 =	vsel vm6, $0xFFFFFFFF, v4;
	v14 =	vmul.f32 v14, v19;
	v32 =	vcvt.f32.s32 v31  }
0x189: {  	vm5 =	vlt.f32 v10, v31;
	v33 =	vtrunc.f32 v30;
	v16 =	vadd.s32 v41, v16  }
0x18a: {  	v34 =	vsel vm5, $0xFFFFFFFF, v4;
	vm6 =	vlt.f32 v30, v33;
	v13 =	vadd.f32 v13, v15  }
0x18b: {  	vm8 =	vgt.s32 v16, $0x0;
	v45 =	vadd.s32 $0x1, v16;
	v52 =	vcvt.s32.f32 v16  }
0x18c: {  	vm13 =	vlt.u32 v16, $0xE0;
	v37 =	vsel vm6, $0xFFFFFFFF, v4;
	v44 =	vnsel vm8, $0x0, v16  }
0x18d: {  	vm9 =	vgt.s32 v45, $0x0;
	vm14 =	vlt.u32 v45, $0xE0;
	vm15 =	vmand vm11, vm13  }
0x18e: {  	vm2 =	vmand vm12, vm13;
	v13 =	vadd.f32 v13, v36;
	v48 =	vnsel vm9, $0x0, v45  }
0x18f: {  	v20 =	vsub.f32 v35, v52;
	vm0 =	vmand vm11, vm14;
	vm4 =	vmand vm12, vm14  }
0x190: {  	v35 =	vcvt.f32.s32 v33;
	v36 =	vadd.s32 v32, v34;
	v50 =	vmin.u32 v48, $0xDF  }
0x191: {  	vm7 =	vgt.s32 v36, $0x0;
	vm10 =	vlt.u32 v36, $0xE0;
	v13 =	vadd.f32 v13, v14  }
0x192: {  	v14 =	vmin.u32 v44, $0xDF;
	v54 =	vand.u32 $0xF8, v50;
	v19 =	vand.u32 $0x7, v50  }
0x193: {  	v58 =	vsub.f32 $1.000000000e+00, v20;
	v23 =	vmul.f32 v20, v57;
	v38 =	vadd.s32 v35, v37  }
0x194: {  	v39 =	vnsel vm7, $0x0, v36;
	v50 =	vadd.s32 $0x1, v36;
	v47 =	vand.u32 $0xF8, v14  }
0x195: {  	v14 =	vand.u32 $0x7, v14;
	vm8 =	vgt.s32 v38, $0x0;
	v40 =	vadd.s32 $0x1, v38  }
0x196: {  	v53 =	vld [tilespmem:s29+$0x320];
	v41 =	vcvt.s32.f32 v38;
	vm11 =	vlt.u32 v38, $0xE0;
	vm12 =	vgt.s32 v50, $0x0  }
0x197: {  	vm13 =	vlt.u32 v50, $0xE0;
	v49 =	vadd.s32 v12, v47;
	v12 =	vadd.s32 v12, v54  }
0x198: {  	v11 =	vadd.f32 v13, v11;
	v13 =	vmul.u32 $0xE0, v56;
	v60 =	vmul.f32 v58, v57  }
0x199: {  	v63 =	vmul.f32 v58, v17;
	v27 =	vnsel vm0, $0x0, v23;
	v17 =	vmul.f32 v20, v17  }
0x19a: {  	v20 =	vcvt.s32.f32 v36;
	v21 =	vnsel vm8, $0x0, v38;
	vm9 =	vgt.s32 v40, $0x0  }
0x19b: {  	vm14 =	vmand vm10, vm11;
	vm1 =	vmand vm13, vm11;
	v56 =	vadd.f32 v53, v9  }
0x19c: {  	v51 =	vor.u32 v14, v49;
	v12 =	vor.u32 v19, v12;
	v21 =	vmin.u32 v21, $0xDF  }
0x19d: {  	v43 =	vnsel vm9, $0x0, v40;
	v61 =	vadd.s32 v47, v13;
	v16 =	vnsel vm15, $0x0, v60  }
0x19e: {  	v28 =	vnsel vm2, $0x0, v63;
	v13 =	vadd.s32 v13, v54;
	v17 =	vnsel vm4, $0x0, v17  }
0x19f: {  	v42 =	vand.u32 $0xF8, v21;
	v21 =	vand.u32 $0x7, v21;
	v45 =	vmin.u32 v43, $0xDF  }
0x1a0: {  	v10 =	vsub.f32 v10, v20;
	vm15 =	vlt.u32 v40, $0xE0;
	v57 =	vtrunc.f32 v56  }
0x1a1: {  	v54 =	vld [tilespmem:s29+$0x4B0];
	v14 =	vor.u32 v14, v61;
	v13 =	vor.u32 v19, v13;
	v19 =	vmin.u32 v39, $0xDF  }
0x1a2: {  	v47 =	vand.u32 $0xF8, v45;
	v58 =	vcvt.f32.s32 v57;
	vm7 =	vlt.f32 v56, v57  }
0x1a3: {  	vm0 =	vmand vm10, vm15;
	v19 =	vmul.u32 $0xE0, v19;
	v60 =	vsel vm7, $0xFFFFFFFF, v4  }
0x1a4: {  	vm6 =	vmand vm13, vm15;
	v49 =	vsub.f32 $1.000000000e+00, v10;
	v62 =	vadd.s32 v58, v60;
	v22 =	vld.idx.msk [tilespmem:v51+s3+$0x0], $0xffff  }
0x1a5: {  	v12 =	vld.idx.msk [tilespmem:v12+s3+$0x0], $0xffff;
	v44 =	vadd.s32 v19, v42;
	v48 =	vadd.s32 v19, v47;
	vm9 =	vgt.s32 v62, $0x0  }
0x1a6: {  	v32 =	vadd.s32 $0x1, v62;
	v40 =	vcvt.s32.f32 v62;
	v8 =	vadd.f32 v54, v8  }
0x1a7: {  	vm13 =	vlt.u32 v62, $0xE0;
	v46 =	vor.u32 v21, v44;
	v20 =	vnsel vm9, $0x0, v62;
	v14 =	vld.idx.msk [tilespmem:v14+s3+$0x0], $0xffff  }
0x1a8: {  	vm10 =	vgt.s32 v32, $0x0;
	v13 =	vld.idx.msk [tilespmem:v13+s3+$0x0], $0xffff;
	v20 =	vmin.u32 v20, $0xDF;
	v59 =	vtrunc.f32 v8  }
0x1a9: {  	v34 =	vnsel vm10, $0x0, v32;
	v43 =	vsub.f32 v56, v40;
	v61 =	vcvt.f32.s32 v59  }
0x1aa: {  	vm8 =	vlt.f32 v8, v59;
	v29 =	vmul.f32 v16, v22;
	v12 =	vmul.f32 v27, v12  }
0x1ab: {  	v20 =	vmul.u32 $0xE0, v20;
	v16 =	vsub.f32 v30, v41;
	v18 =	vsel vm8, $0xFFFFFFFF, v4  }
0x1ac: {  	vm8 =	vlt.u32 v32, $0xE0;
	v63 =	vadd.s32 v61, v18;
	v12 =	vadd.f32 v29, v12  }
0x1ad: {  	v14 =	vmul.f32 v28, v14;
	v13 =	vmul.f32 v17, v13;
	v23 =	vsub.f32 $1.000000000e+00, v16  }
0x1ae: {  	v19 =	vmul.f32 v16, v49;
	v33 =	vadd.s32 $0x1, v63;
	vm11 =	vgt.s32 v63, $0x0  }
0x1af: {  	v41 =	vcvt.s32.f32 v63;
	v35 =	vnsel vm11, $0x0, v63;
	vm15 =	vlt.u32 v33, $0xE0  }
0x1b0: {  	v12 =	vadd.f32 v12, v14;
	v14 =	vand.u32 $0x7, v45;
	v51 =	vmul.f32 v23, v49  }
0x1b1: {  	v23 =	vmul.f32 v23, v10;
	v19 =	vnsel vm0, $0x0, v19;
	v10 =	vmul.f32 v16, v10  }
0x1b2: {  	v22 =	vmin.u32 v35, $0xDF;
	v8 =	vsub.f32 v8, v41;
	v45 =	vsub.f32 $1.000000000e+00, v43  }
0x1b3: {  	v52 =	vld.idx.msk [tilespmem:v46+s3+$0x0], $0xffff;
	vm0 =	vmand vm13, vm15;
	vm11 =	vmand vm8, vm15;
	v17 =	vor.u32 v14, v48  }
0x1b4: {  	v37 =	vand.u32 $0xF8, v22;
	v22 =	vand.u32 $0x7, v22;
	v12 =	vadd.f32 v12, v13  }
0x1b5: {  	v29 =	vld [tilespmem:s29+$0xAF0];
	v13 =	vnsel vm12, $0x0, v50;
	v15 =	vnsel vm14, $0x0, v51;
	v23 =	vnsel vm1, $0x0, v23  }
0x1b6: {  	vm12 =	vgt.s32 v33, $0x0;
	v38 =	vadd.s32 v20, v37;
	v10 =	vnsel vm6, $0x0, v10  }
0x1b7: {  	v46 =	vsub.f32 $1.000000000e+00, v8;
	vm14 =	vlt.u32 v63, $0xE0;
	v13 =	vmin.u32 v13, $0xDF  }
0x1b8: {  	v28 =	vld [tilespmem:s29+$0x960];
	v15 =	vmul.f32 v15, v52;
	v36 =	vnsel vm12, $0x0, v33;
	v13 =	vmul.u32 $0xE0, v13  }
0x1b9: {  	v48 =	vld [tilespmem:s29+$0x640];
	v27 =	vor.u32 v22, v38;
	vm9 =	vmand vm13, vm14;
	vm10 =	vmand vm8, vm14  }
0x1ba: {  	v7 =	vadd.f32 v29, v7;
	v55 =	vadd.s32 v42, v13;
	v13 =	vadd.s32 v13, v47  }
0x1bb: {  	v25 =	vmin.u32 v36, $0xDF;
	v49 =	vmul.f32 v46, v45;
	v13 =	vor.u32 v14, v13  }
0x1bc: {  	v50 =	vld [tilespmem:s29+$0x7D0];
	v11 =	vadd.f32 v12, v11;
	v39 =	vand.u32 $0xF8, v25;
	v25 =	vand.u32 $0x7, v25  }
0x1bd: {  	v36 =	vtrunc.f32 v7;
	v17 =	vld.idx.msk [tilespmem:v17+s3+$0x0], $0xffff;
	v20 =	vadd.s32 v20, v39;
	v51 =	vnsel vm9, $0x0, v49  }
0x1be: {  	v52 =	vadd.f32 v48, v9;
	v9 =	vadd.f32 v28, v9;
	v16 =	vor.u32 v21, v55  }
0x1bf: {  	v38 =	vcvt.f32.s32 v36;
	vm4 =	vlt.f32 v7, v36;
	v21 =	vmin.u32 v34, $0xDF  }
0x1c0: {  	v20 =	vor.u32 v25, v20;
	v14 =	vmul.f32 v8, v45;
	v8 =	vmul.f32 v8, v43;
	v13 =	vld.idx.msk [tilespmem:v13+s3+$0x0], $0xffff  }
0x1c1: {  	v53 =	vadd.f32 v50, v6;
	v21 =	vmul.u32 $0xE0, v21;
	v55 =	vtrunc.f32 v52  }
0x1c2: {  	v34 =	vtrunc.f32 v9;
	v14 =	vnsel vm0, $0x0, v14;
	v17 =	vmul.f32 v19, v17  }
0x1c3: {  	v8 =	vnsel vm11, $0x0, v8;
	v56 =	vcvt.f32.s32 v55;
	v47 =	vadd.s32 v21, v39;
	v16 =	vld.idx.msk [tilespmem:v16+s3+$0x0], $0xffff  }
0x1c4: {  	v42 =	vadd.s32 v37, v21;
	v15 =	vadd.f32 v15, v17;
	v17 =	vor.u32 v25, v47  }
0x1c5: {  	v44 =	vld.idx.msk [tilespmem:v27+s3+$0x0], $0xffff;
	vm12 =	vlt.f32 v52, v55;
	v10 =	vmul.f32 v10, v13;
	v13 =	vor.u32 v22, v42  }
0x1c6: {  	v57 =	vtrunc.f32 v53;
	v35 =	vcvt.f32.s32 v34;
	v58 =	vsel vm12, $0xFFFFFFFF, v4  }
0x1c7: {  	v59 =	vcvt.f32.s32 v57;
	vm13 =	vlt.f32 v53, v57;
	v19 =	vsel vm4, $0xFFFFFFFF, v4;
	v20 =	vld.idx.msk [tilespmem:v20+s3+$0x0], $0xffff  }
0x1c8: {  	v60 =	vadd.s32 v56, v58;
	v19 =	vadd.s32 v38, v19;
	v16 =	vmul.f32 v23, v16  }
0x1c9: {  	v24 =	vadd.s32 $0x1, v60;
	vm14 =	vlt.u32 v60, $0xE0;
	v50 =	vcvt.s32.f32 v19;
	v17 =	vld.idx.msk [tilespmem:v17+s3+$0x0], $0xffff  }
0x1ca: {  	vm8 =	vgt.s32 v60, $0x0;
	v12 =	vmul.f32 v51, v44;
	v15 =	vadd.f32 v15, v16;
	v13 =	vld.idx.msk [tilespmem:v13+s3+$0x0], $0xffff  }
0x1cb: {  	vm0 =	vlt.u32 v24, $0xE0;
	vm6 =	vgt.s32 v19, $0x0;
	v7 =	vsub.f32 v7, v50  }
0x1cc: {  	v14 =	vmul.f32 v14, v20;
	v10 =	vadd.f32 v15, v10;
	v15 =	vmul.f32 v46, v43  }
0x1cd: {  	v40 =	vadd.s32 $0x1, v19;
	v42 =	vnsel vm6, $0x0, v19;
	v57 =	vsub.f32 $1.000000000e+00, v7  }
0x1ce: {  	v6 =	vadd.f32 v12, v14;
	v15 =	vnsel vm10, $0x0, v15;
	v8 =	vmul.f32 v8, v17  }
0x1cf: {  	vm10 =	vgt.s32 v24, $0x0;
	v54 =	vmul.f32 v15, v13;
	v13 =	vnsel vm8, $0x0, v60  }
0x1d0: {  	v15 =	vcvt.s32.f32 v60;
	vm8 =	vgt.s32 v40, $0x0;
	v13 =	vmin.u32 v13, $0xDF  }
0x1d1: {  	v44 =	vnsel vm8, $0x0, v40;
	v12 =	vadd.f32 v6, v54;
	v6 =	vsel vm13, $0xFFFFFFFF, v4  }
0x1d2: {  	v63 =	vsub.f32 v52, v15;
	v13 =	vmul.u32 $0xE0, v13;
	v61 =	vadd.s32 v59, v6  }
0x1d3: {  	v6 =	vadd.f32 v10, v11;
	v62 =	vcvt.s32.f32 v61;
	v8 =	vadd.f32 v12, v8  }
0x1d4: {  	vm15 =	vlt.u32 v61, $0xE0;
	v25 =	vadd.s32 $0x1, v61;
	v12 =	vnsel vm10, $0x0, v24  }
0x1d5: {  	v16 =	vsub.f32 $1.000000000e+00, v63;
	vm11 =	vgt.s32 v61, $0x0;
	v24 =	vmin.u32 v42, $0xDF  }
0x1d6: {  	vm10 =	vlt.u32 v19, $0xE0;
	vm9 =	vlt.u32 v25, $0xE0;
	v12 =	vmin.u32 v12, $0xDF  }
0x1d7: {  	v14 =	vnsel vm11, $0x0, v61;
	vm12 =	vgt.s32 v25, $0x0;
	vm13 =	vmand vm14, vm15  }
0x1d8: {  	v45 =	vand.u32 $0xF8, v24;
	v24 =	vand.u32 $0x7, v24;
	vm11 =	vlt.u32 v40, $0xE0  }
0x1d9: {  	v10 =	vsub.f32 v53, v62;
	v14 =	vmin.u32 v14, $0xDF;
	v15 =	vnsel vm12, $0x0, v25  }
0x1da: {  	vm2 =	vmand vm14, vm9;
	vm14 =	vmand vm0, vm15;
	v12 =	vmul.u32 $0xE0, v12  }
0x1db: {  	vm15 =	vlt.f32 v9, v34;
	vm0 =	vmand vm0, vm9;
	v15 =	vmin.u32 v15, $0xDF  }
0x1dc: {  	v30 =	vand.u32 $0xF8, v14;
	v14 =	vand.u32 $0x7, v14;
	v37 =	vsel vm15, $0xFFFFFFFF, v4  }
0x1dd: {  	v26 =	vsub.f32 $1.000000000e+00, v10;
	v31 =	vadd.s32 v13, v30;
	v32 =	vand.u32 $0xF8, v15  }
0x1de: {  	v15 =	vand.u32 $0x7, v15;
	v33 =	vadd.s32 v30, v12;
	v39 =	vadd.s32 v35, v37  }
0x1df: {  	v22 =	vor.u32 v14, v31;
	v13 =	vadd.s32 v13, v32;
	vm5 =	vgt.s32 v39, $0x0  }
0x1e0: {  	v20 =	vadd.s32 $0x1, v39;
	v27 =	vmul.f32 v26, v16;
	v41 =	vnsel vm5, $0x0, v39  }
0x1e1: {  	v17 =	vmul.f32 v26, v63;
	v13 =	vor.u32 v15, v13;
	v23 =	vmin.u32 v41, $0xDF  }
0x1e2: {  	vm7 =	vgt.s32 v20, $0x0;
	v26 =	vmin.u32 v44, $0xDF;
	v23 =	vmul.u32 $0xE0, v23  }
0x1e3: {  	v14 =	vor.u32 v14, v33;
	v43 =	vnsel vm7, $0x0, v20;
	v47 =	vand.u32 $0xF8, v26  }
0x1e4: {  	v26 =	vand.u32 $0x7, v26;
	v25 =	vmin.u32 v43, $0xDF;
	v46 =	vadd.s32 v23, v45  }
0x1e5: {  	v25 =	vmul.u32 $0xE0, v25;
	v22 =	vld.idx.msk [tilespmem:v22+s3+$0x0], $0xffff;
	v23 =	vadd.s32 v23, v47;
	v28 =	vor.u32 v24, v46  }
0x1e6: {  	v12 =	vadd.s32 v12, v32;
	v49 =	vcvt.s32.f32 v39;
	v13 =	vld.idx.msk [tilespmem:v13+s3+$0x0], $0xffff;
	v48 =	vor.u32 v26, v23  }
0x1e7: {  	v12 =	vor.u32 v15, v12;
	v18 =	vnsel vm13, $0x0, v27;
	v27 =	vadd.s32 v45, v25  }
0x1e8: {  	v16 =	vmul.f32 v10, v16;
	v9 =	vsub.f32 v9, v49;
	v14 =	vld.idx.msk [tilespmem:v14+s3+$0x0], $0xffff;
	v51 =	vor.u32 v24, v27  }
0x1e9: {  	vm9 =	vlt.u32 v39, $0xE0;
	v10 =	vmul.f32 v10, v63;
	v52 =	vadd.s32 v25, v47  }
0x1ea: {  	v16 =	vnsel vm2, $0x0, v16;
	v56 =	vsub.f32 $1.000000000e+00, v9;
	v55 =	vor.u32 v26, v52;
	v54 =	vld.idx.msk [tilespmem:v28+s3+$0x0], $0xffff  }
0x1eb: {  	vm12 =	vlt.u32 v20, $0xE0;
	v18 =	vmul.f32 v18, v22;
	v13 =	vmul.f32 v16, v13;
	v16 =	vld.idx.msk [tilespmem:v48+s3+$0x0], $0xffff  }
0x1ec: {  	v17 =	vnsel vm14, $0x0, v17;
	v10 =	vnsel vm0, $0x0, v10;
	v12 =	vld.idx.msk [tilespmem:v12+s3+$0x0], $0xffff;
	v58 =	vmul.f32 v57, v56  }
0x1ed: {  	v14 =	vmul.f32 v17, v14;
	v17 =	vld.idx.msk [tilespmem:v51+s3+$0x0], $0xffff;
	v13 =	vadd.f32 v18, v13;
	v18 =	vmul.f32 v7, v56  }
0x1ee: {  	vm13 =	vmand vm9, vm10;
	vm0 =	vmand vm9, vm11;
	v59 =	vmul.f32 v57, v9  }
0x1ef: {  	v15 =	vnsel vm13, $0x0, v58;
	v53 =	vadd.f32 v13, v14;
	v18 =	vnsel vm0, $0x0, v18;
	v14 =	vld.idx.msk [tilespmem:v55+s3+$0x0], $0xffff  }
0x1f0: {  	vm14 =	vmand vm12, vm10;
	v13 =	vmul.f32 v15, v54;
	v60 =	vmul.f32 v18, v16  }
0x1f1: {  	vm15 =	vmand vm12, vm11;
	v61 =	vnsel vm14, $0x0, v59;
	v7 =	vmul.f32 v7, v9  }
0x1f2: {  	v10 =	vmul.f32 v10, v12;
	v12 =	vmul.f32 v61, v17;
	v62 =	vadd.f32 v13, v60  }
0x1f3: {  	v6 =	vadd.f32 v8, v6;
	v7 =	vnsel vm15, $0x0, v7  }
0x1f4: {  	v63 =	vadd.f32 v53, v10;
	v9 =	vadd.f32 v62, v12;
	v7 =	vmul.f32 v7, v14;
	_ =	sdelay $0x1  }
0x1f5: {  	v6 =	vadd.f32 v63, v6;
	v7 =	vadd.f32 v9, v7  }
0x1f6: {  	p1 =	sne.s32 s23, $0x1  }
.Ltmp3:
0x1f7: {  	v6 =	vadd.f32 v7, v6;
	(pc) =	sbr.rel @p1 .LBB2_7-.Ltmp3, $3  }
0x1f8: {  	_ = 	snop  }
0x1f9: {  	v6 =	vmul.f32 v6, v5;
	_ =	sdelay $0x1  }
0x1fa: {  	s23 =	sadd.s32 $0xFFFFFFFF, s23;
	s29 =	sadd.s32 $0x10, s29;
	[tilespmem:s15+$0x0] =	vst v6;
	s15 =	sadd.s32 $0x10, s15  }
0x1fb: {  	s15 =	simm.s32 @p0 $0x0;
	s23 =	simm.s32 @p0 $0xE340  }
0x1fc: {  	[hbm4b:s8+s15] =	stream.linear.scatter @p0 [tilespmem:s23], [sflag:$0x2], $0x90, $0x38;
	[tilespmem:$0xF260] =	vst v63  }
0x1fd: {  	_ = 	snop  }
0x1fe: {  	[hbm4b:s9+s15] =	stream.linear.scatter @p0 [tilespmem:s23], [sflag:$0x2], $0x90, $0x38;
	[tilespmem:$0xF260] =	vst v63  }
0x1ff: {  	_ = 	snop  }
0x200: {  	[hbm4b:s10+s15] =	stream.linear.scatter @p0 [tilespmem:s23], [sflag:$0x2], $0x90, $0x38;
	[tilespmem:$0xF260] =	vst v63  }
0x201: {  	_ = 	snop  }
0x202: {  	[hbm4b:s11+s15] =	stream.linear.scatter @p0 [tilespmem:s23], [sflag:$0x2], $0x90, $0x38;
	[tilespmem:$0xF260] =	vst v63  }
0x203: {  	s15 =	simm.s32 @p0 $0x2  }
0x204: {  	_ =	swait.ge @p0 [sflag:s15], $0x90  }
0x205: {  	[sflag:s15] =	ssyncset.done @p0 $0x0  }
0x206: {  	[sflag:s15] =	ssyncadd.s32 @p0 $0xFFFFFF70  }
0x207: {  	_ =	swait.ge @p0 [sflag:s15], $0x90  }
0x208: {  	[sflag:s15] =	ssyncset.done @p0 $0x0  }
0x209: {  	[sflag:s15] =	ssyncadd.s32 @p0 $0xFFFFFF70  }
0x20a: {  	_ =	swait.ge @p0 [sflag:s15], $0x90  }
0x20b: {  	[sflag:s15] =	ssyncset.done @p0 $0x0  }
0x20c: {  	[sflag:s15] =	ssyncadd.s32 @p0 $0xFFFFFF70  }
0x20d: {  	_ =	swait.ge @p0 [sflag:s15], $0x90  }
0x20e: {  	[sflag:s15] =	ssyncset.done @p0 $0x0  }
0x20f: {  	s23 =	simm.s32 @!p0 $0xE340;
	[sflag:s15] =	ssyncadd.s32 @p0 $0xFFFFFF70;
	s15 =	simm.s32 @!p0 $0x0  }
0x210: {  	[hbm4b:s19+s15] =	stream.linear.scatter @!p0 [tilespmem:s23], [sflag:$0x2], $0x190, $0x38;
	[tilespmem:$0xF260] =	vst v63  }
0x211: {  	_ = 	snop  }
0x212: {  	[hbm4b:s20+s15] =	stream.linear.scatter @!p0 [tilespmem:s23], [sflag:$0x2], $0x190, $0x38;
	[tilespmem:$0xF260] =	vst v63  }
0x213: {  	_ = 	snop  }
0x214: {  	[hbm4b:s21+s15] =	stream.linear.scatter @!p0 [tilespmem:s23], [sflag:$0x2], $0x190, $0x38;
	[tilespmem:$0xF260] =	vst v63  }
0x215: {  	_ = 	snop  }
0x216: {  	[hbm4b:s22+s15] =	stream.linear.scatter @!p0 [tilespmem:s23], [sflag:$0x2], $0x190, $0x38;
	[tilespmem:$0xF260] =	vst v63  }
0x217: {  	s15 =	simm.s32 @!p0 $0x2  }
0x218: {  	_ =	swait.ge @!p0 [sflag:s15], $0x190  }
0x219: {  	[sflag:s15] =	ssyncset.done @!p0 $0x0  }
0x21a: {  	[sflag:s15] =	ssyncadd.s32 @!p0 $0xFFFFFE70  }
0x21b: {  	_ =	swait.ge @!p0 [sflag:s15], $0x190  }
0x21c: {  	[sflag:s15] =	ssyncset.done @!p0 $0x0  }
0x21d: {  	s28 =	sadd.s32 $0x1, s28;
	[sflag:s15] =	ssyncadd.s32 @!p0 $0xFFFFFE70  }
0x21e: {  	p1 =	sne.s32 s28, s12;
	_ =	swait.ge @!p0 [sflag:s15], $0x190  }
.Ltmp4:
0x21f: {  	[sflag:s15] =	ssyncset.done @!p0 $0x0;
	(pc) =	sbr.rel @p1 .LBB2_1-.Ltmp4, $4  }
0x220: {  	[sflag:s15] =	ssyncadd.s32 @!p0 $0xFFFFFE70  }
0x221: {  	_ =	swait.ge @!p0 [sflag:s15], $0x190  }
0x222: {  	[sflag:s15] =	ssyncset.done @!p0 $0x0  }
0x223: {  	[sflag:s15] =	ssyncadd.s32 @!p0 $0xFFFFFE70  }
0x224: {  	_ =	sfence.sel $0x180000  }
0x225: {  	[bflag:$0x0] =	sbarrier.arrive $0xFFFF  }
0x226: {  	_ =	strace $0x90000047  }
0x227: {  	s0 =	stileid.u32;
	[bflag:$0x2] =	sbarrier.arrive $0xFFFF  }
0x228: {  	p0 =	sne.s32 s0, $0x0;
	s0 =	rddreg [dreg:$0x2]  }
0x229: {  	s0 =	sadd.s32 @!p0 $0x100000, s0  }
0x22a: {  	[sflag:s0] =	ssyncadd.tile.s32 @!p0 $0x1;
	_ =	shalt  }
.Lfunc_end2:
_tile_overlayer_lowered:
.L_overlay_start_2:
0x22b: {  	(tag) =	ssettag $0x2  }
0x22c: {  	s0 =	rddreg [dreg:$0x0];
	s2 =	stileid.u32  }
0x22d: {  	s1 =	rddreg [dreg:$0x1];
	p0 =	sne.s32 s2, $0x0  }
0x22e: {  	s3 =	rddreg [dreg:$0x2];
	[bflag:$0x3] =	sbarrier.arrive $0xFFFF;
	s2 =	simm.s32 @!p0 $0x1C03  }
0x22f: {  	[timem:s3], [sflag:s2] =	dma.local @!p0 [hbm:s0], s1  }
0x230: {  	s0 =	simm.s32 @!p0 $0x3  }
0x231: {  	_ =	swait.ge @!p0 [sflag:s0], s1  }
0x232: {  	s1 =	ssub.s32 @!p0 $0x0, s1;
	[sflag:s0] =	ssyncset.done @!p0 $0x0  }
0x233: {  	[sflag:s0] =	ssyncadd.s32 @!p0 s1  }
0x234: {  	[bflag:$0x3] =	sbarrier.arrive $0xFFFF  }
0x235: {  	_ =	shalt  }

</sc_bundles>
